<compile_context>
chip_gen: v7x
topology: tpu7x:2x2x1
jax: 0.10.2.dev20260603
libtpu: 0.0.44.dev20260713+nightly
codegen_flags: <defaults>
</compile_context>

<pallas_src>
import jax
import jax.numpy as jnp
from jax import lax
from jax.experimental import pallas as pl
from jax.experimental.pallas import tpu as pltpu
from jax.experimental.pallas import tpu_sc as plsc

_NC = 2
_NS = 16
_NW = _NC * _NS
_LANES = 16
_R = 16
_BS = 512
_SPLIT = 7168


def _tc_add_body(in_ref, emb_ref, out_ref):
    out_ref[...] = in_ref[...] + emb_ref[...][None]


def _tc_add_head(inputs, pos, s_hi):
    B, S, D = inputs.shape
    n_s = s_hi // _BS
    return pl.pallas_call(
        _tc_add_body,
        grid=(n_s,),
        in_specs=[
            pl.BlockSpec((B, _BS, D), lambda s: (0, s, 0)),
            pl.BlockSpec((_BS, D), lambda s: (s, 0)),
        ],
        out_specs=pl.BlockSpec((B, _BS, D), lambda s: (0, s, 0)),
        out_shape=jax.ShapeDtypeStruct((B, S, D), inputs.dtype),
        compiler_params=pltpu.CompilerParams(
            dimension_semantics=("arbitrary",),
        ),
    )(inputs, pos)


def _sc_add_tail_single(inputs, pos, s_lo):
    B, S, D = inputs.shape
    n_rows = S - s_lo
    rc = n_rows // _NW
    mesh = plsc.VectorSubcoreMesh(core_axis_name="c", subcore_axis_name="s")

    def body(in_hbm, emb_hbm, out_hbm,
             ebuf, b0, b1,
             esem, is0, is1, os0, os1):
        bufs = [b0, b1]
        isems = [is0, is1]
        osems = [os0, os1]
        wid = lax.axis_index("s") * _NC + lax.axis_index("c")
        s0 = wid * rc

        def in_copy(b):
            return pltpu.make_async_copy(
                in_hbm.at[b, pl.ds(s_lo + s0, rc)], bufs[b % 2], isems[b % 2])

        def out_copy(b):
            return pltpu.make_async_copy(
                bufs[b % 2], out_hbm.at[b, pl.ds(s0, rc)], osems[b % 2])

        emb = pltpu.make_async_copy(
            emb_hbm.at[pl.ds(s_lo + s0, rc)], ebuf, esem)

        emb.start()
        in_copy(0).start()
        in_copy(1).start()
        emb.wait()
        for b in range(B):
            in_copy(b).wait()

            def row_loop(r, carry, b=b):
                for col in range(D // _LANES):
                    sl = pl.ds(col * _LANES, _LANES)
                    plsc.addupdate(bufs[b % 2].at[r, sl], ebuf[r, sl])
                return carry

            lax.fori_loop(0, rc, row_loop, 0)
            out_copy(b).start()
            if b >= 1 and b + 1 < B:
                out_copy(b - 1).wait()
                in_copy(b + 1).start()
        out_copy(B - 2).wait()
        out_copy(B - 1).wait()

    f = pl.kernel(
        body,
        out_type=jax.ShapeDtypeStruct((B, n_rows, D), jnp.float32),
        mesh=mesh,
        scratch_types=[
            pltpu.VMEM((rc, D), jnp.float32),
            pltpu.VMEM((rc, D), jnp.float32),
            pltpu.VMEM((rc, D), jnp.float32),
            pltpu.SemaphoreType.DMA,
            pltpu.SemaphoreType.DMA,
            pltpu.SemaphoreType.DMA,
            pltpu.SemaphoreType.DMA,
            pltpu.SemaphoreType.DMA,
        ],
    )
    return f(inputs, pos)


def _sc_add_tail(inputs, pos, s_lo):
    B, S, D = inputs.shape
    n_rows = S - s_lo
    s_per_w = n_rows // _NW
    if s_per_w <= 32:
        return _sc_add_tail_single(inputs, pos, s_lo)
    n_chunks = s_per_w // _R
    K = n_chunks * B
    mesh = plsc.VectorSubcoreMesh(core_axis_name="c", subcore_axis_name="s")

    def body(in_hbm, emb_hbm, out_hbm,
             ebuf, b0, b1, b2, b3,
             esem, is0, is1, is2, is3, os0, os1, os2, os3):
        bufs = [b0, b1, b2, b3]
        isems = [is0, is1, is2, is3]
        osems = [os0, os1, os2, os3]
        wid = lax.axis_index("s") * _NC + lax.axis_index("c")
        base = wid * s_per_w

        def in_copy(c, b):
            s0 = base + c * _R
            return pltpu.make_async_copy(
                in_hbm.at[b, pl.ds(s_lo + s0, _R)], bufs[b], isems[b])

        def out_copy(c, b):
            s0 = base + c * _R
            return pltpu.make_async_copy(
                bufs[b], out_hbm.at[b, pl.ds(s0, _R)], osems[b])

        def emb_copy(c):
            s0 = base + c * _R
            return pltpu.make_async_copy(
                emb_hbm.at[pl.ds(s_lo + s0, _R)], ebuf, esem)

        in_copy(0, 0).start()
        in_copy(0, 1).start()

        def chunk_body(c, carry):
            @pl.when(c > 0)
            def _():
                out_copy(c - 1, 2).wait()
                out_copy(c - 1, 3).wait()

            in_copy(c, 2).start()
            in_copy(c, 3).start()
            emb_copy(c).start()
            emb_copy(c).wait()

            for b in range(B):
                in_copy(c, b).wait()
                if b >= 2:
                    @pl.when(c + 1 < n_chunks)
                    def _(b=b):
                        out_copy(c, b - 2).wait()
                        in_copy(c + 1, b - 2).start()

                def row_loop(r, carry2, b=b):
                    for col in range(D // _LANES):
                        sl = pl.ds(col * _LANES, _LANES)
                        plsc.addupdate(bufs[b].at[r, sl], ebuf[r, sl])
                    return carry2

                lax.fori_loop(0, _R, row_loop, 0)
                out_copy(c, b).start()
            return carry

        lax.fori_loop(0, n_chunks, chunk_body, 0)
        for b in range(B):
            out_copy(n_chunks - 1, b).wait()

    f = pl.kernel(
        body,
        out_type=jax.ShapeDtypeStruct((B, n_rows, D), jnp.float32),
        mesh=mesh,
        scratch_types=[
            pltpu.VMEM((_R, D), jnp.float32),
            pltpu.VMEM((_R, D), jnp.float32),
            pltpu.VMEM((_R, D), jnp.float32),
            pltpu.VMEM((_R, D), jnp.float32),
            pltpu.VMEM((_R, D), jnp.float32),
            pltpu.SemaphoreType.DMA,
            pltpu.SemaphoreType.DMA,
            pltpu.SemaphoreType.DMA,
            pltpu.SemaphoreType.DMA,
            pltpu.SemaphoreType.DMA,
            pltpu.SemaphoreType.DMA,
            pltpu.SemaphoreType.DMA,
            pltpu.SemaphoreType.DMA,
            pltpu.SemaphoreType.DMA,
        ],
    )
    return f(inputs, pos)


def _tc_copy_head(x, s_hi):
    B, S, D = x.shape
    n_s = s_hi // _BS

    def cbody(in_ref, out_ref):
        out_ref[...] = in_ref[...]

    return pl.pallas_call(
        cbody,
        grid=(n_s,),
        in_specs=[pl.BlockSpec((B, _BS, D), lambda s: (0, s, 0))],
        out_specs=pl.BlockSpec((B, _BS, D), lambda s: (0, s, 0)),
        out_shape=jax.ShapeDtypeStruct((B, s_hi, D), x.dtype),
        compiler_params=pltpu.CompilerParams(
            dimension_semantics=("arbitrary",),
        ),
    )(x)


def kernel(inputs, embeddings):
    B, S, D = inputs.shape
    pos = embeddings[:S]
    tail = _sc_add_tail(inputs, pos, _SPLIT)
    head = _tc_copy_head(inputs, _SPLIT)
    return (head, tail)

# --- scband reference (transcript-rebuilt; emitter-appended) ---
"""Pipeline reference for scband-position-embedding-38482906972933 (READ-ONLY COPY).

The authoritative reference and input builder live on the scoring server;
editing this copy changes nothing except your own understanding.
"""

import jax, jax.numpy as jnp
import numpy as np

B, S, D = 4, 8192, 1024
INPUT_DIM = 8192

def setup_inputs(seed: int = 0) -> dict:
    key = jax.random.key(seed)
    k1, k2 = jax.random.split(key)
    inputs = jax.random.normal(k1, (B, S, D), dtype=jnp.float32)
    # learned position embedding table (module initializes to zeros; use small randn for non-trivial numerics)
    embeddings = jax.random.normal(k2, (INPUT_DIM, D), dtype=jnp.float32) * 0.02
    return {"inputs": inputs, "embeddings": embeddings}

def reference(inputs, embeddings):
    # merge_mode == 'add', no custom_position_ids:
    # pos_embedding = embeddings[:seq_length], expand batch dim, add.
    seq_length = inputs.shape[1]
    pos_embedding = embeddings[:seq_length]
    pos_embedding = jnp.expand_dims(pos_embedding, axis=0)
    return inputs + pos_embedding

if __name__ == "__main__":
    import jax
    _d = setup_inputs()
    print(jax.jit(kernel)(*tuple(_d.values())))

</pallas_src>

<mosaic_0001>
#map = affine_map<(d0, d1) -> (0, 0, 0)>
#map1 = affine_map<(d0, d1) -> (0, 0)>
module attributes {stable_mosaic.version = 14 : i64} {
  func.func @body(%arg0: i32, %arg1: i32, %arg2: memref<4x8192x1024xf32, #tpu.memory_space<hbm>>, %arg3: memref<8192x1024xf32, #tpu.memory_space<hbm>>, %arg4: memref<4x1024x1024xf32, #tpu.memory_space<hbm>>, %arg5: memref<32x1024xf32, #tpu.memory_space<vmem>>, %arg6: memref<32x1024xf32, #tpu.memory_space<vmem>>, %arg7: memref<32x1024xf32, #tpu.memory_space<vmem>>, %arg8: memref<!tpu.dma_semaphore, #tpu.memory_space<semaphore_mem>>, %arg9: memref<!tpu.dma_semaphore, #tpu.memory_space<semaphore_mem>>, %arg10: memref<!tpu.dma_semaphore, #tpu.memory_space<semaphore_mem>>, %arg11: memref<!tpu.dma_semaphore, #tpu.memory_space<semaphore_mem>>, %arg12: memref<!tpu.dma_semaphore, #tpu.memory_space<semaphore_mem>>) attributes {dimension_semantics = [#tpu.dimension_semantics<core_parallel>, #tpu.dimension_semantics<subcore_parallel>], iteration_bounds = array<i64: 2, 16>, scalar_prefetch = 0 : i64, scratch_operands = 8 : i64, tpu.core_type = #tpu.core_type<sc_vector_subcore>, window_params = [{transform_indices = #map}, {transform_indices = #map1}, {transform_indices = #map}]} {
    %mul3A = arith.constant 2 : i32
    %mul3A_0 = arith.muli %arg1, %mul3A : i32
    %add3A = arith.addi %mul3A_0, %arg0 : i32
    %mul3A_1 = arith.constant 32 : i32
    %mul3A_2 = arith.muli %add3A, %mul3A_1 : i32
    %add3A_3 = arith.constant 7168 : i32
    %add3A_4 = arith.addi %add3A_3, %mul3A_2 : i32
    %dma_start3A = arith.constant 0 : i32
    %dma_start3A_5 = tpu.memref_slice %arg3[%add3A_4, %dma_start3A] : memref<8192x1024xf32, #tpu.memory_space<hbm>> -> memref<32x1024xf32, #tpu.memory_space<hbm>>
    %dma_start3A_6 = arith.constant 0 : i32
    %dma_start3A_7 = tpu.memref_slice %arg3[%add3A_4, %dma_start3A_6] : memref<8192x1024xf32, #tpu.memory_space<hbm>> -> memref<32x1024xf32, #tpu.memory_space<hbm>>
    tpu.enqueue_dma source(%dma_start3A_7 : memref<32x1024xf32, #tpu.memory_space<hbm>>) target(%arg5 : memref<32x1024xf32, #tpu.memory_space<vmem>>) target_semaphore(%arg8 : memref<!tpu.dma_semaphore, #tpu.memory_space<semaphore_mem>>)
    %add3A_8 = arith.constant 7168 : i32
    %add3A_9 = arith.addi %add3A_8, %mul3A_2 : i32
    %dma_start3A_10 = arith.constant 0 : i32
    %dma_start3A_11 = arith.constant 0 : i32
    %dma_start3A_12 = tpu.memref_slice %arg2[%dma_start3A_10, %add3A_9, %dma_start3A_11] : memref<4x8192x1024xf32, #tpu.memory_space<hbm>> -> memref<1x32x1024xf32, #tpu.memory_space<hbm>>
    %dma_start3A_13 = tpu.memref_squeeze %dma_start3A_12 : memref<1x32x1024xf32, #tpu.memory_space<hbm>> -> memref<32x1024xf32, #tpu.memory_space<hbm>>
    %dma_start3A_14 = arith.constant 0 : i32
    %dma_start3A_15 = tpu.memref_slice %arg2[%dma_start3A_10, %add3A_9, %dma_start3A_14] : memref<4x8192x1024xf32, #tpu.memory_space<hbm>> -> memref<1x32x1024xf32, #tpu.memory_space<hbm>>
    %dma_start3A_16 = tpu.memref_squeeze %dma_start3A_15 : memref<1x32x1024xf32, #tpu.memory_space<hbm>> -> memref<32x1024xf32, #tpu.memory_space<hbm>>
    tpu.enqueue_dma source(%dma_start3A_16 : memref<32x1024xf32, #tpu.memory_space<hbm>>) target(%arg6 : memref<32x1024xf32, #tpu.memory_space<vmem>>) target_semaphore(%arg9 : memref<!tpu.dma_semaphore, #tpu.memory_space<semaphore_mem>>)
    %add3A_17 = arith.constant 7168 : i32
    %add3A_18 = arith.addi %add3A_17, %mul3A_2 : i32
    %dma_start3A_19 = arith.constant 1 : i32
    %dma_start3A_20 = arith.constant 0 : i32
    %dma_start3A_21 = tpu.memref_slice %arg2[%dma_start3A_19, %add3A_18, %dma_start3A_20] : memref<4x8192x1024xf32, #tpu.memory_space<hbm>> -> memref<1x32x1024xf32, #tpu.memory_space<hbm>>
    %dma_start3A_22 = tpu.memref_squeeze %dma_start3A_21 : memref<1x32x1024xf32, #tpu.memory_space<hbm>> -> memref<32x1024xf32, #tpu.memory_space<hbm>>
    %dma_start3A_23 = arith.constant 0 : i32
    %dma_start3A_24 = tpu.memref_slice %arg2[%dma_start3A_19, %add3A_18, %dma_start3A_23] : memref<4x8192x1024xf32, #tpu.memory_space<hbm>> -> memref<1x32x1024xf32, #tpu.memory_space<hbm>>
    %dma_start3A_25 = tpu.memref_squeeze %dma_start3A_24 : memref<1x32x1024xf32, #tpu.memory_space<hbm>> -> memref<32x1024xf32, #tpu.memory_space<hbm>>
    tpu.enqueue_dma source(%dma_start3A_25 : memref<32x1024xf32, #tpu.memory_space<hbm>>) target(%arg7 : memref<32x1024xf32, #tpu.memory_space<vmem>>) target_semaphore(%arg10 : memref<!tpu.dma_semaphore, #tpu.memory_space<semaphore_mem>>)
    %dma_wait3A = arith.constant 0 : i32
    %dma_wait3A_26 = tpu.memref_slice %arg3[%add3A_4, %dma_wait3A] : memref<8192x1024xf32, #tpu.memory_space<hbm>> -> memref<32x1024xf32, #tpu.memory_space<hbm>>
    %dma_wait3A_27 = arith.constant 0 : i32
    %dma_wait3A_28 = tpu.memref_slice %arg3[%add3A_4, %dma_wait3A_27] : memref<8192x1024xf32, #tpu.memory_space<hbm>> -> memref<32x1024xf32, #tpu.memory_space<hbm>>
    tpu.wait_dma2 semaphore(%arg8 : memref<!tpu.dma_semaphore, #tpu.memory_space<semaphore_mem>>) src(%dma_wait3A_28 : memref<32x1024xf32, #tpu.memory_space<hbm>>) dst(%arg5 : memref<32x1024xf32, #tpu.memory_space<vmem>>)
    %add3A_29 = arith.constant 7168 : i32
    %add3A_30 = arith.addi %add3A_29, %mul3A_2 : i32
    %dma_wait3A_31 = arith.constant 0 : i32
    %dma_wait3A_32 = arith.constant 0 : i32
    %dma_wait3A_33 = tpu.memref_slice %arg2[%dma_wait3A_31, %add3A_30, %dma_wait3A_32] : memref<4x8192x1024xf32, #tpu.memory_space<hbm>> -> memref<1x32x1024xf32, #tpu.memory_space<hbm>>
    %dma_wait3A_34 = tpu.memref_squeeze %dma_wait3A_33 : memref<1x32x1024xf32, #tpu.memory_space<hbm>> -> memref<32x1024xf32, #tpu.memory_space<hbm>>
    %dma_wait3A_35 = arith.constant 0 : i32
    %dma_wait3A_36 = tpu.memref_slice %arg2[%dma_wait3A_31, %add3A_30, %dma_wait3A_35] : memref<4x8192x1024xf32, #tpu.memory_space<hbm>> -> memref<1x32x1024xf32, #tpu.memory_space<hbm>>
    %dma_wait3A_37 = tpu.memref_squeeze %dma_wait3A_36 : memref<1x32x1024xf32, #tpu.memory_space<hbm>> -> memref<32x1024xf32, #tpu.memory_space<hbm>>
    tpu.wait_dma2 semaphore(%arg9 : memref<!tpu.dma_semaphore, #tpu.memory_space<semaphore_mem>>) src(%dma_wait3A_37 : memref<32x1024xf32, #tpu.memory_space<hbm>>) dst(%arg6 : memref<32x1024xf32, #tpu.memory_space<vmem>>)
    %scan3A = arith.constant 0 : i32
    %scan3A_38 = arith.constant 0 : i32
    %scan3A_39 = arith.constant 32 : i32
    %scan3A_40 = arith.addi %scan3A_38, %scan3A_39 : i32
    %scan3A_41 = arith.constant 1 : i32
    scf.for %scan3A_162 = %scan3A_38 to %scan3A_40 step %scan3A_41  : i32 {
      %get3A = arith.index_cast %scan3A_162 : i32 to index
      %get3A_163 = arith.constant 0 : index
      %get3A_164 = tpu.vector_load %arg5[%get3A, %get3A_163] {strides = array<i32>} : memref<32x1024xf32, #tpu.memory_space<vmem>>, vector<1x16xf32>,
      %get3A_165 = vector.shape_cast %get3A_164 : vector<1x16xf32> to vector<16xf32>
      %swap3A = arith.index_cast %scan3A_162 : i32 to index
      %swap3A_166 = arith.constant 0 : index
      %swap3A_167 = tpu.vector_load %arg6[%swap3A, %swap3A_166] {strides = array<i32>} : memref<32x1024xf32, #tpu.memory_space<vmem>>, vector<1x16xf32>,
      %swap3A_168 = vector.shape_cast %swap3A_167 : vector<1x16xf32> to vector<16xf32>
      %swap3A_169 = vector.shape_cast %get3A_165 : vector<16xf32> to vector<1x16xf32>
      tpu.vector_store %arg6[%swap3A, %swap3A_166], %swap3A_169 {add = true, strides = array<i32>} : memref<32x1024xf32, #tpu.memory_space<vmem>>, vector<1x16xf32>,
      %get3A_170 = arith.index_cast %scan3A_162 : i32 to index
      %get3A_171 = arith.constant 16 : index
      %get3A_172 = tpu.vector_load %arg5[%get3A_170, %get3A_171] {strides = array<i32>} : memref<32x1024xf32, #tpu.memory_space<vmem>>, vector<1x16xf32>,
      %get3A_173 = vector.shape_cast %get3A_172 : vector<1x16xf32> to vector<16xf32>
      %swap3A_174 = arith.index_cast %scan3A_162 : i32 to index
      %swap3A_175 = arith.constant 16 : index
      %swap3A_176 = tpu.vector_load %arg6[%swap3A_174, %swap3A_175] {strides = array<i32>} : memref<32x1024xf32, #tpu.memory_space<vmem>>, vector<1x16xf32>,
      %swap3A_177 = vector.shape_cast %swap3A_176 : vector<1x16xf32> to vector<16xf32>
      %swap3A_178 = vector.shape_cast %get3A_173 : vector<16xf32> to vector<1x16xf32>
      tpu.vector_store %arg6[%swap3A_174, %swap3A_175], %swap3A_178 {add = true, strides = array<i32>} : memref<32x1024xf32, #tpu.memory_space<vmem>>, vector<1x16xf32>,
      %get3A_179 = arith.index_cast %scan3A_162 : i32 to index
      %get3A_180 = arith.constant 32 : index
      %get3A_181 = tpu.vector_load %arg5[%get3A_179, %get3A_180] {strides = array<i32>} : memref<32x1024xf32, #tpu.memory_space<vmem>>, vector<1x16xf32>,
      %get3A_182 = vector.shape_cast %get3A_181 : vector<1x16xf32> to vector<16xf32>
      %swap3A_183 = arith.index_cast %scan3A_162 : i32 to index
      %swap3A_184 = arith.constant 32 : index
      %swap3A_185 = tpu.vector_load %arg6[%swap3A_183, %swap3A_184] {strides = array<i32>} : memref<32x1024xf32, #tpu.memory_space<vmem>>, vector<1x16xf32>,
      %swap3A_186 = vector.shape_cast %swap3A_185 : vector<1x16xf32> to vector<16xf32>
      %swap3A_187 = vector.shape_cast %get3A_182 : vector<16xf32> to vector<1x16xf32>
      tpu.vector_store %arg6[%swap3A_183, %swap3A_184], %swap3A_187 {add = true, strides = array<i32>} : memref<32x1024xf32, #tpu.memory_space<vmem>>, vector<1x16xf32>,
      %get3A_188 = arith.index_cast %scan3A_162 : i32 to index
      %get3A_189 = arith.constant 48 : index
      %get3A_190 = tpu.vector_load %arg5[%get3A_188, %get3A_189] {strides = array<i32>} : memref<32x1024xf32, #tpu.memory_space<vmem>>, vector<1x16xf32>,
      %get3A_191 = vector.shape_cast %get3A_190 : vector<1x16xf32> to vector<16xf32>
      %swap3A_192 = arith.index_cast %scan3A_162 : i32 to index
      %swap3A_193 = arith.constant 48 : index
      %swap3A_194 = tpu.vector_load %arg6[%swap3A_192, %swap3A_193] {strides = array<i32>} : memref<32x1024xf32, #tpu.memory_space<vmem>>, vector<1x16xf32>,
      %swap3A_195 = vector.shape_cast %swap3A_194 : vector<1x16xf32> to vector<16xf32>
      %swap3A_196 = vector.shape_cast %get3A_191 : vector<16xf32> to vector<1x16xf32>
      tpu.vector_store %arg6[%swap3A_192, %swap3A_193], %swap3A_196 {add = true, strides = array<i32>} : memref<32x1024xf32, #tpu.memory_space<vmem>>, vector<1x16xf32>,
      %get3A_197 = arith.index_cast %scan3A_162 : i32 to index
      %get3A_198 = arith.constant 64 : index
      %get3A_199 = tpu.vector_load %arg5[%get3A_197, %get3A_198] {strides = array<i32>} : memref<32x1024xf32, #tpu.memory_space<vmem>>, vector<1x16xf32>,
      %get3A_200 = vector.shape_cast %get3A_199 : vector<1x16xf32> to vector<16xf32>
      %swap3A_201 = arith.index_cast %scan3A_162 : i32 to index
      %swap3A_202 = arith.constant 64 : index
      %swap3A_203 = tpu.vector_load %arg6[%swap3A_201, %swap3A_202] {strides = array<i32>} : memref<32x1024xf32, #tpu.memory_space<vmem>>, vector<1x16xf32>,
      %swap3A_204 = vector.shape_cast %swap3A_203 : vector<1x16xf32> to vector<16xf32>
      %swap3A_205 = vector.shape_cast %get3A_200 : vector<16xf32> to vector<1x16xf32>
      tpu.vector_store %arg6[%swap3A_201, %swap3A_202], %swap3A_205 {add = true, strides = array<i32>} : memref<32x1024xf32, #tpu.memory_space<vmem>>, vector<1x16xf32>,
      %get3A_206 = arith.index_cast %scan3A_162 : i32 to index
      %get3A_207 = arith.constant 80 : index
      %get3A_208 = tpu.vector_load %arg5[%get3A_206, %get3A_207] {strides = array<i32>} : memref<32x1024xf32, #tpu.memory_space<vmem>>, vector<1x16xf32>,
      %get3A_209 = vector.shape_cast %get3A_208 : vector<1x16xf32> to vector<16xf32>
      %swap3A_210 = arith.index_cast %scan3A_162 : i32 to index
      %swap3A_211 = arith.constant 80 : index
      %swap3A_212 = tpu.vector_load %arg6[%swap3A_210, %swap3A_211] {strides = array<i32>} : memref<32x1024xf32, #tpu.memory_space<vmem>>, vector<1x16xf32>,
      %swap3A_213 = vector.shape_cast %swap3A_212 : vector<1x16xf32> to vector<16xf32>
      %swap3A_214 = vector.shape_cast %get3A_209 : vector<16xf32> to vector<1x16xf32>
      tpu.vector_store %arg6[%swap3A_210, %swap3A_211], %swap3A_214 {add = true, strides = array<i32>} : memref<32x1024xf32, #tpu.memory_space<vmem>>, vector<1x16xf32>,
      %get3A_215 = arith.index_cast %scan3A_162 : i32 to index
      %get3A_216 = arith.constant 96 : index
      %get3A_217 = tpu.vector_load %arg5[%get3A_215, %get3A_216] {strides = array<i32>} : memref<32x1024xf32, #tpu.memory_space<vmem>>, vector<1x16xf32>,
      %get3A_218 = vector.shape_cast %get3A_217 : vector<1x16xf32> to vector<16xf32>
      %swap3A_219 = arith.index_cast %scan3A_162 : i32 to index
      %swap3A_220 = arith.constant 96 : index
      %swap3A_221 = tpu.vector_load %arg6[%swap3A_219, %swap3A_220] {strides = array<i32>} : memref<32x1024xf32, #tpu.memory_space<vmem>>, vector<1x16xf32>,
      %swap3A_222 = vector.shape_cast %swap3A_221 : vector<1x16xf32> to vector<16xf32>
      %swap3A_223 = vector.shape_cast %get3A_218 : vector<16xf32> to vector<1x16xf32>
      tpu.vector_store %arg6[%swap3A_219, %swap3A_220], %swap3A_223 {add = true, strides = array<i32>} : memref<32x1024xf32, #tpu.memory_space<vmem>>, vector<1x16xf32>,
      %get3A_224 = arith.index_cast %scan3A_162 : i32 to index
      %get3A_225 = arith.constant 112 : index
      %get3A_226 = tpu.vector_load %arg5[%get3A_224, %get3A_225] {strides = array<i32>} : memref<32x1024xf32, #tpu.memory_space<vmem>>, vector<1x16xf32>,
      %get3A_227 = vector.shape_cast %get3A_226 : vector<1x16xf32> to vector<16xf32>
      %swap3A_228 = arith.index_cast %scan3A_162 : i32 to index
      %swap3A_229 = arith.constant 112 : index
      %swap3A_230 = tpu.vector_load %arg6[%swap3A_228, %swap3A_229] {strides = array<i32>} : memref<32x1024xf32, #tpu.memory_space<vmem>>, vector<1x16xf32>,
      %swap3A_231 = vector.shape_cast %swap3A_230 : vector<1x16xf32> to vector<16xf32>
      %swap3A_232 = vector.shape_cast %get3A_227 : vector<16xf32> to vector<1x16xf32>
      tpu.vector_store %arg6[%swap3A_228, %swap3A_229], %swap3A_232 {add = true, strides = array<i32>} : memref<32x1024xf32, #tpu.memory_space<vmem>>, vector<1x16xf32>,
      %get3A_233 = arith.index_cast %scan3A_162 : i32 to index
      %get3A_234 = arith.constant 128 : index
      %get3A_235 = tpu.vector_load %arg5[%get3A_233, %get3A_234] {strides = array<i32>} : memref<32x1024xf32, #tpu.memory_space<vmem>>, vector<1x16xf32>,
      %get3A_236 = vector.shape_cast %get3A_235 : vector<1x16xf32> to vector<16xf32>
      %swap3A_237 = arith.index_cast %scan3A_162 : i32 to index
      %swap3A_238 = arith.constant 128 : index
      %swap3A_239 = tpu.vector_load %arg6[%swap3A_237, %swap3A_238] {strides = array<i32>} : memref<32x1024xf32, #tpu.memory_space<vmem>>, vector<1x16xf32>,
      %swap3A_240 = vector.shape_cast %swap3A_239 : vector<1x16xf32> to vector<16xf32>
      %swap3A_241 = vector.shape_cast %get3A_236 : vector<16xf32> to vector<1x16xf32>
      tpu.vector_store %arg6[%swap3A_237, %swap3A_238], %swap3A_241 {add = true, strides = array<i32>} : memref<32x1024xf32, #tpu.memory_space<vmem>>, vector<1x16xf32>,
      %get3A_242 = arith.index_cast %scan3A_162 : i32 to index
      %get3A_243 = arith.constant 144 : index
      %get3A_244 = tpu.vector_load %arg5[%get3A_242, %get3A_243] {strides = array<i32>} : memref<32x1024xf32, #tpu.memory_space<vmem>>, vector<1x16xf32>,
      %get3A_245 = vector.shape_cast %get3A_244 : vector<1x16xf32> to vector<16xf32>
      %swap3A_246 = arith.index_cast %scan3A_162 : i32 to index
      %swap3A_247 = arith.constant 144 : index
      %swap3A_248 = tpu.vector_load %arg6[%swap3A_246, %swap3A_247] {strides = array<i32>} : memref<32x1024xf32, #tpu.memory_space<vmem>>, vector<1x16xf32>,
      %swap3A_249 = vector.shape_cast %swap3A_248 : vector<1x16xf32> to vector<16xf32>
      %swap3A_250 = vector.shape_cast %get3A_245 : vector<16xf32> to vector<1x16xf32>
      tpu.vector_store %arg6[%swap3A_246, %swap3A_247], %swap3A_250 {add = true, strides = array<i32>} : memref<32x1024xf32, #tpu.memory_space<vmem>>, vector<1x16xf32>,
      %get3A_251 = arith.index_cast %scan3A_162 : i32 to index
      %get3A_252 = arith.constant 160 : index
      %get3A_253 = tpu.vector_load %arg5[%get3A_251, %get3A_252] {strides = array<i32>} : memref<32x1024xf32, #tpu.memory_space<vmem>>, vector<1x16xf32>,
      %get3A_254 = vector.shape_cast %get3A_253 : vector<1x16xf32> to vector<16xf32>
      %swap3A_255 = arith.index_cast %scan3A_162 : i32 to index
      %swap3A_256 = arith.constant 160 : index
      %swap3A_257 = tpu.vector_load %arg6[%swap3A_255, %swap3A_256] {strides = array<i32>} : memref<32x1024xf32, #tpu.memory_space<vmem>>, vector<1x16xf32>,
      %swap3A_258 = vector.shape_cast %swap3A_257 : vector<1x16xf32> to vector<16xf32>
      %swap3A_259 = vector.shape_cast %get3A_254 : vector<16xf32> to vector<1x16xf32>
      tpu.vector_store %arg6[%swap3A_255, %swap3A_256], %swap3A_259 {add = true, strides = array<i32>} : memref<32x1024xf32, #tpu.memory_space<vmem>>, vector<1x16xf32>,
      %get3A_260 = arith.index_cast %scan3A_162 : i32 to index
      %get3A_261 = arith.constant 176 : index
      %get3A_262 = tpu.vector_load %arg5[%get3A_260, %get3A_261] {strides = array<i32>} : memref<32x1024xf32, #tpu.memory_space<vmem>>, vector<1x16xf32>,
      %get3A_263 = vector.shape_cast %get3A_262 : vector<1x16xf32> to vector<16xf32>
      %swap3A_264 = arith.index_cast %scan3A_162 : i32 to index
      %swap3A_265 = arith.constant 176 : index
      %swap3A_266 = tpu.vector_load %arg6[%swap3A_264, %swap3A_265] {strides = array<i32>} : memref<32x1024xf32, #tpu.memory_space<vmem>>, vector<1x16xf32>,
      %swap3A_267 = vector.shape_cast %swap3A_266 : vector<1x16xf32> to vector<16xf32>
      %swap3A_268 = vector.shape_cast %get3A_263 : vector<16xf32> to vector<1x16xf32>
      tpu.vector_store %arg6[%swap3A_264, %swap3A_265], %swap3A_268 {add = true, strides = array<i32>} : memref<32x1024xf32, #tpu.memory_space<vmem>>, vector<1x16xf32>,
      %get3A_269 = arith.index_cast %scan3A_162 : i32 to index
      %get3A_270 = arith.constant 192 : index
      %get3A_271 = tpu.vector_load %arg5[%get3A_269, %get3A_270] {strides = array<i32>} : memref<32x1024xf32, #tpu.memory_space<vmem>>, vector<1x16xf32>,
      %get3A_272 = vector.shape_cast %get3A_271 : vector<1x16xf32> to vector<16xf32>
      %swap3A_273 = arith.index_cast %scan3A_162 : i32 to index
      %swap3A_274 = arith.constant 192 : index
      %swap3A_275 = tpu.vector_load %arg6[%swap3A_273, %swap3A_274] {strides = array<i32>} : memref<32x1024xf32, #tpu.memory_space<vmem>>, vector<1x16xf32>,
      %swap3A_276 = vector.shape_cast %swap3A_275 : vector<1x16xf32> to vector<16xf32>
      %swap3A_277 = vector.shape_cast %get3A_272 : vector<16xf32> to vector<1x16xf32>
      tpu.vector_store %arg6[%swap3A_273, %swap3A_274], %swap3A_277 {add = true, strides = array<i32>} : memref<32x1024xf32, #tpu.memory_space<vmem>>, vector<1x16xf32>,
      %get3A_278 = arith.index_cast %scan3A_162 : i32 to index
      %get3A_279 = arith.constant 208 : index
      %get3A_280 = tpu.vector_load %arg5[%get3A_278, %get3A_279] {strides = array<i32>} : memref<32x1024xf32, #tpu.memory_space<vmem>>, vector<1x16xf32>,
      %get3A_281 = vector.shape_cast %get3A_280 : vector<1x16xf32> to vector<16xf32>
      %swap3A_282 = arith.index_cast %scan3A_162 : i32 to index
      %swap3A_283 = arith.constant 208 : index
      %swap3A_284 = tpu.vector_load %arg6[%swap3A_282, %swap3A_283] {strides = array<i32>} : memref<32x1024xf32, #tpu.memory_space<vmem>>, vector<1x16xf32>,
      %swap3A_285 = vector.shape_cast %swap3A_284 : vector<1x16xf32> to vector<16xf32>
      %swap3A_286 = vector.shape_cast %get3A_281 : vector<16xf32> to vector<1x16xf32>
      tpu.vector_store %arg6[%swap3A_282, %swap3A_283], %swap3A_286 {add = true, strides = array<i32>} : memref<32x1024xf32, #tpu.memory_space<vmem>>, vector<1x16xf32>,
      %get3A_287 = arith.index_cast %scan3A_162 : i32 to index
      %get3A_288 = arith.constant 224 : index
      %get3A_289 = tpu.vector_load %arg5[%get3A_287, %get3A_288] {strides = array<i32>} : memref<32x1024xf32, #tpu.memory_space<vmem>>, vector<1x16xf32>,
      %get3A_290 = vector.shape_cast %get3A_289 : vector<1x16xf32> to vector<16xf32>
      %swap3A_291 = arith.index_cast %scan3A_162 : i32 to index
      %swap3A_292 = arith.constant 224 : index
      %swap3A_293 = tpu.vector_load %arg6[%swap3A_291, %swap3A_292] {strides = array<i32>} : memref<32x1024xf32, #tpu.memory_space<vmem>>, vector<1x16xf32>,
      %swap3A_294 = vector.shape_cast %swap3A_293 : vector<1x16xf32> to vector<16xf32>
      %swap3A_295 = vector.shape_cast %get3A_290 : vector<16xf32> to vector<1x16xf32>
      tpu.vector_store %arg6[%swap3A_291, %swap3A_292], %swap3A_295 {add = true, strides = array<i32>} : memref<32x1024xf32, #tpu.memory_space<vmem>>, vector<1x16xf32>,
      %get3A_296 = arith.index_cast %scan3A_162 : i32 to index
      %get3A_297 = arith.constant 240 : index
      %get3A_298 = tpu.vector_load %arg5[%get3A_296, %get3A_297] {strides = array<i32>} : memref<32x1024xf32, #tpu.memory_space<vmem>>, vector<1x16xf32>,
      %get3A_299 = vector.shape_cast %get3A_298 : vector<1x16xf32> to vector<16xf32>
      %swap3A_300 = arith.index_cast %scan3A_162 : i32 to index
      %swap3A_301 = arith.constant 240 : index
      %swap3A_302 = tpu.vector_load %arg6[%swap3A_300, %swap3A_301] {strides = array<i32>} : memref<32x1024xf32, #tpu.memory_space<vmem>>, vector<1x16xf32>,
      %swap3A_303 = vector.shape_cast %swap3A_302 : vector<1x16xf32> to vector<16xf32>
      %swap3A_304 = vector.shape_cast %get3A_299 : vector<16xf32> to vector<1x16xf32>
      tpu.vector_store %arg6[%swap3A_300, %swap3A_301], %swap3A_304 {add = true, strides = array<i32>} : memref<32x1024xf32, #tpu.memory_space<vmem>>, vector<1x16xf32>,
      %get3A_305 = arith.index_cast %scan3A_162 : i32 to index
      %get3A_306 = arith.constant 256 : index
      %get3A_307 = tpu.vector_load %arg5[%get3A_305, %get3A_306] {strides = array<i32>} : memref<32x1024xf32, #tpu.memory_space<vmem>>, vector<1x16xf32>,
      %get3A_308 = vector.shape_cast %get3A_307 : vector<1x16xf32> to vector<16xf32>
      %swap3A_309 = arith.index_cast %scan3A_162 : i32 to index
      %swap3A_310 = arith.constant 256 : index
      %swap3A_311 = tpu.vector_load %arg6[%swap3A_309, %swap3A_310] {strides = array<i32>} : memref<32x1024xf32, #tpu.memory_space<vmem>>, vector<1x16xf32>,
      %swap3A_312 = vector.shape_cast %swap3A_311 : vector<1x16xf32> to vector<16xf32>
      %swap3A_313 = vector.shape_cast %get3A_308 : vector<16xf32> to vector<1x16xf32>
      tpu.vector_store %arg6[%swap3A_309, %swap3A_310], %swap3A_313 {add = true, strides = array<i32>} : memref<32x1024xf32, #tpu.memory_space<vmem>>, vector<1x16xf32>,
      %get3A_314 = arith.index_cast %scan3A_162 : i32 to index
      %get3A_315 = arith.constant 272 : index
      %get3A_316 = tpu.vector_load %arg5[%get3A_314, %get3A_315] {strides = array<i32>} : memref<32x1024xf32, #tpu.memory_space<vmem>>, vector<1x16xf32>,
      %get3A_317 = vector.shape_cast %get3A_316 : vector<1x16xf32> to vector<16xf32>
      %swap3A_318 = arith.index_cast %scan3A_162 : i32 to index
      %swap3A_319 = arith.constant 272 : index
      %swap3A_320 = tpu.vector_load %arg6[%swap3A_318, %swap3A_319] {strides = array<i32>} : memref<32x1024xf32, #tpu.memory_space<vmem>>, vector<1x16xf32>,
      %swap3A_321 = vector.shape_cast %swap3A_320 : vector<1x16xf32> to vector<16xf32>
      %swap3A_322 = vector.shape_cast %get3A_317 : vector<16xf32> to vector<1x16xf32>
      tpu.vector_store %arg6[%swap3A_318, %swap3A_319], %swap3A_322 {add = true, strides = array<i32>} : memref<32x1024xf32, #tpu.memory_space<vmem>>, vector<1x16xf32>,
      %get3A_323 = arith.index_cast %scan3A_162 : i32 to index
      %get3A_324 = arith.constant 288 : index
      %get3A_325 = tpu.vector_load %arg5[%get3A_323, %get3A_324] {strides = array<i32>} : memref<32x1024xf32, #tpu.memory_space<vmem>>, vector<1x16xf32>,
      %get3A_326 = vector.shape_cast %get3A_325 : vector<1x16xf32> to vector<16xf32>
      %swap3A_327 = arith.index_cast %scan3A_162 : i32 to index
      %swap3A_328 = arith.constant 288 : index
      %swap3A_329 = tpu.vector_load %arg6[%swap3A_327, %swap3A_328] {strides = array<i32>} : memref<32x1024xf32, #tpu.memory_space<vmem>>, vector<1x16xf32>,
      %swap3A_330 = vector.shape_cast %swap3A_329 : vector<1x16xf32> to vector<16xf32>
      %swap3A_331 = vector.shape_cast %get3A_326 : vector<16xf32> to vector<1x16xf32>
      tpu.vector_store %arg6[%swap3A_327, %swap3A_328], %swap3A_331 {add = true, strides = array<i32>} : memref<32x1024xf32, #tpu.memory_space<vmem>>, vector<1x16xf32>,
      %get3A_332 = arith.index_cast %scan3A_162 : i32 to index
      %get3A_333 = arith.constant 304 : index
      %get3A_334 = tpu.vector_load %arg5[%get3A_332, %get3A_333] {strides = array<i32>} : memref<32x1024xf32, #tpu.memory_space<vmem>>, vector<1x16xf32>,
      %get3A_335 = vector.shape_cast %get3A_334 : vector<1x16xf32> to vector<16xf32>
      %swap3A_336 = arith.index_cast %scan3A_162 : i32 to index
      %swap3A_337 = arith.constant 304 : index
      %swap3A_338 = tpu.vector_load %arg6[%swap3A_336, %swap3A_337] {strides = array<i32>} : memref<32x1024xf32, #tpu.memory_space<vmem>>, vector<1x16xf32>,
      %swap3A_339 = vector.shape_cast %swap3A_338 : vector<1x16xf32> to vector<16xf32>
      %swap3A_340 = vector.shape_cast %get3A_335 : vector<16xf32> to vector<1x16xf32>
      tpu.vector_store %arg6[%swap3A_336, %swap3A_337], %swap3A_340 {add = true, strides = array<i32>} : memref<32x1024xf32, #tpu.memory_space<vmem>>, vector<1x16xf32>,
      %get3A_341 = arith.index_cast %scan3A_162 : i32 to index
      %get3A_342 = arith.constant 320 : index
      %get3A_343 = tpu.vector_load %arg5[%get3A_341, %get3A_342] {strides = array<i32>} : memref<32x1024xf32, #tpu.memory_space<vmem>>, vector<1x16xf32>,
      %get3A_344 = vector.shape_cast %get3A_343 : vector<1x16xf32> to vector<16xf32>
      %swap3A_345 = arith.index_cast %scan3A_162 : i32 to index
      %swap3A_346 = arith.constant 320 : index
      %swap3A_347 = tpu.vector_load %arg6[%swap3A_345, %swap3A_346] {strides = array<i32>} : memref<32x1024xf32, #tpu.memory_space<vmem>>, vector<1x16xf32>,
      %swap3A_348 = vector.shape_cast %swap3A_347 : vector<1x16xf32> to vector<16xf32>
      %swap3A_349 = vector.shape_cast %get3A_344 : vector<16xf32> to vector<1x16xf32>
      tpu.vector_store %arg6[%swap3A_345, %swap3A_346], %swap3A_349 {add = true, strides = array<i32>} : memref<32x1024xf32, #tpu.memory_space<vmem>>, vector<1x16xf32>,
      %get3A_350 = arith.index_cast %scan3A_162 : i32 to index
      %get3A_351 = arith.constant 336 : index
      %get3A_352 = tpu.vector_load %arg5[%get3A_350, %get3A_351] {strides = array<i32>} : memref<32x1024xf32, #tpu.memory_space<vmem>>, vector<1x16xf32>,
      %get3A_353 = vector.shape_cast %get3A_352 : vector<1x16xf32> to vector<16xf32>
      %swap3A_354 = arith.index_cast %scan3A_162 : i32 to index
      %swap3A_355 = arith.constant 336 : index
      %swap3A_356 = tpu.vector_load %arg6[%swap3A_354, %swap3A_355] {strides = array<i32>} : memref<32x1024xf32, #tpu.memory_space<vmem>>, vector<1x16xf32>,
      %swap3A_357 = vector.shape_cast %swap3A_356 : vector<1x16xf32> to vector<16xf32>
      %swap3A_358 = vector.shape_cast %get3A_353 : vector<16xf32> to vector<1x16xf32>
      tpu.vector_store %arg6[%swap3A_354, %swap3A_355], %swap3A_358 {add = true, strides = array<i32>} : memref<32x1024xf32, #tpu.memory_space<vmem>>, vector<1x16xf32>,
      %get3A_359 = arith.index_cast %scan3A_162 : i32 to index
      %get3A_360 = arith.constant 352 : index
      %get3A_361 = tpu.vector_load %arg5[%get3A_359, %get3A_360] {strides = array<i32>} : memref<32x1024xf32, #tpu.memory_space<vmem>>, vector<1x16xf32>,
      %get3A_362 = vector.shape_cast %get3A_361 : vector<1x16xf32> to vector<16xf32>
      %swap3A_363 = arith.index_cast %scan3A_162 : i32 to index
      %swap3A_364 = arith.constant 352 : index
      %swap3A_365 = tpu.vector_load %arg6[%swap3A_363, %swap3A_364] {strides = array<i32>} : memref<32x1024xf32, #tpu.memory_space<vmem>>, vector<1x16xf32>,
      %swap3A_366 = vector.shape_cast %swap3A_365 : vector<1x16xf32> to vector<16xf32>
      %swap3A_367 = vector.shape_cast %get3A_362 : vector<16xf32> to vector<1x16xf32>
      tpu.vector_store %arg6[%swap3A_363, %swap3A_364], %swap3A_367 {add = true, strides = array<i32>} : memref<32x1024xf32, #tpu.memory_space<vmem>>, vector<1x16xf32>,
      %get3A_368 = arith.index_cast %scan3A_162 : i32 to index
      %get3A_369 = arith.constant 368 : index
      %get3A_370 = tpu.vector_load %arg5[%get3A_368, %get3A_369] {strides = array<i32>} : memref<32x1024xf32, #tpu.memory_space<vmem>>, vector<1x16xf32>,
      %get3A_371 = vector.shape_cast %get3A_370 : vector<1x16xf32> to vector<16xf32>
      %swap3A_372 = arith.index_cast %scan3A_162 : i32 to index
      %swap3A_373 = arith.constant 368 : index
      %swap3A_374 = tpu.vector_load %arg6[%swap3A_372, %swap3A_373] {strides = array<i32>} : memref<32x1024xf32, #tpu.memory_space<vmem>>, vector<1x16xf32>,
      %swap3A_375 = vector.shape_cast %swap3A_374 : vector<1x16xf32> to vector<16xf32>
      %swap3A_376 = vector.shape_cast %get3A_371 : vector<16xf32> to vector<1x16xf32>
      tpu.vector_store %arg6[%swap3A_372, %swap3A_373], %swap3A_376 {add = true, strides = array<i32>} : memref<32x1024xf32, #tpu.memory_space<vmem>>, vector<1x16xf32>,
      %get3A_377 = arith.index_cast %scan3A_162 : i32 to index
      %get3A_378 = arith.constant 384 : index
      %get3A_379 = tpu.vector_load %arg5[%get3A_377, %get3A_378] {strides = array<i32>} : memref<32x1024xf32, #tpu.memory_space<vmem>>, vector<1x16xf32>,
      %get3A_380 = vector.shape_cast %get3A_379 : vector<1x16xf32> to vector<16xf32>
      %swap3A_381 = arith.index_cast %scan3A_162 : i32 to index
      %swap3A_382 = arith.constant 384 : index
      %swap3A_383 = tpu.vector_load %arg6[%swap3A_381, %swap3A_382] {strides = array<i32>} : memref<32x1024xf32, #tpu.memory_space<vmem>>, vector<1x16xf32>,
      %swap3A_384 = vector.shape_cast %swap3A_383 : vector<1x16xf32> to vector<16xf32>
      %swap3A_385 = vector.shape_cast %get3A_380 : vector<16xf32> to vector<1x16xf32>
      tpu.vector_store %arg6[%swap3A_381, %swap3A_382], %swap3A_385 {add = true, strides = array<i32>} : memref<32x1024xf32, #tpu.memory_space<vmem>>, vector<1x16xf32>,
      %get3A_386 = arith.index_cast %scan3A_162 : i32 to index
      %get3A_387 = arith.constant 400 : index
      %get3A_388 = tpu.vector_load %arg5[%get3A_386, %get3A_387] {strides = array<i32>} : memref<32x1024xf32, #tpu.memory_space<vmem>>, vector<1x16xf32>,
      %get3A_389 = vector.shape_cast %get3A_388 : vector<1x16xf32> to vector<16xf32>
      %swap3A_390 = arith.index_cast %scan3A_162 : i32 to index
      %swap3A_391 = arith.constant 400 : index
      %swap3A_392 = tpu.vector_load %arg6[%swap3A_390, %swap3A_391] {strides = array<i32>} : memref<32x1024xf32, #tpu.memory_space<vmem>>, vector<1x16xf32>,
      %swap3A_393 = vector.shape_cast %swap3A_392 : vector<1x16xf32> to vector<16xf32>
      %swap3A_394 = vector.shape_cast %get3A_389 : vector<16xf32> to vector<1x16xf32>
      tpu.vector_store %arg6[%swap3A_390, %swap3A_391], %swap3A_394 {add = true, strides = array<i32>} : memref<32x1024xf32, #tpu.memory_space<vmem>>, vector<1x16xf32>,
      %get3A_395 = arith.index_cast %scan3A_162 : i32 to index
      %get3A_396 = arith.constant 416 : index
      %get3A_397 = tpu.vector_load %arg5[%get3A_395, %get3A_396] {strides = array<i32>} : memref<32x1024xf32, #tpu.memory_space<vmem>>, vector<1x16xf32>,
      %get3A_398 = vector.shape_cast %get3A_397 : vector<1x16xf32> to vector<16xf32>
      %swap3A_399 = arith.index_cast %scan3A_162 : i32 to index
      %swap3A_400 = arith.constant 416 : index
      %swap3A_401 = tpu.vector_load %arg6[%swap3A_399, %swap3A_400] {strides = array<i32>} : memref<32x1024xf32, #tpu.memory_space<vmem>>, vector<1x16xf32>,
      %swap3A_402 = vector.shape_cast %swap3A_401 : vector<1x16xf32> to vector<16xf32>
      %swap3A_403 = vector.shape_cast %get3A_398 : vector<16xf32> to vector<1x16xf32>
      tpu.vector_store %arg6[%swap3A_399, %swap3A_400], %swap3A_403 {add = true, strides = array<i32>} : memref<32x1024xf32, #tpu.memory_space<vmem>>, vector<1x16xf32>,
      %get3A_404 = arith.index_cast %scan3A_162 : i32 to index
      %get3A_405 = arith.constant 432 : index
      %get3A_406 = tpu.vector_load %arg5[%get3A_404, %get3A_405] {strides = array<i32>} : memref<32x1024xf32, #tpu.memory_space<vmem>>, vector<1x16xf32>,
      %get3A_407 = vector.shape_cast %get3A_406 : vector<1x16xf32> to vector<16xf32>
      %swap3A_408 = arith.index_cast %scan3A_162 : i32 to index
      %swap3A_409 = arith.constant 432 : index
      %swap3A_410 = tpu.vector_load %arg6[%swap3A_408, %swap3A_409] {strides = array<i32>} : memref<32x1024xf32, #tpu.memory_space<vmem>>, vector<1x16xf32>,
      %swap3A_411 = vector.shape_cast %swap3A_410 : vector<1x16xf32> to vector<16xf32>
      %swap3A_412 = vector.shape_cast %get3A_407 : vector<16xf32> to vector<1x16xf32>
      tpu.vector_store %arg6[%swap3A_408, %swap3A_409], %swap3A_412 {add = true, strides = array<i32>} : memref<32x1024xf32, #tpu.memory_space<vmem>>, vector<1x16xf32>,
      %get3A_413 = arith.index_cast %scan3A_162 : i32 to index
      %get3A_414 = arith.constant 448 : index
      %get3A_415 = tpu.vector_load %arg5[%get3A_413, %get3A_414] {strides = array<i32>} : memref<32x1024xf32, #tpu.memory_space<vmem>>, vector<1x16xf32>,
      %get3A_416 = vector.shape_cast %get3A_415 : vector<1x16xf32> to vector<16xf32>
      %swap3A_417 = arith.index_cast %scan3A_162 : i32 to index
      %swap3A_418 = arith.constant 448 : index
      %swap3A_419 = tpu.vector_load %arg6[%swap3A_417, %swap3A_418] {strides = array<i32>} : memref<32x1024xf32, #tpu.memory_space<vmem>>, vector<1x16xf32>,
      %swap3A_420 = vector.shape_cast %swap3A_419 : vector<1x16xf32> to vector<16xf32>
      %swap3A_421 = vector.shape_cast %get3A_416 : vector<16xf32> to vector<1x16xf32>
      tpu.vector_store %arg6[%swap3A_417, %swap3A_418], %swap3A_421 {add = true, strides = array<i32>} : memref<32x1024xf32, #tpu.memory_space<vmem>>, vector<1x16xf32>,
      %get3A_422 = arith.index_cast %scan3A_162 : i32 to index
      %get3A_423 = arith.constant 464 : index
      %get3A_424 = tpu.vector_load %arg5[%get3A_422, %get3A_423] {strides = array<i32>} : memref<32x1024xf32, #tpu.memory_space<vmem>>, vector<1x16xf32>,
      %get3A_425 = vector.shape_cast %get3A_424 : vector<1x16xf32> to vector<16xf32>
      %swap3A_426 = arith.index_cast %scan3A_162 : i32 to index
      %swap3A_427 = arith.constant 464 : index
      %swap3A_428 = tpu.vector_load %arg6[%swap3A_426, %swap3A_427] {strides = array<i32>} : memref<32x1024xf32, #tpu.memory_space<vmem>>, vector<1x16xf32>,
      %swap3A_429 = vector.shape_cast %swap3A_428 : vector<1x16xf32> to vector<16xf32>
      %swap3A_430 = vector.shape_cast %get3A_425 : vector<16xf32> to vector<1x16xf32>
      tpu.vector_store %arg6[%swap3A_426, %swap3A_427], %swap3A_430 {add = true, strides = array<i32>} : memref<32x1024xf32, #tpu.memory_space<vmem>>, vector<1x16xf32>,
      %get3A_431 = arith.index_cast %scan3A_162 : i32 to index
      %get3A_432 = arith.constant 480 : index
      %get3A_433 = tpu.vector_load %arg5[%get3A_431, %get3A_432] {strides = array<i32>} : memref<32x1024xf32, #tpu.memory_space<vmem>>, vector<1x16xf32>,
      %get3A_434 = vector.shape_cast %get3A_433 : vector<1x16xf32> to vector<16xf32>
      %swap3A_435 = arith.index_cast %scan3A_162 : i32 to index
      %swap3A_436 = arith.constant 480 : index
      %swap3A_437 = tpu.vector_load %arg6[%swap3A_435, %swap3A_436] {strides = array<i32>} : memref<32x1024xf32, #tpu.memory_space<vmem>>, vector<1x16xf32>,
      %swap3A_438 = vector.shape_cast %swap3A_437 : vector<1x16xf32> to vector<16xf32>
      %swap3A_439 = vector.shape_cast %get3A_434 : vector<16xf32> to vector<1x16xf32>
      tpu.vector_store %arg6[%swap3A_435, %swap3A_436], %swap3A_439 {add = true, strides = array<i32>} : memref<32x1024xf32, #tpu.memory_space<vmem>>, vector<1x16xf32>,
      %get3A_440 = arith.index_cast %scan3A_162 : i32 to index
      %get3A_441 = arith.constant 496 : index
      %get3A_442 = tpu.vector_load %arg5[%get3A_440, %get3A_441] {strides = array<i32>} : memref<32x1024xf32, #tpu.memory_space<vmem>>, vector<1x16xf32>,
      %get3A_443 = vector.shape_cast %get3A_442 : vector<1x16xf32> to vector<16xf32>
      %swap3A_444 = arith.index_cast %scan3A_162 : i32 to index
      %swap3A_445 = arith.constant 496 : index
      %swap3A_446 = tpu.vector_load %arg6[%swap3A_444, %swap3A_445] {strides = array<i32>} : memref<32x1024xf32, #tpu.memory_space<vmem>>, vector<1x16xf32>,
      %swap3A_447 = vector.shape_cast %swap3A_446 : vector<1x16xf32> to vector<16xf32>
      %swap3A_448 = vector.shape_cast %get3A_443 : vector<16xf32> to vector<1x16xf32>
      tpu.vector_store %arg6[%swap3A_444, %swap3A_445], %swap3A_448 {add = true, strides = array<i32>} : memref<32x1024xf32, #tpu.memory_space<vmem>>, vector<1x16xf32>,
      %get3A_449 = arith.index_cast %scan3A_162 : i32 to index
      %get3A_450 = arith.constant 512 : index
      %get3A_451 = tpu.vector_load %arg5[%get3A_449, %get3A_450] {strides = array<i32>} : memref<32x1024xf32, #tpu.memory_space<vmem>>, vector<1x16xf32>,
      %get3A_452 = vector.shape_cast %get3A_451 : vector<1x16xf32> to vector<16xf32>
      %swap3A_453 = arith.index_cast %scan3A_162 : i32 to index
      %swap3A_454 = arith.constant 512 : index
      %swap3A_455 = tpu.vector_load %arg6[%swap3A_453, %swap3A_454] {strides = array<i32>} : memref<32x1024xf32, #tpu.memory_space<vmem>>, vector<1x16xf32>,
      %swap3A_456 = vector.shape_cast %swap3A_455 : vector<1x16xf32> to vector<16xf32>
      %swap3A_457 = vector.shape_cast %get3A_452 : vector<16xf32> to vector<1x16xf32>
      tpu.vector_store %arg6[%swap3A_453, %swap3A_454], %swap3A_457 {add = true, strides = array<i32>} : memref<32x1024xf32, #tpu.memory_space<vmem>>, vector<1x16xf32>,
      %get3A_458 = arith.index_cast %scan3A_162 : i32 to index
      %get3A_459 = arith.constant 528 : index
      %get3A_460 = tpu.vector_load %arg5[%get3A_458, %get3A_459] {strides = array<i32>} : memref<32x1024xf32, #tpu.memory_space<vmem>>, vector<1x16xf32>,
      %get3A_461 = vector.shape_cast %get3A_460 : vector<1x16xf32> to vector<16xf32>
      %swap3A_462 = arith.index_cast %scan3A_162 : i32 to index
      %swap3A_463 = arith.constant 528 : index
      %swap3A_464 = tpu.vector_load %arg6[%swap3A_462, %swap3A_463] {strides = array<i32>} : memref<32x1024xf32, #tpu.memory_space<vmem>>, vector<1x16xf32>,
      %swap3A_465 = vector.shape_cast %swap3A_464 : vector<1x16xf32> to vector<16xf32>
      %swap3A_466 = vector.shape_cast %get3A_461 : vector<16xf32> to vector<1x16xf32>
      tpu.vector_store %arg6[%swap3A_462, %swap3A_463], %swap3A_466 {add = true, strides = array<i32>} : memref<32x1024xf32, #tpu.memory_space<vmem>>, vector<1x16xf32>,
      %get3A_467 = arith.index_cast %scan3A_162 : i32 to index
      %get3A_468 = arith.constant 544 : index
      %get3A_469 = tpu.vector_load %arg5[%get3A_467, %get3A_468] {strides = array<i32>} : memref<32x1024xf32, #tpu.memory_space<vmem>>, vector<1x16xf32>,
      %get3A_470 = vector.shape_cast %get3A_469 : vector<1x16xf32> to vector<16xf32>
      %swap3A_471 = arith.index_cast %scan3A_162 : i32 to index
      %swap3A_472 = arith.constant 544 : index
      %swap3A_473 = tpu.vector_load %arg6[%swap3A_471, %swap3A_472] {strides = array<i32>} : memref<32x1024xf32, #tpu.memory_space<vmem>>, vector<1x16xf32>,
      %swap3A_474 = vector.shape_cast %swap3A_473 : vector<1x16xf32> to vector<16xf32>
      %swap3A_475 = vector.shape_cast %get3A_470 : vector<16xf32> to vector<1x16xf32>
      tpu.vector_store %arg6[%swap3A_471, %swap3A_472], %swap3A_475 {add = true, strides = array<i32>} : memref<32x1024xf32, #tpu.memory_space<vmem>>, vector<1x16xf32>,
      %get3A_476 = arith.index_cast %scan3A_162 : i32 to index
      %get3A_477 = arith.constant 560 : index
      %get3A_478 = tpu.vector_load %arg5[%get3A_476, %get3A_477] {strides = array<i32>} : memref<32x1024xf32, #tpu.memory_space<vmem>>, vector<1x16xf32>,
      %get3A_479 = vector.shape_cast %get3A_478 : vector<1x16xf32> to vector<16xf32>
      %swap3A_480 = arith.index_cast %scan3A_162 : i32 to index
      %swap3A_481 = arith.constant 560 : index
      %swap3A_482 = tpu.vector_load %arg6[%swap3A_480, %swap3A_481] {strides = array<i32>} : memref<32x1024xf32, #tpu.memory_space<vmem>>, vector<1x16xf32>,
      %swap3A_483 = vector.shape_cast %swap3A_482 : vector<1x16xf32> to vector<16xf32>
      %swap3A_484 = vector.shape_cast %get3A_479 : vector<16xf32> to vector<1x16xf32>
      tpu.vector_store %arg6[%swap3A_480, %swap3A_481], %swap3A_484 {add = true, strides = array<i32>} : memref<32x1024xf32, #tpu.memory_space<vmem>>, vector<1x16xf32>,
      %get3A_485 = arith.index_cast %scan3A_162 : i32 to index
      %get3A_486 = arith.constant 576 : index
      %get3A_487 = tpu.vector_load %arg5[%get3A_485, %get3A_486] {strides = array<i32>} : memref<32x1024xf32, #tpu.memory_space<vmem>>, vector<1x16xf32>,
      %get3A_488 = vector.shape_cast %get3A_487 : vector<1x16xf32> to vector<16xf32>
      %swap3A_489 = arith.index_cast %scan3A_162 : i32 to index
      %swap3A_490 = arith.constant 576 : index
      %swap3A_491 = tpu.vector_load %arg6[%swap3A_489, %swap3A_490] {strides = array<i32>} : memref<32x1024xf32, #tpu.memory_space<vmem>>, vector<1x16xf32>,
      %swap3A_492 = vector.shape_cast %swap3A_491 : vector<1x16xf32> to vector<16xf32>
      %swap3A_493 = vector.shape_cast %get3A_488 : vector<16xf32> to vector<1x16xf32>
      tpu.vector_store %arg6[%swap3A_489, %swap3A_490], %swap3A_493 {add = true, strides = array<i32>} : memref<32x1024xf32, #tpu.memory_space<vmem>>, vector<1x16xf32>,
      %get3A_494 = arith.index_cast %scan3A_162 : i32 to index
      %get3A_495 = arith.constant 592 : index
      %get3A_496 = tpu.vector_load %arg5[%get3A_494, %get3A_495] {strides = array<i32>} : memref<32x1024xf32, #tpu.memory_space<vmem>>, vector<1x16xf32>,
      %get3A_497 = vector.shape_cast %get3A_496 : vector<1x16xf32> to vector<16xf32>
      %swap3A_498 = arith.index_cast %scan3A_162 : i32 to index
      %swap3A_499 = arith.constant 592 : index
      %swap3A_500 = tpu.vector_load %arg6[%swap3A_498, %swap3A_499] {strides = array<i32>} : memref<32x1024xf32, #tpu.memory_space<vmem>>, vector<1x16xf32>,
      %swap3A_501 = vector.shape_cast %swap3A_500 : vector<1x16xf32> to vector<16xf32>
      %swap3A_502 = vector.shape_cast %get3A_497 : vector<16xf32> to vector<1x16xf32>
      tpu.vector_store %arg6[%swap3A_498, %swap3A_499], %swap3A_502 {add = true, strides = array<i32>} : memref<32x1024xf32, #tpu.memory_space<vmem>>, vector<1x16xf32>,
      %get3A_503 = arith.index_cast %scan3A_162 : i32 to index
      %get3A_504 = arith.constant 608 : index
      %get3A_505 = tpu.vector_load %arg5[%get3A_503, %get3A_504] {strides = array<i32>} : memref<32x1024xf32, #tpu.memory_space<vmem>>, vector<1x16xf32>,
      %get3A_506 = vector.shape_cast %get3A_505 : vector<1x16xf32> to vector<16xf32>
      %swap3A_507 = arith.index_cast %scan3A_162 : i32 to index
      %swap3A_508 = arith.constant 608 : index
      %swap3A_509 = tpu.vector_load %arg6[%swap3A_507, %swap3A_508] {strides = array<i32>} : memref<32x1024xf32, #tpu.memory_space<vmem>>, vector<1x16xf32>,
      %swap3A_510 = vector.shape_cast %swap3A_509 : vector<1x16xf32> to vector<16xf32>
      %swap3A_511 = vector.shape_cast %get3A_506 : vector<16xf32> to vector<1x16xf32>
      tpu.vector_store %arg6[%swap3A_507, %swap3A_508], %swap3A_511 {add = true, strides = array<i32>} : memref<32x1024xf32, #tpu.memory_space<vmem>>, vector<1x16xf32>,
      %get3A_512 = arith.index_cast %scan3A_162 : i32 to index
      %get3A_513 = arith.constant 624 : index
      %get3A_514 = tpu.vector_load %arg5[%get3A_512, %get3A_513] {strides = array<i32>} : memref<32x1024xf32, #tpu.memory_space<vmem>>, vector<1x16xf32>,
      %get3A_515 = vector.shape_cast %get3A_514 : vector<1x16xf32> to vector<16xf32>
      %swap3A_516 = arith.index_cast %scan3A_162 : i32 to index
      %swap3A_517 = arith.constant 624 : index
      %swap3A_518 = tpu.vector_load %arg6[%swap3A_516, %swap3A_517] {strides = array<i32>} : memref<32x1024xf32, #tpu.memory_space<vmem>>, vector<1x16xf32>,
      %swap3A_519 = vector.shape_cast %swap3A_518 : vector<1x16xf32> to vector<16xf32>
      %swap3A_520 = vector.shape_cast %get3A_515 : vector<16xf32> to vector<1x16xf32>
      tpu.vector_store %arg6[%swap3A_516, %swap3A_517], %swap3A_520 {add = true, strides = array<i32>} : memref<32x1024xf32, #tpu.memory_space<vmem>>, vector<1x16xf32>,
      %get3A_521 = arith.index_cast %scan3A_162 : i32 to index
      %get3A_522 = arith.constant 640 : index
      %get3A_523 = tpu.vector_load %arg5[%get3A_521, %get3A_522] {strides = array<i32>} : memref<32x1024xf32, #tpu.memory_space<vmem>>, vector<1x16xf32>,
      %get3A_524 = vector.shape_cast %get3A_523 : vector<1x16xf32> to vector<16xf32>
      %swap3A_525 = arith.index_cast %scan3A_162 : i32 to index
      %swap3A_526 = arith.constant 640 : index
      %swap3A_527 = tpu.vector_load %arg6[%swap3A_525, %swap3A_526] {strides = array<i32>} : memref<32x1024xf32, #tpu.memory_space<vmem>>, vector<1x16xf32>,
      %swap3A_528 = vector.shape_cast %swap3A_527 : vector<1x16xf32> to vector<16xf32>
      %swap3A_529 = vector.shape_cast %get3A_524 : vector<16xf32> to vector<1x16xf32>
      tpu.vector_store %arg6[%swap3A_525, %swap3A_526], %swap3A_529 {add = true, strides = array<i32>} : memref<32x1024xf32, #tpu.memory_space<vmem>>, vector<1x16xf32>,
      %get3A_530 = arith.index_cast %scan3A_162 : i32 to index
      %get3A_531 = arith.constant 656 : index
      %get3A_532 = tpu.vector_load %arg5[%get3A_530, %get3A_531] {strides = array<i32>} : memref<32x1024xf32, #tpu.memory_space<vmem>>, vector<1x16xf32>,
      %get3A_533 = vector.shape_cast %get3A_532 : vector<1x16xf32> to vector<16xf32>
      %swap3A_534 = arith.index_cast %scan3A_162 : i32 to index
      %swap3A_535 = arith.constant 656 : index
      %swap3A_536 = tpu.vector_load %arg6[%swap3A_534, %swap3A_535] {strides = array<i32>} : memref<32x1024xf32, #tpu.memory_space<vmem>>, vector<1x16xf32>,
      %swap3A_537 = vector.shape_cast %swap3A_536 : vector<1x16xf32> to vector<16xf32>
      %swap3A_538 = vector.shape_cast %get3A_533 : vector<16xf32> to vector<1x16xf32>
      tpu.vector_store %arg6[%swap3A_534, %swap3A_535], %swap3A_538 {add = true, strides = array<i32>} : memref<32x1024xf32, #tpu.memory_space<vmem>>, vector<1x16xf32>,
      %get3A_539 = arith.index_cast %scan3A_162 : i32 to index
      %get3A_540 = arith.constant 672 : index
      %get3A_541 = tpu.vector_load %arg5[%get3A_539, %get3A_540] {strides = array<i32>} : memref<32x1024xf32, #tpu.memory_space<vmem>>, vector<1x16xf32>,
      %get3A_542 = vector.shape_cast %get3A_541 : vector<1x16xf32> to vector<16xf32>
      %swap3A_543 = arith.index_cast %scan3A_162 : i32 to index
      %swap3A_544 = arith.constant 672 : index
      %swap3A_545 = tpu.vector_load %arg6[%swap3A_543, %swap3A_544] {strides = array<i32>} : memref<32x1024xf32, #tpu.memory_space<vmem>>, vector<1x16xf32>,
      %swap3A_546 = vector.shape_cast %swap3A_545 : vector<1x16xf32> to vector<16xf32>
      %swap3A_547 = vector.shape_cast %get3A_542 : vector<16xf32> to vector<1x16xf32>
      tpu.vector_store %arg6[%swap3A_543, %swap3A_544], %swap3A_547 {add = true, strides = array<i32>} : memref<32x1024xf32, #tpu.memory_space<vmem>>, vector<1x16xf32>,
      %get3A_548 = arith.index_cast %scan3A_162 : i32 to index
      %get3A_549 = arith.constant 688 : index
      %get3A_550 = tpu.vector_load %arg5[%get3A_548, %get3A_549] {strides = array<i32>} : memref<32x1024xf32, #tpu.memory_space<vmem>>, vector<1x16xf32>,
      %get3A_551 = vector.shape_cast %get3A_550 : vector<1x16xf32> to vector<16xf32>
      %swap3A_552 = arith.index_cast %scan3A_162 : i32 to index
      %swap3A_553 = arith.constant 688 : index
      %swap3A_554 = tpu.vector_load %arg6[%swap3A_552, %swap3A_553] {strides = array<i32>} : memref<32x1024xf32, #tpu.memory_space<vmem>>, vector<1x16xf32>,
      %swap3A_555 = vector.shape_cast %swap3A_554 : vector<1x16xf32> to vector<16xf32>
      %swap3A_556 = vector.shape_cast %get3A_551 : vector<16xf32> to vector<1x16xf32>
      tpu.vector_store %arg6[%swap3A_552, %swap3A_553], %swap3A_556 {add = true, strides = array<i32>} : memref<32x1024xf32, #tpu.memory_space<vmem>>, vector<1x16xf32>,
      %get3A_557 = arith.index_cast %scan3A_162 : i32 to index
      %get3A_558 = arith.constant 704 : index
      %get3A_559 = tpu.vector_load %arg5[%get3A_557, %get3A_558] {strides = array<i32>} : memref<32x1024xf32, #tpu.memory_space<vmem>>, vector<1x16xf32>,
      %get3A_560 = vector.shape_cast %get3A_559 : vector<1x16xf32> to vector<16xf32>
      %swap3A_561 = arith.index_cast %scan3A_162 : i32 to index
      %swap3A_562 = arith.constant 704 : index
      %swap3A_563 = tpu.vector_load %arg6[%swap3A_561, %swap3A_562] {strides = array<i32>} : memref<32x1024xf32, #tpu.memory_space<vmem>>, vector<1x16xf32>,
      %swap3A_564 = vector.shape_cast %swap3A_563 : vector<1x16xf32> to vector<16xf32>
      %swap3A_565 = vector.shape_cast %get3A_560 : vector<16xf32> to vector<1x16xf32>
      tpu.vector_store %arg6[%swap3A_561, %swap3A_562], %swap3A_565 {add = true, strides = array<i32>} : memref<32x1024xf32, #tpu.memory_space<vmem>>, vector<1x16xf32>,
      %get3A_566 = arith.index_cast %scan3A_162 : i32 to index
      %get3A_567 = arith.constant 720 : index
      %get3A_568 = tpu.vector_load %arg5[%get3A_566, %get3A_567] {strides = array<i32>} : memref<32x1024xf32, #tpu.memory_space<vmem>>, vector<1x16xf32>,
      %get3A_569 = vector.shape_cast %get3A_568 : vector<1x16xf32> to vector<16xf32>
      %swap3A_570 = arith.index_cast %scan3A_162 : i32 to index
      %swap3A_571 = arith.constant 720 : index
      %swap3A_572 = tpu.vector_load %arg6[%swap3A_570, %swap3A_571] {strides = array<i32>} : memref<32x1024xf32, #tpu.memory_space<vmem>>, vector<1x16xf32>,
      %swap3A_573 = vector.shape_cast %swap3A_572 : vector<1x16xf32> to vector<16xf32>
      %swap3A_574 = vector.shape_cast %get3A_569 : vector<16xf32> to vector<1x16xf32>
      tpu.vector_store %arg6[%swap3A_570, %swap3A_571], %swap3A_574 {add = true, strides = array<i32>} : memref<32x1024xf32, #tpu.memory_space<vmem>>, vector<1x16xf32>,
      %get3A_575 = arith.index_cast %scan3A_162 : i32 to index
      %get3A_576 = arith.constant 736 : index
      %get3A_577 = tpu.vector_load %arg5[%get3A_575, %get3A_576] {strides = array<i32>} : memref<32x1024xf32, #tpu.memory_space<vmem>>, vector<1x16xf32>,
      %get3A_578 = vector.shape_cast %get3A_577 : vector<1x16xf32> to vector<16xf32>
      %swap3A_579 = arith.index_cast %scan3A_162 : i32 to index
      %swap3A_580 = arith.constant 736 : index
      %swap3A_581 = tpu.vector_load %arg6[%swap3A_579, %swap3A_580] {strides = array<i32>} : memref<32x1024xf32, #tpu.memory_space<vmem>>, vector<1x16xf32>,
      %swap3A_582 = vector.shape_cast %swap3A_581 : vector<1x16xf32> to vector<16xf32>
      %swap3A_583 = vector.shape_cast %get3A_578 : vector<16xf32> to vector<1x16xf32>
      tpu.vector_store %arg6[%swap3A_579, %swap3A_580], %swap3A_583 {add = true, strides = array<i32>} : memref<32x1024xf32, #tpu.memory_space<vmem>>, vector<1x16xf32>,
      %get3A_584 = arith.index_cast %scan3A_162 : i32 to index
      %get3A_585 = arith.constant 752 : index
      %get3A_586 = tpu.vector_load %arg5[%get3A_584, %get3A_585] {strides = array<i32>} : memref<32x1024xf32, #tpu.memory_space<vmem>>, vector<1x16xf32>,
      %get3A_587 = vector.shape_cast %get3A_586 : vector<1x16xf32> to vector<16xf32>
      %swap3A_588 = arith.index_cast %scan3A_162 : i32 to index
      %swap3A_589 = arith.constant 752 : index
      %swap3A_590 = tpu.vector_load %arg6[%swap3A_588, %swap3A_589] {strides = array<i32>} : memref<32x1024xf32, #tpu.memory_space<vmem>>, vector<1x16xf32>,
      %swap3A_591 = vector.shape_cast %swap3A_590 : vector<1x16xf32> to vector<16xf32>
      %swap3A_592 = vector.shape_cast %get3A_587 : vector<16xf32> to vector<1x16xf32>
      tpu.vector_store %arg6[%swap3A_588, %swap3A_589], %swap3A_592 {add = true, strides = array<i32>} : memref<32x1024xf32, #tpu.memory_space<vmem>>, vector<1x16xf32>,
      %get3A_593 = arith.index_cast %scan3A_162 : i32 to index
      %get3A_594 = arith.constant 768 : index
      %get3A_595 = tpu.vector_load %arg5[%get3A_593, %get3A_594] {strides = array<i32>} : memref<32x1024xf32, #tpu.memory_space<vmem>>, vector<1x16xf32>,
      %get3A_596 = vector.shape_cast %get3A_595 : vector<1x16xf32> to vector<16xf32>
      %swap3A_597 = arith.index_cast %scan3A_162 : i32 to index
      %swap3A_598 = arith.constant 768 : index
      %swap3A_599 = tpu.vector_load %arg6[%swap3A_597, %swap3A_598] {strides = array<i32>} : memref<32x1024xf32, #tpu.memory_space<vmem>>, vector<1x16xf32>,
      %swap3A_600 = vector.shape_cast %swap3A_599 : vector<1x16xf32> to vector<16xf32>
      %swap3A_601 = vector.shape_cast %get3A_596 : vector<16xf32> to vector<1x16xf32>
      tpu.vector_store %arg6[%swap3A_597, %swap3A_598], %swap3A_601 {add = true, strides = array<i32>} : memref<32x1024xf32, #tpu.memory_space<vmem>>, vector<1x16xf32>,
      %get3A_602 = arith.index_cast %scan3A_162 : i32 to index
      %get3A_603 = arith.constant 784 : index
      %get3A_604 = tpu.vector_load %arg5[%get3A_602, %get3A_603] {strides = array<i32>} : memref<32x1024xf32, #tpu.memory_space<vmem>>, vector<1x16xf32>,
      %get3A_605 = vector.shape_cast %get3A_604 : vector<1x16xf32> to vector<16xf32>
      %swap3A_606 = arith.index_cast %scan3A_162 : i32 to index
      %swap3A_607 = arith.constant 784 : index
      %swap3A_608 = tpu.vector_load %arg6[%swap3A_606, %swap3A_607] {strides = array<i32>} : memref<32x1024xf32, #tpu.memory_space<vmem>>, vector<1x16xf32>,
      %swap3A_609 = vector.shape_cast %swap3A_608 : vector<1x16xf32> to vector<16xf32>
      %swap3A_610 = vector.shape_cast %get3A_605 : vector<16xf32> to vector<1x16xf32>
      tpu.vector_store %arg6[%swap3A_606, %swap3A_607], %swap3A_610 {add = true, strides = array<i32>} : memref<32x1024xf32, #tpu.memory_space<vmem>>, vector<1x16xf32>,
      %get3A_611 = arith.index_cast %scan3A_162 : i32 to index
      %get3A_612 = arith.constant 800 : index
      %get3A_613 = tpu.vector_load %arg5[%get3A_611, %get3A_612] {strides = array<i32>} : memref<32x1024xf32, #tpu.memory_space<vmem>>, vector<1x16xf32>,
      %get3A_614 = vector.shape_cast %get3A_613 : vector<1x16xf32> to vector<16xf32>
      %swap3A_615 = arith.index_cast %scan3A_162 : i32 to index
      %swap3A_616 = arith.constant 800 : index
      %swap3A_617 = tpu.vector_load %arg6[%swap3A_615, %swap3A_616] {strides = array<i32>} : memref<32x1024xf32, #tpu.memory_space<vmem>>, vector<1x16xf32>,
      %swap3A_618 = vector.shape_cast %swap3A_617 : vector<1x16xf32> to vector<16xf32>
      %swap3A_619 = vector.shape_cast %get3A_614 : vector<16xf32> to vector<1x16xf32>
      tpu.vector_store %arg6[%swap3A_615, %swap3A_616], %swap3A_619 {add = true, strides = array<i32>} : memref<32x1024xf32, #tpu.memory_space<vmem>>, vector<1x16xf32>,
      %get3A_620 = arith.index_cast %scan3A_162 : i32 to index
      %get3A_621 = arith.constant 816 : index
      %get3A_622 = tpu.vector_load %arg5[%get3A_620, %get3A_621] {strides = array<i32>} : memref<32x1024xf32, #tpu.memory_space<vmem>>, vector<1x16xf32>,
      %get3A_623 = vector.shape_cast %get3A_622 : vector<1x16xf32> to vector<16xf32>
      %swap3A_624 = arith.index_cast %scan3A_162 : i32 to index
      %swap3A_625 = arith.constant 816 : index
      %swap3A_626 = tpu.vector_load %arg6[%swap3A_624, %swap3A_625] {strides = array<i32>} : memref<32x1024xf32, #tpu.memory_space<vmem>>, vector<1x16xf32>,
      %swap3A_627 = vector.shape_cast %swap3A_626 : vector<1x16xf32> to vector<16xf32>
      %swap3A_628 = vector.shape_cast %get3A_623 : vector<16xf32> to vector<1x16xf32>
      tpu.vector_store %arg6[%swap3A_624, %swap3A_625], %swap3A_628 {add = true, strides = array<i32>} : memref<32x1024xf32, #tpu.memory_space<vmem>>, vector<1x16xf32>,
      %get3A_629 = arith.index_cast %scan3A_162 : i32 to index
      %get3A_630 = arith.constant 832 : index
      %get3A_631 = tpu.vector_load %arg5[%get3A_629, %get3A_630] {strides = array<i32>} : memref<32x1024xf32, #tpu.memory_space<vmem>>, vector<1x16xf32>,
      %get3A_632 = vector.shape_cast %get3A_631 : vector<1x16xf32> to vector<16xf32>
      %swap3A_633 = arith.index_cast %scan3A_162 : i32 to index
      %swap3A_634 = arith.constant 832 : index
      %swap3A_635 = tpu.vector_load %arg6[%swap3A_633, %swap3A_634] {strides = array<i32>} : memref<32x1024xf32, #tpu.memory_space<vmem>>, vector<1x16xf32>,
      %swap3A_636 = vector.shape_cast %swap3A_635 : vector<1x16xf32> to vector<16xf32>
      %swap3A_637 = vector.shape_cast %get3A_632 : vector<16xf32> to vector<1x16xf32>
      tpu.vector_store %arg6[%swap3A_633, %swap3A_634], %swap3A_637 {add = true, strides = array<i32>} : memref<32x1024xf32, #tpu.memory_space<vmem>>, vector<1x16xf32>,
      %get3A_638 = arith.index_cast %scan3A_162 : i32 to index
      %get3A_639 = arith.constant 848 : index
      %get3A_640 = tpu.vector_load %arg5[%get3A_638, %get3A_639] {strides = array<i32>} : memref<32x1024xf32, #tpu.memory_space<vmem>>, vector<1x16xf32>,
      %get3A_641 = vector.shape_cast %get3A_640 : vector<1x16xf32> to vector<16xf32>
      %swap3A_642 = arith.index_cast %scan3A_162 : i32 to index
      %swap3A_643 = arith.constant 848 : index
      %swap3A_644 = tpu.vector_load %arg6[%swap3A_642, %swap3A_643] {strides = array<i32>} : memref<32x1024xf32, #tpu.memory_space<vmem>>, vector<1x16xf32>,
      %swap3A_645 = vector.shape_cast %swap3A_644 : vector<1x16xf32> to vector<16xf32>
      %swap3A_646 = vector.shape_cast %get3A_641 : vector<16xf32> to vector<1x16xf32>
      tpu.vector_store %arg6[%swap3A_642, %swap3A_643], %swap3A_646 {add = true, strides = array<i32>} : memref<32x1024xf32, #tpu.memory_space<vmem>>, vector<1x16xf32>,
      %get3A_647 = arith.index_cast %scan3A_162 : i32 to index
      %get3A_648 = arith.constant 864 : index
      %get3A_649 = tpu.vector_load %arg5[%get3A_647, %get3A_648] {strides = array<i32>} : memref<32x1024xf32, #tpu.memory_space<vmem>>, vector<1x16xf32>,
      %get3A_650 = vector.shape_cast %get3A_649 : vector<1x16xf32> to vector<16xf32>
      %swap3A_651 = arith.index_cast %scan3A_162 : i32 to index
      %swap3A_652 = arith.constant 864 : index
      %swap3A_653 = tpu.vector_load %arg6[%swap3A_651, %swap3A_652] {strides = array<i32>} : memref<32x1024xf32, #tpu.memory_space<vmem>>, vector<1x16xf32>,
      %swap3A_654 = vector.shape_cast %swap3A_653 : vector<1x16xf32> to vector<16xf32>
      %swap3A_655 = vector.shape_cast %get3A_650 : vector<16xf32> to vector<1x16xf32>
      tpu.vector_store %arg6[%swap3A_651, %swap3A_652], %swap3A_655 {add = true, strides = array<i32>} : memref<32x1024xf32, #tpu.memory_space<vmem>>, vector<1x16xf32>,
      %get3A_656 = arith.index_cast %scan3A_162 : i32 to index
      %get3A_657 = arith.constant 880 : index
      %get3A_658 = tpu.vector_load %arg5[%get3A_656, %get3A_657] {strides = array<i32>} : memref<32x1024xf32, #tpu.memory_space<vmem>>, vector<1x16xf32>,
      %get3A_659 = vector.shape_cast %get3A_658 : vector<1x16xf32> to vector<16xf32>
      %swap3A_660 = arith.index_cast %scan3A_162 : i32 to index
      %swap3A_661 = arith.constant 880 : index
      %swap3A_662 = tpu.vector_load %arg6[%swap3A_660, %swap3A_661] {strides = array<i32>} : memref<32x1024xf32, #tpu.memory_space<vmem>>, vector<1x16xf32>,
      %swap3A_663 = vector.shape_cast %swap3A_662 : vector<1x16xf32> to vector<16xf32>
      %swap3A_664 = vector.shape_cast %get3A_659 : vector<16xf32> to vector<1x16xf32>
      tpu.vector_store %arg6[%swap3A_660, %swap3A_661], %swap3A_664 {add = true, strides = array<i32>} : memref<32x1024xf32, #tpu.memory_space<vmem>>, vector<1x16xf32>,
      %get3A_665 = arith.index_cast %scan3A_162 : i32 to index
      %get3A_666 = arith.constant 896 : index
      %get3A_667 = tpu.vector_load %arg5[%get3A_665, %get3A_666] {strides = array<i32>} : memref<32x1024xf32, #tpu.memory_space<vmem>>, vector<1x16xf32>,
      %get3A_668 = vector.shape_cast %get3A_667 : vector<1x16xf32> to vector<16xf32>
      %swap3A_669 = arith.index_cast %scan3A_162 : i32 to index
      %swap3A_670 = arith.constant 896 : index
      %swap3A_671 = tpu.vector_load %arg6[%swap3A_669, %swap3A_670] {strides = array<i32>} : memref<32x1024xf32, #tpu.memory_space<vmem>>, vector<1x16xf32>,
      %swap3A_672 = vector.shape_cast %swap3A_671 : vector<1x16xf32> to vector<16xf32>
      %swap3A_673 = vector.shape_cast %get3A_668 : vector<16xf32> to vector<1x16xf32>
      tpu.vector_store %arg6[%swap3A_669, %swap3A_670], %swap3A_673 {add = true, strides = array<i32>} : memref<32x1024xf32, #tpu.memory_space<vmem>>, vector<1x16xf32>,
      %get3A_674 = arith.index_cast %scan3A_162 : i32 to index
      %get3A_675 = arith.constant 912 : index
      %get3A_676 = tpu.vector_load %arg5[%get3A_674, %get3A_675] {strides = array<i32>} : memref<32x1024xf32, #tpu.memory_space<vmem>>, vector<1x16xf32>,
      %get3A_677 = vector.shape_cast %get3A_676 : vector<1x16xf32> to vector<16xf32>
      %swap3A_678 = arith.index_cast %scan3A_162 : i32 to index
      %swap3A_679 = arith.constant 912 : index
      %swap3A_680 = tpu.vector_load %arg6[%swap3A_678, %swap3A_679] {strides = array<i32>} : memref<32x1024xf32, #tpu.memory_space<vmem>>, vector<1x16xf32>,
      %swap3A_681 = vector.shape_cast %swap3A_680 : vector<1x16xf32> to vector<16xf32>
      %swap3A_682 = vector.shape_cast %get3A_677 : vector<16xf32> to vector<1x16xf32>
      tpu.vector_store %arg6[%swap3A_678, %swap3A_679], %swap3A_682 {add = true, strides = array<i32>} : memref<32x1024xf32, #tpu.memory_space<vmem>>, vector<1x16xf32>,
      %get3A_683 = arith.index_cast %scan3A_162 : i32 to index
      %get3A_684 = arith.constant 928 : index
      %get3A_685 = tpu.vector_load %arg5[%get3A_683, %get3A_684] {strides = array<i32>} : memref<32x1024xf32, #tpu.memory_space<vmem>>, vector<1x16xf32>,
      %get3A_686 = vector.shape_cast %get3A_685 : vector<1x16xf32> to vector<16xf32>
      %swap3A_687 = arith.index_cast %scan3A_162 : i32 to index
      %swap3A_688 = arith.constant 928 : index
      %swap3A_689 = tpu.vector_load %arg6[%swap3A_687, %swap3A_688] {strides = array<i32>} : memref<32x1024xf32, #tpu.memory_space<vmem>>, vector<1x16xf32>,
      %swap3A_690 = vector.shape_cast %swap3A_689 : vector<1x16xf32> to vector<16xf32>
      %swap3A_691 = vector.shape_cast %get3A_686 : vector<16xf32> to vector<1x16xf32>
      tpu.vector_store %arg6[%swap3A_687, %swap3A_688], %swap3A_691 {add = true, strides = array<i32>} : memref<32x1024xf32, #tpu.memory_space<vmem>>, vector<1x16xf32>,
      %get3A_692 = arith.index_cast %scan3A_162 : i32 to index
      %get3A_693 = arith.constant 944 : index
      %get3A_694 = tpu.vector_load %arg5[%get3A_692, %get3A_693] {strides = array<i32>} : memref<32x1024xf32, #tpu.memory_space<vmem>>, vector<1x16xf32>,
      %get3A_695 = vector.shape_cast %get3A_694 : vector<1x16xf32> to vector<16xf32>
      %swap3A_696 = arith.index_cast %scan3A_162 : i32 to index
      %swap3A_697 = arith.constant 944 : index
      %swap3A_698 = tpu.vector_load %arg6[%swap3A_696, %swap3A_697] {strides = array<i32>} : memref<32x1024xf32, #tpu.memory_space<vmem>>, vector<1x16xf32>,
      %swap3A_699 = vector.shape_cast %swap3A_698 : vector<1x16xf32> to vector<16xf32>
      %swap3A_700 = vector.shape_cast %get3A_695 : vector<16xf32> to vector<1x16xf32>
      tpu.vector_store %arg6[%swap3A_696, %swap3A_697], %swap3A_700 {add = true, strides = array<i32>} : memref<32x1024xf32, #tpu.memory_space<vmem>>, vector<1x16xf32>,
      %get3A_701 = arith.index_cast %scan3A_162 : i32 to index
      %get3A_702 = arith.constant 960 : index
      %get3A_703 = tpu.vector_load %arg5[%get3A_701, %get3A_702] {strides = array<i32>} : memref<32x1024xf32, #tpu.memory_space<vmem>>, vector<1x16xf32>,
      %get3A_704 = vector.shape_cast %get3A_703 : vector<1x16xf32> to vector<16xf32>
      %swap3A_705 = arith.index_cast %scan3A_162 : i32 to index
      %swap3A_706 = arith.constant 960 : index
      %swap3A_707 = tpu.vector_load %arg6[%swap3A_705, %swap3A_706] {strides = array<i32>} : memref<32x1024xf32, #tpu.memory_space<vmem>>, vector<1x16xf32>,
      %swap3A_708 = vector.shape_cast %swap3A_707 : vector<1x16xf32> to vector<16xf32>
      %swap3A_709 = vector.shape_cast %get3A_704 : vector<16xf32> to vector<1x16xf32>
      tpu.vector_store %arg6[%swap3A_705, %swap3A_706], %swap3A_709 {add = true, strides = array<i32>} : memref<32x1024xf32, #tpu.memory_space<vmem>>, vector<1x16xf32>,
      %get3A_710 = arith.index_cast %scan3A_162 : i32 to index
      %get3A_711 = arith.constant 976 : index
      %get3A_712 = tpu.vector_load %arg5[%get3A_710, %get3A_711] {strides = array<i32>} : memref<32x1024xf32, #tpu.memory_space<vmem>>, vector<1x16xf32>,
      %get3A_713 = vector.shape_cast %get3A_712 : vector<1x16xf32> to vector<16xf32>
      %swap3A_714 = arith.index_cast %scan3A_162 : i32 to index
      %swap3A_715 = arith.constant 976 : index
      %swap3A_716 = tpu.vector_load %arg6[%swap3A_714, %swap3A_715] {strides = array<i32>} : memref<32x1024xf32, #tpu.memory_space<vmem>>, vector<1x16xf32>,
      %swap3A_717 = vector.shape_cast %swap3A_716 : vector<1x16xf32> to vector<16xf32>
      %swap3A_718 = vector.shape_cast %get3A_713 : vector<16xf32> to vector<1x16xf32>
      tpu.vector_store %arg6[%swap3A_714, %swap3A_715], %swap3A_718 {add = true, strides = array<i32>} : memref<32x1024xf32, #tpu.memory_space<vmem>>, vector<1x16xf32>,
      %get3A_719 = arith.index_cast %scan3A_162 : i32 to index
      %get3A_720 = arith.constant 992 : index
      %get3A_721 = tpu.vector_load %arg5[%get3A_719, %get3A_720] {strides = array<i32>} : memref<32x1024xf32, #tpu.memory_space<vmem>>, vector<1x16xf32>,
      %get3A_722 = vector.shape_cast %get3A_721 : vector<1x16xf32> to vector<16xf32>
      %swap3A_723 = arith.index_cast %scan3A_162 : i32 to index
      %swap3A_724 = arith.constant 992 : index
      %swap3A_725 = tpu.vector_load %arg6[%swap3A_723, %swap3A_724] {strides = array<i32>} : memref<32x1024xf32, #tpu.memory_space<vmem>>, vector<1x16xf32>,
      %swap3A_726 = vector.shape_cast %swap3A_725 : vector<1x16xf32> to vector<16xf32>
      %swap3A_727 = vector.shape_cast %get3A_722 : vector<16xf32> to vector<1x16xf32>
      tpu.vector_store %arg6[%swap3A_723, %swap3A_724], %swap3A_727 {add = true, strides = array<i32>} : memref<32x1024xf32, #tpu.memory_space<vmem>>, vector<1x16xf32>,
      %get3A_728 = arith.index_cast %scan3A_162 : i32 to index
      %get3A_729 = arith.constant 1008 : index
      %get3A_730 = tpu.vector_load %arg5[%get3A_728, %get3A_729] {strides = array<i32>} : memref<32x1024xf32, #tpu.memory_space<vmem>>, vector<1x16xf32>,
      %get3A_731 = vector.shape_cast %get3A_730 : vector<1x16xf32> to vector<16xf32>
      %swap3A_732 = arith.index_cast %scan3A_162 : i32 to index
      %swap3A_733 = arith.constant 1008 : index
      %swap3A_734 = tpu.vector_load %arg6[%swap3A_732, %swap3A_733] {strides = array<i32>} : memref<32x1024xf32, #tpu.memory_space<vmem>>, vector<1x16xf32>,
      %swap3A_735 = vector.shape_cast %swap3A_734 : vector<1x16xf32> to vector<16xf32>
      %swap3A_736 = vector.shape_cast %get3A_731 : vector<16xf32> to vector<1x16xf32>
      tpu.vector_store %arg6[%swap3A_732, %swap3A_733], %swap3A_736 {add = true, strides = array<i32>} : memref<32x1024xf32, #tpu.memory_space<vmem>>, vector<1x16xf32>,
    }
    %scan3A_42 = arith.constant 32 : i32
    %dma_start3A_43 = arith.constant 0 : i32
    %dma_start3A_44 = arith.constant 0 : i32
    %dma_start3A_45 = tpu.memref_slice %arg4[%dma_start3A_43, %mul3A_2, %dma_start3A_44] : memref<4x1024x1024xf32, #tpu.memory_space<hbm>> -> memref<1x32x1024xf32, #tpu.memory_space<hbm>>
    %dma_start3A_46 = tpu.memref_squeeze %dma_start3A_45 : memref<1x32x1024xf32, #tpu.memory_space<hbm>> -> memref<32x1024xf32, #tpu.memory_space<hbm>>
    %dma_start3A_47 = arith.constant 0 : i32
    %dma_start3A_48 = tpu.memref_slice %arg4[%dma_start3A_43, %mul3A_2, %dma_start3A_47] : memref<4x1024x1024xf32, #tpu.memory_space<hbm>> -> memref<1x32x1024xf32, #tpu.memory_space<hbm>>
    %dma_start3A_49 = tpu.memref_squeeze %dma_start3A_48 : memref<1x32x1024xf32, #tpu.memory_space<hbm>> -> memref<32x1024xf32, #tpu.memory_space<hbm>>
    tpu.enqueue_dma source(%arg6 : memref<32x1024xf32, #tpu.memory_space<vmem>>) target(%dma_start3A_49 : memref<32x1024xf32, #tpu.memory_space<hbm>>) target_semaphore(%arg11 : memref<!tpu.dma_semaphore, #tpu.memory_space<semaphore_mem>>)
    %add3A_50 = arith.constant 7168 : i32
    %add3A_51 = arith.addi %add3A_50, %mul3A_2 : i32
    %dma_wait3A_52 = arith.constant 1 : i32
    %dma_wait3A_53 = arith.constant 0 : i32
    %dma_wait3A_54 = tpu.memref_slice %arg2[%dma_wait3A_52, %add3A_51, %dma_wait3A_53] : memref<4x8192x1024xf32, #tpu.memory_space<hbm>> -> memref<1x32x1024xf32, #tpu.memory_space<hbm>>
    %dma_wait3A_55 = tpu.memref_squeeze %dma_wait3A_54 : memref<1x32x1024xf32, #tpu.memory_space<hbm>> -> memref<32x1024xf32, #tpu.memory_space<hbm>>
    %dma_wait3A_56 = arith.constant 0 : i32
    %dma_wait3A_57 = tpu.memref_slice %arg2[%dma_wait3A_52, %add3A_51, %dma_wait3A_56] : memref<4x8192x1024xf32, #tpu.memory_space<hbm>> -> memref<1x32x1024xf32, #tpu.memory_space<hbm>>
    %dma_wait3A_58 = tpu.memref_squeeze %dma_wait3A_57 : memref<1x32x1024xf32, #tpu.memory_space<hbm>> -> memref<32x1024xf32, #tpu.memory_space<hbm>>
    tpu.wait_dma2 semaphore(%arg10 : memref<!tpu.dma_semaphore, #tpu.memory_space<semaphore_mem>>) src(%dma_wait3A_58 : memref<32x1024xf32, #tpu.memory_space<hbm>>) dst(%arg7 : memref<32x1024xf32, #tpu.memory_space<vmem>>)
    %scan3A_59 = arith.constant 0 : i32
    %scan3A_60 = arith.constant 0 : i32
    %scan3A_61 = arith.constant 32 : i32
    %scan3A_62 = arith.addi %scan3A_60, %scan3A_61 : i32
    %scan3A_63 = arith.constant 1 : i32
    scf.for %scan3A_162 = %scan3A_60 to %scan3A_62 step %scan3A_63  : i32 {
      %get3A = arith.index_cast %scan3A_162 : i32 to index
      %get3A_163 = arith.constant 0 : index
      %get3A_164 = tpu.vector_load %arg5[%get3A, %get3A_163] {strides = array<i32>} : memref<32x1024xf32, #tpu.memory_space<vmem>>, vector<1x16xf32>,
      %get3A_165 = vector.shape_cast %get3A_164 : vector<1x16xf32> to vector<16xf32>
      %swap3A = arith.index_cast %scan3A_162 : i32 to index
      %swap3A_166 = arith.constant 0 : index
      %swap3A_167 = tpu.vector_load %arg7[%swap3A, %swap3A_166] {strides = array<i32>} : memref<32x1024xf32, #tpu.memory_space<vmem>>, vector<1x16xf32>,
      %swap3A_168 = vector.shape_cast %swap3A_167 : vector<1x16xf32> to vector<16xf32>
      %swap3A_169 = vector.shape_cast %get3A_165 : vector<16xf32> to vector<1x16xf32>
      tpu.vector_store %arg7[%swap3A, %swap3A_166], %swap3A_169 {add = true, strides = array<i32>} : memref<32x1024xf32, #tpu.memory_space<vmem>>, vector<1x16xf32>,
      %get3A_170 = arith.index_cast %scan3A_162 : i32 to index
      %get3A_171 = arith.constant 16 : index
      %get3A_172 = tpu.vector_load %arg5[%get3A_170, %get3A_171] {strides = array<i32>} : memref<32x1024xf32, #tpu.memory_space<vmem>>, vector<1x16xf32>,
      %get3A_173 = vector.shape_cast %get3A_172 : vector<1x16xf32> to vector<16xf32>
      %swap3A_174 = arith.index_cast %scan3A_162 : i32 to index
      %swap3A_175 = arith.constant 16 : index
      %swap3A_176 = tpu.vector_load %arg7[%swap3A_174, %swap3A_175] {strides = array<i32>} : memref<32x1024xf32, #tpu.memory_space<vmem>>, vector<1x16xf32>,
      %swap3A_177 = vector.shape_cast %swap3A_176 : vector<1x16xf32> to vector<16xf32>
      %swap3A_178 = vector.shape_cast %get3A_173 : vector<16xf32> to vector<1x16xf32>
      tpu.vector_store %arg7[%swap3A_174, %swap3A_175], %swap3A_178 {add = true, strides = array<i32>} : memref<32x1024xf32, #tpu.memory_space<vmem>>, vector<1x16xf32>,
      %get3A_179 = arith.index_cast %scan3A_162 : i32 to index
      %get3A_180 = arith.constant 32 : index
      %get3A_181 = tpu.vector_load %arg5[%get3A_179, %get3A_180] {strides = array<i32>} : memref<32x1024xf32, #tpu.memory_space<vmem>>, vector<1x16xf32>,
      %get3A_182 = vector.shape_cast %get3A_181 : vector<1x16xf32> to vector<16xf32>
      %swap3A_183 = arith.index_cast %scan3A_162 : i32 to index
      %swap3A_184 = arith.constant 32 : index
      %swap3A_185 = tpu.vector_load %arg7[%swap3A_183, %swap3A_184] {strides = array<i32>} : memref<32x1024xf32, #tpu.memory_space<vmem>>, vector<1x16xf32>,
      %swap3A_186 = vector.shape_cast %swap3A_185 : vector<1x16xf32> to vector<16xf32>
      %swap3A_187 = vector.shape_cast %get3A_182 : vector<16xf32> to vector<1x16xf32>
      tpu.vector_store %arg7[%swap3A_183, %swap3A_184], %swap3A_187 {add = true, strides = array<i32>} : memref<32x1024xf32, #tpu.memory_space<vmem>>, vector<1x16xf32>,
      %get3A_188 = arith.index_cast %scan3A_162 : i32 to index
      %get3A_189 = arith.constant 48 : index
      %get3A_190 = tpu.vector_load %arg5[%get3A_188, %get3A_189] {strides = array<i32>} : memref<32x1024xf32, #tpu.memory_space<vmem>>, vector<1x16xf32>,
      %get3A_191 = vector.shape_cast %get3A_190 : vector<1x16xf32> to vector<16xf32>
      %swap3A_192 = arith.index_cast %scan3A_162 : i32 to index
      %swap3A_193 = arith.constant 48 : index
      %swap3A_194 = tpu.vector_load %arg7[%swap3A_192, %swap3A_193] {strides = array<i32>} : memref<32x1024xf32, #tpu.memory_space<vmem>>, vector<1x16xf32>,
      %swap3A_195 = vector.shape_cast %swap3A_194 : vector<1x16xf32> to vector<16xf32>
      %swap3A_196 = vector.shape_cast %get3A_191 : vector<16xf32> to vector<1x16xf32>
      tpu.vector_store %arg7[%swap3A_192, %swap3A_193], %swap3A_196 {add = true, strides = array<i32>} : memref<32x1024xf32, #tpu.memory_space<vmem>>, vector<1x16xf32>,
      %get3A_197 = arith.index_cast %scan3A_162 : i32 to index
      %get3A_198 = arith.constant 64 : index
      %get3A_199 = tpu.vector_load %arg5[%get3A_197, %get3A_198] {strides = array<i32>} : memref<32x1024xf32, #tpu.memory_space<vmem>>, vector<1x16xf32>,
      %get3A_200 = vector.shape_cast %get3A_199 : vector<1x16xf32> to vector<16xf32>
      %swap3A_201 = arith.index_cast %scan3A_162 : i32 to index
      %swap3A_202 = arith.constant 64 : index
      %swap3A_203 = tpu.vector_load %arg7[%swap3A_201, %swap3A_202] {strides = array<i32>} : memref<32x1024xf32, #tpu.memory_space<vmem>>, vector<1x16xf32>,
      %swap3A_204 = vector.shape_cast %swap3A_203 : vector<1x16xf32> to vector<16xf32>
      %swap3A_205 = vector.shape_cast %get3A_200 : vector<16xf32> to vector<1x16xf32>
      tpu.vector_store %arg7[%swap3A_201, %swap3A_202], %swap3A_205 {add = true, strides = array<i32>} : memref<32x1024xf32, #tpu.memory_space<vmem>>, vector<1x16xf32>,
      %get3A_206 = arith.index_cast %scan3A_162 : i32 to index
      %get3A_207 = arith.constant 80 : index
      %get3A_208 = tpu.vector_load %arg5[%get3A_206, %get3A_207] {strides = array<i32>} : memref<32x1024xf32, #tpu.memory_space<vmem>>, vector<1x16xf32>,
      %get3A_209 = vector.shape_cast %get3A_208 : vector<1x16xf32> to vector<16xf32>
      %swap3A_210 = arith.index_cast %scan3A_162 : i32 to index
      %swap3A_211 = arith.constant 80 : index
      %swap3A_212 = tpu.vector_load %arg7[%swap3A_210, %swap3A_211] {strides = array<i32>} : memref<32x1024xf32, #tpu.memory_space<vmem>>, vector<1x16xf32>,
      %swap3A_213 = vector.shape_cast %swap3A_212 : vector<1x16xf32> to vector<16xf32>
      %swap3A_214 = vector.shape_cast %get3A_209 : vector<16xf32> to vector<1x16xf32>
      tpu.vector_store %arg7[%swap3A_210, %swap3A_211], %swap3A_214 {add = true, strides = array<i32>} : memref<32x1024xf32, #tpu.memory_space<vmem>>, vector<1x16xf32>,
      %get3A_215 = arith.index_cast %scan3A_162 : i32 to index
      %get3A_216 = arith.constant 96 : index
      %get3A_217 = tpu.vector_load %arg5[%get3A_215, %get3A_216] {strides = array<i32>} : memref<32x1024xf32, #tpu.memory_space<vmem>>, vector<1x16xf32>,
      %get3A_218 = vector.shape_cast %get3A_217 : vector<1x16xf32> to vector<16xf32>
      %swap3A_219 = arith.index_cast %scan3A_162 : i32 to index
      %swap3A_220 = arith.constant 96 : index
      %swap3A_221 = tpu.vector_load %arg7[%swap3A_219, %swap3A_220] {strides = array<i32>} : memref<32x1024xf32, #tpu.memory_space<vmem>>, vector<1x16xf32>,
      %swap3A_222 = vector.shape_cast %swap3A_221 : vector<1x16xf32> to vector<16xf32>
      %swap3A_223 = vector.shape_cast %get3A_218 : vector<16xf32> to vector<1x16xf32>
      tpu.vector_store %arg7[%swap3A_219, %swap3A_220], %swap3A_223 {add = true, strides = array<i32>} : memref<32x1024xf32, #tpu.memory_space<vmem>>, vector<1x16xf32>,
      %get3A_224 = arith.index_cast %scan3A_162 : i32 to index
      %get3A_225 = arith.constant 112 : index
      %get3A_226 = tpu.vector_load %arg5[%get3A_224, %get3A_225] {strides = array<i32>} : memref<32x1024xf32, #tpu.memory_space<vmem>>, vector<1x16xf32>,
      %get3A_227 = vector.shape_cast %get3A_226 : vector<1x16xf32> to vector<16xf32>
      %swap3A_228 = arith.index_cast %scan3A_162 : i32 to index
      %swap3A_229 = arith.constant 112 : index
      %swap3A_230 = tpu.vector_load %arg7[%swap3A_228, %swap3A_229] {strides = array<i32>} : memref<32x1024xf32, #tpu.memory_space<vmem>>, vector<1x16xf32>,
      %swap3A_231 = vector.shape_cast %swap3A_230 : vector<1x16xf32> to vector<16xf32>
      %swap3A_232 = vector.shape_cast %get3A_227 : vector<16xf32> to vector<1x16xf32>
      tpu.vector_store %arg7[%swap3A_228, %swap3A_229], %swap3A_232 {add = true, strides = array<i32>} : memref<32x1024xf32, #tpu.memory_space<vmem>>, vector<1x16xf32>,
      %get3A_233 = arith.index_cast %scan3A_162 : i32 to index
      %get3A_234 = arith.constant 128 : index
      %get3A_235 = tpu.vector_load %arg5[%get3A_233, %get3A_234] {strides = array<i32>} : memref<32x1024xf32, #tpu.memory_space<vmem>>, vector<1x16xf32>,
      %get3A_236 = vector.shape_cast %get3A_235 : vector<1x16xf32> to vector<16xf32>
      %swap3A_237 = arith.index_cast %scan3A_162 : i32 to index
      %swap3A_238 = arith.constant 128 : index
      %swap3A_239 = tpu.vector_load %arg7[%swap3A_237, %swap3A_238] {strides = array<i32>} : memref<32x1024xf32, #tpu.memory_space<vmem>>, vector<1x16xf32>,
      %swap3A_240 = vector.shape_cast %swap3A_239 : vector<1x16xf32> to vector<16xf32>
      %swap3A_241 = vector.shape_cast %get3A_236 : vector<16xf32> to vector<1x16xf32>
      tpu.vector_store %arg7[%swap3A_237, %swap3A_238], %swap3A_241 {add = true, strides = array<i32>} : memref<32x1024xf32, #tpu.memory_space<vmem>>, vector<1x16xf32>,
      %get3A_242 = arith.index_cast %scan3A_162 : i32 to index
      %get3A_243 = arith.constant 144 : index
      %get3A_244 = tpu.vector_load %arg5[%get3A_242, %get3A_243] {strides = array<i32>} : memref<32x1024xf32, #tpu.memory_space<vmem>>, vector<1x16xf32>,
      %get3A_245 = vector.shape_cast %get3A_244 : vector<1x16xf32> to vector<16xf32>
      %swap3A_246 = arith.index_cast %scan3A_162 : i32 to index
      %swap3A_247 = arith.constant 144 : index
      %swap3A_248 = tpu.vector_load %arg7[%swap3A_246, %swap3A_247] {strides = array<i32>} : memref<32x1024xf32, #tpu.memory_space<vmem>>, vector<1x16xf32>,
      %swap3A_249 = vector.shape_cast %swap3A_248 : vector<1x16xf32> to vector<16xf32>
      %swap3A_250 = vector.shape_cast %get3A_245 : vector<16xf32> to vector<1x16xf32>
      tpu.vector_store %arg7[%swap3A_246, %swap3A_247], %swap3A_250 {add = true, strides = array<i32>} : memref<32x1024xf32, #tpu.memory_space<vmem>>, vector<1x16xf32>,
      %get3A_251 = arith.index_cast %scan3A_162 : i32 to index
      %get3A_252 = arith.constant 160 : index
      %get3A_253 = tpu.vector_load %arg5[%get3A_251, %get3A_252] {strides = array<i32>} : memref<32x1024xf32, #tpu.memory_space<vmem>>, vector<1x16xf32>,
      %get3A_254 = vector.shape_cast %get3A_253 : vector<1x16xf32> to vector<16xf32>
      %swap3A_255 = arith.index_cast %scan3A_162 : i32 to index
      %swap3A_256 = arith.constant 160 : index
      %swap3A_257 = tpu.vector_load %arg7[%swap3A_255, %swap3A_256] {strides = array<i32>} : memref<32x1024xf32, #tpu.memory_space<vmem>>, vector<1x16xf32>,
      %swap3A_258 = vector.shape_cast %swap3A_257 : vector<1x16xf32> to vector<16xf32>
      %swap3A_259 = vector.shape_cast %get3A_254 : vector<16xf32> to vector<1x16xf32>
      tpu.vector_store %arg7[%swap3A_255, %swap3A_256], %swap3A_259 {add = true, strides = array<i32>} : memref<32x1024xf32, #tpu.memory_space<vmem>>, vector<1x16xf32>,
      %get3A_260 = arith.index_cast %scan3A_162 : i32 to index
      %get3A_261 = arith.constant 176 : index
      %get3A_262 = tpu.vector_load %arg5[%get3A_260, %get3A_261] {strides = array<i32>} : memref<32x1024xf32, #tpu.memory_space<vmem>>, vector<1x16xf32>,
      %get3A_263 = vector.shape_cast %get3A_262 : vector<1x16xf32> to vector<16xf32>
      %swap3A_264 = arith.index_cast %scan3A_162 : i32 to index
      %swap3A_265 = arith.constant 176 : index
      %swap3A_266 = tpu.vector_load %arg7[%swap3A_264, %swap3A_265] {strides = array<i32>} : memref<32x1024xf32, #tpu.memory_space<vmem>>, vector<1x16xf32>,
      %swap3A_267 = vector.shape_cast %swap3A_266 : vector<1x16xf32> to vector<16xf32>
      %swap3A_268 = vector.shape_cast %get3A_263 : vector<16xf32> to vector<1x16xf32>
      tpu.vector_store %arg7[%swap3A_264, %swap3A_265], %swap3A_268 {add = true, strides = array<i32>} : memref<32x1024xf32, #tpu.memory_space<vmem>>, vector<1x16xf32>,
      %get3A_269 = arith.index_cast %scan3A_162 : i32 to index
      %get3A_270 = arith.constant 192 : index
      %get3A_271 = tpu.vector_load %arg5[%get3A_269, %get3A_270] {strides = array<i32>} : memref<32x1024xf32, #tpu.memory_space<vmem>>, vector<1x16xf32>,
      %get3A_272 = vector.shape_cast %get3A_271 : vector<1x16xf32> to vector<16xf32>
      %swap3A_273 = arith.index_cast %scan3A_162 : i32 to index
      %swap3A_274 = arith.constant 192 : index
      %swap3A_275 = tpu.vector_load %arg7[%swap3A_273, %swap3A_274] {strides = array<i32>} : memref<32x1024xf32, #tpu.memory_space<vmem>>, vector<1x16xf32>,
      %swap3A_276 = vector.shape_cast %swap3A_275 : vector<1x16xf32> to vector<16xf32>
      %swap3A_277 = vector.shape_cast %get3A_272 : vector<16xf32> to vector<1x16xf32>
      tpu.vector_store %arg7[%swap3A_273, %swap3A_274], %swap3A_277 {add = true, strides = array<i32>} : memref<32x1024xf32, #tpu.memory_space<vmem>>, vector<1x16xf32>,
      %get3A_278 = arith.index_cast %scan3A_162 : i32 to index
      %get3A_279 = arith.constant 208 : index
      %get3A_280 = tpu.vector_load %arg5[%get3A_278, %get3A_279] {strides = array<i32>} : memref<32x1024xf32, #tpu.memory_space<vmem>>, vector<1x16xf32>,
      %get3A_281 = vector.shape_cast %get3A_280 : vector<1x16xf32> to vector<16xf32>
      %swap3A_282 = arith.index_cast %scan3A_162 : i32 to index
      %swap3A_283 = arith.constant 208 : index
      %swap3A_284 = tpu.vector_load %arg7[%swap3A_282, %swap3A_283] {strides = array<i32>} : memref<32x1024xf32, #tpu.memory_space<vmem>>, vector<1x16xf32>,
      %swap3A_285 = vector.shape_cast %swap3A_284 : vector<1x16xf32> to vector<16xf32>
      %swap3A_286 = vector.shape_cast %get3A_281 : vector<16xf32> to vector<1x16xf32>
      tpu.vector_store %arg7[%swap3A_282, %swap3A_283], %swap3A_286 {add = true, strides = array<i32>} : memref<32x1024xf32, #tpu.memory_space<vmem>>, vector<1x16xf32>,
      %get3A_287 = arith.index_cast %scan3A_162 : i32 to index
      %get3A_288 = arith.constant 224 : index
      %get3A_289 = tpu.vector_load %arg5[%get3A_287, %get3A_288] {strides = array<i32>} : memref<32x1024xf32, #tpu.memory_space<vmem>>, vector<1x16xf32>,
      %get3A_290 = vector.shape_cast %get3A_289 : vector<1x16xf32> to vector<16xf32>
      %swap3A_291 = arith.index_cast %scan3A_162 : i32 to index
      %swap3A_292 = arith.constant 224 : index
      %swap3A_293 = tpu.vector_load %arg7[%swap3A_291, %swap3A_292] {strides = array<i32>} : memref<32x1024xf32, #tpu.memory_space<vmem>>, vector<1x16xf32>,
      %swap3A_294 = vector.shape_cast %swap3A_293 : vector<1x16xf32> to vector<16xf32>
      %swap3A_295 = vector.shape_cast %get3A_290 : vector<16xf32> to vector<1x16xf32>
      tpu.vector_store %arg7[%swap3A_291, %swap3A_292], %swap3A_295 {add = true, strides = array<i32>} : memref<32x1024xf32, #tpu.memory_space<vmem>>, vector<1x16xf32>,
      %get3A_296 = arith.index_cast %scan3A_162 : i32 to index
      %get3A_297 = arith.constant 240 : index
      %get3A_298 = tpu.vector_load %arg5[%get3A_296, %get3A_297] {strides = array<i32>} : memref<32x1024xf32, #tpu.memory_space<vmem>>, vector<1x16xf32>,
      %get3A_299 = vector.shape_cast %get3A_298 : vector<1x16xf32> to vector<16xf32>
      %swap3A_300 = arith.index_cast %scan3A_162 : i32 to index
      %swap3A_301 = arith.constant 240 : index
      %swap3A_302 = tpu.vector_load %arg7[%swap3A_300, %swap3A_301] {strides = array<i32>} : memref<32x1024xf32, #tpu.memory_space<vmem>>, vector<1x16xf32>,
      %swap3A_303 = vector.shape_cast %swap3A_302 : vector<1x16xf32> to vector<16xf32>
      %swap3A_304 = vector.shape_cast %get3A_299 : vector<16xf32> to vector<1x16xf32>
      tpu.vector_store %arg7[%swap3A_300, %swap3A_301], %swap3A_304 {add = true, strides = array<i32>} : memref<32x1024xf32, #tpu.memory_space<vmem>>, vector<1x16xf32>,
      %get3A_305 = arith.index_cast %scan3A_162 : i32 to index
      %get3A_306 = arith.constant 256 : index
      %get3A_307 = tpu.vector_load %arg5[%get3A_305, %get3A_306] {strides = array<i32>} : memref<32x1024xf32, #tpu.memory_space<vmem>>, vector<1x16xf32>,
      %get3A_308 = vector.shape_cast %get3A_307 : vector<1x16xf32> to vector<16xf32>
      %swap3A_309 = arith.index_cast %scan3A_162 : i32 to index
      %swap3A_310 = arith.constant 256 : index
      %swap3A_311 = tpu.vector_load %arg7[%swap3A_309, %swap3A_310] {strides = array<i32>} : memref<32x1024xf32, #tpu.memory_space<vmem>>, vector<1x16xf32>,
      %swap3A_312 = vector.shape_cast %swap3A_311 : vector<1x16xf32> to vector<16xf32>
      %swap3A_313 = vector.shape_cast %get3A_308 : vector<16xf32> to vector<1x16xf32>
      tpu.vector_store %arg7[%swap3A_309, %swap3A_310], %swap3A_313 {add = true, strides = array<i32>} : memref<32x1024xf32, #tpu.memory_space<vmem>>, vector<1x16xf32>,
      %get3A_314 = arith.index_cast %scan3A_162 : i32 to index
      %get3A_315 = arith.constant 272 : index
      %get3A_316 = tpu.vector_load %arg5[%get3A_314, %get3A_315] {strides = array<i32>} : memref<32x1024xf32, #tpu.memory_space<vmem>>, vector<1x16xf32>,
      %get3A_317 = vector.shape_cast %get3A_316 : vector<1x16xf32> to vector<16xf32>
      %swap3A_318 = arith.index_cast %scan3A_162 : i32 to index
      %swap3A_319 = arith.constant 272 : index
      %swap3A_320 = tpu.vector_load %arg7[%swap3A_318, %swap3A_319] {strides = array<i32>} : memref<32x1024xf32, #tpu.memory_space<vmem>>, vector<1x16xf32>,
      %swap3A_321 = vector.shape_cast %swap3A_320 : vector<1x16xf32> to vector<16xf32>
      %swap3A_322 = vector.shape_cast %get3A_317 : vector<16xf32> to vector<1x16xf32>
      tpu.vector_store %arg7[%swap3A_318, %swap3A_319], %swap3A_322 {add = true, strides = array<i32>} : memref<32x1024xf32, #tpu.memory_space<vmem>>, vector<1x16xf32>,
      %get3A_323 = arith.index_cast %scan3A_162 : i32 to index
      %get3A_324 = arith.constant 288 : index
      %get3A_325 = tpu.vector_load %arg5[%get3A_323, %get3A_324] {strides = array<i32>} : memref<32x1024xf32, #tpu.memory_space<vmem>>, vector<1x16xf32>,
      %get3A_326 = vector.shape_cast %get3A_325 : vector<1x16xf32> to vector<16xf32>
      %swap3A_327 = arith.index_cast %scan3A_162 : i32 to index
      %swap3A_328 = arith.constant 288 : index
      %swap3A_329 = tpu.vector_load %arg7[%swap3A_327, %swap3A_328] {strides = array<i32>} : memref<32x1024xf32, #tpu.memory_space<vmem>>, vector<1x16xf32>,
      %swap3A_330 = vector.shape_cast %swap3A_329 : vector<1x16xf32> to vector<16xf32>
      %swap3A_331 = vector.shape_cast %get3A_326 : vector<16xf32> to vector<1x16xf32>
      tpu.vector_store %arg7[%swap3A_327, %swap3A_328], %swap3A_331 {add = true, strides = array<i32>} : memref<32x1024xf32, #tpu.memory_space<vmem>>, vector<1x16xf32>,
      %get3A_332 = arith.index_cast %scan3A_162 : i32 to index
      %get3A_333 = arith.constant 304 : index
      %get3A_334 = tpu.vector_load %arg5[%get3A_332, %get3A_333] {strides = array<i32>} : memref<32x1024xf32, #tpu.memory_space<vmem>>, vector<1x16xf32>,
      %get3A_335 = vector.shape_cast %get3A_334 : vector<1x16xf32> to vector<16xf32>
      %swap3A_336 = arith.index_cast %scan3A_162 : i32 to index
      %swap3A_337 = arith.constant 304 : index
      %swap3A_338 = tpu.vector_load %arg7[%swap3A_336, %swap3A_337] {strides = array<i32>} : memref<32x1024xf32, #tpu.memory_space<vmem>>, vector<1x16xf32>,
      %swap3A_339 = vector.shape_cast %swap3A_338 : vector<1x16xf32> to vector<16xf32>
      %swap3A_340 = vector.shape_cast %get3A_335 : vector<16xf32> to vector<1x16xf32>
      tpu.vector_store %arg7[%swap3A_336, %swap3A_337], %swap3A_340 {add = true, strides = array<i32>} : memref<32x1024xf32, #tpu.memory_space<vmem>>, vector<1x16xf32>,
      %get3A_341 = arith.index_cast %scan3A_162 : i32 to index
      %get3A_342 = arith.constant 320 : index
      %get3A_343 = tpu.vector_load %arg5[%get3A_341, %get3A_342] {strides = array<i32>} : memref<32x1024xf32, #tpu.memory_space<vmem>>, vector<1x16xf32>,
      %get3A_344 = vector.shape_cast %get3A_343 : vector<1x16xf32> to vector<16xf32>
      %swap3A_345 = arith.index_cast %scan3A_162 : i32 to index
      %swap3A_346 = arith.constant 320 : index
      %swap3A_347 = tpu.vector_load %arg7[%swap3A_345, %swap3A_346] {strides = array<i32>} : memref<32x1024xf32, #tpu.memory_space<vmem>>, vector<1x16xf32>,
      %swap3A_348 = vector.shape_cast %swap3A_347 : vector<1x16xf32> to vector<16xf32>
      %swap3A_349 = vector.shape_cast %get3A_344 : vector<16xf32> to vector<1x16xf32>
      tpu.vector_store %arg7[%swap3A_345, %swap3A_346], %swap3A_349 {add = true, strides = array<i32>} : memref<32x1024xf32, #tpu.memory_space<vmem>>, vector<1x16xf32>,
      %get3A_350 = arith.index_cast %scan3A_162 : i32 to index
      %get3A_351 = arith.constant 336 : index
      %get3A_352 = tpu.vector_load %arg5[%get3A_350, %get3A_351] {strides = array<i32>} : memref<32x1024xf32, #tpu.memory_space<vmem>>, vector<1x16xf32>,
      %get3A_353 = vector.shape_cast %get3A_352 : vector<1x16xf32> to vector<16xf32>
      %swap3A_354 = arith.index_cast %scan3A_162 : i32 to index
      %swap3A_355 = arith.constant 336 : index
      %swap3A_356 = tpu.vector_load %arg7[%swap3A_354, %swap3A_355] {strides = array<i32>} : memref<32x1024xf32, #tpu.memory_space<vmem>>, vector<1x16xf32>,
      %swap3A_357 = vector.shape_cast %swap3A_356 : vector<1x16xf32> to vector<16xf32>
      %swap3A_358 = vector.shape_cast %get3A_353 : vector<16xf32> to vector<1x16xf32>
      tpu.vector_store %arg7[%swap3A_354, %swap3A_355], %swap3A_358 {add = true, strides = array<i32>} : memref<32x1024xf32, #tpu.memory_space<vmem>>, vector<1x16xf32>,
      %get3A_359 = arith.index_cast %scan3A_162 : i32 to index
      %get3A_360 = arith.constant 352 : index
      %get3A_361 = tpu.vector_load %arg5[%get3A_359, %get3A_360] {strides = array<i32>} : memref<32x1024xf32, #tpu.memory_space<vmem>>, vector<1x16xf32>,
      %get3A_362 = vector.shape_cast %get3A_361 : vector<1x16xf32> to vector<16xf32>
      %swap3A_363 = arith.index_cast %scan3A_162 : i32 to index
      %swap3A_364 = arith.constant 352 : index
      %swap3A_365 = tpu.vector_load %arg7[%swap3A_363, %swap3A_364] {strides = array<i32>} : memref<32x1024xf32, #tpu.memory_space<vmem>>, vector<1x16xf32>,
      %swap3A_366 = vector.shape_cast %swap3A_365 : vector<1x16xf32> to vector<16xf32>
      %swap3A_367 = vector.shape_cast %get3A_362 : vector<16xf32> to vector<1x16xf32>
      tpu.vector_store %arg7[%swap3A_363, %swap3A_364], %swap3A_367 {add = true, strides = array<i32>} : memref<32x1024xf32, #tpu.memory_space<vmem>>, vector<1x16xf32>,
      %get3A_368 = arith.index_cast %scan3A_162 : i32 to index
      %get3A_369 = arith.constant 368 : index
      %get3A_370 = tpu.vector_load %arg5[%get3A_368, %get3A_369] {strides = array<i32>} : memref<32x1024xf32, #tpu.memory_space<vmem>>, vector<1x16xf32>,
      %get3A_371 = vector.shape_cast %get3A_370 : vector<1x16xf32> to vector<16xf32>
      %swap3A_372 = arith.index_cast %scan3A_162 : i32 to index
      %swap3A_373 = arith.constant 368 : index
      %swap3A_374 = tpu.vector_load %arg7[%swap3A_372, %swap3A_373] {strides = array<i32>} : memref<32x1024xf32, #tpu.memory_space<vmem>>, vector<1x16xf32>,
      %swap3A_375 = vector.shape_cast %swap3A_374 : vector<1x16xf32> to vector<16xf32>
      %swap3A_376 = vector.shape_cast %get3A_371 : vector<16xf32> to vector<1x16xf32>
      tpu.vector_store %arg7[%swap3A_372, %swap3A_373], %swap3A_376 {add = true, strides = array<i32>} : memref<32x1024xf32, #tpu.memory_space<vmem>>, vector<1x16xf32>,
      %get3A_377 = arith.index_cast %scan3A_162 : i32 to index
      %get3A_378 = arith.constant 384 : index
      %get3A_379 = tpu.vector_load %arg5[%get3A_377, %get3A_378] {strides = array<i32>} : memref<32x1024xf32, #tpu.memory_space<vmem>>, vector<1x16xf32>,
      %get3A_380 = vector.shape_cast %get3A_379 : vector<1x16xf32> to vector<16xf32>
      %swap3A_381 = arith.index_cast %scan3A_162 : i32 to index
      %swap3A_382 = arith.constant 384 : index
      %swap3A_383 = tpu.vector_load %arg7[%swap3A_381, %swap3A_382] {strides = array<i32>} : memref<32x1024xf32, #tpu.memory_space<vmem>>, vector<1x16xf32>,
      %swap3A_384 = vector.shape_cast %swap3A_383 : vector<1x16xf32> to vector<16xf32>
      %swap3A_385 = vector.shape_cast %get3A_380 : vector<16xf32> to vector<1x16xf32>
      tpu.vector_store %arg7[%swap3A_381, %swap3A_382], %swap3A_385 {add = true, strides = array<i32>} : memref<32x1024xf32, #tpu.memory_space<vmem>>, vector<1x16xf32>,
      %get3A_386 = arith.index_cast %scan3A_162 : i32 to index
      %get3A_387 = arith.constant 400 : index
      %get3A_388 = tpu.vector_load %arg5[%get3A_386, %get3A_387] {strides = array<i32>} : memref<32x1024xf32, #tpu.memory_space<vmem>>, vector<1x16xf32>,
      %get3A_389 = vector.shape_cast %get3A_388 : vector<1x16xf32> to vector<16xf32>
      %swap3A_390 = arith.index_cast %scan3A_162 : i32 to index
      %swap3A_391 = arith.constant 400 : index
      %swap3A_392 = tpu.vector_load %arg7[%swap3A_390, %swap3A_391] {strides = array<i32>} : memref<32x1024xf32, #tpu.memory_space<vmem>>, vector<1x16xf32>,
      %swap3A_393 = vector.shape_cast %swap3A_392 : vector<1x16xf32> to vector<16xf32>
      %swap3A_394 = vector.shape_cast %get3A_389 : vector<16xf32> to vector<1x16xf32>
      tpu.vector_store %arg7[%swap3A_390, %swap3A_391], %swap3A_394 {add = true, strides = array<i32>} : memref<32x1024xf32, #tpu.memory_space<vmem>>, vector<1x16xf32>,
      %get3A_395 = arith.index_cast %scan3A_162 : i32 to index
      %get3A_396 = arith.constant 416 : index
      %get3A_397 = tpu.vector_load %arg5[%get3A_395, %get3A_396] {strides = array<i32>} : memref<32x1024xf32, #tpu.memory_space<vmem>>, vector<1x16xf32>,
      %get3A_398 = vector.shape_cast %get3A_397 : vector<1x16xf32> to vector<16xf32>
      %swap3A_399 = arith.index_cast %scan3A_162 : i32 to index
      %swap3A_400 = arith.constant 416 : index
      %swap3A_401 = tpu.vector_load %arg7[%swap3A_399, %swap3A_400] {strides = array<i32>} : memref<32x1024xf32, #tpu.memory_space<vmem>>, vector<1x16xf32>,
      %swap3A_402 = vector.shape_cast %swap3A_401 : vector<1x16xf32> to vector<16xf32>
      %swap3A_403 = vector.shape_cast %get3A_398 : vector<16xf32> to vector<1x16xf32>
      tpu.vector_store %arg7[%swap3A_399, %swap3A_400], %swap3A_403 {add = true, strides = array<i32>} : memref<32x1024xf32, #tpu.memory_space<vmem>>, vector<1x16xf32>,
      %get3A_404 = arith.index_cast %scan3A_162 : i32 to index
      %get3A_405 = arith.constant 432 : index
      %get3A_406 = tpu.vector_load %arg5[%get3A_404, %get3A_405] {strides = array<i32>} : memref<32x1024xf32, #tpu.memory_space<vmem>>, vector<1x16xf32>,
      %get3A_407 = vector.shape_cast %get3A_406 : vector<1x16xf32> to vector<16xf32>
      %swap3A_408 = arith.index_cast %scan3A_162 : i32 to index
      %swap3A_409 = arith.constant 432 : index
      %swap3A_410 = tpu.vector_load %arg7[%swap3A_408, %swap3A_409] {strides = array<i32>} : memref<32x1024xf32, #tpu.memory_space<vmem>>, vector<1x16xf32>,
      %swap3A_411 = vector.shape_cast %swap3A_410 : vector<1x16xf32> to vector<16xf32>
      %swap3A_412 = vector.shape_cast %get3A_407 : vector<16xf32> to vector<1x16xf32>
      tpu.vector_store %arg7[%swap3A_408, %swap3A_409], %swap3A_412 {add = true, strides = array<i32>} : memref<32x1024xf32, #tpu.memory_space<vmem>>, vector<1x16xf32>,
      %get3A_413 = arith.index_cast %scan3A_162 : i32 to index
      %get3A_414 = arith.constant 448 : index
      %get3A_415 = tpu.vector_load %arg5[%get3A_413, %get3A_414] {strides = array<i32>} : memref<32x1024xf32, #tpu.memory_space<vmem>>, vector<1x16xf32>,
      %get3A_416 = vector.shape_cast %get3A_415 : vector<1x16xf32> to vector<16xf32>
      %swap3A_417 = arith.index_cast %scan3A_162 : i32 to index
      %swap3A_418 = arith.constant 448 : index
      %swap3A_419 = tpu.vector_load %arg7[%swap3A_417, %swap3A_418] {strides = array<i32>} : memref<32x1024xf32, #tpu.memory_space<vmem>>, vector<1x16xf32>,
      %swap3A_420 = vector.shape_cast %swap3A_419 : vector<1x16xf32> to vector<16xf32>
      %swap3A_421 = vector.shape_cast %get3A_416 : vector<16xf32> to vector<1x16xf32>
      tpu.vector_store %arg7[%swap3A_417, %swap3A_418], %swap3A_421 {add = true, strides = array<i32>} : memref<32x1024xf32, #tpu.memory_space<vmem>>, vector<1x16xf32>,
      %get3A_422 = arith.index_cast %scan3A_162 : i32 to index
      %get3A_423 = arith.constant 464 : index
      %get3A_424 = tpu.vector_load %arg5[%get3A_422, %get3A_423] {strides = array<i32>} : memref<32x1024xf32, #tpu.memory_space<vmem>>, vector<1x16xf32>,
      %get3A_425 = vector.shape_cast %get3A_424 : vector<1x16xf32> to vector<16xf32>
      %swap3A_426 = arith.index_cast %scan3A_162 : i32 to index
      %swap3A_427 = arith.constant 464 : index
      %swap3A_428 = tpu.vector_load %arg7[%swap3A_426, %swap3A_427] {strides = array<i32>} : memref<32x1024xf32, #tpu.memory_space<vmem>>, vector<1x16xf32>,
      %swap3A_429 = vector.shape_cast %swap3A_428 : vector<1x16xf32> to vector<16xf32>
      %swap3A_430 = vector.shape_cast %get3A_425 : vector<16xf32> to vector<1x16xf32>
      tpu.vector_store %arg7[%swap3A_426, %swap3A_427], %swap3A_430 {add = true, strides = array<i32>} : memref<32x1024xf32, #tpu.memory_space<vmem>>, vector<1x16xf32>,
      %get3A_431 = arith.index_cast %scan3A_162 : i32 to index
      %get3A_432 = arith.constant 480 : index
      %get3A_433 = tpu.vector_load %arg5[%get3A_431, %get3A_432] {strides = array<i32>} : memref<32x1024xf32, #tpu.memory_space<vmem>>, vector<1x16xf32>,
      %get3A_434 = vector.shape_cast %get3A_433 : vector<1x16xf32> to vector<16xf32>
      %swap3A_435 = arith.index_cast %scan3A_162 : i32 to index
      %swap3A_436 = arith.constant 480 : index
      %swap3A_437 = tpu.vector_load %arg7[%swap3A_435, %swap3A_436] {strides = array<i32>} : memref<32x1024xf32, #tpu.memory_space<vmem>>, vector<1x16xf32>,
      %swap3A_438 = vector.shape_cast %swap3A_437 : vector<1x16xf32> to vector<16xf32>
      %swap3A_439 = vector.shape_cast %get3A_434 : vector<16xf32> to vector<1x16xf32>
      tpu.vector_store %arg7[%swap3A_435, %swap3A_436], %swap3A_439 {add = true, strides = array<i32>} : memref<32x1024xf32, #tpu.memory_space<vmem>>, vector<1x16xf32>,
      %get3A_440 = arith.index_cast %scan3A_162 : i32 to index
      %get3A_441 = arith.constant 496 : index
      %get3A_442 = tpu.vector_load %arg5[%get3A_440, %get3A_441] {strides = array<i32>} : memref<32x1024xf32, #tpu.memory_space<vmem>>, vector<1x16xf32>,
      %get3A_443 = vector.shape_cast %get3A_442 : vector<1x16xf32> to vector<16xf32>
      %swap3A_444 = arith.index_cast %scan3A_162 : i32 to index
      %swap3A_445 = arith.constant 496 : index
      %swap3A_446 = tpu.vector_load %arg7[%swap3A_444, %swap3A_445] {strides = array<i32>} : memref<32x1024xf32, #tpu.memory_space<vmem>>, vector<1x16xf32>,
      %swap3A_447 = vector.shape_cast %swap3A_446 : vector<1x16xf32> to vector<16xf32>
      %swap3A_448 = vector.shape_cast %get3A_443 : vector<16xf32> to vector<1x16xf32>
      tpu.vector_store %arg7[%swap3A_444, %swap3A_445], %swap3A_448 {add = true, strides = array<i32>} : memref<32x1024xf32, #tpu.memory_space<vmem>>, vector<1x16xf32>,
      %get3A_449 = arith.index_cast %scan3A_162 : i32 to index
      %get3A_450 = arith.constant 512 : index
      %get3A_451 = tpu.vector_load %arg5[%get3A_449, %get3A_450] {strides = array<i32>} : memref<32x1024xf32, #tpu.memory_space<vmem>>, vector<1x16xf32>,
      %get3A_452 = vector.shape_cast %get3A_451 : vector<1x16xf32> to vector<16xf32>
      %swap3A_453 = arith.index_cast %scan3A_162 : i32 to index
      %swap3A_454 = arith.constant 512 : index
      %swap3A_455 = tpu.vector_load %arg7[%swap3A_453, %swap3A_454] {strides = array<i32>} : memref<32x1024xf32, #tpu.memory_space<vmem>>, vector<1x16xf32>,
      %swap3A_456 = vector.shape_cast %swap3A_455 : vector<1x16xf32> to vector<16xf32>
      %swap3A_457 = vector.shape_cast %get3A_452 : vector<16xf32> to vector<1x16xf32>
      tpu.vector_store %arg7[%swap3A_453, %swap3A_454], %swap3A_457 {add = true, strides = array<i32>} : memref<32x1024xf32, #tpu.memory_space<vmem>>, vector<1x16xf32>,
      %get3A_458 = arith.index_cast %scan3A_162 : i32 to index
      %get3A_459 = arith.constant 528 : index
      %get3A_460 = tpu.vector_load %arg5[%get3A_458, %get3A_459] {strides = array<i32>} : memref<32x1024xf32, #tpu.memory_space<vmem>>, vector<1x16xf32>,
      %get3A_461 = vector.shape_cast %get3A_460 : vector<1x16xf32> to vector<16xf32>
      %swap3A_462 = arith.index_cast %scan3A_162 : i32 to index
      %swap3A_463 = arith.constant 528 : index
      %swap3A_464 = tpu.vector_load %arg7[%swap3A_462, %swap3A_463] {strides = array<i32>} : memref<32x1024xf32, #tpu.memory_space<vmem>>, vector<1x16xf32>,
      %swap3A_465 = vector.shape_cast %swap3A_464 : vector<1x16xf32> to vector<16xf32>
      %swap3A_466 = vector.shape_cast %get3A_461 : vector<16xf32> to vector<1x16xf32>
      tpu.vector_store %arg7[%swap3A_462, %swap3A_463], %swap3A_466 {add = true, strides = array<i32>} : memref<32x1024xf32, #tpu.memory_space<vmem>>, vector<1x16xf32>,
      %get3A_467 = arith.index_cast %scan3A_162 : i32 to index
      %get3A_468 = arith.constant 544 : index
      %get3A_469 = tpu.vector_load %arg5[%get3A_467, %get3A_468] {strides = array<i32>} : memref<32x1024xf32, #tpu.memory_space<vmem>>, vector<1x16xf32>,
      %get3A_470 = vector.shape_cast %get3A_469 : vector<1x16xf32> to vector<16xf32>
      %swap3A_471 = arith.index_cast %scan3A_162 : i32 to index
      %swap3A_472 = arith.constant 544 : index
      %swap3A_473 = tpu.vector_load %arg7[%swap3A_471, %swap3A_472] {strides = array<i32>} : memref<32x1024xf32, #tpu.memory_space<vmem>>, vector<1x16xf32>,
      %swap3A_474 = vector.shape_cast %swap3A_473 : vector<1x16xf32> to vector<16xf32>
      %swap3A_475 = vector.shape_cast %get3A_470 : vector<16xf32> to vector<1x16xf32>
      tpu.vector_store %arg7[%swap3A_471, %swap3A_472], %swap3A_475 {add = true, strides = array<i32>} : memref<32x1024xf32, #tpu.memory_space<vmem>>, vector<1x16xf32>,
      %get3A_476 = arith.index_cast %scan3A_162 : i32 to index
      %get3A_477 = arith.constant 560 : index
      %get3A_478 = tpu.vector_load %arg5[%get3A_476, %get3A_477] {strides = array<i32>} : memref<32x1024xf32, #tpu.memory_space<vmem>>, vector<1x16xf32>,
      %get3A_479 = vector.shape_cast %get3A_478 : vector<1x16xf32> to vector<16xf32>
      %swap3A_480 = arith.index_cast %scan3A_162 : i32 to index
      %swap3A_481 = arith.constant 560 : index
      %swap3A_482 = tpu.vector_load %arg7[%swap3A_480, %swap3A_481] {strides = array<i32>} : memref<32x1024xf32, #tpu.memory_space<vmem>>, vector<1x16xf32>,
      %swap3A_483 = vector.shape_cast %swap3A_482 : vector<1x16xf32> to vector<16xf32>
      %swap3A_484 = vector.shape_cast %get3A_479 : vector<16xf32> to vector<1x16xf32>
      tpu.vector_store %arg7[%swap3A_480, %swap3A_481], %swap3A_484 {add = true, strides = array<i32>} : memref<32x1024xf32, #tpu.memory_space<vmem>>, vector<1x16xf32>,
      %get3A_485 = arith.index_cast %scan3A_162 : i32 to index
      %get3A_486 = arith.constant 576 : index
      %get3A_487 = tpu.vector_load %arg5[%get3A_485, %get3A_486] {strides = array<i32>} : memref<32x1024xf32, #tpu.memory_space<vmem>>, vector<1x16xf32>,
      %get3A_488 = vector.shape_cast %get3A_487 : vector<1x16xf32> to vector<16xf32>
      %swap3A_489 = arith.index_cast %scan3A_162 : i32 to index
      %swap3A_490 = arith.constant 576 : index
      %swap3A_491 = tpu.vector_load %arg7[%swap3A_489, %swap3A_490] {strides = array<i32>} : memref<32x1024xf32, #tpu.memory_space<vmem>>, vector<1x16xf32>,
      %swap3A_492 = vector.shape_cast %swap3A_491 : vector<1x16xf32> to vector<16xf32>
      %swap3A_493 = vector.shape_cast %get3A_488 : vector<16xf32> to vector<1x16xf32>
      tpu.vector_store %arg7[%swap3A_489, %swap3A_490], %swap3A_493 {add = true, strides = array<i32>} : memref<32x1024xf32, #tpu.memory_space<vmem>>, vector<1x16xf32>,
      %get3A_494 = arith.index_cast %scan3A_162 : i32 to index
      %get3A_495 = arith.constant 592 : index
      %get3A_496 = tpu.vector_load %arg5[%get3A_494, %get3A_495] {strides = array<i32>} : memref<32x1024xf32, #tpu.memory_space<vmem>>, vector<1x16xf32>,
      %get3A_497 = vector.shape_cast %get3A_496 : vector<1x16xf32> to vector<16xf32>
      %swap3A_498 = arith.index_cast %scan3A_162 : i32 to index
      %swap3A_499 = arith.constant 592 : index
      %swap3A_500 = tpu.vector_load %arg7[%swap3A_498, %swap3A_499] {strides = array<i32>} : memref<32x1024xf32, #tpu.memory_space<vmem>>, vector<1x16xf32>,
      %swap3A_501 = vector.shape_cast %swap3A_500 : vector<1x16xf32> to vector<16xf32>
      %swap3A_502 = vector.shape_cast %get3A_497 : vector<16xf32> to vector<1x16xf32>
      tpu.vector_store %arg7[%swap3A_498, %swap3A_499], %swap3A_502 {add = true, strides = array<i32>} : memref<32x1024xf32, #tpu.memory_space<vmem>>, vector<1x16xf32>,
      %get3A_503 = arith.index_cast %scan3A_162 : i32 to index
      %get3A_504 = arith.constant 608 : index
      %get3A_505 = tpu.vector_load %arg5[%get3A_503, %get3A_504] {strides = array<i32>} : memref<32x1024xf32, #tpu.memory_space<vmem>>, vector<1x16xf32>,
      %get3A_506 = vector.shape_cast %get3A_505 : vector<1x16xf32> to vector<16xf32>
      %swap3A_507 = arith.index_cast %scan3A_162 : i32 to index
      %swap3A_508 = arith.constant 608 : index
      %swap3A_509 = tpu.vector_load %arg7[%swap3A_507, %swap3A_508] {strides = array<i32>} : memref<32x1024xf32, #tpu.memory_space<vmem>>, vector<1x16xf32>,
      %swap3A_510 = vector.shape_cast %swap3A_509 : vector<1x16xf32> to vector<16xf32>
      %swap3A_511 = vector.shape_cast %get3A_506 : vector<16xf32> to vector<1x16xf32>
      tpu.vector_store %arg7[%swap3A_507, %swap3A_508], %swap3A_511 {add = true, strides = array<i32>} : memref<32x1024xf32, #tpu.memory_space<vmem>>, vector<1x16xf32>,
      %get3A_512 = arith.index_cast %scan3A_162 : i32 to index
      %get3A_513 = arith.constant 624 : index
      %get3A_514 = tpu.vector_load %arg5[%get3A_512, %get3A_513] {strides = array<i32>} : memref<32x1024xf32, #tpu.memory_space<vmem>>, vector<1x16xf32>,
      %get3A_515 = vector.shape_cast %get3A_514 : vector<1x16xf32> to vector<16xf32>
      %swap3A_516 = arith.index_cast %scan3A_162 : i32 to index
      %swap3A_517 = arith.constant 624 : index
      %swap3A_518 = tpu.vector_load %arg7[%swap3A_516, %swap3A_517] {strides = array<i32>} : memref<32x1024xf32, #tpu.memory_space<vmem>>, vector<1x16xf32>,
      %swap3A_519 = vector.shape_cast %swap3A_518 : vector<1x16xf32> to vector<16xf32>
      %swap3A_520 = vector.shape_cast %get3A_515 : vector<16xf32> to vector<1x16xf32>
      tpu.vector_store %arg7[%swap3A_516, %swap3A_517], %swap3A_520 {add = true, strides = array<i32>} : memref<32x1024xf32, #tpu.memory_space<vmem>>, vector<1x16xf32>,
      %get3A_521 = arith.index_cast %scan3A_162 : i32 to index
      %get3A_522 = arith.constant 640 : index
      %get3A_523 = tpu.vector_load %arg5[%get3A_521, %get3A_522] {strides = array<i32>} : memref<32x1024xf32, #tpu.memory_space<vmem>>, vector<1x16xf32>,
      %get3A_524 = vector.shape_cast %get3A_523 : vector<1x16xf32> to vector<16xf32>
      %swap3A_525 = arith.index_cast %scan3A_162 : i32 to index
      %swap3A_526 = arith.constant 640 : index
      %swap3A_527 = tpu.vector_load %arg7[%swap3A_525, %swap3A_526] {strides = array<i32>} : memref<32x1024xf32, #tpu.memory_space<vmem>>, vector<1x16xf32>,
      %swap3A_528 = vector.shape_cast %swap3A_527 : vector<1x16xf32> to vector<16xf32>
      %swap3A_529 = vector.shape_cast %get3A_524 : vector<16xf32> to vector<1x16xf32>
      tpu.vector_store %arg7[%swap3A_525, %swap3A_526], %swap3A_529 {add = true, strides = array<i32>} : memref<32x1024xf32, #tpu.memory_space<vmem>>, vector<1x16xf32>,
      %get3A_530 = arith.index_cast %scan3A_162 : i32 to index
      %get3A_531 = arith.constant 656 : index
      %get3A_532 = tpu.vector_load %arg5[%get3A_530, %get3A_531] {strides = array<i32>} : memref<32x1024xf32, #tpu.memory_space<vmem>>, vector<1x16xf32>,
      %get3A_533 = vector.shape_cast %get3A_532 : vector<1x16xf32> to vector<16xf32>
      %swap3A_534 = arith.index_cast %scan3A_162 : i32 to index
      %swap3A_535 = arith.constant 656 : index
      %swap3A_536 = tpu.vector_load %arg7[%swap3A_534, %swap3A_535] {strides = array<i32>} : memref<32x1024xf32, #tpu.memory_space<vmem>>, vector<1x16xf32>,
      %swap3A_537 = vector.shape_cast %swap3A_536 : vector<1x16xf32> to vector<16xf32>
      %swap3A_538 = vector.shape_cast %get3A_533 : vector<16xf32> to vector<1x16xf32>
      tpu.vector_store %arg7[%swap3A_534, %swap3A_535], %swap3A_538 {add = true, strides = array<i32>} : memref<32x1024xf32, #tpu.memory_space<vmem>>, vector<1x16xf32>,
      %get3A_539 = arith.index_cast %scan3A_162 : i32 to index
      %get3A_540 = arith.constant 672 : index
      %get3A_541 = tpu.vector_load %arg5[%get3A_539, %get3A_540] {strides = array<i32>} : memref<32x1024xf32, #tpu.memory_space<vmem>>, vector<1x16xf32>,
      %get3A_542 = vector.shape_cast %get3A_541 : vector<1x16xf32> to vector<16xf32>
      %swap3A_543 = arith.index_cast %scan3A_162 : i32 to index
      %swap3A_544 = arith.constant 672 : index
      %swap3A_545 = tpu.vector_load %arg7[%swap3A_543, %swap3A_544] {strides = array<i32>} : memref<32x1024xf32, #tpu.memory_space<vmem>>, vector<1x16xf32>,
      %swap3A_546 = vector.shape_cast %swap3A_545 : vector<1x16xf32> to vector<16xf32>
      %swap3A_547 = vector.shape_cast %get3A_542 : vector<16xf32> to vector<1x16xf32>
      tpu.vector_store %arg7[%swap3A_543, %swap3A_544], %swap3A_547 {add = true, strides = array<i32>} : memref<32x1024xf32, #tpu.memory_space<vmem>>, vector<1x16xf32>,
      %get3A_548 = arith.index_cast %scan3A_162 : i32 to index
      %get3A_549 = arith.constant 688 : index
      %get3A_550 = tpu.vector_load %arg5[%get3A_548, %get3A_549] {strides = array<i32>} : memref<32x1024xf32, #tpu.memory_space<vmem>>, vector<1x16xf32>,
      %get3A_551 = vector.shape_cast %get3A_550 : vector<1x16xf32> to vector<16xf32>
      %swap3A_552 = arith.index_cast %scan3A_162 : i32 to index
      %swap3A_553 = arith.constant 688 : index
      %swap3A_554 = tpu.vector_load %arg7[%swap3A_552, %swap3A_553] {strides = array<i32>} : memref<32x1024xf32, #tpu.memory_space<vmem>>, vector<1x16xf32>,
      %swap3A_555 = vector.shape_cast %swap3A_554 : vector<1x16xf32> to vector<16xf32>
      %swap3A_556 = vector.shape_cast %get3A_551 : vector<16xf32> to vector<1x16xf32>
      tpu.vector_store %arg7[%swap3A_552, %swap3A_553], %swap3A_556 {add = true, strides = array<i32>} : memref<32x1024xf32, #tpu.memory_space<vmem>>, vector<1x16xf32>,
      %get3A_557 = arith.index_cast %scan3A_162 : i32 to index
      %get3A_558 = arith.constant 704 : index
      %get3A_559 = tpu.vector_load %arg5[%get3A_557, %get3A_558] {strides = array<i32>} : memref<32x1024xf32, #tpu.memory_space<vmem>>, vector<1x16xf32>,
      %get3A_560 = vector.shape_cast %get3A_559 : vector<1x16xf32> to vector<16xf32>
      %swap3A_561 = arith.index_cast %scan3A_162 : i32 to index
      %swap3A_562 = arith.constant 704 : index
      %swap3A_563 = tpu.vector_load %arg7[%swap3A_561, %swap3A_562] {strides = array<i32>} : memref<32x1024xf32, #tpu.memory_space<vmem>>, vector<1x16xf32>,
      %swap3A_564 = vector.shape_cast %swap3A_563 : vector<1x16xf32> to vector<16xf32>
      %swap3A_565 = vector.shape_cast %get3A_560 : vector<16xf32> to vector<1x16xf32>
      tpu.vector_store %arg7[%swap3A_561, %swap3A_562], %swap3A_565 {add = true, strides = array<i32>} : memref<32x1024xf32, #tpu.memory_space<vmem>>, vector<1x16xf32>,
      %get3A_566 = arith.index_cast %scan3A_162 : i32 to index
      %get3A_567 = arith.constant 720 : index
      %get3A_568 = tpu.vector_load %arg5[%get3A_566, %get3A_567] {strides = array<i32>} : memref<32x1024xf32, #tpu.memory_space<vmem>>, vector<1x16xf32>,
      %get3A_569 = vector.shape_cast %get3A_568 : vector<1x16xf32> to vector<16xf32>
      %swap3A_570 = arith.index_cast %scan3A_162 : i32 to index
      %swap3A_571 = arith.constant 720 : index
      %swap3A_572 = tpu.vector_load %arg7[%swap3A_570, %swap3A_571] {strides = array<i32>} : memref<32x1024xf32, #tpu.memory_space<vmem>>, vector<1x16xf32>,
      %swap3A_573 = vector.shape_cast %swap3A_572 : vector<1x16xf32> to vector<16xf32>
      %swap3A_574 = vector.shape_cast %get3A_569 : vector<16xf32> to vector<1x16xf32>
      tpu.vector_store %arg7[%swap3A_570, %swap3A_571], %swap3A_574 {add = true, strides = array<i32>} : memref<32x1024xf32, #tpu.memory_space<vmem>>, vector<1x16xf32>,
      %get3A_575 = arith.index_cast %scan3A_162 : i32 to index
      %get3A_576 = arith.constant 736 : index
      %get3A_577 = tpu.vector_load %arg5[%get3A_575, %get3A_576] {strides = array<i32>} : memref<32x1024xf32, #tpu.memory_space<vmem>>, vector<1x16xf32>,
      %get3A_578 = vector.shape_cast %get3A_577 : vector<1x16xf32> to vector<16xf32>
      %swap3A_579 = arith.index_cast %scan3A_162 : i32 to index
      %swap3A_580 = arith.constant 736 : index
      %swap3A_581 = tpu.vector_load %arg7[%swap3A_579, %swap3A_580] {strides = array<i32>} : memref<32x1024xf32, #tpu.memory_space<vmem>>, vector<1x16xf32>,
      %swap3A_582 = vector.shape_cast %swap3A_581 : vector<1x16xf32> to vector<16xf32>
      %swap3A_583 = vector.shape_cast %get3A_578 : vector<16xf32> to vector<1x16xf32>
      tpu.vector_store %arg7[%swap3A_579, %swap3A_580], %swap3A_583 {add = true, strides = array<i32>} : memref<32x1024xf32, #tpu.memory_space<vmem>>, vector<1x16xf32>,
      %get3A_584 = arith.index_cast %scan3A_162 : i32 to index
      %get3A_585 = arith.constant 752 : index
      %get3A_586 = tpu.vector_load %arg5[%get3A_584, %get3A_585] {strides = array<i32>} : memref<32x1024xf32, #tpu.memory_space<vmem>>, vector<1x16xf32>,
      %get3A_587 = vector.shape_cast %get3A_586 : vector<1x16xf32> to vector<16xf32>
      %swap3A_588 = arith.index_cast %scan3A_162 : i32 to index
      %swap3A_589 = arith.constant 752 : index
      %swap3A_590 = tpu.vector_load %arg7[%swap3A_588, %swap3A_589] {strides = array<i32>} : memref<32x1024xf32, #tpu.memory_space<vmem>>, vector<1x16xf32>,
      %swap3A_591 = vector.shape_cast %swap3A_590 : vector<1x16xf32> to vector<16xf32>
      %swap3A_592 = vector.shape_cast %get3A_587 : vector<16xf32> to vector<1x16xf32>
      tpu.vector_store %arg7[%swap3A_588, %swap3A_589], %swap3A_592 {add = true, strides = array<i32>} : memref<32x1024xf32, #tpu.memory_space<vmem>>, vector<1x16xf32>,
      %get3A_593 = arith.index_cast %scan3A_162 : i32 to index
      %get3A_594 = arith.constant 768 : index
      %get3A_595 = tpu.vector_load %arg5[%get3A_593, %get3A_594] {strides = array<i32>} : memref<32x1024xf32, #tpu.memory_space<vmem>>, vector<1x16xf32>,
      %get3A_596 = vector.shape_cast %get3A_595 : vector<1x16xf32> to vector<16xf32>
      %swap3A_597 = arith.index_cast %scan3A_162 : i32 to index
      %swap3A_598 = arith.constant 768 : index
      %swap3A_599 = tpu.vector_load %arg7[%swap3A_597, %swap3A_598] {strides = array<i32>} : memref<32x1024xf32, #tpu.memory_space<vmem>>, vector<1x16xf32>,
      %swap3A_600 = vector.shape_cast %swap3A_599 : vector<1x16xf32> to vector<16xf32>
      %swap3A_601 = vector.shape_cast %get3A_596 : vector<16xf32> to vector<1x16xf32>
      tpu.vector_store %arg7[%swap3A_597, %swap3A_598], %swap3A_601 {add = true, strides = array<i32>} : memref<32x1024xf32, #tpu.memory_space<vmem>>, vector<1x16xf32>,
      %get3A_602 = arith.index_cast %scan3A_162 : i32 to index
      %get3A_603 = arith.constant 784 : index
      %get3A_604 = tpu.vector_load %arg5[%get3A_602, %get3A_603] {strides = array<i32>} : memref<32x1024xf32, #tpu.memory_space<vmem>>, vector<1x16xf32>,
      %get3A_605 = vector.shape_cast %get3A_604 : vector<1x16xf32> to vector<16xf32>
      %swap3A_606 = arith.index_cast %scan3A_162 : i32 to index
      %swap3A_607 = arith.constant 784 : index
      %swap3A_608 = tpu.vector_load %arg7[%swap3A_606, %swap3A_607] {strides = array<i32>} : memref<32x1024xf32, #tpu.memory_space<vmem>>, vector<1x16xf32>,
      %swap3A_609 = vector.shape_cast %swap3A_608 : vector<1x16xf32> to vector<16xf32>
      %swap3A_610 = vector.shape_cast %get3A_605 : vector<16xf32> to vector<1x16xf32>
      tpu.vector_store %arg7[%swap3A_606, %swap3A_607], %swap3A_610 {add = true, strides = array<i32>} : memref<32x1024xf32, #tpu.memory_space<vmem>>, vector<1x16xf32>,
      %get3A_611 = arith.index_cast %scan3A_162 : i32 to index
      %get3A_612 = arith.constant 800 : index
      %get3A_613 = tpu.vector_load %arg5[%get3A_611, %get3A_612] {strides = array<i32>} : memref<32x1024xf32, #tpu.memory_space<vmem>>, vector<1x16xf32>,
      %get3A_614 = vector.shape_cast %get3A_613 : vector<1x16xf32> to vector<16xf32>
      %swap3A_615 = arith.index_cast %scan3A_162 : i32 to index
      %swap3A_616 = arith.constant 800 : index
      %swap3A_617 = tpu.vector_load %arg7[%swap3A_615, %swap3A_616] {strides = array<i32>} : memref<32x1024xf32, #tpu.memory_space<vmem>>, vector<1x16xf32>,
      %swap3A_618 = vector.shape_cast %swap3A_617 : vector<1x16xf32> to vector<16xf32>
      %swap3A_619 = vector.shape_cast %get3A_614 : vector<16xf32> to vector<1x16xf32>
      tpu.vector_store %arg7[%swap3A_615, %swap3A_616], %swap3A_619 {add = true, strides = array<i32>} : memref<32x1024xf32, #tpu.memory_space<vmem>>, vector<1x16xf32>,
      %get3A_620 = arith.index_cast %scan3A_162 : i32 to index
      %get3A_621 = arith.constant 816 : index
      %get3A_622 = tpu.vector_load %arg5[%get3A_620, %get3A_621] {strides = array<i32>} : memref<32x1024xf32, #tpu.memory_space<vmem>>, vector<1x16xf32>,
      %get3A_623 = vector.shape_cast %get3A_622 : vector<1x16xf32> to vector<16xf32>
      %swap3A_624 = arith.index_cast %scan3A_162 : i32 to index
      %swap3A_625 = arith.constant 816 : index
      %swap3A_626 = tpu.vector_load %arg7[%swap3A_624, %swap3A_625] {strides = array<i32>} : memref<32x1024xf32, #tpu.memory_space<vmem>>, vector<1x16xf32>,
      %swap3A_627 = vector.shape_cast %swap3A_626 : vector<1x16xf32> to vector<16xf32>
      %swap3A_628 = vector.shape_cast %get3A_623 : vector<16xf32> to vector<1x16xf32>
      tpu.vector_store %arg7[%swap3A_624, %swap3A_625], %swap3A_628 {add = true, strides = array<i32>} : memref<32x1024xf32, #tpu.memory_space<vmem>>, vector<1x16xf32>,
      %get3A_629 = arith.index_cast %scan3A_162 : i32 to index
      %get3A_630 = arith.constant 832 : index
      %get3A_631 = tpu.vector_load %arg5[%get3A_629, %get3A_630] {strides = array<i32>} : memref<32x1024xf32, #tpu.memory_space<vmem>>, vector<1x16xf32>,
      %get3A_632 = vector.shape_cast %get3A_631 : vector<1x16xf32> to vector<16xf32>
      %swap3A_633 = arith.index_cast %scan3A_162 : i32 to index
      %swap3A_634 = arith.constant 832 : index
      %swap3A_635 = tpu.vector_load %arg7[%swap3A_633, %swap3A_634] {strides = array<i32>} : memref<32x1024xf32, #tpu.memory_space<vmem>>, vector<1x16xf32>,
      %swap3A_636 = vector.shape_cast %swap3A_635 : vector<1x16xf32> to vector<16xf32>
      %swap3A_637 = vector.shape_cast %get3A_632 : vector<16xf32> to vector<1x16xf32>
      tpu.vector_store %arg7[%swap3A_633, %swap3A_634], %swap3A_637 {add = true, strides = array<i32>} : memref<32x1024xf32, #tpu.memory_space<vmem>>, vector<1x16xf32>,
      %get3A_638 = arith.index_cast %scan3A_162 : i32 to index
      %get3A_639 = arith.constant 848 : index
      %get3A_640 = tpu.vector_load %arg5[%get3A_638, %get3A_639] {strides = array<i32>} : memref<32x1024xf32, #tpu.memory_space<vmem>>, vector<1x16xf32>,
      %get3A_641 = vector.shape_cast %get3A_640 : vector<1x16xf32> to vector<16xf32>
      %swap3A_642 = arith.index_cast %scan3A_162 : i32 to index
      %swap3A_643 = arith.constant 848 : index
      %swap3A_644 = tpu.vector_load %arg7[%swap3A_642, %swap3A_643] {strides = array<i32>} : memref<32x1024xf32, #tpu.memory_space<vmem>>, vector<1x16xf32>,
      %swap3A_645 = vector.shape_cast %swap3A_644 : vector<1x16xf32> to vector<16xf32>
      %swap3A_646 = vector.shape_cast %get3A_641 : vector<16xf32> to vector<1x16xf32>
      tpu.vector_store %arg7[%swap3A_642, %swap3A_643], %swap3A_646 {add = true, strides = array<i32>} : memref<32x1024xf32, #tpu.memory_space<vmem>>, vector<1x16xf32>,
      %get3A_647 = arith.index_cast %scan3A_162 : i32 to index
      %get3A_648 = arith.constant 864 : index
      %get3A_649 = tpu.vector_load %arg5[%get3A_647, %get3A_648] {strides = array<i32>} : memref<32x1024xf32, #tpu.memory_space<vmem>>, vector<1x16xf32>,
      %get3A_650 = vector.shape_cast %get3A_649 : vector<1x16xf32> to vector<16xf32>
      %swap3A_651 = arith.index_cast %scan3A_162 : i32 to index
      %swap3A_652 = arith.constant 864 : index
      %swap3A_653 = tpu.vector_load %arg7[%swap3A_651, %swap3A_652] {strides = array<i32>} : memref<32x1024xf32, #tpu.memory_space<vmem>>, vector<1x16xf32>,
      %swap3A_654 = vector.shape_cast %swap3A_653 : vector<1x16xf32> to vector<16xf32>
      %swap3A_655 = vector.shape_cast %get3A_650 : vector<16xf32> to vector<1x16xf32>
      tpu.vector_store %arg7[%swap3A_651, %swap3A_652], %swap3A_655 {add = true, strides = array<i32>} : memref<32x1024xf32, #tpu.memory_space<vmem>>, vector<1x16xf32>,
      %get3A_656 = arith.index_cast %scan3A_162 : i32 to index
      %get3A_657 = arith.constant 880 : index
      %get3A_658 = tpu.vector_load %arg5[%get3A_656, %get3A_657] {strides = array<i32>} : memref<32x1024xf32, #tpu.memory_space<vmem>>, vector<1x16xf32>,
      %get3A_659 = vector.shape_cast %get3A_658 : vector<1x16xf32> to vector<16xf32>
      %swap3A_660 = arith.index_cast %scan3A_162 : i32 to index
      %swap3A_661 = arith.constant 880 : index
      %swap3A_662 = tpu.vector_load %arg7[%swap3A_660, %swap3A_661] {strides = array<i32>} : memref<32x1024xf32, #tpu.memory_space<vmem>>, vector<1x16xf32>,
      %swap3A_663 = vector.shape_cast %swap3A_662 : vector<1x16xf32> to vector<16xf32>
      %swap3A_664 = vector.shape_cast %get3A_659 : vector<16xf32> to vector<1x16xf32>
      tpu.vector_store %arg7[%swap3A_660, %swap3A_661], %swap3A_664 {add = true, strides = array<i32>} : memref<32x1024xf32, #tpu.memory_space<vmem>>, vector<1x16xf32>,
      %get3A_665 = arith.index_cast %scan3A_162 : i32 to index
      %get3A_666 = arith.constant 896 : index
      %get3A_667 = tpu.vector_load %arg5[%get3A_665, %get3A_666] {strides = array<i32>} : memref<32x1024xf32, #tpu.memory_space<vmem>>, vector<1x16xf32>,
      %get3A_668 = vector.shape_cast %get3A_667 : vector<1x16xf32> to vector<16xf32>
      %swap3A_669 = arith.index_cast %scan3A_162 : i32 to index
      %swap3A_670 = arith.constant 896 : index
      %swap3A_671 = tpu.vector_load %arg7[%swap3A_669, %swap3A_670] {strides = array<i32>} : memref<32x1024xf32, #tpu.memory_space<vmem>>, vector<1x16xf32>,
      %swap3A_672 = vector.shape_cast %swap3A_671 : vector<1x16xf32> to vector<16xf32>
      %swap3A_673 = vector.shape_cast %get3A_668 : vector<16xf32> to vector<1x16xf32>
      tpu.vector_store %arg7[%swap3A_669, %swap3A_670], %swap3A_673 {add = true, strides = array<i32>} : memref<32x1024xf32, #tpu.memory_space<vmem>>, vector<1x16xf32>,
      %get3A_674 = arith.index_cast %scan3A_162 : i32 to index
      %get3A_675 = arith.constant 912 : index
      %get3A_676 = tpu.vector_load %arg5[%get3A_674, %get3A_675] {strides = array<i32>} : memref<32x1024xf32, #tpu.memory_space<vmem>>, vector<1x16xf32>,
      %get3A_677 = vector.shape_cast %get3A_676 : vector<1x16xf32> to vector<16xf32>
      %swap3A_678 = arith.index_cast %scan3A_162 : i32 to index
      %swap3A_679 = arith.constant 912 : index
      %swap3A_680 = tpu.vector_load %arg7[%swap3A_678, %swap3A_679] {strides = array<i32>} : memref<32x1024xf32, #tpu.memory_space<vmem>>, vector<1x16xf32>,
      %swap3A_681 = vector.shape_cast %swap3A_680 : vector<1x16xf32> to vector<16xf32>
      %swap3A_682 = vector.shape_cast %get3A_677 : vector<16xf32> to vector<1x16xf32>
      tpu.vector_store %arg7[%swap3A_678, %swap3A_679], %swap3A_682 {add = true, strides = array<i32>} : memref<32x1024xf32, #tpu.memory_space<vmem>>, vector<1x16xf32>,
      %get3A_683 = arith.index_cast %scan3A_162 : i32 to index
      %get3A_684 = arith.constant 928 : index
      %get3A_685 = tpu.vector_load %arg5[%get3A_683, %get3A_684] {strides = array<i32>} : memref<32x1024xf32, #tpu.memory_space<vmem>>, vector<1x16xf32>,
      %get3A_686 = vector.shape_cast %get3A_685 : vector<1x16xf32> to vector<16xf32>
      %swap3A_687 = arith.index_cast %scan3A_162 : i32 to index
      %swap3A_688 = arith.constant 928 : index
      %swap3A_689 = tpu.vector_load %arg7[%swap3A_687, %swap3A_688] {strides = array<i32>} : memref<32x1024xf32, #tpu.memory_space<vmem>>, vector<1x16xf32>,
      %swap3A_690 = vector.shape_cast %swap3A_689 : vector<1x16xf32> to vector<16xf32>
      %swap3A_691 = vector.shape_cast %get3A_686 : vector<16xf32> to vector<1x16xf32>
      tpu.vector_store %arg7[%swap3A_687, %swap3A_688], %swap3A_691 {add = true, strides = array<i32>} : memref<32x1024xf32, #tpu.memory_space<vmem>>, vector<1x16xf32>,
      %get3A_692 = arith.index_cast %scan3A_162 : i32 to index
      %get3A_693 = arith.constant 944 : index
      %get3A_694 = tpu.vector_load %arg5[%get3A_692, %get3A_693] {strides = array<i32>} : memref<32x1024xf32, #tpu.memory_space<vmem>>, vector<1x16xf32>,
      %get3A_695 = vector.shape_cast %get3A_694 : vector<1x16xf32> to vector<16xf32>
      %swap3A_696 = arith.index_cast %scan3A_162 : i32 to index
      %swap3A_697 = arith.constant 944 : index
      %swap3A_698 = tpu.vector_load %arg7[%swap3A_696, %swap3A_697] {strides = array<i32>} : memref<32x1024xf32, #tpu.memory_space<vmem>>, vector<1x16xf32>,
      %swap3A_699 = vector.shape_cast %swap3A_698 : vector<1x16xf32> to vector<16xf32>
      %swap3A_700 = vector.shape_cast %get3A_695 : vector<16xf32> to vector<1x16xf32>
      tpu.vector_store %arg7[%swap3A_696, %swap3A_697], %swap3A_700 {add = true, strides = array<i32>} : memref<32x1024xf32, #tpu.memory_space<vmem>>, vector<1x16xf32>,
      %get3A_701 = arith.index_cast %scan3A_162 : i32 to index
      %get3A_702 = arith.constant 960 : index
      %get3A_703 = tpu.vector_load %arg5[%get3A_701, %get3A_702] {strides = array<i32>} : memref<32x1024xf32, #tpu.memory_space<vmem>>, vector<1x16xf32>,
      %get3A_704 = vector.shape_cast %get3A_703 : vector<1x16xf32> to vector<16xf32>
      %swap3A_705 = arith.index_cast %scan3A_162 : i32 to index
      %swap3A_706 = arith.constant 960 : index
      %swap3A_707 = tpu.vector_load %arg7[%swap3A_705, %swap3A_706] {strides = array<i32>} : memref<32x1024xf32, #tpu.memory_space<vmem>>, vector<1x16xf32>,
      %swap3A_708 = vector.shape_cast %swap3A_707 : vector<1x16xf32> to vector<16xf32>
      %swap3A_709 = vector.shape_cast %get3A_704 : vector<16xf32> to vector<1x16xf32>
      tpu.vector_store %arg7[%swap3A_705, %swap3A_706], %swap3A_709 {add = true, strides = array<i32>} : memref<32x1024xf32, #tpu.memory_space<vmem>>, vector<1x16xf32>,
      %get3A_710 = arith.index_cast %scan3A_162 : i32 to index
      %get3A_711 = arith.constant 976 : index
      %get3A_712 = tpu.vector_load %arg5[%get3A_710, %get3A_711] {strides = array<i32>} : memref<32x1024xf32, #tpu.memory_space<vmem>>, vector<1x16xf32>,
      %get3A_713 = vector.shape_cast %get3A_712 : vector<1x16xf32> to vector<16xf32>
      %swap3A_714 = arith.index_cast %scan3A_162 : i32 to index
      %swap3A_715 = arith.constant 976 : index
      %swap3A_716 = tpu.vector_load %arg7[%swap3A_714, %swap3A_715] {strides = array<i32>} : memref<32x1024xf32, #tpu.memory_space<vmem>>, vector<1x16xf32>,
      %swap3A_717 = vector.shape_cast %swap3A_716 : vector<1x16xf32> to vector<16xf32>
      %swap3A_718 = vector.shape_cast %get3A_713 : vector<16xf32> to vector<1x16xf32>
      tpu.vector_store %arg7[%swap3A_714, %swap3A_715], %swap3A_718 {add = true, strides = array<i32>} : memref<32x1024xf32, #tpu.memory_space<vmem>>, vector<1x16xf32>,
      %get3A_719 = arith.index_cast %scan3A_162 : i32 to index
      %get3A_720 = arith.constant 992 : index
      %get3A_721 = tpu.vector_load %arg5[%get3A_719, %get3A_720] {strides = array<i32>} : memref<32x1024xf32, #tpu.memory_space<vmem>>, vector<1x16xf32>,
      %get3A_722 = vector.shape_cast %get3A_721 : vector<1x16xf32> to vector<16xf32>
      %swap3A_723 = arith.index_cast %scan3A_162 : i32 to index
      %swap3A_724 = arith.constant 992 : index
      %swap3A_725 = tpu.vector_load %arg7[%swap3A_723, %swap3A_724] {strides = array<i32>} : memref<32x1024xf32, #tpu.memory_space<vmem>>, vector<1x16xf32>,
      %swap3A_726 = vector.shape_cast %swap3A_725 : vector<1x16xf32> to vector<16xf32>
      %swap3A_727 = vector.shape_cast %get3A_722 : vector<16xf32> to vector<1x16xf32>
      tpu.vector_store %arg7[%swap3A_723, %swap3A_724], %swap3A_727 {add = true, strides = array<i32>} : memref<32x1024xf32, #tpu.memory_space<vmem>>, vector<1x16xf32>,
      %get3A_728 = arith.index_cast %scan3A_162 : i32 to index
      %get3A_729 = arith.constant 1008 : index
      %get3A_730 = tpu.vector_load %arg5[%get3A_728, %get3A_729] {strides = array<i32>} : memref<32x1024xf32, #tpu.memory_space<vmem>>, vector<1x16xf32>,
      %get3A_731 = vector.shape_cast %get3A_730 : vector<1x16xf32> to vector<16xf32>
      %swap3A_732 = arith.index_cast %scan3A_162 : i32 to index
      %swap3A_733 = arith.constant 1008 : index
      %swap3A_734 = tpu.vector_load %arg7[%swap3A_732, %swap3A_733] {strides = array<i32>} : memref<32x1024xf32, #tpu.memory_space<vmem>>, vector<1x16xf32>,
      %swap3A_735 = vector.shape_cast %swap3A_734 : vector<1x16xf32> to vector<16xf32>
      %swap3A_736 = vector.shape_cast %get3A_731 : vector<16xf32> to vector<1x16xf32>
      tpu.vector_store %arg7[%swap3A_732, %swap3A_733], %swap3A_736 {add = true, strides = array<i32>} : memref<32x1024xf32, #tpu.memory_space<vmem>>, vector<1x16xf32>,
    }
    %scan3A_64 = arith.constant 32 : i32
    %dma_start3A_65 = arith.constant 1 : i32
    %dma_start3A_66 = arith.constant 0 : i32
    %dma_start3A_67 = tpu.memref_slice %arg4[%dma_start3A_65, %mul3A_2, %dma_start3A_66] : memref<4x1024x1024xf32, #tpu.memory_space<hbm>> -> memref<1x32x1024xf32, #tpu.memory_space<hbm>>
    %dma_start3A_68 = tpu.memref_squeeze %dma_start3A_67 : memref<1x32x1024xf32, #tpu.memory_space<hbm>> -> memref<32x1024xf32, #tpu.memory_space<hbm>>
    %dma_start3A_69 = arith.constant 0 : i32
    %dma_start3A_70 = tpu.memref_slice %arg4[%dma_start3A_65, %mul3A_2, %dma_start3A_69] : memref<4x1024x1024xf32, #tpu.memory_space<hbm>> -> memref<1x32x1024xf32, #tpu.memory_space<hbm>>
    %dma_start3A_71 = tpu.memref_squeeze %dma_start3A_70 : memref<1x32x1024xf32, #tpu.memory_space<hbm>> -> memref<32x1024xf32, #tpu.memory_space<hbm>>
    tpu.enqueue_dma source(%arg7 : memref<32x1024xf32, #tpu.memory_space<vmem>>) target(%dma_start3A_71 : memref<32x1024xf32, #tpu.memory_space<hbm>>) target_semaphore(%arg12 : memref<!tpu.dma_semaphore, #tpu.memory_space<semaphore_mem>>)
    %dma_wait3A_72 = arith.constant 0 : i32
    %dma_wait3A_73 = arith.constant 0 : i32
    %dma_wait3A_74 = tpu.memref_slice %arg4[%dma_wait3A_72, %mul3A_2, %dma_wait3A_73] : memref<4x1024x1024xf32, #tpu.memory_space<hbm>> -> memref<1x32x1024xf32, #tpu.memory_space<hbm>>
    %dma_wait3A_75 = tpu.memref_squeeze %dma_wait3A_74 : memref<1x32x1024xf32, #tpu.memory_space<hbm>> -> memref<32x1024xf32, #tpu.memory_space<hbm>>
    %dma_wait3A_76 = arith.constant 0 : i32
    %dma_wait3A_77 = tpu.memref_slice %arg4[%dma_wait3A_72, %mul3A_2, %dma_wait3A_76] : memref<4x1024x1024xf32, #tpu.memory_space<hbm>> -> memref<1x32x1024xf32, #tpu.memory_space<hbm>>
    %dma_wait3A_78 = tpu.memref_squeeze %dma_wait3A_77 : memref<1x32x1024xf32, #tpu.memory_space<hbm>> -> memref<32x1024xf32, #tpu.memory_space<hbm>>
    tpu.wait_dma2 semaphore(%arg11 : memref<!tpu.dma_semaphore, #tpu.memory_space<semaphore_mem>>) src(%arg6 : memref<32x1024xf32, #tpu.memory_space<vmem>>) dst(%dma_wait3A_78 : memref<32x1024xf32, #tpu.memory_space<hbm>>)
    %add3A_79 = arith.constant 7168 : i32
    %add3A_80 = arith.addi %add3A_79, %mul3A_2 : i32
    %dma_start3A_81 = arith.constant 2 : i32
    %dma_start3A_82 = arith.constant 0 : i32
    %dma_start3A_83 = tpu.memref_slice %arg2[%dma_start3A_81, %add3A_80, %dma_start3A_82] : memref<4x8192x1024xf32, #tpu.memory_space<hbm>> -> memref<1x32x1024xf32, #tpu.memory_space<hbm>>
    %dma_start3A_84 = tpu.memref_squeeze %dma_start3A_83 : memref<1x32x1024xf32, #tpu.memory_space<hbm>> -> memref<32x1024xf32, #tpu.memory_space<hbm>>
    %dma_start3A_85 = arith.constant 0 : i32
    %dma_start3A_86 = tpu.memref_slice %arg2[%dma_start3A_81, %add3A_80, %dma_start3A_85] : memref<4x8192x1024xf32, #tpu.memory_space<hbm>> -> memref<1x32x1024xf32, #tpu.memory_space<hbm>>
    %dma_start3A_87 = tpu.memref_squeeze %dma_start3A_86 : memref<1x32x1024xf32, #tpu.memory_space<hbm>> -> memref<32x1024xf32, #tpu.memory_space<hbm>>
    tpu.enqueue_dma source(%dma_start3A_87 : memref<32x1024xf32, #tpu.memory_space<hbm>>) target(%arg6 : memref<32x1024xf32, #tpu.memory_space<vmem>>) target_semaphore(%arg9 : memref<!tpu.dma_semaphore, #tpu.memory_space<semaphore_mem>>)
    %add3A_88 = arith.constant 7168 : i32
    %add3A_89 = arith.addi %add3A_88, %mul3A_2 : i32
    %dma_wait3A_90 = arith.constant 2 : i32
    %dma_wait3A_91 = arith.constant 0 : i32
    %dma_wait3A_92 = tpu.memref_slice %arg2[%dma_wait3A_90, %add3A_89, %dma_wait3A_91] : memref<4x8192x1024xf32, #tpu.memory_space<hbm>> -> memref<1x32x1024xf32, #tpu.memory_space<hbm>>
    %dma_wait3A_93 = tpu.memref_squeeze %dma_wait3A_92 : memref<1x32x1024xf32, #tpu.memory_space<hbm>> -> memref<32x1024xf32, #tpu.memory_space<hbm>>
    %dma_wait3A_94 = arith.constant 0 : i32
    %dma_wait3A_95 = tpu.memref_slice %arg2[%dma_wait3A_90, %add3A_89, %dma_wait3A_94] : memref<4x8192x1024xf32, #tpu.memory_space<hbm>> -> memref<1x32x1024xf32, #tpu.memory_space<hbm>>
    %dma_wait3A_96 = tpu.memref_squeeze %dma_wait3A_95 : memref<1x32x1024xf32, #tpu.memory_space<hbm>> -> memref<32x1024xf32, #tpu.memory_space<hbm>>
    tpu.wait_dma2 semaphore(%arg9 : memref<!tpu.dma_semaphore, #tpu.memory_space<semaphore_mem>>) src(%dma_wait3A_96 : memref<32x1024xf32, #tpu.memory_space<hbm>>) dst(%arg6 : memref<32x1024xf32, #tpu.memory_space<vmem>>)
    %scan3A_97 = arith.constant 0 : i32
    %scan3A_98 = arith.constant 0 : i32
    %scan3A_99 = arith.constant 32 : i32
    %scan3A_100 = arith.addi %scan3A_98, %scan3A_99 : i32
    %scan3A_101 = arith.constant 1 : i32
    scf.for %scan3A_162 = %scan3A_98 to %scan3A_100 step %scan3A_101  : i32 {
      %get3A = arith.index_cast %scan3A_162 : i32 to index
      %get3A_163 = arith.constant 0 : index
      %get3A_164 = tpu.vector_load %arg5[%get3A, %get3A_163] {strides = array<i32>} : memref<32x1024xf32, #tpu.memory_space<vmem>>, vector<1x16xf32>,
      %get3A_165 = vector.shape_cast %get3A_164 : vector<1x16xf32> to vector<16xf32>
      %swap3A = arith.index_cast %scan3A_162 : i32 to index
      %swap3A_166 = arith.constant 0 : index
      %swap3A_167 = tpu.vector_load %arg6[%swap3A, %swap3A_166] {strides = array<i32>} : memref<32x1024xf32, #tpu.memory_space<vmem>>, vector<1x16xf32>,
      %swap3A_168 = vector.shape_cast %swap3A_167 : vector<1x16xf32> to vector<16xf32>
      %swap3A_169 = vector.shape_cast %get3A_165 : vector<16xf32> to vector<1x16xf32>
      tpu.vector_store %arg6[%swap3A, %swap3A_166], %swap3A_169 {add = true, strides = array<i32>} : memref<32x1024xf32, #tpu.memory_space<vmem>>, vector<1x16xf32>,
      %get3A_170 = arith.index_cast %scan3A_162 : i32 to index
      %get3A_171 = arith.constant 16 : index
      %get3A_172 = tpu.vector_load %arg5[%get3A_170, %get3A_171] {strides = array<i32>} : memref<32x1024xf32, #tpu.memory_space<vmem>>, vector<1x16xf32>,
      %get3A_173 = vector.shape_cast %get3A_172 : vector<1x16xf32> to vector<16xf32>
      %swap3A_174 = arith.index_cast %scan3A_162 : i32 to index
      %swap3A_175 = arith.constant 16 : index
      %swap3A_176 = tpu.vector_load %arg6[%swap3A_174, %swap3A_175] {strides = array<i32>} : memref<32x1024xf32, #tpu.memory_space<vmem>>, vector<1x16xf32>,
      %swap3A_177 = vector.shape_cast %swap3A_176 : vector<1x16xf32> to vector<16xf32>
      %swap3A_178 = vector.shape_cast %get3A_173 : vector<16xf32> to vector<1x16xf32>
      tpu.vector_store %arg6[%swap3A_174, %swap3A_175], %swap3A_178 {add = true, strides = array<i32>} : memref<32x1024xf32, #tpu.memory_space<vmem>>, vector<1x16xf32>,
      %get3A_179 = arith.index_cast %scan3A_162 : i32 to index
      %get3A_180 = arith.constant 32 : index
      %get3A_181 = tpu.vector_load %arg5[%get3A_179, %get3A_180] {strides = array<i32>} : memref<32x1024xf32, #tpu.memory_space<vmem>>, vector<1x16xf32>,
      %get3A_182 = vector.shape_cast %get3A_181 : vector<1x16xf32> to vector<16xf32>
      %swap3A_183 = arith.index_cast %scan3A_162 : i32 to index
      %swap3A_184 = arith.constant 32 : index
      %swap3A_185 = tpu.vector_load %arg6[%swap3A_183, %swap3A_184] {strides = array<i32>} : memref<32x1024xf32, #tpu.memory_space<vmem>>, vector<1x16xf32>,
      %swap3A_186 = vector.shape_cast %swap3A_185 : vector<1x16xf32> to vector<16xf32>
      %swap3A_187 = vector.shape_cast %get3A_182 : vector<16xf32> to vector<1x16xf32>
      tpu.vector_store %arg6[%swap3A_183, %swap3A_184], %swap3A_187 {add = true, strides = array<i32>} : memref<32x1024xf32, #tpu.memory_space<vmem>>, vector<1x16xf32>,
      %get3A_188 = arith.index_cast %scan3A_162 : i32 to index
      %get3A_189 = arith.constant 48 : index
      %get3A_190 = tpu.vector_load %arg5[%get3A_188, %get3A_189] {strides = array<i32>} : memref<32x1024xf32, #tpu.memory_space<vmem>>, vector<1x16xf32>,
      %get3A_191 = vector.shape_cast %get3A_190 : vector<1x16xf32> to vector<16xf32>
      %swap3A_192 = arith.index_cast %scan3A_162 : i32 to index
      %swap3A_193 = arith.constant 48 : index
      %swap3A_194 = tpu.vector_load %arg6[%swap3A_192, %swap3A_193] {strides = array<i32>} : memref<32x1024xf32, #tpu.memory_space<vmem>>, vector<1x16xf32>,
      %swap3A_195 = vector.shape_cast %swap3A_194 : vector<1x16xf32> to vector<16xf32>
      %swap3A_196 = vector.shape_cast %get3A_191 : vector<16xf32> to vector<1x16xf32>
      tpu.vector_store %arg6[%swap3A_192, %swap3A_193], %swap3A_196 {add = true, strides = array<i32>} : memref<32x1024xf32, #tpu.memory_space<vmem>>, vector<1x16xf32>,
      %get3A_197 = arith.index_cast %scan3A_162 : i32 to index
      %get3A_198 = arith.constant 64 : index
      %get3A_199 = tpu.vector_load %arg5[%get3A_197, %get3A_198] {strides = array<i32>} : memref<32x1024xf32, #tpu.memory_space<vmem>>, vector<1x16xf32>,
      %get3A_200 = vector.shape_cast %get3A_199 : vector<1x16xf32> to vector<16xf32>
      %swap3A_201 = arith.index_cast %scan3A_162 : i32 to index
      %swap3A_202 = arith.constant 64 : index
      %swap3A_203 = tpu.vector_load %arg6[%swap3A_201, %swap3A_202] {strides = array<i32>} : memref<32x1024xf32, #tpu.memory_space<vmem>>, vector<1x16xf32>,
      %swap3A_204 = vector.shape_cast %swap3A_203 : vector<1x16xf32> to vector<16xf32>
      %swap3A_205 = vector.shape_cast %get3A_200 : vector<16xf32> to vector<1x16xf32>
      tpu.vector_store %arg6[%swap3A_201, %swap3A_202], %swap3A_205 {add = true, strides = array<i32>} : memref<32x1024xf32, #tpu.memory_space<vmem>>, vector<1x16xf32>,
      %get3A_206 = arith.index_cast %scan3A_162 : i32 to index
      %get3A_207 = arith.constant 80 : index
      %get3A_208 = tpu.vector_load %arg5[%get3A_206, %get3A_207] {strides = array<i32>} : memref<32x1024xf32, #tpu.memory_space<vmem>>, vector<1x16xf32>,
      %get3A_209 = vector.shape_cast %get3A_208 : vector<1x16xf32> to vector<16xf32>
      %swap3A_210 = arith.index_cast %scan3A_162 : i32 to index
      %swap3A_211 = arith.constant 80 : index
      %swap3A_212 = tpu.vector_load %arg6[%swap3A_210, %swap3A_211] {strides = array<i32>} : memref<32x1024xf32, #tpu.memory_space<vmem>>, vector<1x16xf32>,
      %swap3A_213 = vector.shape_cast %swap3A_212 : vector<1x16xf32> to vector<16xf32>
      %swap3A_214 = vector.shape_cast %get3A_209 : vector<16xf32> to vector<1x16xf32>
      tpu.vector_store %arg6[%swap3A_210, %swap3A_211], %swap3A_214 {add = true, strides = array<i32>} : memref<32x1024xf32, #tpu.memory_space<vmem>>, vector<1x16xf32>,
      %get3A_215 = arith.index_cast %scan3A_162 : i32 to index
      %get3A_216 = arith.constant 96 : index
      %get3A_217 = tpu.vector_load %arg5[%get3A_215, %get3A_216] {strides = array<i32>} : memref<32x1024xf32, #tpu.memory_space<vmem>>, vector<1x16xf32>,
      %get3A_218 = vector.shape_cast %get3A_217 : vector<1x16xf32> to vector<16xf32>
      %swap3A_219 = arith.index_cast %scan3A_162 : i32 to index
      %swap3A_220 = arith.constant 96 : index
      %swap3A_221 = tpu.vector_load %arg6[%swap3A_219, %swap3A_220] {strides = array<i32>} : memref<32x1024xf32, #tpu.memory_space<vmem>>, vector<1x16xf32>,
      %swap3A_222 = vector.shape_cast %swap3A_221 : vector<1x16xf32> to vector<16xf32>
      %swap3A_223 = vector.shape_cast %get3A_218 : vector<16xf32> to vector<1x16xf32>
      tpu.vector_store %arg6[%swap3A_219, %swap3A_220], %swap3A_223 {add = true, strides = array<i32>} : memref<32x1024xf32, #tpu.memory_space<vmem>>, vector<1x16xf32>,
      %get3A_224 = arith.index_cast %scan3A_162 : i32 to index
      %get3A_225 = arith.constant 112 : index
      %get3A_226 = tpu.vector_load %arg5[%get3A_224, %get3A_225] {strides = array<i32>} : memref<32x1024xf32, #tpu.memory_space<vmem>>, vector<1x16xf32>,
      %get3A_227 = vector.shape_cast %get3A_226 : vector<1x16xf32> to vector<16xf32>
      %swap3A_228 = arith.index_cast %scan3A_162 : i32 to index
      %swap3A_229 = arith.constant 112 : index
      %swap3A_230 = tpu.vector_load %arg6[%swap3A_228, %swap3A_229] {strides = array<i32>} : memref<32x1024xf32, #tpu.memory_space<vmem>>, vector<1x16xf32>,
      %swap3A_231 = vector.shape_cast %swap3A_230 : vector<1x16xf32> to vector<16xf32>
      %swap3A_232 = vector.shape_cast %get3A_227 : vector<16xf32> to vector<1x16xf32>
      tpu.vector_store %arg6[%swap3A_228, %swap3A_229], %swap3A_232 {add = true, strides = array<i32>} : memref<32x1024xf32, #tpu.memory_space<vmem>>, vector<1x16xf32>,
      %get3A_233 = arith.index_cast %scan3A_162 : i32 to index
      %get3A_234 = arith.constant 128 : index
      %get3A_235 = tpu.vector_load %arg5[%get3A_233, %get3A_234] {strides = array<i32>} : memref<32x1024xf32, #tpu.memory_space<vmem>>, vector<1x16xf32>,
      %get3A_236 = vector.shape_cast %get3A_235 : vector<1x16xf32> to vector<16xf32>
      %swap3A_237 = arith.index_cast %scan3A_162 : i32 to index
      %swap3A_238 = arith.constant 128 : index
      %swap3A_239 = tpu.vector_load %arg6[%swap3A_237, %swap3A_238] {strides = array<i32>} : memref<32x1024xf32, #tpu.memory_space<vmem>>, vector<1x16xf32>,
      %swap3A_240 = vector.shape_cast %swap3A_239 : vector<1x16xf32> to vector<16xf32>
      %swap3A_241 = vector.shape_cast %get3A_236 : vector<16xf32> to vector<1x16xf32>
      tpu.vector_store %arg6[%swap3A_237, %swap3A_238], %swap3A_241 {add = true, strides = array<i32>} : memref<32x1024xf32, #tpu.memory_space<vmem>>, vector<1x16xf32>,
      %get3A_242 = arith.index_cast %scan3A_162 : i32 to index
      %get3A_243 = arith.constant 144 : index
      %get3A_244 = tpu.vector_load %arg5[%get3A_242, %get3A_243] {strides = array<i32>} : memref<32x1024xf32, #tpu.memory_space<vmem>>, vector<1x16xf32>,
      %get3A_245 = vector.shape_cast %get3A_244 : vector<1x16xf32> to vector<16xf32>
      %swap3A_246 = arith.index_cast %scan3A_162 : i32 to index
      %swap3A_247 = arith.constant 144 : index
      %swap3A_248 = tpu.vector_load %arg6[%swap3A_246, %swap3A_247] {strides = array<i32>} : memref<32x1024xf32, #tpu.memory_space<vmem>>, vector<1x16xf32>,
      %swap3A_249 = vector.shape_cast %swap3A_248 : vector<1x16xf32> to vector<16xf32>
      %swap3A_250 = vector.shape_cast %get3A_245 : vector<16xf32> to vector<1x16xf32>
      tpu.vector_store %arg6[%swap3A_246, %swap3A_247], %swap3A_250 {add = true, strides = array<i32>} : memref<32x1024xf32, #tpu.memory_space<vmem>>, vector<1x16xf32>,
      %get3A_251 = arith.index_cast %scan3A_162 : i32 to index
      %get3A_252 = arith.constant 160 : index
      %get3A_253 = tpu.vector_load %arg5[%get3A_251, %get3A_252] {strides = array<i32>} : memref<32x1024xf32, #tpu.memory_space<vmem>>, vector<1x16xf32>,
      %get3A_254 = vector.shape_cast %get3A_253 : vector<1x16xf32> to vector<16xf32>
      %swap3A_255 = arith.index_cast %scan3A_162 : i32 to index
      %swap3A_256 = arith.constant 160 : index
      %swap3A_257 = tpu.vector_load %arg6[%swap3A_255, %swap3A_256] {strides = array<i32>} : memref<32x1024xf32, #tpu.memory_space<vmem>>, vector<1x16xf32>,
      %swap3A_258 = vector.shape_cast %swap3A_257 : vector<1x16xf32> to vector<16xf32>
      %swap3A_259 = vector.shape_cast %get3A_254 : vector<16xf32> to vector<1x16xf32>
      tpu.vector_store %arg6[%swap3A_255, %swap3A_256], %swap3A_259 {add = true, strides = array<i32>} : memref<32x1024xf32, #tpu.memory_space<vmem>>, vector<1x16xf32>,
      %get3A_260 = arith.index_cast %scan3A_162 : i32 to index
      %get3A_261 = arith.constant 176 : index
      %get3A_262 = tpu.vector_load %arg5[%get3A_260, %get3A_261] {strides = array<i32>} : memref<32x1024xf32, #tpu.memory_space<vmem>>, vector<1x16xf32>,
      %get3A_263 = vector.shape_cast %get3A_262 : vector<1x16xf32> to vector<16xf32>
      %swap3A_264 = arith.index_cast %scan3A_162 : i32 to index
      %swap3A_265 = arith.constant 176 : index
      %swap3A_266 = tpu.vector_load %arg6[%swap3A_264, %swap3A_265] {strides = array<i32>} : memref<32x1024xf32, #tpu.memory_space<vmem>>, vector<1x16xf32>,
      %swap3A_267 = vector.shape_cast %swap3A_266 : vector<1x16xf32> to vector<16xf32>
      %swap3A_268 = vector.shape_cast %get3A_263 : vector<16xf32> to vector<1x16xf32>
      tpu.vector_store %arg6[%swap3A_264, %swap3A_265], %swap3A_268 {add = true, strides = array<i32>} : memref<32x1024xf32, #tpu.memory_space<vmem>>, vector<1x16xf32>,
      %get3A_269 = arith.index_cast %scan3A_162 : i32 to index
      %get3A_270 = arith.constant 192 : index
      %get3A_271 = tpu.vector_load %arg5[%get3A_269, %get3A_270] {strides = array<i32>} : memref<32x1024xf32, #tpu.memory_space<vmem>>, vector<1x16xf32>,
      %get3A_272 = vector.shape_cast %get3A_271 : vector<1x16xf32> to vector<16xf32>
      %swap3A_273 = arith.index_cast %scan3A_162 : i32 to index
      %swap3A_274 = arith.constant 192 : index
      %swap3A_275 = tpu.vector_load %arg6[%swap3A_273, %swap3A_274] {strides = array<i32>} : memref<32x1024xf32, #tpu.memory_space<vmem>>, vector<1x16xf32>,
      %swap3A_276 = vector.shape_cast %swap3A_275 : vector<1x16xf32> to vector<16xf32>
      %swap3A_277 = vector.shape_cast %get3A_272 : vector<16xf32> to vector<1x16xf32>
      tpu.vector_store %arg6[%swap3A_273, %swap3A_274], %swap3A_277 {add = true, strides = array<i32>} : memref<32x1024xf32, #tpu.memory_space<vmem>>, vector<1x16xf32>,
      %get3A_278 = arith.index_cast %scan3A_162 : i32 to index
      %get3A_279 = arith.constant 208 : index
      %get3A_280 = tpu.vector_load %arg5[%get3A_278, %get3A_279] {strides = array<i32>} : memref<32x1024xf32, #tpu.memory_space<vmem>>, vector<1x16xf32>,
      %get3A_281 = vector.shape_cast %get3A_280 : vector<1x16xf32> to vector<16xf32>
      %swap3A_282 = arith.index_cast %scan3A_162 : i32 to index
      %swap3A_283 = arith.constant 208 : index
      %swap3A_284 = tpu.vector_load %arg6[%swap3A_282, %swap3A_283] {strides = array<i32>} : memref<32x1024xf32, #tpu.memory_space<vmem>>, vector<1x16xf32>,
      %swap3A_285 = vector.shape_cast %swap3A_284 : vector<1x16xf32> to vector<16xf32>
      %swap3A_286 = vector.shape_cast %get3A_281 : vector<16xf32> to vector<1x16xf32>
      tpu.vector_store %arg6[%swap3A_282, %swap3A_283], %swap3A_286 {add = true, strides = array<i32>} : memref<32x1024xf32, #tpu.memory_space<vmem>>, vector<1x16xf32>,
      %get3A_287 = arith.index_cast %scan3A_162 : i32 to index
      %get3A_288 = arith.constant 224 : index
      %get3A_289 = tpu.vector_load %arg5[%get3A_287, %get3A_288] {strides = array<i32>} : memref<32x1024xf32, #tpu.memory_space<vmem>>, vector<1x16xf32>,
      %get3A_290 = vector.shape_cast %get3A_289 : vector<1x16xf32> to vector<16xf32>
      %swap3A_291 = arith.index_cast %scan3A_162 : i32 to index
      %swap3A_292 = arith.constant 224 : index
      %swap3A_293 = tpu.vector_load %arg6[%swap3A_291, %swap3A_292] {strides = array<i32>} : memref<32x1024xf32, #tpu.memory_space<vmem>>, vector<1x16xf32>,
      %swap3A_294 = vector.shape_cast %swap3A_293 : vector<1x16xf32> to vector<16xf32>
      %swap3A_295 = vector.shape_cast %get3A_290 : vector<16xf32> to vector<1x16xf32>
      tpu.vector_store %arg6[%swap3A_291, %swap3A_292], %swap3A_295 {add = true, strides = array<i32>} : memref<32x1024xf32, #tpu.memory_space<vmem>>, vector<1x16xf32>,
      %get3A_296 = arith.index_cast %scan3A_162 : i32 to index
      %get3A_297 = arith.constant 240 : index
      %get3A_298 = tpu.vector_load %arg5[%get3A_296, %get3A_297] {strides = array<i32>} : memref<32x1024xf32, #tpu.memory_space<vmem>>, vector<1x16xf32>,
      %get3A_299 = vector.shape_cast %get3A_298 : vector<1x16xf32> to vector<16xf32>
      %swap3A_300 = arith.index_cast %scan3A_162 : i32 to index
      %swap3A_301 = arith.constant 240 : index
      %swap3A_302 = tpu.vector_load %arg6[%swap3A_300, %swap3A_301] {strides = array<i32>} : memref<32x1024xf32, #tpu.memory_space<vmem>>, vector<1x16xf32>,
      %swap3A_303 = vector.shape_cast %swap3A_302 : vector<1x16xf32> to vector<16xf32>
      %swap3A_304 = vector.shape_cast %get3A_299 : vector<16xf32> to vector<1x16xf32>
      tpu.vector_store %arg6[%swap3A_300, %swap3A_301], %swap3A_304 {add = true, strides = array<i32>} : memref<32x1024xf32, #tpu.memory_space<vmem>>, vector<1x16xf32>,
      %get3A_305 = arith.index_cast %scan3A_162 : i32 to index
      %get3A_306 = arith.constant 256 : index
      %get3A_307 = tpu.vector_load %arg5[%get3A_305, %get3A_306] {strides = array<i32>} : memref<32x1024xf32, #tpu.memory_space<vmem>>, vector<1x16xf32>,
      %get3A_308 = vector.shape_cast %get3A_307 : vector<1x16xf32> to vector<16xf32>
      %swap3A_309 = arith.index_cast %scan3A_162 : i32 to index
      %swap3A_310 = arith.constant 256 : index
      %swap3A_311 = tpu.vector_load %arg6[%swap3A_309, %swap3A_310] {strides = array<i32>} : memref<32x1024xf32, #tpu.memory_space<vmem>>, vector<1x16xf32>,
      %swap3A_312 = vector.shape_cast %swap3A_311 : vector<1x16xf32> to vector<16xf32>
      %swap3A_313 = vector.shape_cast %get3A_308 : vector<16xf32> to vector<1x16xf32>
      tpu.vector_store %arg6[%swap3A_309, %swap3A_310], %swap3A_313 {add = true, strides = array<i32>} : memref<32x1024xf32, #tpu.memory_space<vmem>>, vector<1x16xf32>,
      %get3A_314 = arith.index_cast %scan3A_162 : i32 to index
      %get3A_315 = arith.constant 272 : index
      %get3A_316 = tpu.vector_load %arg5[%get3A_314, %get3A_315] {strides = array<i32>} : memref<32x1024xf32, #tpu.memory_space<vmem>>, vector<1x16xf32>,
      %get3A_317 = vector.shape_cast %get3A_316 : vector<1x16xf32> to vector<16xf32>
      %swap3A_318 = arith.index_cast %scan3A_162 : i32 to index
      %swap3A_319 = arith.constant 272 : index
      %swap3A_320 = tpu.vector_load %arg6[%swap3A_318, %swap3A_319] {strides = array<i32>} : memref<32x1024xf32, #tpu.memory_space<vmem>>, vector<1x16xf32>,
      %swap3A_321 = vector.shape_cast %swap3A_320 : vector<1x16xf32> to vector<16xf32>
      %swap3A_322 = vector.shape_cast %get3A_317 : vector<16xf32> to vector<1x16xf32>
      tpu.vector_store %arg6[%swap3A_318, %swap3A_319], %swap3A_322 {add = true, strides = array<i32>} : memref<32x1024xf32, #tpu.memory_space<vmem>>, vector<1x16xf32>,
      %get3A_323 = arith.index_cast %scan3A_162 : i32 to index
      %get3A_324 = arith.constant 288 : index
      %get3A_325 = tpu.vector_load %arg5[%get3A_323, %get3A_324] {strides = array<i32>} : memref<32x1024xf32, #tpu.memory_space<vmem>>, vector<1x16xf32>,
      %get3A_326 = vector.shape_cast %get3A_325 : vector<1x16xf32> to vector<16xf32>
      %swap3A_327 = arith.index_cast %scan3A_162 : i32 to index
      %swap3A_328 = arith.constant 288 : index
      %swap3A_329 = tpu.vector_load %arg6[%swap3A_327, %swap3A_328] {strides = array<i32>} : memref<32x1024xf32, #tpu.memory_space<vmem>>, vector<1x16xf32>,
      %swap3A_330 = vector.shape_cast %swap3A_329 : vector<1x16xf32> to vector<16xf32>
      %swap3A_331 = vector.shape_cast %get3A_326 : vector<16xf32> to vector<1x16xf32>
      tpu.vector_store %arg6[%swap3A_327, %swap3A_328], %swap3A_331 {add = true, strides = array<i32>} : memref<32x1024xf32, #tpu.memory_space<vmem>>, vector<1x16xf32>,
      %get3A_332 = arith.index_cast %scan3A_162 : i32 to index
      %get3A_333 = arith.constant 304 : index
      %get3A_334 = tpu.vector_load %arg5[%get3A_332, %get3A_333] {strides = array<i32>} : memref<32x1024xf32, #tpu.memory_space<vmem>>, vector<1x16xf32>,
      %get3A_335 = vector.shape_cast %get3A_334 : vector<1x16xf32> to vector<16xf32>
      %swap3A_336 = arith.index_cast %scan3A_162 : i32 to index
      %swap3A_337 = arith.constant 304 : index
      %swap3A_338 = tpu.vector_load %arg6[%swap3A_336, %swap3A_337] {strides = array<i32>} : memref<32x1024xf32, #tpu.memory_space<vmem>>, vector<1x16xf32>,
      %swap3A_339 = vector.shape_cast %swap3A_338 : vector<1x16xf32> to vector<16xf32>
      %swap3A_340 = vector.shape_cast %get3A_335 : vector<16xf32> to vector<1x16xf32>
      tpu.vector_store %arg6[%swap3A_336, %swap3A_337], %swap3A_340 {add = true, strides = array<i32>} : memref<32x1024xf32, #tpu.memory_space<vmem>>, vector<1x16xf32>,
      %get3A_341 = arith.index_cast %scan3A_162 : i32 to index
      %get3A_342 = arith.constant 320 : index
      %get3A_343 = tpu.vector_load %arg5[%get3A_341, %get3A_342] {strides = array<i32>} : memref<32x1024xf32, #tpu.memory_space<vmem>>, vector<1x16xf32>,
      %get3A_344 = vector.shape_cast %get3A_343 : vector<1x16xf32> to vector<16xf32>
      %swap3A_345 = arith.index_cast %scan3A_162 : i32 to index
      %swap3A_346 = arith.constant 320 : index
      %swap3A_347 = tpu.vector_load %arg6[%swap3A_345, %swap3A_346] {strides = array<i32>} : memref<32x1024xf32, #tpu.memory_space<vmem>>, vector<1x16xf32>,
      %swap3A_348 = vector.shape_cast %swap3A_347 : vector<1x16xf32> to vector<16xf32>
      %swap3A_349 = vector.shape_cast %get3A_344 : vector<16xf32> to vector<1x16xf32>
      tpu.vector_store %arg6[%swap3A_345, %swap3A_346], %swap3A_349 {add = true, strides = array<i32>} : memref<32x1024xf32, #tpu.memory_space<vmem>>, vector<1x16xf32>,
      %get3A_350 = arith.index_cast %scan3A_162 : i32 to index
      %get3A_351 = arith.constant 336 : index
      %get3A_352 = tpu.vector_load %arg5[%get3A_350, %get3A_351] {strides = array<i32>} : memref<32x1024xf32, #tpu.memory_space<vmem>>, vector<1x16xf32>,
      %get3A_353 = vector.shape_cast %get3A_352 : vector<1x16xf32> to vector<16xf32>
      %swap3A_354 = arith.index_cast %scan3A_162 : i32 to index
      %swap3A_355 = arith.constant 336 : index
      %swap3A_356 = tpu.vector_load %arg6[%swap3A_354, %swap3A_355] {strides = array<i32>} : memref<32x1024xf32, #tpu.memory_space<vmem>>, vector<1x16xf32>,
      %swap3A_357 = vector.shape_cast %swap3A_356 : vector<1x16xf32> to vector<16xf32>
      %swap3A_358 = vector.shape_cast %get3A_353 : vector<16xf32> to vector<1x16xf32>
      tpu.vector_store %arg6[%swap3A_354, %swap3A_355], %swap3A_358 {add = true, strides = array<i32>} : memref<32x1024xf32, #tpu.memory_space<vmem>>, vector<1x16xf32>,
      %get3A_359 = arith.index_cast %scan3A_162 : i32 to index
      %get3A_360 = arith.constant 352 : index
      %get3A_361 = tpu.vector_load %arg5[%get3A_359, %get3A_360] {strides = array<i32>} : memref<32x1024xf32, #tpu.memory_space<vmem>>, vector<1x16xf32>,
      %get3A_362 = vector.shape_cast %get3A_361 : vector<1x16xf32> to vector<16xf32>
      %swap3A_363 = arith.index_cast %scan3A_162 : i32 to index
      %swap3A_364 = arith.constant 352 : index
      %swap3A_365 = tpu.vector_load %arg6[%swap3A_363, %swap3A_364] {strides = array<i32>} : memref<32x1024xf32, #tpu.memory_space<vmem>>, vector<1x16xf32>,
      %swap3A_366 = vector.shape_cast %swap3A_365 : vector<1x16xf32> to vector<16xf32>
      %swap3A_367 = vector.shape_cast %get3A_362 : vector<16xf32> to vector<1x16xf32>
      tpu.vector_store %arg6[%swap3A_363, %swap3A_364], %swap3A_367 {add = true, strides = array<i32>} : memref<32x1024xf32, #tpu.memory_space<vmem>>, vector<1x16xf32>,
      %get3A_368 = arith.index_cast %scan3A_162 : i32 to index
      %get3A_369 = arith.constant 368 : index
      %get3A_370 = tpu.vector_load %arg5[%get3A_368, %get3A_369] {strides = array<i32>} : memref<32x1024xf32, #tpu.memory_space<vmem>>, vector<1x16xf32>,
      %get3A_371 = vector.shape_cast %get3A_370 : vector<1x16xf32> to vector<16xf32>
      %swap3A_372 = arith.index_cast %scan3A_162 : i32 to index
      %swap3A_373 = arith.constant 368 : index
      %swap3A_374 = tpu.vector_load %arg6[%swap3A_372, %swap3A_373] {strides = array<i32>} : memref<32x1024xf32, #tpu.memory_space<vmem>>, vector<1x16xf32>,
      %swap3A_375 = vector.shape_cast %swap3A_374 : vector<1x16xf32> to vector<16xf32>
      %swap3A_376 = vector.shape_cast %get3A_371 : vector<16xf32> to vector<1x16xf32>
      tpu.vector_store %arg6[%swap3A_372, %swap3A_373], %swap3A_376 {add = true, strides = array<i32>} : memref<32x1024xf32, #tpu.memory_space<vmem>>, vector<1x16xf32>,
      %get3A_377 = arith.index_cast %scan3A_162 : i32 to index
      %get3A_378 = arith.constant 384 : index
      %get3A_379 = tpu.vector_load %arg5[%get3A_377, %get3A_378] {strides = array<i32>} : memref<32x1024xf32, #tpu.memory_space<vmem>>, vector<1x16xf32>,
      %get3A_380 = vector.shape_cast %get3A_379 : vector<1x16xf32> to vector<16xf32>
      %swap3A_381 = arith.index_cast %scan3A_162 : i32 to index
      %swap3A_382 = arith.constant 384 : index
      %swap3A_383 = tpu.vector_load %arg6[%swap3A_381, %swap3A_382] {strides = array<i32>} : memref<32x1024xf32, #tpu.memory_space<vmem>>, vector<1x16xf32>,
      %swap3A_384 = vector.shape_cast %swap3A_383 : vector<1x16xf32> to vector<16xf32>
      %swap3A_385 = vector.shape_cast %get3A_380 : vector<16xf32> to vector<1x16xf32>
      tpu.vector_store %arg6[%swap3A_381, %swap3A_382], %swap3A_385 {add = true, strides = array<i32>} : memref<32x1024xf32, #tpu.memory_space<vmem>>, vector<1x16xf32>,
      %get3A_386 = arith.index_cast %scan3A_162 : i32 to index
      %get3A_387 = arith.constant 400 : index
      %get3A_388 = tpu.vector_load %arg5[%get3A_386, %get3A_387] {strides = array<i32>} : memref<32x1024xf32, #tpu.memory_space<vmem>>, vector<1x16xf32>,
      %get3A_389 = vector.shape_cast %get3A_388 : vector<1x16xf32> to vector<16xf32>
      %swap3A_390 = arith.index_cast %scan3A_162 : i32 to index
      %swap3A_391 = arith.constant 400 : index
      %swap3A_392 = tpu.vector_load %arg6[%swap3A_390, %swap3A_391] {strides = array<i32>} : memref<32x1024xf32, #tpu.memory_space<vmem>>, vector<1x16xf32>,
      %swap3A_393 = vector.shape_cast %swap3A_392 : vector<1x16xf32> to vector<16xf32>
      %swap3A_394 = vector.shape_cast %get3A_389 : vector<16xf32> to vector<1x16xf32>
      tpu.vector_store %arg6[%swap3A_390, %swap3A_391], %swap3A_394 {add = true, strides = array<i32>} : memref<32x1024xf32, #tpu.memory_space<vmem>>, vector<1x16xf32>,
      %get3A_395 = arith.index_cast %scan3A_162 : i32 to index
      %get3A_396 = arith.constant 416 : index
      %get3A_397 = tpu.vector_load %arg5[%get3A_395, %get3A_396] {strides = array<i32>} : memref<32x1024xf32, #tpu.memory_space<vmem>>, vector<1x16xf32>,
      %get3A_398 = vector.shape_cast %get3A_397 : vector<1x16xf32> to vector<16xf32>
      %swap3A_399 = arith.index_cast %scan3A_162 : i32 to index
      %swap3A_400 = arith.constant 416 : index
      %swap3A_401 = tpu.vector_load %arg6[%swap3A_399, %swap3A_400] {strides = array<i32>} : memref<32x1024xf32, #tpu.memory_space<vmem>>, vector<1x16xf32>,
      %swap3A_402 = vector.shape_cast %swap3A_401 : vector<1x16xf32> to vector<16xf32>
      %swap3A_403 = vector.shape_cast %get3A_398 : vector<16xf32> to vector<1x16xf32>
      tpu.vector_store %arg6[%swap3A_399, %swap3A_400], %swap3A_403 {add = true, strides = array<i32>} : memref<32x1024xf32, #tpu.memory_space<vmem>>, vector<1x16xf32>,
      %get3A_404 = arith.index_cast %scan3A_162 : i32 to index
      %get3A_405 = arith.constant 432 : index
      %get3A_406 = tpu.vector_load %arg5[%get3A_404, %get3A_405] {strides = array<i32>} : memref<32x1024xf32, #tpu.memory_space<vmem>>, vector<1x16xf32>,
      %get3A_407 = vector.shape_cast %get3A_406 : vector<1x16xf32> to vector<16xf32>
      %swap3A_408 = arith.index_cast %scan3A_162 : i32 to index
      %swap3A_409 = arith.constant 432 : index
      %swap3A_410 = tpu.vector_load %arg6[%swap3A_408, %swap3A_409] {strides = array<i32>} : memref<32x1024xf32, #tpu.memory_space<vmem>>, vector<1x16xf32>,
      %swap3A_411 = vector.shape_cast %swap3A_410 : vector<1x16xf32> to vector<16xf32>
      %swap3A_412 = vector.shape_cast %get3A_407 : vector<16xf32> to vector<1x16xf32>
      tpu.vector_store %arg6[%swap3A_408, %swap3A_409], %swap3A_412 {add = true, strides = array<i32>} : memref<32x1024xf32, #tpu.memory_space<vmem>>, vector<1x16xf32>,
      %get3A_413 = arith.index_cast %scan3A_162 : i32 to index
      %get3A_414 = arith.constant 448 : index
      %get3A_415 = tpu.vector_load %arg5[%get3A_413, %get3A_414] {strides = array<i32>} : memref<32x1024xf32, #tpu.memory_space<vmem>>, vector<1x16xf32>,
      %get3A_416 = vector.shape_cast %get3A_415 : vector<1x16xf32> to vector<16xf32>
      %swap3A_417 = arith.index_cast %scan3A_162 : i32 to index
      %swap3A_418 = arith.constant 448 : index
      %swap3A_419 = tpu.vector_load %arg6[%swap3A_417, %swap3A_418] {strides = array<i32>} : memref<32x1024xf32, #tpu.memory_space<vmem>>, vector<1x16xf32>,
      %swap3A_420 = vector.shape_cast %swap3A_419 : vector<1x16xf32> to vector<16xf32>
      %swap3A_421 = vector.shape_cast %get3A_416 : vector<16xf32> to vector<1x16xf32>
      tpu.vector_store %arg6[%swap3A_417, %swap3A_418], %swap3A_421 {add = true, strides = array<i32>} : memref<32x1024xf32, #tpu.memory_space<vmem>>, vector<1x16xf32>,
      %get3A_422 = arith.index_cast %scan3A_162 : i32 to index
      %get3A_423 = arith.constant 464 : index
      %get3A_424 = tpu.vector_load %arg5[%get3A_422, %get3A_423] {strides = array<i32>} : memref<32x1024xf32, #tpu.memory_space<vmem>>, vector<1x16xf32>,
      %get3A_425 = vector.shape_cast %get3A_424 : vector<1x16xf32> to vector<16xf32>
      %swap3A_426 = arith.index_cast %scan3A_162 : i32 to index
      %swap3A_427 = arith.constant 464 : index
      %swap3A_428 = tpu.vector_load %arg6[%swap3A_426, %swap3A_427] {strides = array<i32>} : memref<32x1024xf32, #tpu.memory_space<vmem>>, vector<1x16xf32>,
      %swap3A_429 = vector.shape_cast %swap3A_428 : vector<1x16xf32> to vector<16xf32>
      %swap3A_430 = vector.shape_cast %get3A_425 : vector<16xf32> to vector<1x16xf32>
      tpu.vector_store %arg6[%swap3A_426, %swap3A_427], %swap3A_430 {add = true, strides = array<i32>} : memref<32x1024xf32, #tpu.memory_space<vmem>>, vector<1x16xf32>,
      %get3A_431 = arith.index_cast %scan3A_162 : i32 to index
      %get3A_432 = arith.constant 480 : index
      %get3A_433 = tpu.vector_load %arg5[%get3A_431, %get3A_432] {strides = array<i32>} : memref<32x1024xf32, #tpu.memory_space<vmem>>, vector<1x16xf32>,
      %get3A_434 = vector.shape_cast %get3A_433 : vector<1x16xf32> to vector<16xf32>
      %swap3A_435 = arith.index_cast %scan3A_162 : i32 to index
      %swap3A_436 = arith.constant 480 : index
      %swap3A_437 = tpu.vector_load %arg6[%swap3A_435, %swap3A_436] {strides = array<i32>} : memref<32x1024xf32, #tpu.memory_space<vmem>>, vector<1x16xf32>,
      %swap3A_438 = vector.shape_cast %swap3A_437 : vector<1x16xf32> to vector<16xf32>
      %swap3A_439 = vector.shape_cast %get3A_434 : vector<16xf32> to vector<1x16xf32>
      tpu.vector_store %arg6[%swap3A_435, %swap3A_436], %swap3A_439 {add = true, strides = array<i32>} : memref<32x1024xf32, #tpu.memory_space<vmem>>, vector<1x16xf32>,
      %get3A_440 = arith.index_cast %scan3A_162 : i32 to index
      %get3A_441 = arith.constant 496 : index
      %get3A_442 = tpu.vector_load %arg5[%get3A_440, %get3A_441] {strides = array<i32>} : memref<32x1024xf32, #tpu.memory_space<vmem>>, vector<1x16xf32>,
      %get3A_443 = vector.shape_cast %get3A_442 : vector<1x16xf32> to vector<16xf32>
      %swap3A_444 = arith.index_cast %scan3A_162 : i32 to index
      %swap3A_445 = arith.constant 496 : index
      %swap3A_446 = tpu.vector_load %arg6[%swap3A_444, %swap3A_445] {strides = array<i32>} : memref<32x1024xf32, #tpu.memory_space<vmem>>, vector<1x16xf32>,
      %swap3A_447 = vector.shape_cast %swap3A_446 : vector<1x16xf32> to vector<16xf32>
      %swap3A_448 = vector.shape_cast %get3A_443 : vector<16xf32> to vector<1x16xf32>
      tpu.vector_store %arg6[%swap3A_444, %swap3A_445], %swap3A_448 {add = true, strides = array<i32>} : memref<32x1024xf32, #tpu.memory_space<vmem>>, vector<1x16xf32>,
      %get3A_449 = arith.index_cast %scan3A_162 : i32 to index
      %get3A_450 = arith.constant 512 : index
      %get3A_451 = tpu.vector_load %arg5[%get3A_449, %get3A_450] {strides = array<i32>} : memref<32x1024xf32, #tpu.memory_space<vmem>>, vector<1x16xf32>,
      %get3A_452 = vector.shape_cast %get3A_451 : vector<1x16xf32> to vector<16xf32>
      %swap3A_453 = arith.index_cast %scan3A_162 : i32 to index
      %swap3A_454 = arith.constant 512 : index
      %swap3A_455 = tpu.vector_load %arg6[%swap3A_453, %swap3A_454] {strides = array<i32>} : memref<32x1024xf32, #tpu.memory_space<vmem>>, vector<1x16xf32>,
      %swap3A_456 = vector.shape_cast %swap3A_455 : vector<1x16xf32> to vector<16xf32>
      %swap3A_457 = vector.shape_cast %get3A_452 : vector<16xf32> to vector<1x16xf32>
      tpu.vector_store %arg6[%swap3A_453, %swap3A_454], %swap3A_457 {add = true, strides = array<i32>} : memref<32x1024xf32, #tpu.memory_space<vmem>>, vector<1x16xf32>,
      %get3A_458 = arith.index_cast %scan3A_162 : i32 to index
      %get3A_459 = arith.constant 528 : index
      %get3A_460 = tpu.vector_load %arg5[%get3A_458, %get3A_459] {strides = array<i32>} : memref<32x1024xf32, #tpu.memory_space<vmem>>, vector<1x16xf32>,
      %get3A_461 = vector.shape_cast %get3A_460 : vector<1x16xf32> to vector<16xf32>
      %swap3A_462 = arith.index_cast %scan3A_162 : i32 to index
      %swap3A_463 = arith.constant 528 : index
      %swap3A_464 = tpu.vector_load %arg6[%swap3A_462, %swap3A_463] {strides = array<i32>} : memref<32x1024xf32, #tpu.memory_space<vmem>>, vector<1x16xf32>,
      %swap3A_465 = vector.shape_cast %swap3A_464 : vector<1x16xf32> to vector<16xf32>
      %swap3A_466 = vector.shape_cast %get3A_461 : vector<16xf32> to vector<1x16xf32>
      tpu.vector_store %arg6[%swap3A_462, %swap3A_463], %swap3A_466 {add = true, strides = array<i32>} : memref<32x1024xf32, #tpu.memory_space<vmem>>, vector<1x16xf32>,
      %get3A_467 = arith.index_cast %scan3A_162 : i32 to index
      %get3A_468 = arith.constant 544 : index
      %get3A_469 = tpu.vector_load %arg5[%get3A_467, %get3A_468] {strides = array<i32>} : memref<32x1024xf32, #tpu.memory_space<vmem>>, vector<1x16xf32>,
      %get3A_470 = vector.shape_cast %get3A_469 : vector<1x16xf32> to vector<16xf32>
      %swap3A_471 = arith.index_cast %scan3A_162 : i32 to index
      %swap3A_472 = arith.constant 544 : index
      %swap3A_473 = tpu.vector_load %arg6[%swap3A_471, %swap3A_472] {strides = array<i32>} : memref<32x1024xf32, #tpu.memory_space<vmem>>, vector<1x16xf32>,
      %swap3A_474 = vector.shape_cast %swap3A_473 : vector<1x16xf32> to vector<16xf32>
      %swap3A_475 = vector.shape_cast %get3A_470 : vector<16xf32> to vector<1x16xf32>
      tpu.vector_store %arg6[%swap3A_471, %swap3A_472], %swap3A_475 {add = true, strides = array<i32>} : memref<32x1024xf32, #tpu.memory_space<vmem>>, vector<1x16xf32>,
      %get3A_476 = arith.index_cast %scan3A_162 : i32 to index
      %get3A_477 = arith.constant 560 : index
      %get3A_478 = tpu.vector_load %arg5[%get3A_476, %get3A_477] {strides = array<i32>} : memref<32x1024xf32, #tpu.memory_space<vmem>>, vector<1x16xf32>,
      %get3A_479 = vector.shape_cast %get3A_478 : vector<1x16xf32> to vector<16xf32>
      %swap3A_480 = arith.index_cast %scan3A_162 : i32 to index
      %swap3A_481 = arith.constant 560 : index
      %swap3A_482 = tpu.vector_load %arg6[%swap3A_480, %swap3A_481] {strides = array<i32>} : memref<32x1024xf32, #tpu.memory_space<vmem>>, vector<1x16xf32>,
      %swap3A_483 = vector.shape_cast %swap3A_482 : vector<1x16xf32> to vector<16xf32>
      %swap3A_484 = vector.shape_cast %get3A_479 : vector<16xf32> to vector<1x16xf32>
      tpu.vector_store %arg6[%swap3A_480, %swap3A_481], %swap3A_484 {add = true, strides = array<i32>} : memref<32x1024xf32, #tpu.memory_space<vmem>>, vector<1x16xf32>,
      %get3A_485 = arith.index_cast %scan3A_162 : i32 to index
      %get3A_486 = arith.constant 576 : index
      %get3A_487 = tpu.vector_load %arg5[%get3A_485, %get3A_486] {strides = array<i32>} : memref<32x1024xf32, #tpu.memory_space<vmem>>, vector<1x16xf32>,
      %get3A_488 = vector.shape_cast %get3A_487 : vector<1x16xf32> to vector<16xf32>
      %swap3A_489 = arith.index_cast %scan3A_162 : i32 to index
      %swap3A_490 = arith.constant 576 : index
      %swap3A_491 = tpu.vector_load %arg6[%swap3A_489, %swap3A_490] {strides = array<i32>} : memref<32x1024xf32, #tpu.memory_space<vmem>>, vector<1x16xf32>,
      %swap3A_492 = vector.shape_cast %swap3A_491 : vector<1x16xf32> to vector<16xf32>
      %swap3A_493 = vector.shape_cast %get3A_488 : vector<16xf32> to vector<1x16xf32>
      tpu.vector_store %arg6[%swap3A_489, %swap3A_490], %swap3A_493 {add = true, strides = array<i32>} : memref<32x1024xf32, #tpu.memory_space<vmem>>, vector<1x16xf32>,
      %get3A_494 = arith.index_cast %scan3A_162 : i32 to index
      %get3A_495 = arith.constant 592 : index
      %get3A_496 = tpu.vector_load %arg5[%get3A_494, %get3A_495] {strides = array<i32>} : memref<32x1024xf32, #tpu.memory_space<vmem>>, vector<1x16xf32>,
      %get3A_497 = vector.shape_cast %get3A_496 : vector<1x16xf32> to vector<16xf32>
      %swap3A_498 = arith.index_cast %scan3A_162 : i32 to index
      %swap3A_499 = arith.constant 592 : index
      %swap3A_500 = tpu.vector_load %arg6[%swap3A_498, %swap3A_499] {strides = array<i32>} : memref<32x1024xf32, #tpu.memory_space<vmem>>, vector<1x16xf32>,
      %swap3A_501 = vector.shape_cast %swap3A_500 : vector<1x16xf32> to vector<16xf32>
      %swap3A_502 = vector.shape_cast %get3A_497 : vector<16xf32> to vector<1x16xf32>
      tpu.vector_store %arg6[%swap3A_498, %swap3A_499], %swap3A_502 {add = true, strides = array<i32>} : memref<32x1024xf32, #tpu.memory_space<vmem>>, vector<1x16xf32>,
      %get3A_503 = arith.index_cast %scan3A_162 : i32 to index
      %get3A_504 = arith.constant 608 : index
      %get3A_505 = tpu.vector_load %arg5[%get3A_503, %get3A_504] {strides = array<i32>} : memref<32x1024xf32, #tpu.memory_space<vmem>>, vector<1x16xf32>,
      %get3A_506 = vector.shape_cast %get3A_505 : vector<1x16xf32> to vector<16xf32>
      %swap3A_507 = arith.index_cast %scan3A_162 : i32 to index
      %swap3A_508 = arith.constant 608 : index
      %swap3A_509 = tpu.vector_load %arg6[%swap3A_507, %swap3A_508] {strides = array<i32>} : memref<32x1024xf32, #tpu.memory_space<vmem>>, vector<1x16xf32>,
      %swap3A_510 = vector.shape_cast %swap3A_509 : vector<1x16xf32> to vector<16xf32>
      %swap3A_511 = vector.shape_cast %get3A_506 : vector<16xf32> to vector<1x16xf32>
      tpu.vector_store %arg6[%swap3A_507, %swap3A_508], %swap3A_511 {add = true, strides = array<i32>} : memref<32x1024xf32, #tpu.memory_space<vmem>>, vector<1x16xf32>,
      %get3A_512 = arith.index_cast %scan3A_162 : i32 to index
      %get3A_513 = arith.constant 624 : index
      %get3A_514 = tpu.vector_load %arg5[%get3A_512, %get3A_513] {strides = array<i32>} : memref<32x1024xf32, #tpu.memory_space<vmem>>, vector<1x16xf32>,
      %get3A_515 = vector.shape_cast %get3A_514 : vector<1x16xf32> to vector<16xf32>
      %swap3A_516 = arith.index_cast %scan3A_162 : i32 to index
      %swap3A_517 = arith.constant 624 : index
      %swap3A_518 = tpu.vector_load %arg6[%swap3A_516, %swap3A_517] {strides = array<i32>} : memref<32x1024xf32, #tpu.memory_space<vmem>>, vector<1x16xf32>,
      %swap3A_519 = vector.shape_cast %swap3A_518 : vector<1x16xf32> to vector<16xf32>
      %swap3A_520 = vector.shape_cast %get3A_515 : vector<16xf32> to vector<1x16xf32>
      tpu.vector_store %arg6[%swap3A_516, %swap3A_517], %swap3A_520 {add = true, strides = array<i32>} : memref<32x1024xf32, #tpu.memory_space<vmem>>, vector<1x16xf32>,
      %get3A_521 = arith.index_cast %scan3A_162 : i32 to index
      %get3A_522 = arith.constant 640 : index
      %get3A_523 = tpu.vector_load %arg5[%get3A_521, %get3A_522] {strides = array<i32>} : memref<32x1024xf32, #tpu.memory_space<vmem>>, vector<1x16xf32>,
      %get3A_524 = vector.shape_cast %get3A_523 : vector<1x16xf32> to vector<16xf32>
      %swap3A_525 = arith.index_cast %scan3A_162 : i32 to index
      %swap3A_526 = arith.constant 640 : index
      %swap3A_527 = tpu.vector_load %arg6[%swap3A_525, %swap3A_526] {strides = array<i32>} : memref<32x1024xf32, #tpu.memory_space<vmem>>, vector<1x16xf32>,
      %swap3A_528 = vector.shape_cast %swap3A_527 : vector<1x16xf32> to vector<16xf32>
      %swap3A_529 = vector.shape_cast %get3A_524 : vector<16xf32> to vector<1x16xf32>
      tpu.vector_store %arg6[%swap3A_525, %swap3A_526], %swap3A_529 {add = true, strides = array<i32>} : memref<32x1024xf32, #tpu.memory_space<vmem>>, vector<1x16xf32>,
      %get3A_530 = arith.index_cast %scan3A_162 : i32 to index
      %get3A_531 = arith.constant 656 : index
      %get3A_532 = tpu.vector_load %arg5[%get3A_530, %get3A_531] {strides = array<i32>} : memref<32x1024xf32, #tpu.memory_space<vmem>>, vector<1x16xf32>,
      %get3A_533 = vector.shape_cast %get3A_532 : vector<1x16xf32> to vector<16xf32>
      %swap3A_534 = arith.index_cast %scan3A_162 : i32 to index
      %swap3A_535 = arith.constant 656 : index
      %swap3A_536 = tpu.vector_load %arg6[%swap3A_534, %swap3A_535] {strides = array<i32>} : memref<32x1024xf32, #tpu.memory_space<vmem>>, vector<1x16xf32>,
      %swap3A_537 = vector.shape_cast %swap3A_536 : vector<1x16xf32> to vector<16xf32>
      %swap3A_538 = vector.shape_cast %get3A_533 : vector<16xf32> to vector<1x16xf32>
      tpu.vector_store %arg6[%swap3A_534, %swap3A_535], %swap3A_538 {add = true, strides = array<i32>} : memref<32x1024xf32, #tpu.memory_space<vmem>>, vector<1x16xf32>,
      %get3A_539 = arith.index_cast %scan3A_162 : i32 to index
      %get3A_540 = arith.constant 672 : index
      %get3A_541 = tpu.vector_load %arg5[%get3A_539, %get3A_540] {strides = array<i32>} : memref<32x1024xf32, #tpu.memory_space<vmem>>, vector<1x16xf32>,
      %get3A_542 = vector.shape_cast %get3A_541 : vector<1x16xf32> to vector<16xf32>
      %swap3A_543 = arith.index_cast %scan3A_162 : i32 to index
      %swap3A_544 = arith.constant 672 : index
      %swap3A_545 = tpu.vector_load %arg6[%swap3A_543, %swap3A_544] {strides = array<i32>} : memref<32x1024xf32, #tpu.memory_space<vmem>>, vector<1x16xf32>,
      %swap3A_546 = vector.shape_cast %swap3A_545 : vector<1x16xf32> to vector<16xf32>
      %swap3A_547 = vector.shape_cast %get3A_542 : vector<16xf32> to vector<1x16xf32>
      tpu.vector_store %arg6[%swap3A_543, %swap3A_544], %swap3A_547 {add = true, strides = array<i32>} : memref<32x1024xf32, #tpu.memory_space<vmem>>, vector<1x16xf32>,
      %get3A_548 = arith.index_cast %scan3A_162 : i32 to index
      %get3A_549 = arith.constant 688 : index
      %get3A_550 = tpu.vector_load %arg5[%get3A_548, %get3A_549] {strides = array<i32>} : memref<32x1024xf32, #tpu.memory_space<vmem>>, vector<1x16xf32>,
      %get3A_551 = vector.shape_cast %get3A_550 : vector<1x16xf32> to vector<16xf32>
      %swap3A_552 = arith.index_cast %scan3A_162 : i32 to index
      %swap3A_553 = arith.constant 688 : index
      %swap3A_554 = tpu.vector_load %arg6[%swap3A_552, %swap3A_553] {strides = array<i32>} : memref<32x1024xf32, #tpu.memory_space<vmem>>, vector<1x16xf32>,
      %swap3A_555 = vector.shape_cast %swap3A_554 : vector<1x16xf32> to vector<16xf32>
      %swap3A_556 = vector.shape_cast %get3A_551 : vector<16xf32> to vector<1x16xf32>
      tpu.vector_store %arg6[%swap3A_552, %swap3A_553], %swap3A_556 {add = true, strides = array<i32>} : memref<32x1024xf32, #tpu.memory_space<vmem>>, vector<1x16xf32>,
      %get3A_557 = arith.index_cast %scan3A_162 : i32 to index
      %get3A_558 = arith.constant 704 : index
      %get3A_559 = tpu.vector_load %arg5[%get3A_557, %get3A_558] {strides = array<i32>} : memref<32x1024xf32, #tpu.memory_space<vmem>>, vector<1x16xf32>,
      %get3A_560 = vector.shape_cast %get3A_559 : vector<1x16xf32> to vector<16xf32>
      %swap3A_561 = arith.index_cast %scan3A_162 : i32 to index
      %swap3A_562 = arith.constant 704 : index
      %swap3A_563 = tpu.vector_load %arg6[%swap3A_561, %swap3A_562] {strides = array<i32>} : memref<32x1024xf32, #tpu.memory_space<vmem>>, vector<1x16xf32>,
      %swap3A_564 = vector.shape_cast %swap3A_563 : vector<1x16xf32> to vector<16xf32>
      %swap3A_565 = vector.shape_cast %get3A_560 : vector<16xf32> to vector<1x16xf32>
      tpu.vector_store %arg6[%swap3A_561, %swap3A_562], %swap3A_565 {add = true, strides = array<i32>} : memref<32x1024xf32, #tpu.memory_space<vmem>>, vector<1x16xf32>,
      %get3A_566 = arith.index_cast %scan3A_162 : i32 to index
      %get3A_567 = arith.constant 720 : index
      %get3A_568 = tpu.vector_load %arg5[%get3A_566, %get3A_567] {strides = array<i32>} : memref<32x1024xf32, #tpu.memory_space<vmem>>, vector<1x16xf32>,
      %get3A_569 = vector.shape_cast %get3A_568 : vector<1x16xf32> to vector<16xf32>
      %swap3A_570 = arith.index_cast %scan3A_162 : i32 to index
      %swap3A_571 = arith.constant 720 : index
      %swap3A_572 = tpu.vector_load %arg6[%swap3A_570, %swap3A_571] {strides = array<i32>} : memref<32x1024xf32, #tpu.memory_space<vmem>>, vector<1x16xf32>,
      %swap3A_573 = vector.shape_cast %swap3A_572 : vector<1x16xf32> to vector<16xf32>
      %swap3A_574 = vector.shape_cast %get3A_569 : vector<16xf32> to vector<1x16xf32>
      tpu.vector_store %arg6[%swap3A_570, %swap3A_571], %swap3A_574 {add = true, strides = array<i32>} : memref<32x1024xf32, #tpu.memory_space<vmem>>, vector<1x16xf32>,
      %get3A_575 = arith.index_cast %scan3A_162 : i32 to index
      %get3A_576 = arith.constant 736 : index
      %get3A_577 = tpu.vector_load %arg5[%get3A_575, %get3A_576] {strides = array<i32>} : memref<32x1024xf32, #tpu.memory_space<vmem>>, vector<1x16xf32>,
      %get3A_578 = vector.shape_cast %get3A_577 : vector<1x16xf32> to vector<16xf32>
      %swap3A_579 = arith.index_cast %scan3A_162 : i32 to index
      %swap3A_580 = arith.constant 736 : index
      %swap3A_581 = tpu.vector_load %arg6[%swap3A_579, %swap3A_580] {strides = array<i32>} : memref<32x1024xf32, #tpu.memory_space<vmem>>, vector<1x16xf32>,
      %swap3A_582 = vector.shape_cast %swap3A_581 : vector<1x16xf32> to vector<16xf32>
      %swap3A_583 = vector.shape_cast %get3A_578 : vector<16xf32> to vector<1x16xf32>
      tpu.vector_store %arg6[%swap3A_579, %swap3A_580], %swap3A_583 {add = true, strides = array<i32>} : memref<32x1024xf32, #tpu.memory_space<vmem>>, vector<1x16xf32>,
      %get3A_584 = arith.index_cast %scan3A_162 : i32 to index
      %get3A_585 = arith.constant 752 : index
      %get3A_586 = tpu.vector_load %arg5[%get3A_584, %get3A_585] {strides = array<i32>} : memref<32x1024xf32, #tpu.memory_space<vmem>>, vector<1x16xf32>,
      %get3A_587 = vector.shape_cast %get3A_586 : vector<1x16xf32> to vector<16xf32>
      %swap3A_588 = arith.index_cast %scan3A_162 : i32 to index
      %swap3A_589 = arith.constant 752 : index
      %swap3A_590 = tpu.vector_load %arg6[%swap3A_588, %swap3A_589] {strides = array<i32>} : memref<32x1024xf32, #tpu.memory_space<vmem>>, vector<1x16xf32>,
      %swap3A_591 = vector.shape_cast %swap3A_590 : vector<1x16xf32> to vector<16xf32>
      %swap3A_592 = vector.shape_cast %get3A_587 : vector<16xf32> to vector<1x16xf32>
      tpu.vector_store %arg6[%swap3A_588, %swap3A_589], %swap3A_592 {add = true, strides = array<i32>} : memref<32x1024xf32, #tpu.memory_space<vmem>>, vector<1x16xf32>,
      %get3A_593 = arith.index_cast %scan3A_162 : i32 to index
      %get3A_594 = arith.constant 768 : index
      %get3A_595 = tpu.vector_load %arg5[%get3A_593, %get3A_594] {strides = array<i32>} : memref<32x1024xf32, #tpu.memory_space<vmem>>, vector<1x16xf32>,
      %get3A_596 = vector.shape_cast %get3A_595 : vector<1x16xf32> to vector<16xf32>
      %swap3A_597 = arith.index_cast %scan3A_162 : i32 to index
      %swap3A_598 = arith.constant 768 : index
      %swap3A_599 = tpu.vector_load %arg6[%swap3A_597, %swap3A_598] {strides = array<i32>} : memref<32x1024xf32, #tpu.memory_space<vmem>>, vector<1x16xf32>,
      %swap3A_600 = vector.shape_cast %swap3A_599 : vector<1x16xf32> to vector<16xf32>
      %swap3A_601 = vector.shape_cast %get3A_596 : vector<16xf32> to vector<1x16xf32>
      tpu.vector_store %arg6[%swap3A_597, %swap3A_598], %swap3A_601 {add = true, strides = array<i32>} : memref<32x1024xf32, #tpu.memory_space<vmem>>, vector<1x16xf32>,
      %get3A_602 = arith.index_cast %scan3A_162 : i32 to index
      %get3A_603 = arith.constant 784 : index
      %get3A_604 = tpu.vector_load %arg5[%get3A_602, %get3A_603] {strides = array<i32>} : memref<32x1024xf32, #tpu.memory_space<vmem>>, vector<1x16xf32>,
      %get3A_605 = vector.shape_cast %get3A_604 : vector<1x16xf32> to vector<16xf32>
      %swap3A_606 = arith.index_cast %scan3A_162 : i32 to index
      %swap3A_607 = arith.constant 784 : index
      %swap3A_608 = tpu.vector_load %arg6[%swap3A_606, %swap3A_607] {strides = array<i32>} : memref<32x1024xf32, #tpu.memory_space<vmem>>, vector<1x16xf32>,
      %swap3A_609 = vector.shape_cast %swap3A_608 : vector<1x16xf32> to vector<16xf32>
      %swap3A_610 = vector.shape_cast %get3A_605 : vector<16xf32> to vector<1x16xf32>
      tpu.vector_store %arg6[%swap3A_606, %swap3A_607], %swap3A_610 {add = true, strides = array<i32>} : memref<32x1024xf32, #tpu.memory_space<vmem>>, vector<1x16xf32>,
      %get3A_611 = arith.index_cast %scan3A_162 : i32 to index
      %get3A_612 = arith.constant 800 : index
      %get3A_613 = tpu.vector_load %arg5[%get3A_611, %get3A_612] {strides = array<i32>} : memref<32x1024xf32, #tpu.memory_space<vmem>>, vector<1x16xf32>,
      %get3A_614 = vector.shape_cast %get3A_613 : vector<1x16xf32> to vector<16xf32>
      %swap3A_615 = arith.index_cast %scan3A_162 : i32 to index
      %swap3A_616 = arith.constant 800 : index
      %swap3A_617 = tpu.vector_load %arg6[%swap3A_615, %swap3A_616] {strides = array<i32>} : memref<32x1024xf32, #tpu.memory_space<vmem>>, vector<1x16xf32>,
      %swap3A_618 = vector.shape_cast %swap3A_617 : vector<1x16xf32> to vector<16xf32>
      %swap3A_619 = vector.shape_cast %get3A_614 : vector<16xf32> to vector<1x16xf32>
      tpu.vector_store %arg6[%swap3A_615, %swap3A_616], %swap3A_619 {add = true, strides = array<i32>} : memref<32x1024xf32, #tpu.memory_space<vmem>>, vector<1x16xf32>,
      %get3A_620 = arith.index_cast %scan3A_162 : i32 to index
      %get3A_621 = arith.constant 816 : index
      %get3A_622 = tpu.vector_load %arg5[%get3A_620, %get3A_621] {strides = array<i32>} : memref<32x1024xf32, #tpu.memory_space<vmem>>, vector<1x16xf32>,
      %get3A_623 = vector.shape_cast %get3A_622 : vector<1x16xf32> to vector<16xf32>
      %swap3A_624 = arith.index_cast %scan3A_162 : i32 to index
      %swap3A_625 = arith.constant 816 : index
      %swap3A_626 = tpu.vector_load %arg6[%swap3A_624, %swap3A_625] {strides = array<i32>} : memref<32x1024xf32, #tpu.memory_space<vmem>>, vector<1x16xf32>,
      %swap3A_627 = vector.shape_cast %swap3A_626 : vector<1x16xf32> to vector<16xf32>
      %swap3A_628 = vector.shape_cast %get3A_623 : vector<16xf32> to vector<1x16xf32>
      tpu.vector_store %arg6[%swap3A_624, %swap3A_625], %swap3A_628 {add = true, strides = array<i32>} : memref<32x1024xf32, #tpu.memory_space<vmem>>, vector<1x16xf32>,
      %get3A_629 = arith.index_cast %scan3A_162 : i32 to index
      %get3A_630 = arith.constant 832 : index
      %get3A_631 = tpu.vector_load %arg5[%get3A_629, %get3A_630] {strides = array<i32>} : memref<32x1024xf32, #tpu.memory_space<vmem>>, vector<1x16xf32>,
      %get3A_632 = vector.shape_cast %get3A_631 : vector<1x16xf32> to vector<16xf32>
      %swap3A_633 = arith.index_cast %scan3A_162 : i32 to index
      %swap3A_634 = arith.constant 832 : index
      %swap3A_635 = tpu.vector_load %arg6[%swap3A_633, %swap3A_634] {strides = array<i32>} : memref<32x1024xf32, #tpu.memory_space<vmem>>, vector<1x16xf32>,
      %swap3A_636 = vector.shape_cast %swap3A_635 : vector<1x16xf32> to vector<16xf32>
      %swap3A_637 = vector.shape_cast %get3A_632 : vector<16xf32> to vector<1x16xf32>
      tpu.vector_store %arg6[%swap3A_633, %swap3A_634], %swap3A_637 {add = true, strides = array<i32>} : memref<32x1024xf32, #tpu.memory_space<vmem>>, vector<1x16xf32>,
      %get3A_638 = arith.index_cast %scan3A_162 : i32 to index
      %get3A_639 = arith.constant 848 : index
      %get3A_640 = tpu.vector_load %arg5[%get3A_638, %get3A_639] {strides = array<i32>} : memref<32x1024xf32, #tpu.memory_space<vmem>>, vector<1x16xf32>,
      %get3A_641 = vector.shape_cast %get3A_640 : vector<1x16xf32> to vector<16xf32>
      %swap3A_642 = arith.index_cast %scan3A_162 : i32 to index
      %swap3A_643 = arith.constant 848 : index
      %swap3A_644 = tpu.vector_load %arg6[%swap3A_642, %swap3A_643] {strides = array<i32>} : memref<32x1024xf32, #tpu.memory_space<vmem>>, vector<1x16xf32>,
      %swap3A_645 = vector.shape_cast %swap3A_644 : vector<1x16xf32> to vector<16xf32>
      %swap3A_646 = vector.shape_cast %get3A_641 : vector<16xf32> to vector<1x16xf32>
      tpu.vector_store %arg6[%swap3A_642, %swap3A_643], %swap3A_646 {add = true, strides = array<i32>} : memref<32x1024xf32, #tpu.memory_space<vmem>>, vector<1x16xf32>,
      %get3A_647 = arith.index_cast %scan3A_162 : i32 to index
      %get3A_648 = arith.constant 864 : index
      %get3A_649 = tpu.vector_load %arg5[%get3A_647, %get3A_648] {strides = array<i32>} : memref<32x1024xf32, #tpu.memory_space<vmem>>, vector<1x16xf32>,
      %get3A_650 = vector.shape_cast %get3A_649 : vector<1x16xf32> to vector<16xf32>
      %swap3A_651 = arith.index_cast %scan3A_162 : i32 to index
      %swap3A_652 = arith.constant 864 : index
      %swap3A_653 = tpu.vector_load %arg6[%swap3A_651, %swap3A_652] {strides = array<i32>} : memref<32x1024xf32, #tpu.memory_space<vmem>>, vector<1x16xf32>,
      %swap3A_654 = vector.shape_cast %swap3A_653 : vector<1x16xf32> to vector<16xf32>
      %swap3A_655 = vector.shape_cast %get3A_650 : vector<16xf32> to vector<1x16xf32>
      tpu.vector_store %arg6[%swap3A_651, %swap3A_652], %swap3A_655 {add = true, strides = array<i32>} : memref<32x1024xf32, #tpu.memory_space<vmem>>, vector<1x16xf32>,
      %get3A_656 = arith.index_cast %scan3A_162 : i32 to index
      %get3A_657 = arith.constant 880 : index
      %get3A_658 = tpu.vector_load %arg5[%get3A_656, %get3A_657] {strides = array<i32>} : memref<32x1024xf32, #tpu.memory_space<vmem>>, vector<1x16xf32>,
      %get3A_659 = vector.shape_cast %get3A_658 : vector<1x16xf32> to vector<16xf32>
      %swap3A_660 = arith.index_cast %scan3A_162 : i32 to index
      %swap3A_661 = arith.constant 880 : index
      %swap3A_662 = tpu.vector_load %arg6[%swap3A_660, %swap3A_661] {strides = array<i32>} : memref<32x1024xf32, #tpu.memory_space<vmem>>, vector<1x16xf32>,
      %swap3A_663 = vector.shape_cast %swap3A_662 : vector<1x16xf32> to vector<16xf32>
      %swap3A_664 = vector.shape_cast %get3A_659 : vector<16xf32> to vector<1x16xf32>
      tpu.vector_store %arg6[%swap3A_660, %swap3A_661], %swap3A_664 {add = true, strides = array<i32>} : memref<32x1024xf32, #tpu.memory_space<vmem>>, vector<1x16xf32>,
      %get3A_665 = arith.index_cast %scan3A_162 : i32 to index
      %get3A_666 = arith.constant 896 : index
      %get3A_667 = tpu.vector_load %arg5[%get3A_665, %get3A_666] {strides = array<i32>} : memref<32x1024xf32, #tpu.memory_space<vmem>>, vector<1x16xf32>,
      %get3A_668 = vector.shape_cast %get3A_667 : vector<1x16xf32> to vector<16xf32>
      %swap3A_669 = arith.index_cast %scan3A_162 : i32 to index
      %swap3A_670 = arith.constant 896 : index
      %swap3A_671 = tpu.vector_load %arg6[%swap3A_669, %swap3A_670] {strides = array<i32>} : memref<32x1024xf32, #tpu.memory_space<vmem>>, vector<1x16xf32>,
      %swap3A_672 = vector.shape_cast %swap3A_671 : vector<1x16xf32> to vector<16xf32>
      %swap3A_673 = vector.shape_cast %get3A_668 : vector<16xf32> to vector<1x16xf32>
      tpu.vector_store %arg6[%swap3A_669, %swap3A_670], %swap3A_673 {add = true, strides = array<i32>} : memref<32x1024xf32, #tpu.memory_space<vmem>>, vector<1x16xf32>,
      %get3A_674 = arith.index_cast %scan3A_162 : i32 to index
      %get3A_675 = arith.constant 912 : index
      %get3A_676 = tpu.vector_load %arg5[%get3A_674, %get3A_675] {strides = array<i32>} : memref<32x1024xf32, #tpu.memory_space<vmem>>, vector<1x16xf32>,
      %get3A_677 = vector.shape_cast %get3A_676 : vector<1x16xf32> to vector<16xf32>
      %swap3A_678 = arith.index_cast %scan3A_162 : i32 to index
      %swap3A_679 = arith.constant 912 : index
      %swap3A_680 = tpu.vector_load %arg6[%swap3A_678, %swap3A_679] {strides = array<i32>} : memref<32x1024xf32, #tpu.memory_space<vmem>>, vector<1x16xf32>,
      %swap3A_681 = vector.shape_cast %swap3A_680 : vector<1x16xf32> to vector<16xf32>
      %swap3A_682 = vector.shape_cast %get3A_677 : vector<16xf32> to vector<1x16xf32>
      tpu.vector_store %arg6[%swap3A_678, %swap3A_679], %swap3A_682 {add = true, strides = array<i32>} : memref<32x1024xf32, #tpu.memory_space<vmem>>, vector<1x16xf32>,
      %get3A_683 = arith.index_cast %scan3A_162 : i32 to index
      %get3A_684 = arith.constant 928 : index
      %get3A_685 = tpu.vector_load %arg5[%get3A_683, %get3A_684] {strides = array<i32>} : memref<32x1024xf32, #tpu.memory_space<vmem>>, vector<1x16xf32>,
      %get3A_686 = vector.shape_cast %get3A_685 : vector<1x16xf32> to vector<16xf32>
      %swap3A_687 = arith.index_cast %scan3A_162 : i32 to index
      %swap3A_688 = arith.constant 928 : index
      %swap3A_689 = tpu.vector_load %arg6[%swap3A_687, %swap3A_688] {strides = array<i32>} : memref<32x1024xf32, #tpu.memory_space<vmem>>, vector<1x16xf32>,
      %swap3A_690 = vector.shape_cast %swap3A_689 : vector<1x16xf32> to vector<16xf32>
      %swap3A_691 = vector.shape_cast %get3A_686 : vector<16xf32> to vector<1x16xf32>
      tpu.vector_store %arg6[%swap3A_687, %swap3A_688], %swap3A_691 {add = true, strides = array<i32>} : memref<32x1024xf32, #tpu.memory_space<vmem>>, vector<1x16xf32>,
      %get3A_692 = arith.index_cast %scan3A_162 : i32 to index
      %get3A_693 = arith.constant 944 : index
      %get3A_694 = tpu.vector_load %arg5[%get3A_692, %get3A_693] {strides = array<i32>} : memref<32x1024xf32, #tpu.memory_space<vmem>>, vector<1x16xf32>,
      %get3A_695 = vector.shape_cast %get3A_694 : vector<1x16xf32> to vector<16xf32>
      %swap3A_696 = arith.index_cast %scan3A_162 : i32 to index
      %swap3A_697 = arith.constant 944 : index
      %swap3A_698 = tpu.vector_load %arg6[%swap3A_696, %swap3A_697] {strides = array<i32>} : memref<32x1024xf32, #tpu.memory_space<vmem>>, vector<1x16xf32>,
      %swap3A_699 = vector.shape_cast %swap3A_698 : vector<1x16xf32> to vector<16xf32>
      %swap3A_700 = vector.shape_cast %get3A_695 : vector<16xf32> to vector<1x16xf32>
      tpu.vector_store %arg6[%swap3A_696, %swap3A_697], %swap3A_700 {add = true, strides = array<i32>} : memref<32x1024xf32, #tpu.memory_space<vmem>>, vector<1x16xf32>,
      %get3A_701 = arith.index_cast %scan3A_162 : i32 to index
      %get3A_702 = arith.constant 960 : index
      %get3A_703 = tpu.vector_load %arg5[%get3A_701, %get3A_702] {strides = array<i32>} : memref<32x1024xf32, #tpu.memory_space<vmem>>, vector<1x16xf32>,
      %get3A_704 = vector.shape_cast %get3A_703 : vector<1x16xf32> to vector<16xf32>
      %swap3A_705 = arith.index_cast %scan3A_162 : i32 to index
      %swap3A_706 = arith.constant 960 : index
      %swap3A_707 = tpu.vector_load %arg6[%swap3A_705, %swap3A_706] {strides = array<i32>} : memref<32x1024xf32, #tpu.memory_space<vmem>>, vector<1x16xf32>,
      %swap3A_708 = vector.shape_cast %swap3A_707 : vector<1x16xf32> to vector<16xf32>
      %swap3A_709 = vector.shape_cast %get3A_704 : vector<16xf32> to vector<1x16xf32>
      tpu.vector_store %arg6[%swap3A_705, %swap3A_706], %swap3A_709 {add = true, strides = array<i32>} : memref<32x1024xf32, #tpu.memory_space<vmem>>, vector<1x16xf32>,
      %get3A_710 = arith.index_cast %scan3A_162 : i32 to index
      %get3A_711 = arith.constant 976 : index
      %get3A_712 = tpu.vector_load %arg5[%get3A_710, %get3A_711] {strides = array<i32>} : memref<32x1024xf32, #tpu.memory_space<vmem>>, vector<1x16xf32>,
      %get3A_713 = vector.shape_cast %get3A_712 : vector<1x16xf32> to vector<16xf32>
      %swap3A_714 = arith.index_cast %scan3A_162 : i32 to index
      %swap3A_715 = arith.constant 976 : index
      %swap3A_716 = tpu.vector_load %arg6[%swap3A_714, %swap3A_715] {strides = array<i32>} : memref<32x1024xf32, #tpu.memory_space<vmem>>, vector<1x16xf32>,
      %swap3A_717 = vector.shape_cast %swap3A_716 : vector<1x16xf32> to vector<16xf32>
      %swap3A_718 = vector.shape_cast %get3A_713 : vector<16xf32> to vector<1x16xf32>
      tpu.vector_store %arg6[%swap3A_714, %swap3A_715], %swap3A_718 {add = true, strides = array<i32>} : memref<32x1024xf32, #tpu.memory_space<vmem>>, vector<1x16xf32>,
      %get3A_719 = arith.index_cast %scan3A_162 : i32 to index
      %get3A_720 = arith.constant 992 : index
      %get3A_721 = tpu.vector_load %arg5[%get3A_719, %get3A_720] {strides = array<i32>} : memref<32x1024xf32, #tpu.memory_space<vmem>>, vector<1x16xf32>,
      %get3A_722 = vector.shape_cast %get3A_721 : vector<1x16xf32> to vector<16xf32>
      %swap3A_723 = arith.index_cast %scan3A_162 : i32 to index
      %swap3A_724 = arith.constant 992 : index
      %swap3A_725 = tpu.vector_load %arg6[%swap3A_723, %swap3A_724] {strides = array<i32>} : memref<32x1024xf32, #tpu.memory_space<vmem>>, vector<1x16xf32>,
      %swap3A_726 = vector.shape_cast %swap3A_725 : vector<1x16xf32> to vector<16xf32>
      %swap3A_727 = vector.shape_cast %get3A_722 : vector<16xf32> to vector<1x16xf32>
      tpu.vector_store %arg6[%swap3A_723, %swap3A_724], %swap3A_727 {add = true, strides = array<i32>} : memref<32x1024xf32, #tpu.memory_space<vmem>>, vector<1x16xf32>,
      %get3A_728 = arith.index_cast %scan3A_162 : i32 to index
      %get3A_729 = arith.constant 1008 : index
      %get3A_730 = tpu.vector_load %arg5[%get3A_728, %get3A_729] {strides = array<i32>} : memref<32x1024xf32, #tpu.memory_space<vmem>>, vector<1x16xf32>,
      %get3A_731 = vector.shape_cast %get3A_730 : vector<1x16xf32> to vector<16xf32>
      %swap3A_732 = arith.index_cast %scan3A_162 : i32 to index
      %swap3A_733 = arith.constant 1008 : index
      %swap3A_734 = tpu.vector_load %arg6[%swap3A_732, %swap3A_733] {strides = array<i32>} : memref<32x1024xf32, #tpu.memory_space<vmem>>, vector<1x16xf32>,
      %swap3A_735 = vector.shape_cast %swap3A_734 : vector<1x16xf32> to vector<16xf32>
      %swap3A_736 = vector.shape_cast %get3A_731 : vector<16xf32> to vector<1x16xf32>
      tpu.vector_store %arg6[%swap3A_732, %swap3A_733], %swap3A_736 {add = true, strides = array<i32>} : memref<32x1024xf32, #tpu.memory_space<vmem>>, vector<1x16xf32>,
    }
    %scan3A_102 = arith.constant 32 : i32
    %dma_start3A_103 = arith.constant 2 : i32
    %dma_start3A_104 = arith.constant 0 : i32
    %dma_start3A_105 = tpu.memref_slice %arg4[%dma_start3A_103, %mul3A_2, %dma_start3A_104] : memref<4x1024x1024xf32, #tpu.memory_space<hbm>> -> memref<1x32x1024xf32, #tpu.memory_space<hbm>>
    %dma_start3A_106 = tpu.memref_squeeze %dma_start3A_105 : memref<1x32x1024xf32, #tpu.memory_space<hbm>> -> memref<32x1024xf32, #tpu.memory_space<hbm>>
    %dma_start3A_107 = arith.constant 0 : i32
    %dma_start3A_108 = tpu.memref_slice %arg4[%dma_start3A_103, %mul3A_2, %dma_start3A_107] : memref<4x1024x1024xf32, #tpu.memory_space<hbm>> -> memref<1x32x1024xf32, #tpu.memory_space<hbm>>
    %dma_start3A_109 = tpu.memref_squeeze %dma_start3A_108 : memref<1x32x1024xf32, #tpu.memory_space<hbm>> -> memref<32x1024xf32, #tpu.memory_space<hbm>>
    tpu.enqueue_dma source(%arg6 : memref<32x1024xf32, #tpu.memory_space<vmem>>) target(%dma_start3A_109 : memref<32x1024xf32, #tpu.memory_space<hbm>>) target_semaphore(%arg11 : memref<!tpu.dma_semaphore, #tpu.memory_space<semaphore_mem>>)
    %dma_wait3A_110 = arith.constant 1 : i32
    %dma_wait3A_111 = arith.constant 0 : i32
    %dma_wait3A_112 = tpu.memref_slice %arg4[%dma_wait3A_110, %mul3A_2, %dma_wait3A_111] : memref<4x1024x1024xf32, #tpu.memory_space<hbm>> -> memref<1x32x1024xf32, #tpu.memory_space<hbm>>
    %dma_wait3A_113 = tpu.memref_squeeze %dma_wait3A_112 : memref<1x32x1024xf32, #tpu.memory_space<hbm>> -> memref<32x1024xf32, #tpu.memory_space<hbm>>
    %dma_wait3A_114 = arith.constant 0 : i32
    %dma_wait3A_115 = tpu.memref_slice %arg4[%dma_wait3A_110, %mul3A_2, %dma_wait3A_114] : memref<4x1024x1024xf32, #tpu.memory_space<hbm>> -> memref<1x32x1024xf32, #tpu.memory_space<hbm>>
    %dma_wait3A_116 = tpu.memref_squeeze %dma_wait3A_115 : memref<1x32x1024xf32, #tpu.memory_space<hbm>> -> memref<32x1024xf32, #tpu.memory_space<hbm>>
    tpu.wait_dma2 semaphore(%arg12 : memref<!tpu.dma_semaphore, #tpu.memory_space<semaphore_mem>>) src(%arg7 : memref<32x1024xf32, #tpu.memory_space<vmem>>) dst(%dma_wait3A_116 : memref<32x1024xf32, #tpu.memory_space<hbm>>)
    %add3A_117 = arith.constant 7168 : i32
    %add3A_118 = arith.addi %add3A_117, %mul3A_2 : i32
    %dma_start3A_119 = arith.constant 3 : i32
    %dma_start3A_120 = arith.constant 0 : i32
    %dma_start3A_121 = tpu.memref_slice %arg2[%dma_start3A_119, %add3A_118, %dma_start3A_120] : memref<4x8192x1024xf32, #tpu.memory_space<hbm>> -> memref<1x32x1024xf32, #tpu.memory_space<hbm>>
    %dma_start3A_122 = tpu.memref_squeeze %dma_start3A_121 : memref<1x32x1024xf32, #tpu.memory_space<hbm>> -> memref<32x1024xf32, #tpu.memory_space<hbm>>
    %dma_start3A_123 = arith.constant 0 : i32
    %dma_start3A_124 = tpu.memref_slice %arg2[%dma_start3A_119, %add3A_118, %dma_start3A_123] : memref<4x8192x1024xf32, #tpu.memory_space<hbm>> -> memref<1x32x1024xf32, #tpu.memory_space<hbm>>
    %dma_start3A_125 = tpu.memref_squeeze %dma_start3A_124 : memref<1x32x1024xf32, #tpu.memory_space<hbm>> -> memref<32x1024xf32, #tpu.memory_space<hbm>>
    tpu.enqueue_dma source(%dma_start3A_125 : memref<32x1024xf32, #tpu.memory_space<hbm>>) target(%arg7 : memref<32x1024xf32, #tpu.memory_space<vmem>>) target_semaphore(%arg10 : memref<!tpu.dma_semaphore, #tpu.memory_space<semaphore_mem>>)
    %add3A_126 = arith.constant 7168 : i32
    %add3A_127 = arith.addi %add3A_126, %mul3A_2 : i32
    %dma_wait3A_128 = arith.constant 3 : i32
    %dma_wait3A_129 = arith.constant 0 : i32
    %dma_wait3A_130 = tpu.memref_slice %arg2[%dma_wait3A_128, %add3A_127, %dma_wait3A_129] : memref<4x8192x1024xf32, #tpu.memory_space<hbm>> -> memref<1x32x1024xf32, #tpu.memory_space<hbm>>
    %dma_wait3A_131 = tpu.memref_squeeze %dma_wait3A_130 : memref<1x32x1024xf32, #tpu.memory_space<hbm>> -> memref<32x1024xf32, #tpu.memory_space<hbm>>
    %dma_wait3A_132 = arith.constant 0 : i32
    %dma_wait3A_133 = tpu.memref_slice %arg2[%dma_wait3A_128, %add3A_127, %dma_wait3A_132] : memref<4x8192x1024xf32, #tpu.memory_space<hbm>> -> memref<1x32x1024xf32, #tpu.memory_space<hbm>>
    %dma_wait3A_134 = tpu.memref_squeeze %dma_wait3A_133 : memref<1x32x1024xf32, #tpu.memory_space<hbm>> -> memref<32x1024xf32, #tpu.memory_space<hbm>>
    tpu.wait_dma2 semaphore(%arg10 : memref<!tpu.dma_semaphore, #tpu.memory_space<semaphore_mem>>) src(%dma_wait3A_134 : memref<32x1024xf32, #tpu.memory_space<hbm>>) dst(%arg7 : memref<32x1024xf32, #tpu.memory_space<vmem>>)
    %scan3A_135 = arith.constant 0 : i32
    %scan3A_136 = arith.constant 0 : i32
    %scan3A_137 = arith.constant 32 : i32
    %scan3A_138 = arith.addi %scan3A_136, %scan3A_137 : i32
    %scan3A_139 = arith.constant 1 : i32
    scf.for %scan3A_162 = %scan3A_136 to %scan3A_138 step %scan3A_139  : i32 {
      %get3A = arith.index_cast %scan3A_162 : i32 to index
      %get3A_163 = arith.constant 0 : index
      %get3A_164 = tpu.vector_load %arg5[%get3A, %get3A_163] {strides = array<i32>} : memref<32x1024xf32, #tpu.memory_space<vmem>>, vector<1x16xf32>,
      %get3A_165 = vector.shape_cast %get3A_164 : vector<1x16xf32> to vector<16xf32>
      %swap3A = arith.index_cast %scan3A_162 : i32 to index
      %swap3A_166 = arith.constant 0 : index
      %swap3A_167 = tpu.vector_load %arg7[%swap3A, %swap3A_166] {strides = array<i32>} : memref<32x1024xf32, #tpu.memory_space<vmem>>, vector<1x16xf32>,
      %swap3A_168 = vector.shape_cast %swap3A_167 : vector<1x16xf32> to vector<16xf32>
      %swap3A_169 = vector.shape_cast %get3A_165 : vector<16xf32> to vector<1x16xf32>
      tpu.vector_store %arg7[%swap3A, %swap3A_166], %swap3A_169 {add = true, strides = array<i32>} : memref<32x1024xf32, #tpu.memory_space<vmem>>, vector<1x16xf32>,
      %get3A_170 = arith.index_cast %scan3A_162 : i32 to index
      %get3A_171 = arith.constant 16 : index
      %get3A_172 = tpu.vector_load %arg5[%get3A_170, %get3A_171] {strides = array<i32>} : memref<32x1024xf32, #tpu.memory_space<vmem>>, vector<1x16xf32>,
      %get3A_173 = vector.shape_cast %get3A_172 : vector<1x16xf32> to vector<16xf32>
      %swap3A_174 = arith.index_cast %scan3A_162 : i32 to index
      %swap3A_175 = arith.constant 16 : index
      %swap3A_176 = tpu.vector_load %arg7[%swap3A_174, %swap3A_175] {strides = array<i32>} : memref<32x1024xf32, #tpu.memory_space<vmem>>, vector<1x16xf32>,
      %swap3A_177 = vector.shape_cast %swap3A_176 : vector<1x16xf32> to vector<16xf32>
      %swap3A_178 = vector.shape_cast %get3A_173 : vector<16xf32> to vector<1x16xf32>
      tpu.vector_store %arg7[%swap3A_174, %swap3A_175], %swap3A_178 {add = true, strides = array<i32>} : memref<32x1024xf32, #tpu.memory_space<vmem>>, vector<1x16xf32>,
      %get3A_179 = arith.index_cast %scan3A_162 : i32 to index
      %get3A_180 = arith.constant 32 : index
      %get3A_181 = tpu.vector_load %arg5[%get3A_179, %get3A_180] {strides = array<i32>} : memref<32x1024xf32, #tpu.memory_space<vmem>>, vector<1x16xf32>,
      %get3A_182 = vector.shape_cast %get3A_181 : vector<1x16xf32> to vector<16xf32>
      %swap3A_183 = arith.index_cast %scan3A_162 : i32 to index
      %swap3A_184 = arith.constant 32 : index
      %swap3A_185 = tpu.vector_load %arg7[%swap3A_183, %swap3A_184] {strides = array<i32>} : memref<32x1024xf32, #tpu.memory_space<vmem>>, vector<1x16xf32>,
      %swap3A_186 = vector.shape_cast %swap3A_185 : vector<1x16xf32> to vector<16xf32>
      %swap3A_187 = vector.shape_cast %get3A_182 : vector<16xf32> to vector<1x16xf32>
      tpu.vector_store %arg7[%swap3A_183, %swap3A_184], %swap3A_187 {add = true, strides = array<i32>} : memref<32x1024xf32, #tpu.memory_space<vmem>>, vector<1x16xf32>,
      %get3A_188 = arith.index_cast %scan3A_162 : i32 to index
      %get3A_189 = arith.constant 48 : index
      %get3A_190 = tpu.vector_load %arg5[%get3A_188, %get3A_189] {strides = array<i32>} : memref<32x1024xf32, #tpu.memory_space<vmem>>, vector<1x16xf32>,
      %get3A_191 = vector.shape_cast %get3A_190 : vector<1x16xf32> to vector<16xf32>
      %swap3A_192 = arith.index_cast %scan3A_162 : i32 to index
      %swap3A_193 = arith.constant 48 : index
      %swap3A_194 = tpu.vector_load %arg7[%swap3A_192, %swap3A_193] {strides = array<i32>} : memref<32x1024xf32, #tpu.memory_space<vmem>>, vector<1x16xf32>,
      %swap3A_195 = vector.shape_cast %swap3A_194 : vector<1x16xf32> to vector<16xf32>
      %swap3A_196 = vector.shape_cast %get3A_191 : vector<16xf32> to vector<1x16xf32>
      tpu.vector_store %arg7[%swap3A_192, %swap3A_193], %swap3A_196 {add = true, strides = array<i32>} : memref<32x1024xf32, #tpu.memory_space<vmem>>, vector<1x16xf32>,
      %get3A_197 = arith.index_cast %scan3A_162 : i32 to index
      %get3A_198 = arith.constant 64 : index
      %get3A_199 = tpu.vector_load %arg5[%get3A_197, %get3A_198] {strides = array<i32>} : memref<32x1024xf32, #tpu.memory_space<vmem>>, vector<1x16xf32>,
      %get3A_200 = vector.shape_cast %get3A_199 : vector<1x16xf32> to vector<16xf32>
      %swap3A_201 = arith.index_cast %scan3A_162 : i32 to index
      %swap3A_202 = arith.constant 64 : index
      %swap3A_203 = tpu.vector_load %arg7[%swap3A_201, %swap3A_202] {strides = array<i32>} : memref<32x1024xf32, #tpu.memory_space<vmem>>, vector<1x16xf32>,
      %swap3A_204 = vector.shape_cast %swap3A_203 : vector<1x16xf32> to vector<16xf32>
      %swap3A_205 = vector.shape_cast %get3A_200 : vector<16xf32> to vector<1x16xf32>
      tpu.vector_store %arg7[%swap3A_201, %swap3A_202], %swap3A_205 {add = true, strides = array<i32>} : memref<32x1024xf32, #tpu.memory_space<vmem>>, vector<1x16xf32>,
      %get3A_206 = arith.index_cast %scan3A_162 : i32 to index
      %get3A_207 = arith.constant 80 : index
      %get3A_208 = tpu.vector_load %arg5[%get3A_206, %get3A_207] {strides = array<i32>} : memref<32x1024xf32, #tpu.memory_space<vmem>>, vector<1x16xf32>,
      %get3A_209 = vector.shape_cast %get3A_208 : vector<1x16xf32> to vector<16xf32>
      %swap3A_210 = arith.index_cast %scan3A_162 : i32 to index
      %swap3A_211 = arith.constant 80 : index
      %swap3A_212 = tpu.vector_load %arg7[%swap3A_210, %swap3A_211] {strides = array<i32>} : memref<32x1024xf32, #tpu.memory_space<vmem>>, vector<1x16xf32>,
      %swap3A_213 = vector.shape_cast %swap3A_212 : vector<1x16xf32> to vector<16xf32>
      %swap3A_214 = vector.shape_cast %get3A_209 : vector<16xf32> to vector<1x16xf32>
      tpu.vector_store %arg7[%swap3A_210, %swap3A_211], %swap3A_214 {add = true, strides = array<i32>} : memref<32x1024xf32, #tpu.memory_space<vmem>>, vector<1x16xf32>,
      %get3A_215 = arith.index_cast %scan3A_162 : i32 to index
      %get3A_216 = arith.constant 96 : index
      %get3A_217 = tpu.vector_load %arg5[%get3A_215, %get3A_216] {strides = array<i32>} : memref<32x1024xf32, #tpu.memory_space<vmem>>, vector<1x16xf32>,
      %get3A_218 = vector.shape_cast %get3A_217 : vector<1x16xf32> to vector<16xf32>
      %swap3A_219 = arith.index_cast %scan3A_162 : i32 to index
      %swap3A_220 = arith.constant 96 : index
      %swap3A_221 = tpu.vector_load %arg7[%swap3A_219, %swap3A_220] {strides = array<i32>} : memref<32x1024xf32, #tpu.memory_space<vmem>>, vector<1x16xf32>,
      %swap3A_222 = vector.shape_cast %swap3A_221 : vector<1x16xf32> to vector<16xf32>
      %swap3A_223 = vector.shape_cast %get3A_218 : vector<16xf32> to vector<1x16xf32>
      tpu.vector_store %arg7[%swap3A_219, %swap3A_220], %swap3A_223 {add = true, strides = array<i32>} : memref<32x1024xf32, #tpu.memory_space<vmem>>, vector<1x16xf32>,
      %get3A_224 = arith.index_cast %scan3A_162 : i32 to index
      %get3A_225 = arith.constant 112 : index
      %get3A_226 = tpu.vector_load %arg5[%get3A_224, %get3A_225] {strides = array<i32>} : memref<32x1024xf32, #tpu.memory_space<vmem>>, vector<1x16xf32>,
      %get3A_227 = vector.shape_cast %get3A_226 : vector<1x16xf32> to vector<16xf32>
      %swap3A_228 = arith.index_cast %scan3A_162 : i32 to index
      %swap3A_229 = arith.constant 112 : index
      %swap3A_230 = tpu.vector_load %arg7[%swap3A_228, %swap3A_229] {strides = array<i32>} : memref<32x1024xf32, #tpu.memory_space<vmem>>, vector<1x16xf32>,
      %swap3A_231 = vector.shape_cast %swap3A_230 : vector<1x16xf32> to vector<16xf32>
      %swap3A_232 = vector.shape_cast %get3A_227 : vector<16xf32> to vector<1x16xf32>
      tpu.vector_store %arg7[%swap3A_228, %swap3A_229], %swap3A_232 {add = true, strides = array<i32>} : memref<32x1024xf32, #tpu.memory_space<vmem>>, vector<1x16xf32>,
      %get3A_233 = arith.index_cast %scan3A_162 : i32 to index
      %get3A_234 = arith.constant 128 : index
      %get3A_235 = tpu.vector_load %arg5[%get3A_233, %get3A_234] {strides = array<i32>} : memref<32x1024xf32, #tpu.memory_space<vmem>>, vector<1x16xf32>,
      %get3A_236 = vector.shape_cast %get3A_235 : vector<1x16xf32> to vector<16xf32>
      %swap3A_237 = arith.index_cast %scan3A_162 : i32 to index
      %swap3A_238 = arith.constant 128 : index
      %swap3A_239 = tpu.vector_load %arg7[%swap3A_237, %swap3A_238] {strides = array<i32>} : memref<32x1024xf32, #tpu.memory_space<vmem>>, vector<1x16xf32>,
      %swap3A_240 = vector.shape_cast %swap3A_239 : vector<1x16xf32> to vector<16xf32>
      %swap3A_241 = vector.shape_cast %get3A_236 : vector<16xf32> to vector<1x16xf32>
      tpu.vector_store %arg7[%swap3A_237, %swap3A_238], %swap3A_241 {add = true, strides = array<i32>} : memref<32x1024xf32, #tpu.memory_space<vmem>>, vector<1x16xf32>,
      %get3A_242 = arith.index_cast %scan3A_162 : i32 to index
      %get3A_243 = arith.constant 144 : index
      %get3A_244 = tpu.vector_load %arg5[%get3A_242, %get3A_243] {strides = array<i32>} : memref<32x1024xf32, #tpu.memory_space<vmem>>, vector<1x16xf32>,
      %get3A_245 = vector.shape_cast %get3A_244 : vector<1x16xf32> to vector<16xf32>
      %swap3A_246 = arith.index_cast %scan3A_162 : i32 to index
      %swap3A_247 = arith.constant 144 : index
      %swap3A_248 = tpu.vector_load %arg7[%swap3A_246, %swap3A_247] {strides = array<i32>} : memref<32x1024xf32, #tpu.memory_space<vmem>>, vector<1x16xf32>,
      %swap3A_249 = vector.shape_cast %swap3A_248 : vector<1x16xf32> to vector<16xf32>
      %swap3A_250 = vector.shape_cast %get3A_245 : vector<16xf32> to vector<1x16xf32>
      tpu.vector_store %arg7[%swap3A_246, %swap3A_247], %swap3A_250 {add = true, strides = array<i32>} : memref<32x1024xf32, #tpu.memory_space<vmem>>, vector<1x16xf32>,
      %get3A_251 = arith.index_cast %scan3A_162 : i32 to index
      %get3A_252 = arith.constant 160 : index
      %get3A_253 = tpu.vector_load %arg5[%get3A_251, %get3A_252] {strides = array<i32>} : memref<32x1024xf32, #tpu.memory_space<vmem>>, vector<1x16xf32>,
      %get3A_254 = vector.shape_cast %get3A_253 : vector<1x16xf32> to vector<16xf32>
      %swap3A_255 = arith.index_cast %scan3A_162 : i32 to index
      %swap3A_256 = arith.constant 160 : index
      %swap3A_257 = tpu.vector_load %arg7[%swap3A_255, %swap3A_256] {strides = array<i32>} : memref<32x1024xf32, #tpu.memory_space<vmem>>, vector<1x16xf32>,
      %swap3A_258 = vector.shape_cast %swap3A_257 : vector<1x16xf32> to vector<16xf32>
      %swap3A_259 = vector.shape_cast %get3A_254 : vector<16xf32> to vector<1x16xf32>
      tpu.vector_store %arg7[%swap3A_255, %swap3A_256], %swap3A_259 {add = true, strides = array<i32>} : memref<32x1024xf32, #tpu.memory_space<vmem>>, vector<1x16xf32>,
      %get3A_260 = arith.index_cast %scan3A_162 : i32 to index
      %get3A_261 = arith.constant 176 : index
      %get3A_262 = tpu.vector_load %arg5[%get3A_260, %get3A_261] {strides = array<i32>} : memref<32x1024xf32, #tpu.memory_space<vmem>>, vector<1x16xf32>,
      %get3A_263 = vector.shape_cast %get3A_262 : vector<1x16xf32> to vector<16xf32>
      %swap3A_264 = arith.index_cast %scan3A_162 : i32 to index
      %swap3A_265 = arith.constant 176 : index
      %swap3A_266 = tpu.vector_load %arg7[%swap3A_264, %swap3A_265] {strides = array<i32>} : memref<32x1024xf32, #tpu.memory_space<vmem>>, vector<1x16xf32>,
      %swap3A_267 = vector.shape_cast %swap3A_266 : vector<1x16xf32> to vector<16xf32>
      %swap3A_268 = vector.shape_cast %get3A_263 : vector<16xf32> to vector<1x16xf32>
      tpu.vector_store %arg7[%swap3A_264, %swap3A_265], %swap3A_268 {add = true, strides = array<i32>} : memref<32x1024xf32, #tpu.memory_space<vmem>>, vector<1x16xf32>,
      %get3A_269 = arith.index_cast %scan3A_162 : i32 to index
      %get3A_270 = arith.constant 192 : index
      %get3A_271 = tpu.vector_load %arg5[%get3A_269, %get3A_270] {strides = array<i32>} : memref<32x1024xf32, #tpu.memory_space<vmem>>, vector<1x16xf32>,
      %get3A_272 = vector.shape_cast %get3A_271 : vector<1x16xf32> to vector<16xf32>
      %swap3A_273 = arith.index_cast %scan3A_162 : i32 to index
      %swap3A_274 = arith.constant 192 : index
      %swap3A_275 = tpu.vector_load %arg7[%swap3A_273, %swap3A_274] {strides = array<i32>} : memref<32x1024xf32, #tpu.memory_space<vmem>>, vector<1x16xf32>,
      %swap3A_276 = vector.shape_cast %swap3A_275 : vector<1x16xf32> to vector<16xf32>
      %swap3A_277 = vector.shape_cast %get3A_272 : vector<16xf32> to vector<1x16xf32>
      tpu.vector_store %arg7[%swap3A_273, %swap3A_274], %swap3A_277 {add = true, strides = array<i32>} : memref<32x1024xf32, #tpu.memory_space<vmem>>, vector<1x16xf32>,
      %get3A_278 = arith.index_cast %scan3A_162 : i32 to index
      %get3A_279 = arith.constant 208 : index
      %get3A_280 = tpu.vector_load %arg5[%get3A_278, %get3A_279] {strides = array<i32>} : memref<32x1024xf32, #tpu.memory_space<vmem>>, vector<1x16xf32>,
      %get3A_281 = vector.shape_cast %get3A_280 : vector<1x16xf32> to vector<16xf32>
      %swap3A_282 = arith.index_cast %scan3A_162 : i32 to index
      %swap3A_283 = arith.constant 208 : index
      %swap3A_284 = tpu.vector_load %arg7[%swap3A_282, %swap3A_283] {strides = array<i32>} : memref<32x1024xf32, #tpu.memory_space<vmem>>, vector<1x16xf32>,
      %swap3A_285 = vector.shape_cast %swap3A_284 : vector<1x16xf32> to vector<16xf32>
      %swap3A_286 = vector.shape_cast %get3A_281 : vector<16xf32> to vector<1x16xf32>
      tpu.vector_store %arg7[%swap3A_282, %swap3A_283], %swap3A_286 {add = true, strides = array<i32>} : memref<32x1024xf32, #tpu.memory_space<vmem>>, vector<1x16xf32>,
      %get3A_287 = arith.index_cast %scan3A_162 : i32 to index
      %get3A_288 = arith.constant 224 : index
      %get3A_289 = tpu.vector_load %arg5[%get3A_287, %get3A_288] {strides = array<i32>} : memref<32x1024xf32, #tpu.memory_space<vmem>>, vector<1x16xf32>,
      %get3A_290 = vector.shape_cast %get3A_289 : vector<1x16xf32> to vector<16xf32>
      %swap3A_291 = arith.index_cast %scan3A_162 : i32 to index
      %swap3A_292 = arith.constant 224 : index
      %swap3A_293 = tpu.vector_load %arg7[%swap3A_291, %swap3A_292] {strides = array<i32>} : memref<32x1024xf32, #tpu.memory_space<vmem>>, vector<1x16xf32>,
      %swap3A_294 = vector.shape_cast %swap3A_293 : vector<1x16xf32> to vector<16xf32>
      %swap3A_295 = vector.shape_cast %get3A_290 : vector<16xf32> to vector<1x16xf32>
      tpu.vector_store %arg7[%swap3A_291, %swap3A_292], %swap3A_295 {add = true, strides = array<i32>} : memref<32x1024xf32, #tpu.memory_space<vmem>>, vector<1x16xf32>,
      %get3A_296 = arith.index_cast %scan3A_162 : i32 to index
      %get3A_297 = arith.constant 240 : index
      %get3A_298 = tpu.vector_load %arg5[%get3A_296, %get3A_297] {strides = array<i32>} : memref<32x1024xf32, #tpu.memory_space<vmem>>, vector<1x16xf32>,
      %get3A_299 = vector.shape_cast %get3A_298 : vector<1x16xf32> to vector<16xf32>
      %swap3A_300 = arith.index_cast %scan3A_162 : i32 to index
      %swap3A_301 = arith.constant 240 : index
      %swap3A_302 = tpu.vector_load %arg7[%swap3A_300, %swap3A_301] {strides = array<i32>} : memref<32x1024xf32, #tpu.memory_space<vmem>>, vector<1x16xf32>,
      %swap3A_303 = vector.shape_cast %swap3A_302 : vector<1x16xf32> to vector<16xf32>
      %swap3A_304 = vector.shape_cast %get3A_299 : vector<16xf32> to vector<1x16xf32>
      tpu.vector_store %arg7[%swap3A_300, %swap3A_301], %swap3A_304 {add = true, strides = array<i32>} : memref<32x1024xf32, #tpu.memory_space<vmem>>, vector<1x16xf32>,
      %get3A_305 = arith.index_cast %scan3A_162 : i32 to index
      %get3A_306 = arith.constant 256 : index
      %get3A_307 = tpu.vector_load %arg5[%get3A_305, %get3A_306] {strides = array<i32>} : memref<32x1024xf32, #tpu.memory_space<vmem>>, vector<1x16xf32>,
      %get3A_308 = vector.shape_cast %get3A_307 : vector<1x16xf32> to vector<16xf32>
      %swap3A_309 = arith.index_cast %scan3A_162 : i32 to index
      %swap3A_310 = arith.constant 256 : index
      %swap3A_311 = tpu.vector_load %arg7[%swap3A_309, %swap3A_310] {strides = array<i32>} : memref<32x1024xf32, #tpu.memory_space<vmem>>, vector<1x16xf32>,
      %swap3A_312 = vector.shape_cast %swap3A_311 : vector<1x16xf32> to vector<16xf32>
      %swap3A_313 = vector.shape_cast %get3A_308 : vector<16xf32> to vector<1x16xf32>
      tpu.vector_store %arg7[%swap3A_309, %swap3A_310], %swap3A_313 {add = true, strides = array<i32>} : memref<32x1024xf32, #tpu.memory_space<vmem>>, vector<1x16xf32>,
      %get3A_314 = arith.index_cast %scan3A_162 : i32 to index
      %get3A_315 = arith.constant 272 : index
      %get3A_316 = tpu.vector_load %arg5[%get3A_314, %get3A_315] {strides = array<i32>} : memref<32x1024xf32, #tpu.memory_space<vmem>>, vector<1x16xf32>,
      %get3A_317 = vector.shape_cast %get3A_316 : vector<1x16xf32> to vector<16xf32>
      %swap3A_318 = arith.index_cast %scan3A_162 : i32 to index
      %swap3A_319 = arith.constant 272 : index
      %swap3A_320 = tpu.vector_load %arg7[%swap3A_318, %swap3A_319] {strides = array<i32>} : memref<32x1024xf32, #tpu.memory_space<vmem>>, vector<1x16xf32>,
      %swap3A_321 = vector.shape_cast %swap3A_320 : vector<1x16xf32> to vector<16xf32>
      %swap3A_322 = vector.shape_cast %get3A_317 : vector<16xf32> to vector<1x16xf32>
      tpu.vector_store %arg7[%swap3A_318, %swap3A_319], %swap3A_322 {add = true, strides = array<i32>} : memref<32x1024xf32, #tpu.memory_space<vmem>>, vector<1x16xf32>,
      %get3A_323 = arith.index_cast %scan3A_162 : i32 to index
      %get3A_324 = arith.constant 288 : index
      %get3A_325 = tpu.vector_load %arg5[%get3A_323, %get3A_324] {strides = array<i32>} : memref<32x1024xf32, #tpu.memory_space<vmem>>, vector<1x16xf32>,
      %get3A_326 = vector.shape_cast %get3A_325 : vector<1x16xf32> to vector<16xf32>
      %swap3A_327 = arith.index_cast %scan3A_162 : i32 to index
      %swap3A_328 = arith.constant 288 : index
      %swap3A_329 = tpu.vector_load %arg7[%swap3A_327, %swap3A_328] {strides = array<i32>} : memref<32x1024xf32, #tpu.memory_space<vmem>>, vector<1x16xf32>,
      %swap3A_330 = vector.shape_cast %swap3A_329 : vector<1x16xf32> to vector<16xf32>
      %swap3A_331 = vector.shape_cast %get3A_326 : vector<16xf32> to vector<1x16xf32>
      tpu.vector_store %arg7[%swap3A_327, %swap3A_328], %swap3A_331 {add = true, strides = array<i32>} : memref<32x1024xf32, #tpu.memory_space<vmem>>, vector<1x16xf32>,
      %get3A_332 = arith.index_cast %scan3A_162 : i32 to index
      %get3A_333 = arith.constant 304 : index
      %get3A_334 = tpu.vector_load %arg5[%get3A_332, %get3A_333] {strides = array<i32>} : memref<32x1024xf32, #tpu.memory_space<vmem>>, vector<1x16xf32>,
      %get3A_335 = vector.shape_cast %get3A_334 : vector<1x16xf32> to vector<16xf32>
      %swap3A_336 = arith.index_cast %scan3A_162 : i32 to index
      %swap3A_337 = arith.constant 304 : index
      %swap3A_338 = tpu.vector_load %arg7[%swap3A_336, %swap3A_337] {strides = array<i32>} : memref<32x1024xf32, #tpu.memory_space<vmem>>, vector<1x16xf32>,
      %swap3A_339 = vector.shape_cast %swap3A_338 : vector<1x16xf32> to vector<16xf32>
      %swap3A_340 = vector.shape_cast %get3A_335 : vector<16xf32> to vector<1x16xf32>
      tpu.vector_store %arg7[%swap3A_336, %swap3A_337], %swap3A_340 {add = true, strides = array<i32>} : memref<32x1024xf32, #tpu.memory_space<vmem>>, vector<1x16xf32>,
      %get3A_341 = arith.index_cast %scan3A_162 : i32 to index
      %get3A_342 = arith.constant 320 : index
      %get3A_343 = tpu.vector_load %arg5[%get3A_341, %get3A_342] {strides = array<i32>} : memref<32x1024xf32, #tpu.memory_space<vmem>>, vector<1x16xf32>,
      %get3A_344 = vector.shape_cast %get3A_343 : vector<1x16xf32> to vector<16xf32>
      %swap3A_345 = arith.index_cast %scan3A_162 : i32 to index
      %swap3A_346 = arith.constant 320 : index
      %swap3A_347 = tpu.vector_load %arg7[%swap3A_345, %swap3A_346] {strides = array<i32>} : memref<32x1024xf32, #tpu.memory_space<vmem>>, vector<1x16xf32>,
      %swap3A_348 = vector.shape_cast %swap3A_347 : vector<1x16xf32> to vector<16xf32>
      %swap3A_349 = vector.shape_cast %get3A_344 : vector<16xf32> to vector<1x16xf32>
      tpu.vector_store %arg7[%swap3A_345, %swap3A_346], %swap3A_349 {add = true, strides = array<i32>} : memref<32x1024xf32, #tpu.memory_space<vmem>>, vector<1x16xf32>,
      %get3A_350 = arith.index_cast %scan3A_162 : i32 to index
      %get3A_351 = arith.constant 336 : index
      %get3A_352 = tpu.vector_load %arg5[%get3A_350, %get3A_351] {strides = array<i32>} : memref<32x1024xf32, #tpu.memory_space<vmem>>, vector<1x16xf32>,
      %get3A_353 = vector.shape_cast %get3A_352 : vector<1x16xf32> to vector<16xf32>
      %swap3A_354 = arith.index_cast %scan3A_162 : i32 to index
      %swap3A_355 = arith.constant 336 : index
      %swap3A_356 = tpu.vector_load %arg7[%swap3A_354, %swap3A_355] {strides = array<i32>} : memref<32x1024xf32, #tpu.memory_space<vmem>>, vector<1x16xf32>,
      %swap3A_357 = vector.shape_cast %swap3A_356 : vector<1x16xf32> to vector<16xf32>
      %swap3A_358 = vector.shape_cast %get3A_353 : vector<16xf32> to vector<1x16xf32>
      tpu.vector_store %arg7[%swap3A_354, %swap3A_355], %swap3A_358 {add = true, strides = array<i32>} : memref<32x1024xf32, #tpu.memory_space<vmem>>, vector<1x16xf32>,
      %get3A_359 = arith.index_cast %scan3A_162 : i32 to index
      %get3A_360 = arith.constant 352 : index
      %get3A_361 = tpu.vector_load %arg5[%get3A_359, %get3A_360] {strides = array<i32>} : memref<32x1024xf32, #tpu.memory_space<vmem>>, vector<1x16xf32>,
      %get3A_362 = vector.shape_cast %get3A_361 : vector<1x16xf32> to vector<16xf32>
      %swap3A_363 = arith.index_cast %scan3A_162 : i32 to index
      %swap3A_364 = arith.constant 352 : index
      %swap3A_365 = tpu.vector_load %arg7[%swap3A_363, %swap3A_364] {strides = array<i32>} : memref<32x1024xf32, #tpu.memory_space<vmem>>, vector<1x16xf32>,
      %swap3A_366 = vector.shape_cast %swap3A_365 : vector<1x16xf32> to vector<16xf32>
      %swap3A_367 = vector.shape_cast %get3A_362 : vector<16xf32> to vector<1x16xf32>
      tpu.vector_store %arg7[%swap3A_363, %swap3A_364], %swap3A_367 {add = true, strides = array<i32>} : memref<32x1024xf32, #tpu.memory_space<vmem>>, vector<1x16xf32>,
      %get3A_368 = arith.index_cast %scan3A_162 : i32 to index
      %get3A_369 = arith.constant 368 : index
      %get3A_370 = tpu.vector_load %arg5[%get3A_368, %get3A_369] {strides = array<i32>} : memref<32x1024xf32, #tpu.memory_space<vmem>>, vector<1x16xf32>,
      %get3A_371 = vector.shape_cast %get3A_370 : vector<1x16xf32> to vector<16xf32>
      %swap3A_372 = arith.index_cast %scan3A_162 : i32 to index
      %swap3A_373 = arith.constant 368 : index
      %swap3A_374 = tpu.vector_load %arg7[%swap3A_372, %swap3A_373] {strides = array<i32>} : memref<32x1024xf32, #tpu.memory_space<vmem>>, vector<1x16xf32>,
      %swap3A_375 = vector.shape_cast %swap3A_374 : vector<1x16xf32> to vector<16xf32>
      %swap3A_376 = vector.shape_cast %get3A_371 : vector<16xf32> to vector<1x16xf32>
      tpu.vector_store %arg7[%swap3A_372, %swap3A_373], %swap3A_376 {add = true, strides = array<i32>} : memref<32x1024xf32, #tpu.memory_space<vmem>>, vector<1x16xf32>,
      %get3A_377 = arith.index_cast %scan3A_162 : i32 to index
      %get3A_378 = arith.constant 384 : index
      %get3A_379 = tpu.vector_load %arg5[%get3A_377, %get3A_378] {strides = array<i32>} : memref<32x1024xf32, #tpu.memory_space<vmem>>, vector<1x16xf32>,
      %get3A_380 = vector.shape_cast %get3A_379 : vector<1x16xf32> to vector<16xf32>
      %swap3A_381 = arith.index_cast %scan3A_162 : i32 to index
      %swap3A_382 = arith.constant 384 : index
      %swap3A_383 = tpu.vector_load %arg7[%swap3A_381, %swap3A_382] {strides = array<i32>} : memref<32x1024xf32, #tpu.memory_space<vmem>>, vector<1x16xf32>,
      %swap3A_384 = vector.shape_cast %swap3A_383 : vector<1x16xf32> to vector<16xf32>
      %swap3A_385 = vector.shape_cast %get3A_380 : vector<16xf32> to vector<1x16xf32>
      tpu.vector_store %arg7[%swap3A_381, %swap3A_382], %swap3A_385 {add = true, strides = array<i32>} : memref<32x1024xf32, #tpu.memory_space<vmem>>, vector<1x16xf32>,
      %get3A_386 = arith.index_cast %scan3A_162 : i32 to index
      %get3A_387 = arith.constant 400 : index
      %get3A_388 = tpu.vector_load %arg5[%get3A_386, %get3A_387] {strides = array<i32>} : memref<32x1024xf32, #tpu.memory_space<vmem>>, vector<1x16xf32>,
      %get3A_389 = vector.shape_cast %get3A_388 : vector<1x16xf32> to vector<16xf32>
      %swap3A_390 = arith.index_cast %scan3A_162 : i32 to index
      %swap3A_391 = arith.constant 400 : index
      %swap3A_392 = tpu.vector_load %arg7[%swap3A_390, %swap3A_391] {strides = array<i32>} : memref<32x1024xf32, #tpu.memory_space<vmem>>, vector<1x16xf32>,
      %swap3A_393 = vector.shape_cast %swap3A_392 : vector<1x16xf32> to vector<16xf32>
      %swap3A_394 = vector.shape_cast %get3A_389 : vector<16xf32> to vector<1x16xf32>
      tpu.vector_store %arg7[%swap3A_390, %swap3A_391], %swap3A_394 {add = true, strides = array<i32>} : memref<32x1024xf32, #tpu.memory_space<vmem>>, vector<1x16xf32>,
      %get3A_395 = arith.index_cast %scan3A_162 : i32 to index
      %get3A_396 = arith.constant 416 : index
      %get3A_397 = tpu.vector_load %arg5[%get3A_395, %get3A_396] {strides = array<i32>} : memref<32x1024xf32, #tpu.memory_space<vmem>>, vector<1x16xf32>,
      %get3A_398 = vector.shape_cast %get3A_397 : vector<1x16xf32> to vector<16xf32>
      %swap3A_399 = arith.index_cast %scan3A_162 : i32 to index
      %swap3A_400 = arith.constant 416 : index
      %swap3A_401 = tpu.vector_load %arg7[%swap3A_399, %swap3A_400] {strides = array<i32>} : memref<32x1024xf32, #tpu.memory_space<vmem>>, vector<1x16xf32>,
      %swap3A_402 = vector.shape_cast %swap3A_401 : vector<1x16xf32> to vector<16xf32>
      %swap3A_403 = vector.shape_cast %get3A_398 : vector<16xf32> to vector<1x16xf32>
      tpu.vector_store %arg7[%swap3A_399, %swap3A_400], %swap3A_403 {add = true, strides = array<i32>} : memref<32x1024xf32, #tpu.memory_space<vmem>>, vector<1x16xf32>,
      %get3A_404 = arith.index_cast %scan3A_162 : i32 to index
      %get3A_405 = arith.constant 432 : index
      %get3A_406 = tpu.vector_load %arg5[%get3A_404, %get3A_405] {strides = array<i32>} : memref<32x1024xf32, #tpu.memory_space<vmem>>, vector<1x16xf32>,
      %get3A_407 = vector.shape_cast %get3A_406 : vector<1x16xf32> to vector<16xf32>
      %swap3A_408 = arith.index_cast %scan3A_162 : i32 to index
      %swap3A_409 = arith.constant 432 : index
      %swap3A_410 = tpu.vector_load %arg7[%swap3A_408, %swap3A_409] {strides = array<i32>} : memref<32x1024xf32, #tpu.memory_space<vmem>>, vector<1x16xf32>,
      %swap3A_411 = vector.shape_cast %swap3A_410 : vector<1x16xf32> to vector<16xf32>
      %swap3A_412 = vector.shape_cast %get3A_407 : vector<16xf32> to vector<1x16xf32>
      tpu.vector_store %arg7[%swap3A_408, %swap3A_409], %swap3A_412 {add = true, strides = array<i32>} : memref<32x1024xf32, #tpu.memory_space<vmem>>, vector<1x16xf32>,
      %get3A_413 = arith.index_cast %scan3A_162 : i32 to index
      %get3A_414 = arith.constant 448 : index
      %get3A_415 = tpu.vector_load %arg5[%get3A_413, %get3A_414] {strides = array<i32>} : memref<32x1024xf32, #tpu.memory_space<vmem>>, vector<1x16xf32>,
      %get3A_416 = vector.shape_cast %get3A_415 : vector<1x16xf32> to vector<16xf32>
      %swap3A_417 = arith.index_cast %scan3A_162 : i32 to index
      %swap3A_418 = arith.constant 448 : index
      %swap3A_419 = tpu.vector_load %arg7[%swap3A_417, %swap3A_418] {strides = array<i32>} : memref<32x1024xf32, #tpu.memory_space<vmem>>, vector<1x16xf32>,
      %swap3A_420 = vector.shape_cast %swap3A_419 : vector<1x16xf32> to vector<16xf32>
      %swap3A_421 = vector.shape_cast %get3A_416 : vector<16xf32> to vector<1x16xf32>
      tpu.vector_store %arg7[%swap3A_417, %swap3A_418], %swap3A_421 {add = true, strides = array<i32>} : memref<32x1024xf32, #tpu.memory_space<vmem>>, vector<1x16xf32>,
      %get3A_422 = arith.index_cast %scan3A_162 : i32 to index
      %get3A_423 = arith.constant 464 : index
      %get3A_424 = tpu.vector_load %arg5[%get3A_422, %get3A_423] {strides = array<i32>} : memref<32x1024xf32, #tpu.memory_space<vmem>>, vector<1x16xf32>,
      %get3A_425 = vector.shape_cast %get3A_424 : vector<1x16xf32> to vector<16xf32>
      %swap3A_426 = arith.index_cast %scan3A_162 : i32 to index
      %swap3A_427 = arith.constant 464 : index
      %swap3A_428 = tpu.vector_load %arg7[%swap3A_426, %swap3A_427] {strides = array<i32>} : memref<32x1024xf32, #tpu.memory_space<vmem>>, vector<1x16xf32>,
      %swap3A_429 = vector.shape_cast %swap3A_428 : vector<1x16xf32> to vector<16xf32>
      %swap3A_430 = vector.shape_cast %get3A_425 : vector<16xf32> to vector<1x16xf32>
      tpu.vector_store %arg7[%swap3A_426, %swap3A_427], %swap3A_430 {add = true, strides = array<i32>} : memref<32x1024xf32, #tpu.memory_space<vmem>>, vector<1x16xf32>,
      %get3A_431 = arith.index_cast %scan3A_162 : i32 to index
      %get3A_432 = arith.constant 480 : index
      %get3A_433 = tpu.vector_load %arg5[%get3A_431, %get3A_432] {strides = array<i32>} : memref<32x1024xf32, #tpu.memory_space<vmem>>, vector<1x16xf32>,
      %get3A_434 = vector.shape_cast %get3A_433 : vector<1x16xf32> to vector<16xf32>
      %swap3A_435 = arith.index_cast %scan3A_162 : i32 to index
      %swap3A_436 = arith.constant 480 : index
      %swap3A_437 = tpu.vector_load %arg7[%swap3A_435, %swap3A_436] {strides = array<i32>} : memref<32x1024xf32, #tpu.memory_space<vmem>>, vector<1x16xf32>,
      %swap3A_438 = vector.shape_cast %swap3A_437 : vector<1x16xf32> to vector<16xf32>
      %swap3A_439 = vector.shape_cast %get3A_434 : vector<16xf32> to vector<1x16xf32>
      tpu.vector_store %arg7[%swap3A_435, %swap3A_436], %swap3A_439 {add = true, strides = array<i32>} : memref<32x1024xf32, #tpu.memory_space<vmem>>, vector<1x16xf32>,
      %get3A_440 = arith.index_cast %scan3A_162 : i32 to index
      %get3A_441 = arith.constant 496 : index
      %get3A_442 = tpu.vector_load %arg5[%get3A_440, %get3A_441] {strides = array<i32>} : memref<32x1024xf32, #tpu.memory_space<vmem>>, vector<1x16xf32>,
      %get3A_443 = vector.shape_cast %get3A_442 : vector<1x16xf32> to vector<16xf32>
      %swap3A_444 = arith.index_cast %scan3A_162 : i32 to index
      %swap3A_445 = arith.constant 496 : index
      %swap3A_446 = tpu.vector_load %arg7[%swap3A_444, %swap3A_445] {strides = array<i32>} : memref<32x1024xf32, #tpu.memory_space<vmem>>, vector<1x16xf32>,
      %swap3A_447 = vector.shape_cast %swap3A_446 : vector<1x16xf32> to vector<16xf32>
      %swap3A_448 = vector.shape_cast %get3A_443 : vector<16xf32> to vector<1x16xf32>
      tpu.vector_store %arg7[%swap3A_444, %swap3A_445], %swap3A_448 {add = true, strides = array<i32>} : memref<32x1024xf32, #tpu.memory_space<vmem>>, vector<1x16xf32>,
      %get3A_449 = arith.index_cast %scan3A_162 : i32 to index
      %get3A_450 = arith.constant 512 : index
      %get3A_451 = tpu.vector_load %arg5[%get3A_449, %get3A_450] {strides = array<i32>} : memref<32x1024xf32, #tpu.memory_space<vmem>>, vector<1x16xf32>,
      %get3A_452 = vector.shape_cast %get3A_451 : vector<1x16xf32> to vector<16xf32>
      %swap3A_453 = arith.index_cast %scan3A_162 : i32 to index
      %swap3A_454 = arith.constant 512 : index
      %swap3A_455 = tpu.vector_load %arg7[%swap3A_453, %swap3A_454] {strides = array<i32>} : memref<32x1024xf32, #tpu.memory_space<vmem>>, vector<1x16xf32>,
      %swap3A_456 = vector.shape_cast %swap3A_455 : vector<1x16xf32> to vector<16xf32>
      %swap3A_457 = vector.shape_cast %get3A_452 : vector<16xf32> to vector<1x16xf32>
      tpu.vector_store %arg7[%swap3A_453, %swap3A_454], %swap3A_457 {add = true, strides = array<i32>} : memref<32x1024xf32, #tpu.memory_space<vmem>>, vector<1x16xf32>,
      %get3A_458 = arith.index_cast %scan3A_162 : i32 to index
      %get3A_459 = arith.constant 528 : index
      %get3A_460 = tpu.vector_load %arg5[%get3A_458, %get3A_459] {strides = array<i32>} : memref<32x1024xf32, #tpu.memory_space<vmem>>, vector<1x16xf32>,
      %get3A_461 = vector.shape_cast %get3A_460 : vector<1x16xf32> to vector<16xf32>
      %swap3A_462 = arith.index_cast %scan3A_162 : i32 to index
      %swap3A_463 = arith.constant 528 : index
      %swap3A_464 = tpu.vector_load %arg7[%swap3A_462, %swap3A_463] {strides = array<i32>} : memref<32x1024xf32, #tpu.memory_space<vmem>>, vector<1x16xf32>,
      %swap3A_465 = vector.shape_cast %swap3A_464 : vector<1x16xf32> to vector<16xf32>
      %swap3A_466 = vector.shape_cast %get3A_461 : vector<16xf32> to vector<1x16xf32>
      tpu.vector_store %arg7[%swap3A_462, %swap3A_463], %swap3A_466 {add = true, strides = array<i32>} : memref<32x1024xf32, #tpu.memory_space<vmem>>, vector<1x16xf32>,
      %get3A_467 = arith.index_cast %scan3A_162 : i32 to index
      %get3A_468 = arith.constant 544 : index
      %get3A_469 = tpu.vector_load %arg5[%get3A_467, %get3A_468] {strides = array<i32>} : memref<32x1024xf32, #tpu.memory_space<vmem>>, vector<1x16xf32>,
      %get3A_470 = vector.shape_cast %get3A_469 : vector<1x16xf32> to vector<16xf32>
      %swap3A_471 = arith.index_cast %scan3A_162 : i32 to index
      %swap3A_472 = arith.constant 544 : index
      %swap3A_473 = tpu.vector_load %arg7[%swap3A_471, %swap3A_472] {strides = array<i32>} : memref<32x1024xf32, #tpu.memory_space<vmem>>, vector<1x16xf32>,
      %swap3A_474 = vector.shape_cast %swap3A_473 : vector<1x16xf32> to vector<16xf32>
      %swap3A_475 = vector.shape_cast %get3A_470 : vector<16xf32> to vector<1x16xf32>
      tpu.vector_store %arg7[%swap3A_471, %swap3A_472], %swap3A_475 {add = true, strides = array<i32>} : memref<32x1024xf32, #tpu.memory_space<vmem>>, vector<1x16xf32>,
      %get3A_476 = arith.index_cast %scan3A_162 : i32 to index
      %get3A_477 = arith.constant 560 : index
      %get3A_478 = tpu.vector_load %arg5[%get3A_476, %get3A_477] {strides = array<i32>} : memref<32x1024xf32, #tpu.memory_space<vmem>>, vector<1x16xf32>,
      %get3A_479 = vector.shape_cast %get3A_478 : vector<1x16xf32> to vector<16xf32>
      %swap3A_480 = arith.index_cast %scan3A_162 : i32 to index
      %swap3A_481 = arith.constant 560 : index
      %swap3A_482 = tpu.vector_load %arg7[%swap3A_480, %swap3A_481] {strides = array<i32>} : memref<32x1024xf32, #tpu.memory_space<vmem>>, vector<1x16xf32>,
      %swap3A_483 = vector.shape_cast %swap3A_482 : vector<1x16xf32> to vector<16xf32>
      %swap3A_484 = vector.shape_cast %get3A_479 : vector<16xf32> to vector<1x16xf32>
      tpu.vector_store %arg7[%swap3A_480, %swap3A_481], %swap3A_484 {add = true, strides = array<i32>} : memref<32x1024xf32, #tpu.memory_space<vmem>>, vector<1x16xf32>,
      %get3A_485 = arith.index_cast %scan3A_162 : i32 to index
      %get3A_486 = arith.constant 576 : index
      %get3A_487 = tpu.vector_load %arg5[%get3A_485, %get3A_486] {strides = array<i32>} : memref<32x1024xf32, #tpu.memory_space<vmem>>, vector<1x16xf32>,
      %get3A_488 = vector.shape_cast %get3A_487 : vector<1x16xf32> to vector<16xf32>
      %swap3A_489 = arith.index_cast %scan3A_162 : i32 to index
      %swap3A_490 = arith.constant 576 : index
      %swap3A_491 = tpu.vector_load %arg7[%swap3A_489, %swap3A_490] {strides = array<i32>} : memref<32x1024xf32, #tpu.memory_space<vmem>>, vector<1x16xf32>,
      %swap3A_492 = vector.shape_cast %swap3A_491 : vector<1x16xf32> to vector<16xf32>
      %swap3A_493 = vector.shape_cast %get3A_488 : vector<16xf32> to vector<1x16xf32>
      tpu.vector_store %arg7[%swap3A_489, %swap3A_490], %swap3A_493 {add = true, strides = array<i32>} : memref<32x1024xf32, #tpu.memory_space<vmem>>, vector<1x16xf32>,
      %get3A_494 = arith.index_cast %scan3A_162 : i32 to index
      %get3A_495 = arith.constant 592 : index
      %get3A_496 = tpu.vector_load %arg5[%get3A_494, %get3A_495] {strides = array<i32>} : memref<32x1024xf32, #tpu.memory_space<vmem>>, vector<1x16xf32>,
      %get3A_497 = vector.shape_cast %get3A_496 : vector<1x16xf32> to vector<16xf32>
      %swap3A_498 = arith.index_cast %scan3A_162 : i32 to index
      %swap3A_499 = arith.constant 592 : index
      %swap3A_500 = tpu.vector_load %arg7[%swap3A_498, %swap3A_499] {strides = array<i32>} : memref<32x1024xf32, #tpu.memory_space<vmem>>, vector<1x16xf32>,
      %swap3A_501 = vector.shape_cast %swap3A_500 : vector<1x16xf32> to vector<16xf32>
      %swap3A_502 = vector.shape_cast %get3A_497 : vector<16xf32> to vector<1x16xf32>
      tpu.vector_store %arg7[%swap3A_498, %swap3A_499], %swap3A_502 {add = true, strides = array<i32>} : memref<32x1024xf32, #tpu.memory_space<vmem>>, vector<1x16xf32>,
      %get3A_503 = arith.index_cast %scan3A_162 : i32 to index
      %get3A_504 = arith.constant 608 : index
      %get3A_505 = tpu.vector_load %arg5[%get3A_503, %get3A_504] {strides = array<i32>} : memref<32x1024xf32, #tpu.memory_space<vmem>>, vector<1x16xf32>,
      %get3A_506 = vector.shape_cast %get3A_505 : vector<1x16xf32> to vector<16xf32>
      %swap3A_507 = arith.index_cast %scan3A_162 : i32 to index
      %swap3A_508 = arith.constant 608 : index
      %swap3A_509 = tpu.vector_load %arg7[%swap3A_507, %swap3A_508] {strides = array<i32>} : memref<32x1024xf32, #tpu.memory_space<vmem>>, vector<1x16xf32>,
      %swap3A_510 = vector.shape_cast %swap3A_509 : vector<1x16xf32> to vector<16xf32>
      %swap3A_511 = vector.shape_cast %get3A_506 : vector<16xf32> to vector<1x16xf32>
      tpu.vector_store %arg7[%swap3A_507, %swap3A_508], %swap3A_511 {add = true, strides = array<i32>} : memref<32x1024xf32, #tpu.memory_space<vmem>>, vector<1x16xf32>,
      %get3A_512 = arith.index_cast %scan3A_162 : i32 to index
      %get3A_513 = arith.constant 624 : index
      %get3A_514 = tpu.vector_load %arg5[%get3A_512, %get3A_513] {strides = array<i32>} : memref<32x1024xf32, #tpu.memory_space<vmem>>, vector<1x16xf32>,
      %get3A_515 = vector.shape_cast %get3A_514 : vector<1x16xf32> to vector<16xf32>
      %swap3A_516 = arith.index_cast %scan3A_162 : i32 to index
      %swap3A_517 = arith.constant 624 : index
      %swap3A_518 = tpu.vector_load %arg7[%swap3A_516, %swap3A_517] {strides = array<i32>} : memref<32x1024xf32, #tpu.memory_space<vmem>>, vector<1x16xf32>,
      %swap3A_519 = vector.shape_cast %swap3A_518 : vector<1x16xf32> to vector<16xf32>
      %swap3A_520 = vector.shape_cast %get3A_515 : vector<16xf32> to vector<1x16xf32>
      tpu.vector_store %arg7[%swap3A_516, %swap3A_517], %swap3A_520 {add = true, strides = array<i32>} : memref<32x1024xf32, #tpu.memory_space<vmem>>, vector<1x16xf32>,
      %get3A_521 = arith.index_cast %scan3A_162 : i32 to index
      %get3A_522 = arith.constant 640 : index
      %get3A_523 = tpu.vector_load %arg5[%get3A_521, %get3A_522] {strides = array<i32>} : memref<32x1024xf32, #tpu.memory_space<vmem>>, vector<1x16xf32>,
      %get3A_524 = vector.shape_cast %get3A_523 : vector<1x16xf32> to vector<16xf32>
      %swap3A_525 = arith.index_cast %scan3A_162 : i32 to index
      %swap3A_526 = arith.constant 640 : index
      %swap3A_527 = tpu.vector_load %arg7[%swap3A_525, %swap3A_526] {strides = array<i32>} : memref<32x1024xf32, #tpu.memory_space<vmem>>, vector<1x16xf32>,
      %swap3A_528 = vector.shape_cast %swap3A_527 : vector<1x16xf32> to vector<16xf32>
      %swap3A_529 = vector.shape_cast %get3A_524 : vector<16xf32> to vector<1x16xf32>
      tpu.vector_store %arg7[%swap3A_525, %swap3A_526], %swap3A_529 {add = true, strides = array<i32>} : memref<32x1024xf32, #tpu.memory_space<vmem>>, vector<1x16xf32>,
      %get3A_530 = arith.index_cast %scan3A_162 : i32 to index
      %get3A_531 = arith.constant 656 : index
      %get3A_532 = tpu.vector_load %arg5[%get3A_530, %get3A_531] {strides = array<i32>} : memref<32x1024xf32, #tpu.memory_space<vmem>>, vector<1x16xf32>,
      %get3A_533 = vector.shape_cast %get3A_532 : vector<1x16xf32> to vector<16xf32>
      %swap3A_534 = arith.index_cast %scan3A_162 : i32 to index
      %swap3A_535 = arith.constant 656 : index
      %swap3A_536 = tpu.vector_load %arg7[%swap3A_534, %swap3A_535] {strides = array<i32>} : memref<32x1024xf32, #tpu.memory_space<vmem>>, vector<1x16xf32>,
      %swap3A_537 = vector.shape_cast %swap3A_536 : vector<1x16xf32> to vector<16xf32>
      %swap3A_538 = vector.shape_cast %get3A_533 : vector<16xf32> to vector<1x16xf32>
      tpu.vector_store %arg7[%swap3A_534, %swap3A_535], %swap3A_538 {add = true, strides = array<i32>} : memref<32x1024xf32, #tpu.memory_space<vmem>>, vector<1x16xf32>,
      %get3A_539 = arith.index_cast %scan3A_162 : i32 to index
      %get3A_540 = arith.constant 672 : index
      %get3A_541 = tpu.vector_load %arg5[%get3A_539, %get3A_540] {strides = array<i32>} : memref<32x1024xf32, #tpu.memory_space<vmem>>, vector<1x16xf32>,
      %get3A_542 = vector.shape_cast %get3A_541 : vector<1x16xf32> to vector<16xf32>
      %swap3A_543 = arith.index_cast %scan3A_162 : i32 to index
      %swap3A_544 = arith.constant 672 : index
      %swap3A_545 = tpu.vector_load %arg7[%swap3A_543, %swap3A_544] {strides = array<i32>} : memref<32x1024xf32, #tpu.memory_space<vmem>>, vector<1x16xf32>,
      %swap3A_546 = vector.shape_cast %swap3A_545 : vector<1x16xf32> to vector<16xf32>
      %swap3A_547 = vector.shape_cast %get3A_542 : vector<16xf32> to vector<1x16xf32>
      tpu.vector_store %arg7[%swap3A_543, %swap3A_544], %swap3A_547 {add = true, strides = array<i32>} : memref<32x1024xf32, #tpu.memory_space<vmem>>, vector<1x16xf32>,
      %get3A_548 = arith.index_cast %scan3A_162 : i32 to index
      %get3A_549 = arith.constant 688 : index
      %get3A_550 = tpu.vector_load %arg5[%get3A_548, %get3A_549] {strides = array<i32>} : memref<32x1024xf32, #tpu.memory_space<vmem>>, vector<1x16xf32>,
      %get3A_551 = vector.shape_cast %get3A_550 : vector<1x16xf32> to vector<16xf32>
      %swap3A_552 = arith.index_cast %scan3A_162 : i32 to index
      %swap3A_553 = arith.constant 688 : index
      %swap3A_554 = tpu.vector_load %arg7[%swap3A_552, %swap3A_553] {strides = array<i32>} : memref<32x1024xf32, #tpu.memory_space<vmem>>, vector<1x16xf32>,
      %swap3A_555 = vector.shape_cast %swap3A_554 : vector<1x16xf32> to vector<16xf32>
      %swap3A_556 = vector.shape_cast %get3A_551 : vector<16xf32> to vector<1x16xf32>
      tpu.vector_store %arg7[%swap3A_552, %swap3A_553], %swap3A_556 {add = true, strides = array<i32>} : memref<32x1024xf32, #tpu.memory_space<vmem>>, vector<1x16xf32>,
      %get3A_557 = arith.index_cast %scan3A_162 : i32 to index
      %get3A_558 = arith.constant 704 : index
      %get3A_559 = tpu.vector_load %arg5[%get3A_557, %get3A_558] {strides = array<i32>} : memref<32x1024xf32, #tpu.memory_space<vmem>>, vector<1x16xf32>,
      %get3A_560 = vector.shape_cast %get3A_559 : vector<1x16xf32> to vector<16xf32>
      %swap3A_561 = arith.index_cast %scan3A_162 : i32 to index
      %swap3A_562 = arith.constant 704 : index
      %swap3A_563 = tpu.vector_load %arg7[%swap3A_561, %swap3A_562] {strides = array<i32>} : memref<32x1024xf32, #tpu.memory_space<vmem>>, vector<1x16xf32>,
      %swap3A_564 = vector.shape_cast %swap3A_563 : vector<1x16xf32> to vector<16xf32>
      %swap3A_565 = vector.shape_cast %get3A_560 : vector<16xf32> to vector<1x16xf32>
      tpu.vector_store %arg7[%swap3A_561, %swap3A_562], %swap3A_565 {add = true, strides = array<i32>} : memref<32x1024xf32, #tpu.memory_space<vmem>>, vector<1x16xf32>,
      %get3A_566 = arith.index_cast %scan3A_162 : i32 to index
      %get3A_567 = arith.constant 720 : index
      %get3A_568 = tpu.vector_load %arg5[%get3A_566, %get3A_567] {strides = array<i32>} : memref<32x1024xf32, #tpu.memory_space<vmem>>, vector<1x16xf32>,
      %get3A_569 = vector.shape_cast %get3A_568 : vector<1x16xf32> to vector<16xf32>
      %swap3A_570 = arith.index_cast %scan3A_162 : i32 to index
      %swap3A_571 = arith.constant 720 : index
      %swap3A_572 = tpu.vector_load %arg7[%swap3A_570, %swap3A_571] {strides = array<i32>} : memref<32x1024xf32, #tpu.memory_space<vmem>>, vector<1x16xf32>,
      %swap3A_573 = vector.shape_cast %swap3A_572 : vector<1x16xf32> to vector<16xf32>
      %swap3A_574 = vector.shape_cast %get3A_569 : vector<16xf32> to vector<1x16xf32>
      tpu.vector_store %arg7[%swap3A_570, %swap3A_571], %swap3A_574 {add = true, strides = array<i32>} : memref<32x1024xf32, #tpu.memory_space<vmem>>, vector<1x16xf32>,
      %get3A_575 = arith.index_cast %scan3A_162 : i32 to index
      %get3A_576 = arith.constant 736 : index
      %get3A_577 = tpu.vector_load %arg5[%get3A_575, %get3A_576] {strides = array<i32>} : memref<32x1024xf32, #tpu.memory_space<vmem>>, vector<1x16xf32>,
      %get3A_578 = vector.shape_cast %get3A_577 : vector<1x16xf32> to vector<16xf32>
      %swap3A_579 = arith.index_cast %scan3A_162 : i32 to index
      %swap3A_580 = arith.constant 736 : index
      %swap3A_581 = tpu.vector_load %arg7[%swap3A_579, %swap3A_580] {strides = array<i32>} : memref<32x1024xf32, #tpu.memory_space<vmem>>, vector<1x16xf32>,
      %swap3A_582 = vector.shape_cast %swap3A_581 : vector<1x16xf32> to vector<16xf32>
      %swap3A_583 = vector.shape_cast %get3A_578 : vector<16xf32> to vector<1x16xf32>
      tpu.vector_store %arg7[%swap3A_579, %swap3A_580], %swap3A_583 {add = true, strides = array<i32>} : memref<32x1024xf32, #tpu.memory_space<vmem>>, vector<1x16xf32>,
      %get3A_584 = arith.index_cast %scan3A_162 : i32 to index
      %get3A_585 = arith.constant 752 : index
      %get3A_586 = tpu.vector_load %arg5[%get3A_584, %get3A_585] {strides = array<i32>} : memref<32x1024xf32, #tpu.memory_space<vmem>>, vector<1x16xf32>,
      %get3A_587 = vector.shape_cast %get3A_586 : vector<1x16xf32> to vector<16xf32>
      %swap3A_588 = arith.index_cast %scan3A_162 : i32 to index
      %swap3A_589 = arith.constant 752 : index
      %swap3A_590 = tpu.vector_load %arg7[%swap3A_588, %swap3A_589] {strides = array<i32>} : memref<32x1024xf32, #tpu.memory_space<vmem>>, vector<1x16xf32>,
      %swap3A_591 = vector.shape_cast %swap3A_590 : vector<1x16xf32> to vector<16xf32>
      %swap3A_592 = vector.shape_cast %get3A_587 : vector<16xf32> to vector<1x16xf32>
      tpu.vector_store %arg7[%swap3A_588, %swap3A_589], %swap3A_592 {add = true, strides = array<i32>} : memref<32x1024xf32, #tpu.memory_space<vmem>>, vector<1x16xf32>,
      %get3A_593 = arith.index_cast %scan3A_162 : i32 to index
      %get3A_594 = arith.constant 768 : index
      %get3A_595 = tpu.vector_load %arg5[%get3A_593, %get3A_594] {strides = array<i32>} : memref<32x1024xf32, #tpu.memory_space<vmem>>, vector<1x16xf32>,
      %get3A_596 = vector.shape_cast %get3A_595 : vector<1x16xf32> to vector<16xf32>
      %swap3A_597 = arith.index_cast %scan3A_162 : i32 to index
      %swap3A_598 = arith.constant 768 : index
      %swap3A_599 = tpu.vector_load %arg7[%swap3A_597, %swap3A_598] {strides = array<i32>} : memref<32x1024xf32, #tpu.memory_space<vmem>>, vector<1x16xf32>,
      %swap3A_600 = vector.shape_cast %swap3A_599 : vector<1x16xf32> to vector<16xf32>
      %swap3A_601 = vector.shape_cast %get3A_596 : vector<16xf32> to vector<1x16xf32>
      tpu.vector_store %arg7[%swap3A_597, %swap3A_598], %swap3A_601 {add = true, strides = array<i32>} : memref<32x1024xf32, #tpu.memory_space<vmem>>, vector<1x16xf32>,
      %get3A_602 = arith.index_cast %scan3A_162 : i32 to index
      %get3A_603 = arith.constant 784 : index
      %get3A_604 = tpu.vector_load %arg5[%get3A_602, %get3A_603] {strides = array<i32>} : memref<32x1024xf32, #tpu.memory_space<vmem>>, vector<1x16xf32>,
      %get3A_605 = vector.shape_cast %get3A_604 : vector<1x16xf32> to vector<16xf32>
      %swap3A_606 = arith.index_cast %scan3A_162 : i32 to index
      %swap3A_607 = arith.constant 784 : index
      %swap3A_608 = tpu.vector_load %arg7[%swap3A_606, %swap3A_607] {strides = array<i32>} : memref<32x1024xf32, #tpu.memory_space<vmem>>, vector<1x16xf32>,
      %swap3A_609 = vector.shape_cast %swap3A_608 : vector<1x16xf32> to vector<16xf32>
      %swap3A_610 = vector.shape_cast %get3A_605 : vector<16xf32> to vector<1x16xf32>
      tpu.vector_store %arg7[%swap3A_606, %swap3A_607], %swap3A_610 {add = true, strides = array<i32>} : memref<32x1024xf32, #tpu.memory_space<vmem>>, vector<1x16xf32>,
      %get3A_611 = arith.index_cast %scan3A_162 : i32 to index
      %get3A_612 = arith.constant 800 : index
      %get3A_613 = tpu.vector_load %arg5[%get3A_611, %get3A_612] {strides = array<i32>} : memref<32x1024xf32, #tpu.memory_space<vmem>>, vector<1x16xf32>,
      %get3A_614 = vector.shape_cast %get3A_613 : vector<1x16xf32> to vector<16xf32>
      %swap3A_615 = arith.index_cast %scan3A_162 : i32 to index
      %swap3A_616 = arith.constant 800 : index
      %swap3A_617 = tpu.vector_load %arg7[%swap3A_615, %swap3A_616] {strides = array<i32>} : memref<32x1024xf32, #tpu.memory_space<vmem>>, vector<1x16xf32>,
      %swap3A_618 = vector.shape_cast %swap3A_617 : vector<1x16xf32> to vector<16xf32>
      %swap3A_619 = vector.shape_cast %get3A_614 : vector<16xf32> to vector<1x16xf32>
      tpu.vector_store %arg7[%swap3A_615, %swap3A_616], %swap3A_619 {add = true, strides = array<i32>} : memref<32x1024xf32, #tpu.memory_space<vmem>>, vector<1x16xf32>,
      %get3A_620 = arith.index_cast %scan3A_162 : i32 to index
      %get3A_621 = arith.constant 816 : index
      %get3A_622 = tpu.vector_load %arg5[%get3A_620, %get3A_621] {strides = array<i32>} : memref<32x1024xf32, #tpu.memory_space<vmem>>, vector<1x16xf32>,
      %get3A_623 = vector.shape_cast %get3A_622 : vector<1x16xf32> to vector<16xf32>
      %swap3A_624 = arith.index_cast %scan3A_162 : i32 to index
      %swap3A_625 = arith.constant 816 : index
      %swap3A_626 = tpu.vector_load %arg7[%swap3A_624, %swap3A_625] {strides = array<i32>} : memref<32x1024xf32, #tpu.memory_space<vmem>>, vector<1x16xf32>,
      %swap3A_627 = vector.shape_cast %swap3A_626 : vector<1x16xf32> to vector<16xf32>
      %swap3A_628 = vector.shape_cast %get3A_623 : vector<16xf32> to vector<1x16xf32>
      tpu.vector_store %arg7[%swap3A_624, %swap3A_625], %swap3A_628 {add = true, strides = array<i32>} : memref<32x1024xf32, #tpu.memory_space<vmem>>, vector<1x16xf32>,
      %get3A_629 = arith.index_cast %scan3A_162 : i32 to index
      %get3A_630 = arith.constant 832 : index
      %get3A_631 = tpu.vector_load %arg5[%get3A_629, %get3A_630] {strides = array<i32>} : memref<32x1024xf32, #tpu.memory_space<vmem>>, vector<1x16xf32>,
      %get3A_632 = vector.shape_cast %get3A_631 : vector<1x16xf32> to vector<16xf32>
      %swap3A_633 = arith.index_cast %scan3A_162 : i32 to index
      %swap3A_634 = arith.constant 832 : index
      %swap3A_635 = tpu.vector_load %arg7[%swap3A_633, %swap3A_634] {strides = array<i32>} : memref<32x1024xf32, #tpu.memory_space<vmem>>, vector<1x16xf32>,
      %swap3A_636 = vector.shape_cast %swap3A_635 : vector<1x16xf32> to vector<16xf32>
      %swap3A_637 = vector.shape_cast %get3A_632 : vector<16xf32> to vector<1x16xf32>
      tpu.vector_store %arg7[%swap3A_633, %swap3A_634], %swap3A_637 {add = true, strides = array<i32>} : memref<32x1024xf32, #tpu.memory_space<vmem>>, vector<1x16xf32>,
      %get3A_638 = arith.index_cast %scan3A_162 : i32 to index
      %get3A_639 = arith.constant 848 : index
      %get3A_640 = tpu.vector_load %arg5[%get3A_638, %get3A_639] {strides = array<i32>} : memref<32x1024xf32, #tpu.memory_space<vmem>>, vector<1x16xf32>,
      %get3A_641 = vector.shape_cast %get3A_640 : vector<1x16xf32> to vector<16xf32>
      %swap3A_642 = arith.index_cast %scan3A_162 : i32 to index
      %swap3A_643 = arith.constant 848 : index
      %swap3A_644 = tpu.vector_load %arg7[%swap3A_642, %swap3A_643] {strides = array<i32>} : memref<32x1024xf32, #tpu.memory_space<vmem>>, vector<1x16xf32>,
      %swap3A_645 = vector.shape_cast %swap3A_644 : vector<1x16xf32> to vector<16xf32>
      %swap3A_646 = vector.shape_cast %get3A_641 : vector<16xf32> to vector<1x16xf32>
      tpu.vector_store %arg7[%swap3A_642, %swap3A_643], %swap3A_646 {add = true, strides = array<i32>} : memref<32x1024xf32, #tpu.memory_space<vmem>>, vector<1x16xf32>,
      %get3A_647 = arith.index_cast %scan3A_162 : i32 to index
      %get3A_648 = arith.constant 864 : index
      %get3A_649 = tpu.vector_load %arg5[%get3A_647, %get3A_648] {strides = array<i32>} : memref<32x1024xf32, #tpu.memory_space<vmem>>, vector<1x16xf32>,
      %get3A_650 = vector.shape_cast %get3A_649 : vector<1x16xf32> to vector<16xf32>
      %swap3A_651 = arith.index_cast %scan3A_162 : i32 to index
      %swap3A_652 = arith.constant 864 : index
      %swap3A_653 = tpu.vector_load %arg7[%swap3A_651, %swap3A_652] {strides = array<i32>} : memref<32x1024xf32, #tpu.memory_space<vmem>>, vector<1x16xf32>,
      %swap3A_654 = vector.shape_cast %swap3A_653 : vector<1x16xf32> to vector<16xf32>
      %swap3A_655 = vector.shape_cast %get3A_650 : vector<16xf32> to vector<1x16xf32>
      tpu.vector_store %arg7[%swap3A_651, %swap3A_652], %swap3A_655 {add = true, strides = array<i32>} : memref<32x1024xf32, #tpu.memory_space<vmem>>, vector<1x16xf32>,
      %get3A_656 = arith.index_cast %scan3A_162 : i32 to index
      %get3A_657 = arith.constant 880 : index
      %get3A_658 = tpu.vector_load %arg5[%get3A_656, %get3A_657] {strides = array<i32>} : memref<32x1024xf32, #tpu.memory_space<vmem>>, vector<1x16xf32>,
      %get3A_659 = vector.shape_cast %get3A_658 : vector<1x16xf32> to vector<16xf32>
      %swap3A_660 = arith.index_cast %scan3A_162 : i32 to index
      %swap3A_661 = arith.constant 880 : index
      %swap3A_662 = tpu.vector_load %arg7[%swap3A_660, %swap3A_661] {strides = array<i32>} : memref<32x1024xf32, #tpu.memory_space<vmem>>, vector<1x16xf32>,
      %swap3A_663 = vector.shape_cast %swap3A_662 : vector<1x16xf32> to vector<16xf32>
      %swap3A_664 = vector.shape_cast %get3A_659 : vector<16xf32> to vector<1x16xf32>
      tpu.vector_store %arg7[%swap3A_660, %swap3A_661], %swap3A_664 {add = true, strides = array<i32>} : memref<32x1024xf32, #tpu.memory_space<vmem>>, vector<1x16xf32>,
      %get3A_665 = arith.index_cast %scan3A_162 : i32 to index
      %get3A_666 = arith.constant 896 : index
      %get3A_667 = tpu.vector_load %arg5[%get3A_665, %get3A_666] {strides = array<i32>} : memref<32x1024xf32, #tpu.memory_space<vmem>>, vector<1x16xf32>,
      %get3A_668 = vector.shape_cast %get3A_667 : vector<1x16xf32> to vector<16xf32>
      %swap3A_669 = arith.index_cast %scan3A_162 : i32 to index
      %swap3A_670 = arith.constant 896 : index
      %swap3A_671 = tpu.vector_load %arg7[%swap3A_669, %swap3A_670] {strides = array<i32>} : memref<32x1024xf32, #tpu.memory_space<vmem>>, vector<1x16xf32>,
      %swap3A_672 = vector.shape_cast %swap3A_671 : vector<1x16xf32> to vector<16xf32>
      %swap3A_673 = vector.shape_cast %get3A_668 : vector<16xf32> to vector<1x16xf32>
      tpu.vector_store %arg7[%swap3A_669, %swap3A_670], %swap3A_673 {add = true, strides = array<i32>} : memref<32x1024xf32, #tpu.memory_space<vmem>>, vector<1x16xf32>,
      %get3A_674 = arith.index_cast %scan3A_162 : i32 to index
      %get3A_675 = arith.constant 912 : index
      %get3A_676 = tpu.vector_load %arg5[%get3A_674, %get3A_675] {strides = array<i32>} : memref<32x1024xf32, #tpu.memory_space<vmem>>, vector<1x16xf32>,
      %get3A_677 = vector.shape_cast %get3A_676 : vector<1x16xf32> to vector<16xf32>
      %swap3A_678 = arith.index_cast %scan3A_162 : i32 to index
      %swap3A_679 = arith.constant 912 : index
      %swap3A_680 = tpu.vector_load %arg7[%swap3A_678, %swap3A_679] {strides = array<i32>} : memref<32x1024xf32, #tpu.memory_space<vmem>>, vector<1x16xf32>,
      %swap3A_681 = vector.shape_cast %swap3A_680 : vector<1x16xf32> to vector<16xf32>
      %swap3A_682 = vector.shape_cast %get3A_677 : vector<16xf32> to vector<1x16xf32>
      tpu.vector_store %arg7[%swap3A_678, %swap3A_679], %swap3A_682 {add = true, strides = array<i32>} : memref<32x1024xf32, #tpu.memory_space<vmem>>, vector<1x16xf32>,
      %get3A_683 = arith.index_cast %scan3A_162 : i32 to index
      %get3A_684 = arith.constant 928 : index
      %get3A_685 = tpu.vector_load %arg5[%get3A_683, %get3A_684] {strides = array<i32>} : memref<32x1024xf32, #tpu.memory_space<vmem>>, vector<1x16xf32>,
      %get3A_686 = vector.shape_cast %get3A_685 : vector<1x16xf32> to vector<16xf32>
      %swap3A_687 = arith.index_cast %scan3A_162 : i32 to index
      %swap3A_688 = arith.constant 928 : index
      %swap3A_689 = tpu.vector_load %arg7[%swap3A_687, %swap3A_688] {strides = array<i32>} : memref<32x1024xf32, #tpu.memory_space<vmem>>, vector<1x16xf32>,
      %swap3A_690 = vector.shape_cast %swap3A_689 : vector<1x16xf32> to vector<16xf32>
      %swap3A_691 = vector.shape_cast %get3A_686 : vector<16xf32> to vector<1x16xf32>
      tpu.vector_store %arg7[%swap3A_687, %swap3A_688], %swap3A_691 {add = true, strides = array<i32>} : memref<32x1024xf32, #tpu.memory_space<vmem>>, vector<1x16xf32>,
      %get3A_692 = arith.index_cast %scan3A_162 : i32 to index
      %get3A_693 = arith.constant 944 : index
      %get3A_694 = tpu.vector_load %arg5[%get3A_692, %get3A_693] {strides = array<i32>} : memref<32x1024xf32, #tpu.memory_space<vmem>>, vector<1x16xf32>,
      %get3A_695 = vector.shape_cast %get3A_694 : vector<1x16xf32> to vector<16xf32>
      %swap3A_696 = arith.index_cast %scan3A_162 : i32 to index
      %swap3A_697 = arith.constant 944 : index
      %swap3A_698 = tpu.vector_load %arg7[%swap3A_696, %swap3A_697] {strides = array<i32>} : memref<32x1024xf32, #tpu.memory_space<vmem>>, vector<1x16xf32>,
      %swap3A_699 = vector.shape_cast %swap3A_698 : vector<1x16xf32> to vector<16xf32>
      %swap3A_700 = vector.shape_cast %get3A_695 : vector<16xf32> to vector<1x16xf32>
      tpu.vector_store %arg7[%swap3A_696, %swap3A_697], %swap3A_700 {add = true, strides = array<i32>} : memref<32x1024xf32, #tpu.memory_space<vmem>>, vector<1x16xf32>,
      %get3A_701 = arith.index_cast %scan3A_162 : i32 to index
      %get3A_702 = arith.constant 960 : index
      %get3A_703 = tpu.vector_load %arg5[%get3A_701, %get3A_702] {strides = array<i32>} : memref<32x1024xf32, #tpu.memory_space<vmem>>, vector<1x16xf32>,
      %get3A_704 = vector.shape_cast %get3A_703 : vector<1x16xf32> to vector<16xf32>
      %swap3A_705 = arith.index_cast %scan3A_162 : i32 to index
      %swap3A_706 = arith.constant 960 : index
      %swap3A_707 = tpu.vector_load %arg7[%swap3A_705, %swap3A_706] {strides = array<i32>} : memref<32x1024xf32, #tpu.memory_space<vmem>>, vector<1x16xf32>,
      %swap3A_708 = vector.shape_cast %swap3A_707 : vector<1x16xf32> to vector<16xf32>
      %swap3A_709 = vector.shape_cast %get3A_704 : vector<16xf32> to vector<1x16xf32>
      tpu.vector_store %arg7[%swap3A_705, %swap3A_706], %swap3A_709 {add = true, strides = array<i32>} : memref<32x1024xf32, #tpu.memory_space<vmem>>, vector<1x16xf32>,
      %get3A_710 = arith.index_cast %scan3A_162 : i32 to index
      %get3A_711 = arith.constant 976 : index
      %get3A_712 = tpu.vector_load %arg5[%get3A_710, %get3A_711] {strides = array<i32>} : memref<32x1024xf32, #tpu.memory_space<vmem>>, vector<1x16xf32>,
      %get3A_713 = vector.shape_cast %get3A_712 : vector<1x16xf32> to vector<16xf32>
      %swap3A_714 = arith.index_cast %scan3A_162 : i32 to index
      %swap3A_715 = arith.constant 976 : index
      %swap3A_716 = tpu.vector_load %arg7[%swap3A_714, %swap3A_715] {strides = array<i32>} : memref<32x1024xf32, #tpu.memory_space<vmem>>, vector<1x16xf32>,
      %swap3A_717 = vector.shape_cast %swap3A_716 : vector<1x16xf32> to vector<16xf32>
      %swap3A_718 = vector.shape_cast %get3A_713 : vector<16xf32> to vector<1x16xf32>
      tpu.vector_store %arg7[%swap3A_714, %swap3A_715], %swap3A_718 {add = true, strides = array<i32>} : memref<32x1024xf32, #tpu.memory_space<vmem>>, vector<1x16xf32>,
      %get3A_719 = arith.index_cast %scan3A_162 : i32 to index
      %get3A_720 = arith.constant 992 : index
      %get3A_721 = tpu.vector_load %arg5[%get3A_719, %get3A_720] {strides = array<i32>} : memref<32x1024xf32, #tpu.memory_space<vmem>>, vector<1x16xf32>,
      %get3A_722 = vector.shape_cast %get3A_721 : vector<1x16xf32> to vector<16xf32>
      %swap3A_723 = arith.index_cast %scan3A_162 : i32 to index
      %swap3A_724 = arith.constant 992 : index
      %swap3A_725 = tpu.vector_load %arg7[%swap3A_723, %swap3A_724] {strides = array<i32>} : memref<32x1024xf32, #tpu.memory_space<vmem>>, vector<1x16xf32>,
      %swap3A_726 = vector.shape_cast %swap3A_725 : vector<1x16xf32> to vector<16xf32>
      %swap3A_727 = vector.shape_cast %get3A_722 : vector<16xf32> to vector<1x16xf32>
      tpu.vector_store %arg7[%swap3A_723, %swap3A_724], %swap3A_727 {add = true, strides = array<i32>} : memref<32x1024xf32, #tpu.memory_space<vmem>>, vector<1x16xf32>,
      %get3A_728 = arith.index_cast %scan3A_162 : i32 to index
      %get3A_729 = arith.constant 1008 : index
      %get3A_730 = tpu.vector_load %arg5[%get3A_728, %get3A_729] {strides = array<i32>} : memref<32x1024xf32, #tpu.memory_space<vmem>>, vector<1x16xf32>,
      %get3A_731 = vector.shape_cast %get3A_730 : vector<1x16xf32> to vector<16xf32>
      %swap3A_732 = arith.index_cast %scan3A_162 : i32 to index
      %swap3A_733 = arith.constant 1008 : index
      %swap3A_734 = tpu.vector_load %arg7[%swap3A_732, %swap3A_733] {strides = array<i32>} : memref<32x1024xf32, #tpu.memory_space<vmem>>, vector<1x16xf32>,
      %swap3A_735 = vector.shape_cast %swap3A_734 : vector<1x16xf32> to vector<16xf32>
      %swap3A_736 = vector.shape_cast %get3A_731 : vector<16xf32> to vector<1x16xf32>
      tpu.vector_store %arg7[%swap3A_732, %swap3A_733], %swap3A_736 {add = true, strides = array<i32>} : memref<32x1024xf32, #tpu.memory_space<vmem>>, vector<1x16xf32>,
    }
    %scan3A_140 = arith.constant 32 : i32
    %dma_start3A_141 = arith.constant 3 : i32
    %dma_start3A_142 = arith.constant 0 : i32
    %dma_start3A_143 = tpu.memref_slice %arg4[%dma_start3A_141, %mul3A_2, %dma_start3A_142] : memref<4x1024x1024xf32, #tpu.memory_space<hbm>> -> memref<1x32x1024xf32, #tpu.memory_space<hbm>>
    %dma_start3A_144 = tpu.memref_squeeze %dma_start3A_143 : memref<1x32x1024xf32, #tpu.memory_space<hbm>> -> memref<32x1024xf32, #tpu.memory_space<hbm>>
    %dma_start3A_145 = arith.constant 0 : i32
    %dma_start3A_146 = tpu.memref_slice %arg4[%dma_start3A_141, %mul3A_2, %dma_start3A_145] : memref<4x1024x1024xf32, #tpu.memory_space<hbm>> -> memref<1x32x1024xf32, #tpu.memory_space<hbm>>
    %dma_start3A_147 = tpu.memref_squeeze %dma_start3A_146 : memref<1x32x1024xf32, #tpu.memory_space<hbm>> -> memref<32x1024xf32, #tpu.memory_space<hbm>>
    tpu.enqueue_dma source(%arg7 : memref<32x1024xf32, #tpu.memory_space<vmem>>) target(%dma_start3A_147 : memref<32x1024xf32, #tpu.memory_space<hbm>>) target_semaphore(%arg12 : memref<!tpu.dma_semaphore, #tpu.memory_space<semaphore_mem>>)
    %dma_wait3A_148 = arith.constant 2 : i32
    %dma_wait3A_149 = arith.constant 0 : i32
    %dma_wait3A_150 = tpu.memref_slice %arg4[%dma_wait3A_148, %mul3A_2, %dma_wait3A_149] : memref<4x1024x1024xf32, #tpu.memory_space<hbm>> -> memref<1x32x1024xf32, #tpu.memory_space<hbm>>
    %dma_wait3A_151 = tpu.memref_squeeze %dma_wait3A_150 : memref<1x32x1024xf32, #tpu.memory_space<hbm>> -> memref<32x1024xf32, #tpu.memory_space<hbm>>
    %dma_wait3A_152 = arith.constant 0 : i32
    %dma_wait3A_153 = tpu.memref_slice %arg4[%dma_wait3A_148, %mul3A_2, %dma_wait3A_152] : memref<4x1024x1024xf32, #tpu.memory_space<hbm>> -> memref<1x32x1024xf32, #tpu.memory_space<hbm>>
    %dma_wait3A_154 = tpu.memref_squeeze %dma_wait3A_153 : memref<1x32x1024xf32, #tpu.memory_space<hbm>> -> memref<32x1024xf32, #tpu.memory_space<hbm>>
    tpu.wait_dma2 semaphore(%arg11 : memref<!tpu.dma_semaphore, #tpu.memory_space<semaphore_mem>>) src(%arg6 : memref<32x1024xf32, #tpu.memory_space<vmem>>) dst(%dma_wait3A_154 : memref<32x1024xf32, #tpu.memory_space<hbm>>)
    %dma_wait3A_155 = arith.constant 3 : i32
    %dma_wait3A_156 = arith.constant 0 : i32
    %dma_wait3A_157 = tpu.memref_slice %arg4[%dma_wait3A_155, %mul3A_2, %dma_wait3A_156] : memref<4x1024x1024xf32, #tpu.memory_space<hbm>> -> memref<1x32x1024xf32, #tpu.memory_space<hbm>>
    %dma_wait3A_158 = tpu.memref_squeeze %dma_wait3A_157 : memref<1x32x1024xf32, #tpu.memory_space<hbm>> -> memref<32x1024xf32, #tpu.memory_space<hbm>>
    %dma_wait3A_159 = arith.constant 0 : i32
    %dma_wait3A_160 = tpu.memref_slice %arg4[%dma_wait3A_155, %mul3A_2, %dma_wait3A_159] : memref<4x1024x1024xf32, #tpu.memory_space<hbm>> -> memref<1x32x1024xf32, #tpu.memory_space<hbm>>
    %dma_wait3A_161 = tpu.memref_squeeze %dma_wait3A_160 : memref<1x32x1024xf32, #tpu.memory_space<hbm>> -> memref<32x1024xf32, #tpu.memory_space<hbm>>
    tpu.wait_dma2 semaphore(%arg12 : memref<!tpu.dma_semaphore, #tpu.memory_space<semaphore_mem>>) src(%arg7 : memref<32x1024xf32, #tpu.memory_space<vmem>>) dst(%dma_wait3A_161 : memref<32x1024xf32, #tpu.memory_space<hbm>>)
    return
  }
}

module attributes {stable_mosaic.version = 14 : i64} {
  func.func @cbody(%arg0: i32, %arg1: memref<4x512x1024xf32, #tpu.memory_space<vmem>>, %arg2: memref<4x512x1024xf32, #tpu.memory_space<vmem>>) attributes {dimension_semantics = [#tpu.dimension_semantics<arbitrary>], iteration_bounds = array<i64: 14>, scalar_prefetch = 0 : i64, scratch_operands = 0 : i64, tpu.core_type = #tpu.core_type<tc>, window_params = [{transform_indices = @transform_0, window_bounds = array<i64: 4, 512, 1024>}, {transform_indices = @transform_1, window_bounds = array<i64: 4, 512, 1024>}]} {
    %get3A = arith.constant 0 : index
    %get3A_0 = arith.constant 0 : index
    %get3A_1 = arith.constant 0 : index
    %get3A_2 = vector.load %arg1[%get3A, %get3A_0, %get3A_1] : memref<4x512x1024xf32, #tpu.memory_space<vmem>>, vector<4x512x1024xf32>
    %swap3A = arith.constant 0 : index
    %swap3A_3 = arith.constant 0 : index
    %swap3A_4 = arith.constant 0 : index
    %swap3A_5 = vector.load %arg2[%swap3A, %swap3A_3, %swap3A_4] : memref<4x512x1024xf32, #tpu.memory_space<vmem>>, vector<4x512x1024xf32>
    tpu.vector_store %arg2[%swap3A, %swap3A_3, %swap3A_4], %get3A_2 {strides = array<i32>} : memref<4x512x1024xf32, #tpu.memory_space<vmem>>, vector<4x512x1024xf32>,
    return
  }
  func.func @transform_0(%arg0: i32) -> (i32, i32, i32) {
    %c0_i32 = arith.constant 0 : i32
    %c0_i32_0 = arith.constant 0 : i32
    %c0_i32_1 = arith.constant 0 : i32
    return %c0_i32, %arg0, %c0_i32_0 : i32, i32, i32
  }
  func.func @transform_1(%arg0: i32) -> (i32, i32, i32) {
    %c0_i32 = arith.constant 0 : i32
    %c0_i32_0 = arith.constant 0 : i32
    %c0_i32_1 = arith.constant 0 : i32
    return %c0_i32, %arg0, %c0_i32_0 : i32, i32, i32
  }
}

</mosaic_0001>

<sc_bundles>
// kernel: kernel.4.cloned.1.call-start
scs
__scs_entry_jumppad:
0x0: {  	(pc) =	sbr.rel $0x88, $3  }
0x1: {  	(tag) =	ssettag $0x0;
	lr =	simm.s32 $0x1  }
0x2: {  	[smem:$0x3F9F] =	sst lr;
	_ =	strace $0xD0000000  }
0x3: {  	_ = 	snop  }
0x4: {  	_ = 	snop  }
0x5: {  	_ = 	snop  }
0x6: {  	_ = 	snop  }
0x7: {  	_ = 	snop  }
__scs_overlays_trampoline_lowered:
0x8: {  	[smem:$0x3FAE] =	sst s0  }
0x9: {  	[smem:$0x3FAF] =	sst s1  }
0xa: {  	[smem:$0x3FB0] =	sst s2  }
0xb: {  	[smem:$0x3FB1] =	sst s3  }
0xc: {  	[smem:$0x3FB2] =	sst s4  }
0xd: {  	[smem:$0x3FB3] =	sst s5  }
0xe: {  	[smem:$0x3FB4] =	sst s6  }
0xf: {  	[smem:$0x3FB5] =	sst s7  }
0x10: {  	[smem:$0x3FB6] =	sst s8  }
0x11: {  	[smem:$0x3FB7] =	sst s9;
	s0 =	simm.s32 @!p0 $0x0  }
0x12: {  	s1 =	sld [smem:$0x3F9D];
	s0 =	simm.s32 @p0 $0x1  }
0x13: {  	[smem:$0x3FB8] =	sst s0;
	s0 =	simm.s32 @!p1 $0x0  }
0x14: {  	s2 =	sld [smem:$0x3F9C];
	s0 =	simm.s32 @p1 $0x1  }
0x15: {  	[smem:$0x3FB9] =	sst s0;
	s0 =	simm.s32 @!p2 $0x0  }
0x16: {  	s3 =	sld [smem:$0x3FDB];
	s0 =	simm.s32 @p2 $0x1  }
0x17: {  	s4 =	simm.s32 $0x1BF5;
	[smem:$0x3FBB] =	sst s0  }
0x18: {  	s0 =	sld [smem:$0x3F9E];
	_ =	swait.ge [sflag:s4], $0x0  }
0x19: {  	s7 =	sld [smem:$0x3F9F]  }
0x1a: {  	s8 =	sadd.s32 $0xFFFFE003, lr  }
0x1b: {  	s9 =	sadd.s32 $0xFFFFFEF7, lr;
	s5 =	simm.s32 $0xFFFFFFFF;
	p2 =	slt.u32 s8, $0xFFFFF086  }
0x1c: {  	p1 =	slt.u32 s9, $0xF7A;
	s5 =	simm.s32 @!p2 $0x0  }
0x1d: {  	s5 =	simm.s32 @p1 $0x1;
	p0 =	seq.s32 s7, s2  }
0x1e: {  	s7 =	smul.u32 @!p0 $0xF7A, s2;
	p2 =	seq.s32 @!p0 s5, $0x0  }
0x1f: {  	s9 =	smul.u32 $0xF7A, s1;
	s8 =	simm.s32 @!p0 $0x1BF5;
	p2 =	por !p2, p0  }
0x20: {  	[sflag:s8] =	ssyncset.s32 @!p0 $0xFFFFF086;
	s6 =	sadd.s32 @!p0 s3, s7;
	s7 =	simm.s32 @!p0 $0x108  }
0x21: {  	s3 =	sadd.s32 s3, s9;
	s6 =	sadd.s32 @!p0 $0x88, s6;
	s7 =	simm.s32 @p2 $0x1082  }
0x22: {  	[simem:s7], [sflag:s8] =	dma.local @!p0 [hbm:s6], $0xF7A  }
0x23: {  	s9 =	sor.u32 $0xD0000000, s2;
	s6 =	simm.s32 $0x108;
	_ =	swait.ge @!p0 [sflag:s8], $0x0  }
0x24: {  	s3 =	sadd.s32 $0x88, s3;
	s6 =	simm.s32 @!p1 $0x1082;
	[sflag:s4] =	ssyncset.s32 $0xFFFFF086  }
0x25: {  	[simem:s6], [sflag:s4] =	dma.local [hbm:s3], $0xF7A  }
0x26: {  	[smem:$0x3F9F] =	sst s1;
	(tag) =	ssettag s2;
	_ =	strace s9  }
0x27: {  	s1 =	sld [smem:$0x3FAF]  }
0x28: {  	s2 =	sld [smem:$0x3FB0]  }
0x29: {  	s4 =	sld [smem:$0x3FB2]  }
0x2a: {  	p0 =	seq.s32 s5, $0x0;
	s5 =	sld [smem:$0x3FB3]  }
0x2b: {  	s6 =	sld [smem:$0x3FB4]  }
0x2c: {  	s7 =	sld [smem:$0x3FB5]  }
0x2d: {  	s3 =	simm.s32 $0x108;
	s8 =	sld [smem:$0x3FB6]  }
0x2e: {  	s3 =	simm.s32 @!p0 $0x1082;
	s9 =	sld [smem:$0x3FB7]  }
0x2f: {  	lr =	sadd.s32 s0, s3;
	s0 =	sld [smem:$0x3FAE]  }
0x30: {  	s3 =	sld [smem:$0x3FB1]  }
0x31: {  	[smem:$0x3FBA] =	sst s10  }
0x32: {  	s10 =	sld [smem:$0x3FB8];
	_ =	sdelay $0x3  }
0x33: {  	p0 =	seq.s32 s10, $0x1;
	s10 =	sld [smem:$0x3FBA];
	_ =	sdelay $0x3  }
0x34: {  	[smem:$0x3FBA] =	sst s10  }
0x35: {  	s10 =	sld [smem:$0x3FB9];
	_ =	sdelay $0x3  }
0x36: {  	p1 =	seq.s32 s10, $0x1;
	s10 =	sld [smem:$0x3FBA];
	_ =	sdelay $0x3  }
0x37: {  	[smem:$0x3FBA] =	sst s10  }
0x38: {  	s10 =	sld [smem:$0x3FBB]  }
0x39: {  	_ = 	snop;
	(pc) =	sbr.ind lr, $3  }
0x3a: {  	_ = 	snop  }
0x3b: {  	_ = 	snop  }
0x3c: {  	p2 =	seq.s32 s10, $0x1;
	s10 =	sld [smem:$0x3FBA]  }
0x3d: {  	_ =	shalt  }
0x3e: {  	_ =	shalt  }
0x3f: {  	_ =	shalt  }
0x40: {  	_ =	shalt  }
0x41: {  	_ =	shalt  }
0x42: {  	_ =	shalt  }
0x43: {  	_ =	shalt  }
0x44: {  	_ =	shalt  }
0x45: {  	_ =	shalt  }
0x46: {  	_ =	shalt  }
0x47: {  	_ =	shalt  }
0x48: {  	_ =	shalt  }
0x49: {  	_ =	shalt  }
0x4a: {  	_ =	shalt  }
0x4b: {  	_ =	shalt  }
0x4c: {  	_ =	shalt  }
0x4d: {  	_ =	shalt  }
0x4e: {  	_ =	shalt  }
0x4f: {  	_ =	shalt  }
0x50: {  	_ =	shalt  }
0x51: {  	_ =	shalt  }
0x52: {  	_ =	shalt  }
0x53: {  	_ =	shalt  }
0x54: {  	_ =	shalt  }
0x55: {  	_ =	shalt  }
0x56: {  	_ =	shalt  }
0x57: {  	_ =	shalt  }
0x58: {  	_ =	shalt  }
0x59: {  	_ =	shalt  }
0x5a: {  	_ =	shalt  }
0x5b: {  	_ =	shalt  }
0x5c: {  	_ =	shalt  }
0x5d: {  	_ =	shalt  }
0x5e: {  	_ =	shalt  }
0x5f: {  	_ =	shalt  }
0x60: {  	_ =	shalt  }
0x61: {  	_ =	shalt  }
0x62: {  	_ =	shalt  }
0x63: {  	_ =	shalt  }
0x64: {  	_ =	shalt  }
0x65: {  	_ =	shalt  }
0x66: {  	_ =	shalt  }
0x67: {  	_ =	shalt  }
0x68: {  	_ =	shalt  }
0x69: {  	_ =	shalt  }
0x6a: {  	_ =	shalt  }
0x6b: {  	_ =	shalt  }
0x6c: {  	_ =	shalt  }
0x6d: {  	_ =	shalt  }
0x6e: {  	_ =	shalt  }
0x6f: {  	_ =	shalt  }
0x70: {  	_ =	shalt  }
0x71: {  	_ =	shalt  }
0x72: {  	_ =	shalt  }
0x73: {  	_ =	shalt  }
0x74: {  	_ =	shalt  }
0x75: {  	_ =	shalt  }
0x76: {  	_ =	shalt  }
0x77: {  	_ =	shalt  }
0x78: {  	_ =	shalt  }
0x79: {  	_ =	shalt  }
0x7a: {  	_ =	shalt  }
0x7b: {  	_ =	shalt  }
0x7c: {  	_ =	shalt  }
0x7d: {  	_ =	shalt  }
0x7e: {  	_ =	shalt  }
0x7f: {  	_ =	shalt  }
0x80: {  	_ =	shalt  }
0x81: {  	_ =	shalt  }
0x82: {  	_ =	shalt  }
0x83: {  	_ =	shalt  }
0x84: {  	_ =	shalt  }
0x85: {  	_ =	shalt  }
0x86: {  	_ =	shalt  }
0x87: {  	_ =	shalt  }
.Lfunc_end0:
.L_simem_size_0:
called_computation_lowered:
.L_overlay_start_0:
0x88: {  	s2 =	sld [smem:$0x3FD9]  }
0x89: {  	s3 =	sld [smem:$0x3FFE];
	_ =	sdelay $0x1  }
0x8a: {  	s1 =	srdreg.scid  }
0x8b: {  	s0 =	sand.u32 $0x1, s1  }
0x8c: {  	s15 =	sshll.u32 s0, $0xA;
	s2 =	sadd.s32 s3, s2  }
0x8d: {  	s2 =	sadd.s32 s2, s15  }
0x8e: {  	[smem:$0x3FC6] =	sst s2  }
0x8f: {  	_ = 	snop  }
0x90: {  	s2 =	sld [smem:$0x3FD0];
	_ =	sdelay $0x1  }
0x91: {  	s16 =	sld [smem:$0x3FC9]  }
0x92: {  	s5 =	simm.s32 $0xA;
	s6 =	simm.s32 $0x10;
	s4 =	sld [smem:$0x3FC8]  }
0x93: {  	[smem:s6], [sflag:s5] =	dma.local [hbm:s2], $0x1  }
0x94: {  	_ =	swait.eq [sflag:s5], $0x1  }
0x95: {  	[sflag:s5] =	ssyncset.done $0x0  }
0x96: {  	[sflag:s5] =	ssyncadd.s32 $0xFFFFFFFF  }
0x97: {  	s17 =	sld [smem:$0x11];
	(tm) =	ssettm $0x1  }
0x98: {  	s18 =	sld [smem:$0x3FFB];
	_ =	sdelay $0x3  }
0x99: {  	_ =	strace s18  }
0x9a: {  	s5 =	sld [smem:$0x3FFC];
	_ =	sdelay $0x3  }
0x9b: {  	_ =	strace s5  }
0x9c: {  	s5 =	sld [smem:$0x3FFD];
	_ =	sdelay $0x3  }
0x9d: {  	_ =	strace s5  }
0x9e: {  	_ =	strace $0x8FFFFFFF  }
0x9f: {  	s19 =	sld [smem:$0x3FDB];
	_ =	sdelay $0x1  }
0xa0: {  	s20 =	simm.s32 $_scs_section_size  }
0xa1: {  	s7 =	simm.s32 $_size__tile_overlayer_lowered;
	s8 =	simm.s32 $_tile_overlayer_lowered  }
0xa2: {  	s23 =	simm.s32 $0x1BFF;
	s22 =	sshll.u32 s8, $0x1;
	s5 =	sadd.s32 s20, s19  }
0xa3: {  	s9 =	simm.s32 $0x0;
	s21 =	sshll.u32 s7, $0x1;
	s7 =	sadd.s32 s22, s5  }
0xa4: {  	[timem:s9], [sflag:s23] =	dma.local [hbm:s7], s21  }
0xa5: {  	_ =	swait.ge [sflag:s23], s21  }
0xa6: {  	s6 =	ssub.s32 $0x0, s21;
	[sflag:s23] =	ssyncset.done $0x0  }
0xa7: {  	[sflag:s23] =	ssyncadd.s32 s6;
	_ =	sdelay $0x1  }
0xa8: {  	s24 =	simm.s32 $0x1B8B  }
0xa9: {  	_ =	swait.ge [sflag:s24], $0x1  }
0xaa: {  	[sflag:s24] =	ssyncset.done $0x0  }
0xab: {  	s25 =	simm.s32 $0x1B8E;
	[sflag:s24] =	ssyncadd.s32 $0xFFFFFFFF  }
0xac: {  	s26 =	simm.s32 $execute0_lowered;
	[smem:$0x3FD2] =	sst s25  }
0xad: {  	s6 =	sshll.u32 s26, $0x1;
	_ =	strace $0x80000046;
	[dreg:$0x1] =	wrdreg $0xFFFFFFFF  }
0xae: {  	s28 =	simm.s32 $_size_execute0_lowered;
	s5 =	sadd.s32 s5, s6;
	[dreg:$0x0] =	wrdreg $0x0  }
0xaf: {  	s6 =	sshll.u32 s28, $0x1;
	[dreg:$0x2] =	wrdreg s5  }
0xb0: {  	[dreg:$0x3] =	wrdreg s6  }
0xb1: {  	[dreg:$0x4] =	wrdreg $0xC0  }
0xb2: {  	_ =	task [dreg:s9], $0x5FFFF  }
0xb3: {  	[dreg:$0x1] =	wrdreg $0xFFFFFFFF  }
0xb4: {  	[dreg:$0x0] =	wrdreg $0x60  }
0xb5: {  	[dreg:$0x2] =	wrdreg s16  }
0xb6: {  	[dreg:$0x3] =	wrdreg s4  }
0xb7: {  	[dreg:$0x4] =	wrdreg s17  }
0xb8: {  	[dreg:$0x5] =	wrdreg $0x9  }
0xb9: {  	_ =	task.clear_ibuf [dreg:s9], $0x6FFFF;
	_ =	strace $0x90000046  }
0xba: {  	s29 =	simm.s32 $0x9;
	_ =	strace $0x80000048  }
0xbb: {  	_ =	swait.ge [sflag:s29], $0x1  }
0xbc: {  	[sflag:s29] =	ssyncadd.s32 $0xFFFFFFFF  }
0xbd: {  	_ =	strace $0x90000048  }
0xbe: {  	_ =	sfence  }
0xbf: {  	s30 =	sld [smem:$0x0];
	_ =	sdelay $0x2  }
0xc0: {  	s31 =	sshll.u32 s1, $0xD;
	s1 =	sshrl.u32 s1, $0x2  }
0xc1: {  	s3 =	sand.u32 $0x4000, s31;
	s1 =	sadd.s32 s1, s30  }
0xc2: {  	s0 =	sor.u32 s3, s0;
	s1 =	sshll.u32 s1, $0x11  }
0xc3: {  	s0 =	sor.u32 s1, s0  }
0xc4: {  	s0 =	sadd.s32 $0x8F2B, s0  }
0xc5: {  	[sflag:s0] =	ssyncadd.remote.s32 $0x1  }
0xc6: {  	_ =	sfence.sel $0xFFFF  }
0xc7: {  	[dreg:$0x0] =	wrdreg $0xFFFFFFFF;
	(pc) =	sbr.abs _section_cstart, $3  }
0xc8: {  	[dreg:$0x1] =	wrdreg $0xFFFFFFFF  }
0xc9: {  	_ =	task.clear_ibuf [dreg:s9], $0x2FFFF;
	_ =	strace $0x9FFFFFFF  }
0xca: {  	(tm) =	ssettm $0x7FFFFFFF  }
0xcb: {  	_ =	shalt  }
tec
execute0_lowered:
.L_overlay_start_1:
0x0: {  	(tag) =	ssettag $0x1  }
0x1: {  	s5 =	rddreg [dreg:$0x0]  }
0x2: {  	s3 =	rddreg [dreg:$0x1];
	s0 =	srdreg.scid  }
0x3: {  	s6 =	rddreg [dreg:$0x2];
	s1 =	stileid.u32;
	s2 =	simm.s32 $0x0  }
0x4: {  	s13 =	simm.s32 $0x8000;
	s14 =	simm.s32 $0x10000;
	s15 =	simm.s32 $0x1  }
0x5: {  	s16 =	simm.s32 $0x2;
	s17 =	simm.s32 $0x3;
	s18 =	simm.s32 $0x4  }
0x6: {  	s19 =	simm.s32 $0x5;
	s20 =	simm.s32 $0x0;
	s4 =	sand.u32 $0x1, s0  }
0x7: {  	s0 =	rddreg [dreg:$0x3];
	s7 =	sshll.u32 s1, $0xD;
	s8 =	sshll.u32 s4, $0xC  }
0x8: {  	[smem:$0x7FF] =	sst s2;
	s4 =	ssub.s32 $0x2, s4;
	s7 =	sor.u32 s8, s7  }
0x9: {  	_ =	strace $0x80000047;
	s31 =	sshrl.u32 s4, $0x1;
	s9 =	sor.u32 $0xE0000, s7  }
0xa: {  	s12 =	ssub.s32 s4, s31;
	s10 =	sadd.s32 s7, s5;
	s3 =	sadd.s32 s3, s9  }
0xb: {  	s4 =	sadd.s32 s5, s9;
	s5 =	sadd.s32 s6, s7;
	s6 =	sadd.s32 $0x1E0000, s10  }
0xc: {  	s8 =	sadd.s32 $0x2E0000, s10;
	s10 =	sadd.s32 $0x3E0000, s10;
	s12 =	smax.u32 s12, $0x1  }
0xd: {  	s7 =	sadd.s32 $0x20000, s5;
	s9 =	sadd.s32 $0x40000, s5;
	s11 =	sadd.s32 $0x60000, s5  }
.LBB2_1:
0xe: {  	[tilespmem:s2], [sflag:$0x1] =	stream.linear.gather [hbm4b:s3+s2], $0x8000, $0x38;
	[tilespmem:$0x18000] =	vst v63  }
0xf: {  	_ = 	snop  }
0x10: {  	[tilespmem:s13], [sflag:$0x2] =	stream.linear.gather [hbm4b:s4+s2], $0x8000, $0x38;
	[tilespmem:$0x18000] =	vst v63  }
0x11: {  	_ = 	snop  }
0x12: {  	[tilespmem:s14], [sflag:$0x3] =	stream.linear.gather [hbm4b:s6+s2], $0x8000, $0x38;
	[tilespmem:$0x18000] =	vst v63  }
0x13: {  	_ =	swait.ge [sflag:s15], $0x8000  }
0x14: {  	[sflag:s15] =	ssyncset.done $0x0  }
0x15: {  	[sflag:s15] =	ssyncadd.s32 $0xFFFF8000  }
0x16: {  	s21 =	simm.s32 $0x0;
	_ =	swait.ge [sflag:s16], $0x8000  }
0x17: {  	s22 =	sand.u32 $0x380, s2;
	s21 =	sand.u32 $0x6000, s21;
	[sflag:s16] =	ssyncset.done $0x0  }
0x18: {  	s21 =	sor.u32 s22, s21;
	[sflag:s16] =	ssyncadd.s32 $0xFFFF8000  }
0x19: {  	v0 =	vld [tilespmem:s21+$0x0];
	_ =	sdelay $0x3  }
0x1a: {  	s22 =	sor.u32 $0x8000, s21  }
0x1b: {  	[tilespmem:s22+$0x0] =	vst.add.f32.msk $0xffff, v0  }
0x1c: {  	v0 =	vld [tilespmem:s21+$0x10];
	_ =	sdelay $0x3  }
0x1d: {  	s24 =	sor.u32 $0x8010, s21  }
0x1e: {  	[tilespmem:s24+$0x0] =	vst.add.f32.msk $0xffff, v0  }
0x1f: {  	v0 =	vld [tilespmem:s21+$0x20];
	_ =	sdelay $0x3  }
0x20: {  	s25 =	sor.u32 $0x8020, s21  }
0x21: {  	[tilespmem:s25+$0x0] =	vst.add.f32.msk $0xffff, v0  }
0x22: {  	v0 =	vld [tilespmem:s21+$0x30];
	_ =	sdelay $0x3  }
0x23: {  	s26 =	sor.u32 $0x8030, s21  }
0x24: {  	[tilespmem:s26+$0x0] =	vst.add.f32.msk $0xffff, v0  }
0x25: {  	v0 =	vld [tilespmem:s21+$0x40];
	_ =	sdelay $0x3  }
0x26: {  	s29 =	sor.u32 $0x8040, s21  }
0x27: {  	[tilespmem:s29+$0x0] =	vst.add.f32.msk $0xffff, v0  }
0x28: {  	v0 =	vld [tilespmem:s21+$0x50];
	_ =	sdelay $0x3  }
0x29: {  	s30 =	sor.u32 $0x8050, s21  }
0x2a: {  	[tilespmem:s30+$0x0] =	vst.add.f32.msk $0xffff, v0  }
0x2b: {  	v0 =	vld [tilespmem:s21+$0x60];
	_ =	sdelay $0x3  }
0x2c: {  	s31 =	sor.u32 $0x8060, s21  }
0x2d: {  	[tilespmem:s31+$0x0] =	vst.add.f32.msk $0xffff, v0  }
0x2e: {  	v0 =	vld [tilespmem:s21+$0x70];
	_ =	sdelay $0x3  }
0x2f: {  	s23 =	sor.u32 $0x8070, s21  }
0x30: {  	[tilespmem:s23+$0x0] =	vst.add.f32.msk $0xffff, v0  }
0x31: {  	v0 =	vld [tilespmem:s21+$0x400];
	_ =	sdelay $0x3  }
0x32: {  	s24 =	sor.u32 $0x8400, s21  }
0x33: {  	[tilespmem:s24+$0x0] =	vst.add.f32.msk $0xffff, v0  }
0x34: {  	v0 =	vld [tilespmem:s21+$0x410];
	_ =	sdelay $0x3  }
0x35: {  	s25 =	sor.u32 $0x8410, s21  }
0x36: {  	[tilespmem:s25+$0x0] =	vst.add.f32.msk $0xffff, v0  }
0x37: {  	v0 =	vld [tilespmem:s21+$0x420];
	_ =	sdelay $0x3  }
0x38: {  	s26 =	sor.u32 $0x8420, s21  }
0x39: {  	[tilespmem:s26+$0x0] =	vst.add.f32.msk $0xffff, v0  }
0x3a: {  	v0 =	vld [tilespmem:s21+$0x430];
	_ =	sdelay $0x3  }
0x3b: {  	s29 =	sor.u32 $0x8430, s21  }
0x3c: {  	[tilespmem:s29+$0x0] =	vst.add.f32.msk $0xffff, v0  }
0x3d: {  	v0 =	vld [tilespmem:s21+$0x440];
	_ =	sdelay $0x3  }
0x3e: {  	s30 =	sor.u32 $0x8440, s21  }
0x3f: {  	[tilespmem:s30+$0x0] =	vst.add.f32.msk $0xffff, v0  }
0x40: {  	v0 =	vld [tilespmem:s21+$0x450];
	_ =	sdelay $0x3  }
0x41: {  	s31 =	sor.u32 $0x8450, s21  }
0x42: {  	[tilespmem:s31+$0x0] =	vst.add.f32.msk $0xffff, v0  }
0x43: {  	v0 =	vld [tilespmem:s21+$0x460];
	_ =	sdelay $0x3  }
0x44: {  	s23 =	sor.u32 $0x8460, s21  }
0x45: {  	[tilespmem:s23+$0x0] =	vst.add.f32.msk $0xffff, v0  }
0x46: {  	v0 =	vld [tilespmem:s21+$0x470];
	_ =	sdelay $0x3  }
0x47: {  	s24 =	sor.u32 $0x8470, s21  }
0x48: {  	[tilespmem:s24+$0x0] =	vst.add.f32.msk $0xffff, v0  }
0x49: {  	v0 =	vld [tilespmem:s21+$0x800];
	_ =	sdelay $0x3  }
0x4a: {  	s25 =	sor.u32 $0x8800, s21  }
0x4b: {  	[tilespmem:s25+$0x0] =	vst.add.f32.msk $0xffff, v0  }
0x4c: {  	v0 =	vld [tilespmem:s21+$0x810];
	_ =	sdelay $0x3  }
0x4d: {  	s26 =	sor.u32 $0x8810, s21  }
0x4e: {  	[tilespmem:s26+$0x0] =	vst.add.f32.msk $0xffff, v0  }
0x4f: {  	v0 =	vld [tilespmem:s21+$0x820];
	_ =	sdelay $0x3  }
0x50: {  	s29 =	sor.u32 $0x8820, s21  }
0x51: {  	[tilespmem:s29+$0x0] =	vst.add.f32.msk $0xffff, v0  }
0x52: {  	v0 =	vld [tilespmem:s21+$0x830];
	_ =	sdelay $0x3  }
0x53: {  	s30 =	sor.u32 $0x8830, s21  }
0x54: {  	[tilespmem:s30+$0x0] =	vst.add.f32.msk $0xffff, v0  }
0x55: {  	v0 =	vld [tilespmem:s21+$0x840];
	_ =	sdelay $0x3  }
0x56: {  	s31 =	sor.u32 $0x8840, s21  }
0x57: {  	[tilespmem:s31+$0x0] =	vst.add.f32.msk $0xffff, v0  }
0x58: {  	v0 =	vld [tilespmem:s21+$0x850];
	_ =	sdelay $0x3  }
0x59: {  	s23 =	sor.u32 $0x8850, s21  }
0x5a: {  	[tilespmem:s23+$0x0] =	vst.add.f32.msk $0xffff, v0  }
0x5b: {  	v0 =	vld [tilespmem:s21+$0x860];
	_ =	sdelay $0x3  }
0x5c: {  	s24 =	sor.u32 $0x8860, s21  }
0x5d: {  	[tilespmem:s24+$0x0] =	vst.add.f32.msk $0xffff, v0  }
0x5e: {  	v0 =	vld [tilespmem:s21+$0x870];
	_ =	sdelay $0x3  }
0x5f: {  	s25 =	sor.u32 $0x8870, s21  }
0x60: {  	[tilespmem:s25+$0x0] =	vst.add.f32.msk $0xffff, v0  }
0x61: {  	v0 =	vld [tilespmem:s21+$0xC00];
	_ =	sdelay $0x3  }
0x62: {  	s26 =	sor.u32 $0x8C00, s21  }
0x63: {  	[tilespmem:s26+$0x0] =	vst.add.f32.msk $0xffff, v0  }
0x64: {  	v0 =	vld [tilespmem:s21+$0xC10];
	_ =	sdelay $0x3  }
0x65: {  	s29 =	sor.u32 $0x8C10, s21  }
0x66: {  	[tilespmem:s29+$0x0] =	vst.add.f32.msk $0xffff, v0  }
0x67: {  	v0 =	vld [tilespmem:s21+$0xC20];
	_ =	sdelay $0x3  }
0x68: {  	s30 =	sor.u32 $0x8C20, s21  }
0x69: {  	[tilespmem:s30+$0x0] =	vst.add.f32.msk $0xffff, v0  }
0x6a: {  	v0 =	vld [tilespmem:s21+$0xC30];
	_ =	sdelay $0x3  }
0x6b: {  	s31 =	sor.u32 $0x8C30, s21  }
0x6c: {  	[tilespmem:s31+$0x0] =	vst.add.f32.msk $0xffff, v0  }
0x6d: {  	v0 =	vld [tilespmem:s21+$0xC40];
	_ =	sdelay $0x3  }
0x6e: {  	s23 =	sor.u32 $0x8C40, s21  }
0x6f: {  	[tilespmem:s23+$0x0] =	vst.add.f32.msk $0xffff, v0  }
0x70: {  	v0 =	vld [tilespmem:s21+$0xC50];
	_ =	sdelay $0x3  }
0x71: {  	s24 =	sor.u32 $0x8C50, s21  }
0x72: {  	[tilespmem:s24+$0x0] =	vst.add.f32.msk $0xffff, v0  }
0x73: {  	v0 =	vld [tilespmem:s21+$0xC60];
	_ =	sdelay $0x3  }
0x74: {  	s25 =	sor.u32 $0x8C60, s21  }
0x75: {  	[tilespmem:s25+$0x0] =	vst.add.f32.msk $0xffff, v0  }
0x76: {  	v0 =	vld [tilespmem:s21+$0xC70];
	_ =	sdelay $0x3  }
0x77: {  	s26 =	sor.u32 $0x8C70, s21  }
0x78: {  	[tilespmem:s26+$0x0] =	vst.add.f32.msk $0xffff, v0  }
0x79: {  	v0 =	vld [tilespmem:s21+$0x1000];
	_ =	sdelay $0x3  }
0x7a: {  	s29 =	sor.u32 $0x9000, s21  }
0x7b: {  	[tilespmem:s29+$0x0] =	vst.add.f32.msk $0xffff, v0  }
0x7c: {  	v0 =	vld [tilespmem:s21+$0x1010];
	_ =	sdelay $0x3  }
0x7d: {  	s30 =	sor.u32 $0x9010, s21  }
0x7e: {  	[tilespmem:s30+$0x0] =	vst.add.f32.msk $0xffff, v0  }
0x7f: {  	v0 =	vld [tilespmem:s21+$0x1020];
	_ =	sdelay $0x3  }
0x80: {  	s31 =	sor.u32 $0x9020, s21  }
0x81: {  	[tilespmem:s31+$0x0] =	vst.add.f32.msk $0xffff, v0  }
0x82: {  	v0 =	vld [tilespmem:s21+$0x1030];
	_ =	sdelay $0x3  }
0x83: {  	s23 =	sor.u32 $0x9030, s21  }
0x84: {  	[tilespmem:s23+$0x0] =	vst.add.f32.msk $0xffff, v0  }
0x85: {  	v0 =	vld [tilespmem:s21+$0x1040];
	_ =	sdelay $0x3  }
0x86: {  	s24 =	sor.u32 $0x9040, s21  }
0x87: {  	[tilespmem:s24+$0x0] =	vst.add.f32.msk $0xffff, v0  }
0x88: {  	v0 =	vld [tilespmem:s21+$0x1050];
	_ =	sdelay $0x3  }
0x89: {  	s25 =	sor.u32 $0x9050, s21  }
0x8a: {  	[tilespmem:s25+$0x0] =	vst.add.f32.msk $0xffff, v0  }
0x8b: {  	v0 =	vld [tilespmem:s21+$0x1060];
	_ =	sdelay $0x3  }
0x8c: {  	s26 =	sor.u32 $0x9060, s21  }
0x8d: {  	[tilespmem:s26+$0x0] =	vst.add.f32.msk $0xffff, v0  }
0x8e: {  	v0 =	vld [tilespmem:s21+$0x1070];
	_ =	sdelay $0x3  }
0x8f: {  	s29 =	sor.u32 $0x9070, s21  }
0x90: {  	[tilespmem:s29+$0x0] =	vst.add.f32.msk $0xffff, v0  }
0x91: {  	v0 =	vld [tilespmem:s21+$0x1400];
	_ =	sdelay $0x3  }
0x92: {  	s30 =	sor.u32 $0x9400, s21  }
0x93: {  	[tilespmem:s30+$0x0] =	vst.add.f32.msk $0xffff, v0  }
0x94: {  	v0 =	vld [tilespmem:s21+$0x1410];
	_ =	sdelay $0x3  }
0x95: {  	s31 =	sor.u32 $0x9410, s21  }
0x96: {  	[tilespmem:s31+$0x0] =	vst.add.f32.msk $0xffff, v0  }
0x97: {  	v0 =	vld [tilespmem:s21+$0x1420];
	_ =	sdelay $0x3  }
0x98: {  	s23 =	sor.u32 $0x9420, s21  }
0x99: {  	[tilespmem:s23+$0x0] =	vst.add.f32.msk $0xffff, v0  }
0x9a: {  	v0 =	vld [tilespmem:s21+$0x1430];
	_ =	sdelay $0x3  }
0x9b: {  	s24 =	sor.u32 $0x9430, s21  }
0x9c: {  	[tilespmem:s24+$0x0] =	vst.add.f32.msk $0xffff, v0  }
0x9d: {  	v0 =	vld [tilespmem:s21+$0x1440];
	_ =	sdelay $0x3  }
0x9e: {  	s25 =	sor.u32 $0x9440, s21  }
0x9f: {  	[tilespmem:s25+$0x0] =	vst.add.f32.msk $0xffff, v0  }
0xa0: {  	v0 =	vld [tilespmem:s21+$0x1450];
	_ =	sdelay $0x3  }
0xa1: {  	s26 =	sor.u32 $0x9450, s21  }
0xa2: {  	[tilespmem:s26+$0x0] =	vst.add.f32.msk $0xffff, v0  }
0xa3: {  	v0 =	vld [tilespmem:s21+$0x1460];
	_ =	sdelay $0x3  }
0xa4: {  	s29 =	sor.u32 $0x9460, s21  }
0xa5: {  	[tilespmem:s29+$0x0] =	vst.add.f32.msk $0xffff, v0  }
0xa6: {  	v0 =	vld [tilespmem:s21+$0x1470];
	_ =	sdelay $0x3  }
0xa7: {  	s30 =	sor.u32 $0x9470, s21  }
0xa8: {  	[tilespmem:s30+$0x0] =	vst.add.f32.msk $0xffff, v0  }
0xa9: {  	v0 =	vld [tilespmem:s21+$0x1800];
	_ =	sdelay $0x3  }
0xaa: {  	s31 =	sor.u32 $0x9800, s21  }
0xab: {  	[tilespmem:s31+$0x0] =	vst.add.f32.msk $0xffff, v0  }
0xac: {  	v0 =	vld [tilespmem:s21+$0x1810];
	_ =	sdelay $0x3  }
0xad: {  	s23 =	sor.u32 $0x9810, s21  }
0xae: {  	[tilespmem:s23+$0x0] =	vst.add.f32.msk $0xffff, v0  }
0xaf: {  	v0 =	vld [tilespmem:s21+$0x1820];
	_ =	sdelay $0x3  }
0xb0: {  	s24 =	sor.u32 $0x9820, s21  }
0xb1: {  	[tilespmem:s24+$0x0] =	vst.add.f32.msk $0xffff, v0  }
0xb2: {  	v0 =	vld [tilespmem:s21+$0x1830];
	_ =	sdelay $0x3  }
0xb3: {  	s25 =	sor.u32 $0x9830, s21  }
0xb4: {  	[tilespmem:s25+$0x0] =	vst.add.f32.msk $0xffff, v0  }
0xb5: {  	v0 =	vld [tilespmem:s21+$0x1840];
	_ =	sdelay $0x3  }
0xb6: {  	s26 =	sor.u32 $0x9840, s21  }
0xb7: {  	[tilespmem:s26+$0x0] =	vst.add.f32.msk $0xffff, v0  }
0xb8: {  	v0 =	vld [tilespmem:s21+$0x1850];
	_ =	sdelay $0x3  }
0xb9: {  	s29 =	sor.u32 $0x9850, s21  }
0xba: {  	[tilespmem:s29+$0x0] =	vst.add.f32.msk $0xffff, v0  }
0xbb: {  	v0 =	vld [tilespmem:s21+$0x1860];
	_ =	sdelay $0x3  }
0xbc: {  	s30 =	sor.u32 $0x9860, s21  }
0xbd: {  	[tilespmem:s30+$0x0] =	vst.add.f32.msk $0xffff, v0  }
0xbe: {  	v0 =	vld [tilespmem:s21+$0x1870];
	_ =	sdelay $0x1  }
0xbf: {  	s31 =	sand.u32 $0x7, s2  }
0xc0: {  	s22 =	sshll.u32 s31, $0x7  }
0xc1: {  	s22 =	sadd.s32 $0x0, s22;
	s21 =	sor.u32 $0x9870, s21  }
0xc2: {  	s23 =	sor.u32 $0x1C00, s22;
	[tilespmem:s21+$0x0] =	vst.add.f32.msk $0xffff, v0  }
0xc3: {  	v0 =	vld [tilespmem:s23+$0x0];
	_ =	sdelay $0x4  }
0xc4: {  	s24 =	sor.u32 $0x1C10, s22;
	[tilespmem:s23+$0x8000] =	vst.add.f32.msk $0xffff, v0  }
0xc5: {  	v0 =	vld [tilespmem:s24+$0x0];
	_ =	sdelay $0x4  }
0xc6: {  	s25 =	sor.u32 $0x1C20, s22;
	[tilespmem:s24+$0x8000] =	vst.add.f32.msk $0xffff, v0  }
0xc7: {  	v0 =	vld [tilespmem:s25+$0x0];
	_ =	sdelay $0x4  }
0xc8: {  	s26 =	sor.u32 $0x1C30, s22;
	[tilespmem:s25+$0x8000] =	vst.add.f32.msk $0xffff, v0  }
0xc9: {  	v0 =	vld [tilespmem:s26+$0x0];
	_ =	sdelay $0x4  }
0xca: {  	s29 =	sor.u32 $0x1C40, s22;
	[tilespmem:s26+$0x8000] =	vst.add.f32.msk $0xffff, v0  }
0xcb: {  	v0 =	vld [tilespmem:s29+$0x0];
	_ =	sdelay $0x4  }
0xcc: {  	s30 =	sor.u32 $0x1C50, s22;
	[tilespmem:s29+$0x8000] =	vst.add.f32.msk $0xffff, v0  }
0xcd: {  	v0 =	vld [tilespmem:s30+$0x0];
	_ =	sdelay $0x4  }
0xce: {  	s31 =	sor.u32 $0x1C60, s22;
	[tilespmem:s30+$0x8000] =	vst.add.f32.msk $0xffff, v0  }
0xcf: {  	v0 =	vld [tilespmem:s31+$0x0];
	_ =	sdelay $0x4  }
0xd0: {  	s28 =	sor.u32 $0x1C70, s22;
	[tilespmem:s31+$0x8000] =	vst.add.f32.msk $0xffff, v0  }
0xd1: {  	v0 =	vld [tilespmem:s28+$0x0];
	_ =	sdelay $0x1  }
0xd2: {  	s22 =	simm.s32 $0x0;
	s21 =	simm.s32 $0x0;
	s23 =	simm.s32 $0x80  }
0xd3: {  	s24 =	simm.s32 $0xFFFF8400;
	s25 =	simm.s32 $0x100;
	s26 =	simm.s32 $0x400  }
.LBB2_2:
0xd4: {  	p0 =	sne.s32 s25, $0xF80;
	s26 =	sand.u32 $0x6000, s26;
	s23 =	sand.u32 $0x380, s23  }
0xd5: {  	s26 =	sor.u32 s23, s26;
	[tilespmem:s28+$0x8000] =	vst.add.f32.msk $0xffff, v0;
	s23 =	smov.u32 s25  }
0xd6: {  	v0 =	vld [tilespmem:s26+$0x0];
	_ =	sdelay $0x3  }
0xd7: {  	s28 =	sor.u32 $0x8000, s26  }
0xd8: {  	[tilespmem:s28+$0x0] =	vst.add.f32.msk $0xffff, v0  }
0xd9: {  	v0 =	vld [tilespmem:s26+$0x10];
	_ =	sdelay $0x3  }
0xda: {  	s28 =	sor.u32 $0x8010, s26  }
0xdb: {  	[tilespmem:s28+$0x0] =	vst.add.f32.msk $0xffff, v0  }
0xdc: {  	v0 =	vld [tilespmem:s26+$0x20];
	_ =	sdelay $0x3  }
0xdd: {  	s28 =	sor.u32 $0x8020, s26  }
0xde: {  	[tilespmem:s28+$0x0] =	vst.add.f32.msk $0xffff, v0  }
0xdf: {  	v0 =	vld [tilespmem:s26+$0x30];
	_ =	sdelay $0x3  }
0xe0: {  	s28 =	sor.u32 $0x8030, s26  }
0xe1: {  	[tilespmem:s28+$0x0] =	vst.add.f32.msk $0xffff, v0  }
0xe2: {  	v0 =	vld [tilespmem:s26+$0x40];
	_ =	sdelay $0x3  }
0xe3: {  	s28 =	sor.u32 $0x8040, s26  }
0xe4: {  	[tilespmem:s28+$0x0] =	vst.add.f32.msk $0xffff, v0  }
0xe5: {  	v0 =	vld [tilespmem:s26+$0x50];
	_ =	sdelay $0x3  }
0xe6: {  	s28 =	sor.u32 $0x8050, s26  }
0xe7: {  	[tilespmem:s28+$0x0] =	vst.add.f32.msk $0xffff, v0  }
0xe8: {  	v0 =	vld [tilespmem:s26+$0x60];
	_ =	sdelay $0x3  }
0xe9: {  	s28 =	sor.u32 $0x8060, s26  }
0xea: {  	[tilespmem:s28+$0x0] =	vst.add.f32.msk $0xffff, v0  }
0xeb: {  	v0 =	vld [tilespmem:s26+$0x70];
	_ =	sdelay $0x3  }
0xec: {  	s28 =	sor.u32 $0x8070, s26  }
0xed: {  	[tilespmem:s28+$0x0] =	vst.add.f32.msk $0xffff, v0  }
0xee: {  	v0 =	vld [tilespmem:s26+$0x400];
	_ =	sdelay $0x3  }
0xef: {  	s28 =	sor.u32 $0x8400, s26  }
0xf0: {  	[tilespmem:s28+$0x0] =	vst.add.f32.msk $0xffff, v0  }
0xf1: {  	v0 =	vld [tilespmem:s26+$0x410];
	_ =	sdelay $0x3  }
0xf2: {  	s28 =	sor.u32 $0x8410, s26  }
0xf3: {  	[tilespmem:s28+$0x0] =	vst.add.f32.msk $0xffff, v0  }
0xf4: {  	v0 =	vld [tilespmem:s26+$0x420];
	_ =	sdelay $0x3  }
0xf5: {  	s28 =	sor.u32 $0x8420, s26  }
0xf6: {  	[tilespmem:s28+$0x0] =	vst.add.f32.msk $0xffff, v0  }
0xf7: {  	v0 =	vld [tilespmem:s26+$0x430];
	_ =	sdelay $0x3  }
0xf8: {  	s28 =	sor.u32 $0x8430, s26  }
0xf9: {  	[tilespmem:s28+$0x0] =	vst.add.f32.msk $0xffff, v0  }
0xfa: {  	v0 =	vld [tilespmem:s26+$0x440];
	_ =	sdelay $0x3  }
0xfb: {  	s28 =	sor.u32 $0x8440, s26  }
0xfc: {  	[tilespmem:s28+$0x0] =	vst.add.f32.msk $0xffff, v0  }
0xfd: {  	v0 =	vld [tilespmem:s26+$0x450];
	_ =	sdelay $0x3  }
0xfe: {  	s28 =	sor.u32 $0x8450, s26  }
0xff: {  	[tilespmem:s28+$0x0] =	vst.add.f32.msk $0xffff, v0  }
0x100: {  	v0 =	vld [tilespmem:s26+$0x460];
	_ =	sdelay $0x3  }
0x101: {  	s28 =	sor.u32 $0x8460, s26  }
0x102: {  	[tilespmem:s28+$0x0] =	vst.add.f32.msk $0xffff, v0  }
0x103: {  	v0 =	vld [tilespmem:s26+$0x470];
	_ =	sdelay $0x3  }
0x104: {  	s28 =	sor.u32 $0x8470, s26  }
0x105: {  	[tilespmem:s28+$0x0] =	vst.add.f32.msk $0xffff, v0  }
0x106: {  	v0 =	vld [tilespmem:s26+$0x800];
	_ =	sdelay $0x3  }
0x107: {  	s28 =	sor.u32 $0x8800, s26  }
0x108: {  	[tilespmem:s28+$0x0] =	vst.add.f32.msk $0xffff, v0  }
0x109: {  	v0 =	vld [tilespmem:s26+$0x810];
	_ =	sdelay $0x3  }
0x10a: {  	s28 =	sor.u32 $0x8810, s26  }
0x10b: {  	[tilespmem:s28+$0x0] =	vst.add.f32.msk $0xffff, v0  }
0x10c: {  	v0 =	vld [tilespmem:s26+$0x820];
	_ =	sdelay $0x3  }
0x10d: {  	s28 =	sor.u32 $0x8820, s26  }
0x10e: {  	[tilespmem:s28+$0x0] =	vst.add.f32.msk $0xffff, v0  }
0x10f: {  	v0 =	vld [tilespmem:s26+$0x830];
	_ =	sdelay $0x3  }
0x110: {  	s28 =	sor.u32 $0x8830, s26  }
0x111: {  	[tilespmem:s28+$0x0] =	vst.add.f32.msk $0xffff, v0  }
0x112: {  	v0 =	vld [tilespmem:s26+$0x840];
	_ =	sdelay $0x3  }
0x113: {  	s28 =	sor.u32 $0x8840, s26  }
0x114: {  	[tilespmem:s28+$0x0] =	vst.add.f32.msk $0xffff, v0  }
0x115: {  	v0 =	vld [tilespmem:s26+$0x850];
	_ =	sdelay $0x3  }
0x116: {  	s28 =	sor.u32 $0x8850, s26  }
0x117: {  	[tilespmem:s28+$0x0] =	vst.add.f32.msk $0xffff, v0  }
0x118: {  	v0 =	vld [tilespmem:s26+$0x860];
	_ =	sdelay $0x3  }
0x119: {  	s28 =	sor.u32 $0x8860, s26  }
0x11a: {  	[tilespmem:s28+$0x0] =	vst.add.f32.msk $0xffff, v0  }
0x11b: {  	v0 =	vld [tilespmem:s26+$0x870];
	_ =	sdelay $0x3  }
0x11c: {  	s28 =	sor.u32 $0x8870, s26  }
0x11d: {  	[tilespmem:s28+$0x0] =	vst.add.f32.msk $0xffff, v0  }
0x11e: {  	v0 =	vld [tilespmem:s26+$0xC00];
	_ =	sdelay $0x3  }
0x11f: {  	s28 =	sor.u32 $0x8C00, s26  }
0x120: {  	[tilespmem:s28+$0x0] =	vst.add.f32.msk $0xffff, v0  }
0x121: {  	v0 =	vld [tilespmem:s26+$0xC10];
	_ =	sdelay $0x3  }
0x122: {  	s28 =	sor.u32 $0x8C10, s26  }
0x123: {  	[tilespmem:s28+$0x0] =	vst.add.f32.msk $0xffff, v0  }
0x124: {  	v0 =	vld [tilespmem:s26+$0xC20];
	_ =	sdelay $0x3  }
0x125: {  	s28 =	sor.u32 $0x8C20, s26  }
0x126: {  	[tilespmem:s28+$0x0] =	vst.add.f32.msk $0xffff, v0  }
0x127: {  	v0 =	vld [tilespmem:s26+$0xC30];
	_ =	sdelay $0x3  }
0x128: {  	s28 =	sor.u32 $0x8C30, s26  }
0x129: {  	[tilespmem:s28+$0x0] =	vst.add.f32.msk $0xffff, v0  }
0x12a: {  	v0 =	vld [tilespmem:s26+$0xC40];
	_ =	sdelay $0x3  }
0x12b: {  	s28 =	sor.u32 $0x8C40, s26  }
0x12c: {  	[tilespmem:s28+$0x0] =	vst.add.f32.msk $0xffff, v0  }
0x12d: {  	v0 =	vld [tilespmem:s26+$0xC50];
	_ =	sdelay $0x3  }
0x12e: {  	s28 =	sor.u32 $0x8C50, s26  }
0x12f: {  	[tilespmem:s28+$0x0] =	vst.add.f32.msk $0xffff, v0  }
0x130: {  	v0 =	vld [tilespmem:s26+$0xC60];
	_ =	sdelay $0x3  }
0x131: {  	s28 =	sor.u32 $0x8C60, s26  }
0x132: {  	[tilespmem:s28+$0x0] =	vst.add.f32.msk $0xffff, v0  }
0x133: {  	v0 =	vld [tilespmem:s26+$0xC70];
	_ =	sdelay $0x3  }
0x134: {  	s28 =	sor.u32 $0x8C70, s26  }
0x135: {  	[tilespmem:s28+$0x0] =	vst.add.f32.msk $0xffff, v0  }
0x136: {  	v0 =	vld [tilespmem:s26+$0x1000];
	_ =	sdelay $0x3  }
0x137: {  	s28 =	sor.u32 $0x9000, s26  }
0x138: {  	[tilespmem:s28+$0x0] =	vst.add.f32.msk $0xffff, v0  }
0x139: {  	v0 =	vld [tilespmem:s26+$0x1010];
	_ =	sdelay $0x3  }
0x13a: {  	s28 =	sor.u32 $0x9010, s26  }
0x13b: {  	[tilespmem:s28+$0x0] =	vst.add.f32.msk $0xffff, v0  }
0x13c: {  	v0 =	vld [tilespmem:s26+$0x1020];
	_ =	sdelay $0x3  }
0x13d: {  	s28 =	sor.u32 $0x9020, s26  }
0x13e: {  	[tilespmem:s28+$0x0] =	vst.add.f32.msk $0xffff, v0  }
0x13f: {  	v0 =	vld [tilespmem:s26+$0x1030];
	_ =	sdelay $0x3  }
0x140: {  	s28 =	sor.u32 $0x9030, s26  }
0x141: {  	[tilespmem:s28+$0x0] =	vst.add.f32.msk $0xffff, v0  }
0x142: {  	v0 =	vld [tilespmem:s26+$0x1040];
	_ =	sdelay $0x3  }
0x143: {  	s28 =	sor.u32 $0x9040, s26  }
0x144: {  	[tilespmem:s28+$0x0] =	vst.add.f32.msk $0xffff, v0  }
0x145: {  	v0 =	vld [tilespmem:s26+$0x1050];
	_ =	sdelay $0x3  }
0x146: {  	s28 =	sor.u32 $0x9050, s26  }
0x147: {  	[tilespmem:s28+$0x0] =	vst.add.f32.msk $0xffff, v0  }
0x148: {  	v0 =	vld [tilespmem:s26+$0x1060];
	_ =	sdelay $0x3  }
0x149: {  	s28 =	sor.u32 $0x9060, s26  }
0x14a: {  	[tilespmem:s28+$0x0] =	vst.add.f32.msk $0xffff, v0  }
0x14b: {  	v0 =	vld [tilespmem:s26+$0x1070];
	_ =	sdelay $0x3  }
0x14c: {  	s28 =	sor.u32 $0x9070, s26  }
0x14d: {  	[tilespmem:s28+$0x0] =	vst.add.f32.msk $0xffff, v0  }
0x14e: {  	v0 =	vld [tilespmem:s26+$0x1400];
	_ =	sdelay $0x3  }
0x14f: {  	s28 =	sor.u32 $0x9400, s26  }
0x150: {  	[tilespmem:s28+$0x0] =	vst.add.f32.msk $0xffff, v0  }
0x151: {  	v0 =	vld [tilespmem:s26+$0x1410];
	_ =	sdelay $0x3  }
0x152: {  	s28 =	sor.u32 $0x9410, s26  }
0x153: {  	[tilespmem:s28+$0x0] =	vst.add.f32.msk $0xffff, v0  }
0x154: {  	v0 =	vld [tilespmem:s26+$0x1420];
	_ =	sdelay $0x3  }
0x155: {  	s28 =	sor.u32 $0x9420, s26  }
0x156: {  	[tilespmem:s28+$0x0] =	vst.add.f32.msk $0xffff, v0  }
0x157: {  	v0 =	vld [tilespmem:s26+$0x1430];
	_ =	sdelay $0x3  }
0x158: {  	s28 =	sor.u32 $0x9430, s26  }
0x159: {  	[tilespmem:s28+$0x0] =	vst.add.f32.msk $0xffff, v0  }
0x15a: {  	v0 =	vld [tilespmem:s26+$0x1440];
	_ =	sdelay $0x3  }
0x15b: {  	s28 =	sor.u32 $0x9440, s26  }
0x15c: {  	[tilespmem:s28+$0x0] =	vst.add.f32.msk $0xffff, v0  }
0x15d: {  	v0 =	vld [tilespmem:s26+$0x1450];
	_ =	sdelay $0x3  }
0x15e: {  	s28 =	sor.u32 $0x9450, s26  }
0x15f: {  	[tilespmem:s28+$0x0] =	vst.add.f32.msk $0xffff, v0  }
0x160: {  	v0 =	vld [tilespmem:s26+$0x1460];
	_ =	sdelay $0x3  }
0x161: {  	s28 =	sor.u32 $0x9460, s26  }
0x162: {  	[tilespmem:s28+$0x0] =	vst.add.f32.msk $0xffff, v0  }
0x163: {  	v0 =	vld [tilespmem:s26+$0x1470];
	_ =	sdelay $0x3  }
0x164: {  	s28 =	sor.u32 $0x9470, s26  }
0x165: {  	[tilespmem:s28+$0x0] =	vst.add.f32.msk $0xffff, v0  }
0x166: {  	v0 =	vld [tilespmem:s26+$0x1800];
	_ =	sdelay $0x3  }
0x167: {  	s28 =	sor.u32 $0x9800, s26  }
0x168: {  	[tilespmem:s28+$0x0] =	vst.add.f32.msk $0xffff, v0  }
0x169: {  	v0 =	vld [tilespmem:s26+$0x1810];
	_ =	sdelay $0x3  }
0x16a: {  	s28 =	sor.u32 $0x9810, s26  }
0x16b: {  	[tilespmem:s28+$0x0] =	vst.add.f32.msk $0xffff, v0  }
0x16c: {  	v0 =	vld [tilespmem:s26+$0x1820];
	_ =	sdelay $0x3  }
0x16d: {  	s28 =	sor.u32 $0x9820, s26  }
0x16e: {  	[tilespmem:s28+$0x0] =	vst.add.f32.msk $0xffff, v0  }
0x16f: {  	v0 =	vld [tilespmem:s26+$0x1830];
	_ =	sdelay $0x3  }
0x170: {  	s28 =	sor.u32 $0x9830, s26  }
0x171: {  	[tilespmem:s28+$0x0] =	vst.add.f32.msk $0xffff, v0  }
0x172: {  	v0 =	vld [tilespmem:s26+$0x1840];
	_ =	sdelay $0x3  }
0x173: {  	s28 =	sor.u32 $0x9840, s26  }
0x174: {  	[tilespmem:s28+$0x0] =	vst.add.f32.msk $0xffff, v0  }
0x175: {  	v0 =	vld [tilespmem:s26+$0x1850];
	_ =	sdelay $0x3  }
0x176: {  	s28 =	sor.u32 $0x9850, s26  }
0x177: {  	[tilespmem:s28+$0x0] =	vst.add.f32.msk $0xffff, v0  }
0x178: {  	v0 =	vld [tilespmem:s26+$0x1860];
	_ =	sdelay $0x3  }
0x179: {  	s28 =	sor.u32 $0x9860, s26  }
0x17a: {  	[tilespmem:s28+$0x0] =	vst.add.f32.msk $0xffff, v0  }
0x17b: {  	v0 =	vld [tilespmem:s26+$0x1870]  }
0x17c: {  	s22 =	sadd.s32 $0x1, s22  }
0x17d: {  	s28 =	sand.u32 $0x7, s22  }
0x17e: {  	s21 =	sadd.s32 $0x400, s21;
	s28 =	sshll.u32 s28, $0x7  }
0x17f: {  	s26 =	sor.u32 $0x9870, s26;
	s28 =	sadd.s32 s28, s21  }
0x180: {  	[tilespmem:s26+$0x0] =	vst.add.f32.msk $0xffff, v0;
	s26 =	sor.u32 $0x1C00, s28  }
0x181: {  	v0 =	vld [tilespmem:s26+$0x0];
	_ =	sdelay $0x4  }
0x182: {  	[tilespmem:s26+$0x8000] =	vst.add.f32.msk $0xffff, v0;
	s26 =	sor.u32 $0x1C10, s28  }
0x183: {  	v0 =	vld [tilespmem:s26+$0x0];
	_ =	sdelay $0x4  }
0x184: {  	[tilespmem:s26+$0x8000] =	vst.add.f32.msk $0xffff, v0;
	s26 =	sor.u32 $0x1C20, s28  }
0x185: {  	v0 =	vld [tilespmem:s26+$0x0];
	_ =	sdelay $0x4  }
0x186: {  	[tilespmem:s26+$0x8000] =	vst.add.f32.msk $0xffff, v0;
	s26 =	sor.u32 $0x1C30, s28  }
0x187: {  	v0 =	vld [tilespmem:s26+$0x0];
	_ =	sdelay $0x4  }
0x188: {  	[tilespmem:s26+$0x8000] =	vst.add.f32.msk $0xffff, v0;
	s26 =	sor.u32 $0x1C40, s28  }
0x189: {  	v0 =	vld [tilespmem:s26+$0x0];
	_ =	sdelay $0x4  }
0x18a: {  	[tilespmem:s26+$0x8000] =	vst.add.f32.msk $0xffff, v0;
	s26 =	sor.u32 $0x1C50, s28  }
0x18b: {  	v0 =	vld [tilespmem:s26+$0x0];
	_ =	sdelay $0x4  }
0x18c: {  	[tilespmem:s26+$0x8000] =	vst.add.f32.msk $0xffff, v0;
	s26 =	sor.u32 $0x1C60, s28  }
0x18d: {  	v0 =	vld [tilespmem:s26+$0x0];
	_ =	sdelay $0x4  }
.Ltmp0:
0x18e: {  	s28 =	sor.u32 $0x1C70, s28;
	[tilespmem:s26+$0x8000] =	vst.add.f32.msk $0xffff, v0;
	(pc) =	sbr.rel @p0 .LBB2_2-.Ltmp0, $3  }
0x18f: {  	v0 =	vld [tilespmem:s28+$0x0];
	_ =	sdelay $0x1  }
0x190: {  	s24 =	sadd.s32 $0x400, s24  }
0x191: {  	s25 =	sadd.s32 $0x80, s25;
	s26 =	sadd.s32 $0x8000, s24  }
0x192: {  	s24 =	sand.u32 $0x6000, s26;
	s23 =	sand.u32 $0x380, s23  }
0x193: {  	s23 =	sor.u32 s23, s24;
	[tilespmem:s28+$0x8000] =	vst.add.f32.msk $0xffff, v0  }
0x194: {  	v0 =	vld [tilespmem:s23+$0x0];
	_ =	sdelay $0x3  }
0x195: {  	s24 =	sor.u32 $0x8000, s23  }
0x196: {  	[tilespmem:s24+$0x0] =	vst.add.f32.msk $0xffff, v0  }
0x197: {  	v0 =	vld [tilespmem:s23+$0x10];
	_ =	sdelay $0x3  }
0x198: {  	s26 =	sor.u32 $0x8010, s23  }
0x199: {  	[tilespmem:s26+$0x0] =	vst.add.f32.msk $0xffff, v0  }
0x19a: {  	v0 =	vld [tilespmem:s23+$0x20];
	_ =	sdelay $0x3  }
0x19b: {  	s29 =	sor.u32 $0x8020, s23  }
0x19c: {  	[tilespmem:s29+$0x0] =	vst.add.f32.msk $0xffff, v0  }
0x19d: {  	v0 =	vld [tilespmem:s23+$0x30];
	_ =	sdelay $0x3  }
0x19e: {  	s30 =	sor.u32 $0x8030, s23  }
0x19f: {  	[tilespmem:s30+$0x0] =	vst.add.f32.msk $0xffff, v0  }
0x1a0: {  	v0 =	vld [tilespmem:s23+$0x40];
	_ =	sdelay $0x3  }
0x1a1: {  	s31 =	sor.u32 $0x8040, s23  }
0x1a2: {  	[tilespmem:s31+$0x0] =	vst.add.f32.msk $0xffff, v0  }
0x1a3: {  	v0 =	vld [tilespmem:s23+$0x50];
	_ =	sdelay $0x3  }
0x1a4: {  	s25 =	sor.u32 $0x8050, s23  }
0x1a5: {  	[tilespmem:s25+$0x0] =	vst.add.f32.msk $0xffff, v0  }
0x1a6: {  	v0 =	vld [tilespmem:s23+$0x60];
	_ =	sdelay $0x3  }
0x1a7: {  	s26 =	sor.u32 $0x8060, s23  }
0x1a8: {  	[tilespmem:s26+$0x0] =	vst.add.f32.msk $0xffff, v0  }
0x1a9: {  	v0 =	vld [tilespmem:s23+$0x70];
	_ =	sdelay $0x3  }
0x1aa: {  	s29 =	sor.u32 $0x8070, s23  }
0x1ab: {  	[tilespmem:s29+$0x0] =	vst.add.f32.msk $0xffff, v0  }
0x1ac: {  	v0 =	vld [tilespmem:s23+$0x400];
	_ =	sdelay $0x3  }
0x1ad: {  	s30 =	sor.u32 $0x8400, s23  }
0x1ae: {  	[tilespmem:s30+$0x0] =	vst.add.f32.msk $0xffff, v0  }
0x1af: {  	v0 =	vld [tilespmem:s23+$0x410];
	_ =	sdelay $0x3  }
0x1b0: {  	s31 =	sor.u32 $0x8410, s23  }
0x1b1: {  	[tilespmem:s31+$0x0] =	vst.add.f32.msk $0xffff, v0  }
0x1b2: {  	v0 =	vld [tilespmem:s23+$0x420];
	_ =	sdelay $0x3  }
0x1b3: {  	s25 =	sor.u32 $0x8420, s23  }
0x1b4: {  	[tilespmem:s25+$0x0] =	vst.add.f32.msk $0xffff, v0  }
0x1b5: {  	v0 =	vld [tilespmem:s23+$0x430];
	_ =	sdelay $0x3  }
0x1b6: {  	s26 =	sor.u32 $0x8430, s23  }
0x1b7: {  	[tilespmem:s26+$0x0] =	vst.add.f32.msk $0xffff, v0  }
0x1b8: {  	v0 =	vld [tilespmem:s23+$0x440];
	_ =	sdelay $0x3  }
0x1b9: {  	s29 =	sor.u32 $0x8440, s23  }
0x1ba: {  	[tilespmem:s29+$0x0] =	vst.add.f32.msk $0xffff, v0  }
0x1bb: {  	v0 =	vld [tilespmem:s23+$0x450];
	_ =	sdelay $0x3  }
0x1bc: {  	s30 =	sor.u32 $0x8450, s23  }
0x1bd: {  	[tilespmem:s30+$0x0] =	vst.add.f32.msk $0xffff, v0  }
0x1be: {  	v0 =	vld [tilespmem:s23+$0x460];
	_ =	sdelay $0x3  }
0x1bf: {  	s31 =	sor.u32 $0x8460, s23  }
0x1c0: {  	[tilespmem:s31+$0x0] =	vst.add.f32.msk $0xffff, v0  }
0x1c1: {  	v0 =	vld [tilespmem:s23+$0x470];
	_ =	sdelay $0x3  }
0x1c2: {  	s25 =	sor.u32 $0x8470, s23  }
0x1c3: {  	[tilespmem:s25+$0x0] =	vst.add.f32.msk $0xffff, v0  }
0x1c4: {  	v0 =	vld [tilespmem:s23+$0x800];
	_ =	sdelay $0x3  }
0x1c5: {  	s26 =	sor.u32 $0x8800, s23  }
0x1c6: {  	[tilespmem:s26+$0x0] =	vst.add.f32.msk $0xffff, v0  }
0x1c7: {  	v0 =	vld [tilespmem:s23+$0x810];
	_ =	sdelay $0x3  }
0x1c8: {  	s29 =	sor.u32 $0x8810, s23  }
0x1c9: {  	[tilespmem:s29+$0x0] =	vst.add.f32.msk $0xffff, v0  }
0x1ca: {  	v0 =	vld [tilespmem:s23+$0x820];
	_ =	sdelay $0x3  }
0x1cb: {  	s30 =	sor.u32 $0x8820, s23  }
0x1cc: {  	[tilespmem:s30+$0x0] =	vst.add.f32.msk $0xffff, v0  }
0x1cd: {  	v0 =	vld [tilespmem:s23+$0x830];
	_ =	sdelay $0x3  }
0x1ce: {  	s31 =	sor.u32 $0x8830, s23  }
0x1cf: {  	[tilespmem:s31+$0x0] =	vst.add.f32.msk $0xffff, v0  }
0x1d0: {  	v0 =	vld [tilespmem:s23+$0x840];
	_ =	sdelay $0x3  }
0x1d1: {  	s25 =	sor.u32 $0x8840, s23  }
0x1d2: {  	[tilespmem:s25+$0x0] =	vst.add.f32.msk $0xffff, v0  }
0x1d3: {  	v0 =	vld [tilespmem:s23+$0x850];
	_ =	sdelay $0x3  }
0x1d4: {  	s26 =	sor.u32 $0x8850, s23  }
0x1d5: {  	[tilespmem:s26+$0x0] =	vst.add.f32.msk $0xffff, v0  }
0x1d6: {  	v0 =	vld [tilespmem:s23+$0x860];
	_ =	sdelay $0x3  }
0x1d7: {  	s29 =	sor.u32 $0x8860, s23  }
0x1d8: {  	[tilespmem:s29+$0x0] =	vst.add.f32.msk $0xffff, v0  }
0x1d9: {  	v0 =	vld [tilespmem:s23+$0x870];
	_ =	sdelay $0x3  }
0x1da: {  	s30 =	sor.u32 $0x8870, s23  }
0x1db: {  	[tilespmem:s30+$0x0] =	vst.add.f32.msk $0xffff, v0  }
0x1dc: {  	v0 =	vld [tilespmem:s23+$0xC00];
	_ =	sdelay $0x3  }
0x1dd: {  	s31 =	sor.u32 $0x8C00, s23  }
0x1de: {  	[tilespmem:s31+$0x0] =	vst.add.f32.msk $0xffff, v0  }
0x1df: {  	v0 =	vld [tilespmem:s23+$0xC10];
	_ =	sdelay $0x3  }
0x1e0: {  	s25 =	sor.u32 $0x8C10, s23  }
0x1e1: {  	[tilespmem:s25+$0x0] =	vst.add.f32.msk $0xffff, v0  }
0x1e2: {  	v0 =	vld [tilespmem:s23+$0xC20];
	_ =	sdelay $0x3  }
0x1e3: {  	s26 =	sor.u32 $0x8C20, s23  }
0x1e4: {  	[tilespmem:s26+$0x0] =	vst.add.f32.msk $0xffff, v0  }
0x1e5: {  	v0 =	vld [tilespmem:s23+$0xC30];
	_ =	sdelay $0x3  }
0x1e6: {  	s29 =	sor.u32 $0x8C30, s23  }
0x1e7: {  	[tilespmem:s29+$0x0] =	vst.add.f32.msk $0xffff, v0  }
0x1e8: {  	v0 =	vld [tilespmem:s23+$0xC40];
	_ =	sdelay $0x3  }
0x1e9: {  	s30 =	sor.u32 $0x8C40, s23  }
0x1ea: {  	[tilespmem:s30+$0x0] =	vst.add.f32.msk $0xffff, v0  }
0x1eb: {  	v0 =	vld [tilespmem:s23+$0xC50];
	_ =	sdelay $0x3  }
0x1ec: {  	s31 =	sor.u32 $0x8C50, s23  }
0x1ed: {  	[tilespmem:s31+$0x0] =	vst.add.f32.msk $0xffff, v0  }
0x1ee: {  	v0 =	vld [tilespmem:s23+$0xC60];
	_ =	sdelay $0x3  }
0x1ef: {  	s25 =	sor.u32 $0x8C60, s23  }
0x1f0: {  	[tilespmem:s25+$0x0] =	vst.add.f32.msk $0xffff, v0  }
0x1f1: {  	v0 =	vld [tilespmem:s23+$0xC70];
	_ =	sdelay $0x3  }
0x1f2: {  	s26 =	sor.u32 $0x8C70, s23  }
0x1f3: {  	[tilespmem:s26+$0x0] =	vst.add.f32.msk $0xffff, v0  }
0x1f4: {  	v0 =	vld [tilespmem:s23+$0x1000];
	_ =	sdelay $0x3  }
0x1f5: {  	s29 =	sor.u32 $0x9000, s23  }
0x1f6: {  	[tilespmem:s29+$0x0] =	vst.add.f32.msk $0xffff, v0  }
0x1f7: {  	v0 =	vld [tilespmem:s23+$0x1010];
	_ =	sdelay $0x3  }
0x1f8: {  	s30 =	sor.u32 $0x9010, s23  }
0x1f9: {  	[tilespmem:s30+$0x0] =	vst.add.f32.msk $0xffff, v0  }
0x1fa: {  	v0 =	vld [tilespmem:s23+$0x1020];
	_ =	sdelay $0x3  }
0x1fb: {  	s31 =	sor.u32 $0x9020, s23  }
0x1fc: {  	[tilespmem:s31+$0x0] =	vst.add.f32.msk $0xffff, v0  }
0x1fd: {  	v0 =	vld [tilespmem:s23+$0x1030];
	_ =	sdelay $0x3  }
0x1fe: {  	s25 =	sor.u32 $0x9030, s23  }
0x1ff: {  	[tilespmem:s25+$0x0] =	vst.add.f32.msk $0xffff, v0  }
0x200: {  	v0 =	vld [tilespmem:s23+$0x1040];
	_ =	sdelay $0x3  }
0x201: {  	s26 =	sor.u32 $0x9040, s23  }
0x202: {  	[tilespmem:s26+$0x0] =	vst.add.f32.msk $0xffff, v0  }
0x203: {  	v0 =	vld [tilespmem:s23+$0x1050];
	_ =	sdelay $0x3  }
0x204: {  	s29 =	sor.u32 $0x9050, s23  }
0x205: {  	[tilespmem:s29+$0x0] =	vst.add.f32.msk $0xffff, v0  }
0x206: {  	v0 =	vld [tilespmem:s23+$0x1060];
	_ =	sdelay $0x3  }
0x207: {  	s30 =	sor.u32 $0x9060, s23  }
0x208: {  	[tilespmem:s30+$0x0] =	vst.add.f32.msk $0xffff, v0  }
0x209: {  	v0 =	vld [tilespmem:s23+$0x1070];
	_ =	sdelay $0x3  }
0x20a: {  	s31 =	sor.u32 $0x9070, s23  }
0x20b: {  	[tilespmem:s31+$0x0] =	vst.add.f32.msk $0xffff, v0  }
0x20c: {  	v0 =	vld [tilespmem:s23+$0x1400];
	_ =	sdelay $0x3  }
0x20d: {  	s25 =	sor.u32 $0x9400, s23  }
0x20e: {  	[tilespmem:s25+$0x0] =	vst.add.f32.msk $0xffff, v0  }
0x20f: {  	v0 =	vld [tilespmem:s23+$0x1410];
	_ =	sdelay $0x3  }
0x210: {  	s26 =	sor.u32 $0x9410, s23  }
0x211: {  	[tilespmem:s26+$0x0] =	vst.add.f32.msk $0xffff, v0  }
0x212: {  	v0 =	vld [tilespmem:s23+$0x1420];
	_ =	sdelay $0x3  }
0x213: {  	s29 =	sor.u32 $0x9420, s23  }
0x214: {  	[tilespmem:s29+$0x0] =	vst.add.f32.msk $0xffff, v0  }
0x215: {  	v0 =	vld [tilespmem:s23+$0x1430];
	_ =	sdelay $0x3  }
0x216: {  	s30 =	sor.u32 $0x9430, s23  }
0x217: {  	[tilespmem:s30+$0x0] =	vst.add.f32.msk $0xffff, v0  }
0x218: {  	v0 =	vld [tilespmem:s23+$0x1440];
	_ =	sdelay $0x3  }
0x219: {  	s31 =	sor.u32 $0x9440, s23  }
0x21a: {  	[tilespmem:s31+$0x0] =	vst.add.f32.msk $0xffff, v0  }
0x21b: {  	v0 =	vld [tilespmem:s23+$0x1450];
	_ =	sdelay $0x3  }
0x21c: {  	s25 =	sor.u32 $0x9450, s23  }
0x21d: {  	[tilespmem:s25+$0x0] =	vst.add.f32.msk $0xffff, v0  }
0x21e: {  	v0 =	vld [tilespmem:s23+$0x1460];
	_ =	sdelay $0x3  }
0x21f: {  	s26 =	sor.u32 $0x9460, s23  }
0x220: {  	[tilespmem:s26+$0x0] =	vst.add.f32.msk $0xffff, v0  }
0x221: {  	v0 =	vld [tilespmem:s23+$0x1470];
	_ =	sdelay $0x3  }
0x222: {  	s29 =	sor.u32 $0x9470, s23  }
0x223: {  	[tilespmem:s29+$0x0] =	vst.add.f32.msk $0xffff, v0  }
0x224: {  	v0 =	vld [tilespmem:s23+$0x1800];
	_ =	sdelay $0x3  }
0x225: {  	s30 =	sor.u32 $0x9800, s23  }
0x226: {  	[tilespmem:s30+$0x0] =	vst.add.f32.msk $0xffff, v0  }
0x227: {  	v0 =	vld [tilespmem:s23+$0x1810];
	_ =	sdelay $0x3  }
0x228: {  	s31 =	sor.u32 $0x9810, s23  }
0x229: {  	[tilespmem:s31+$0x0] =	vst.add.f32.msk $0xffff, v0  }
0x22a: {  	v0 =	vld [tilespmem:s23+$0x1820];
	_ =	sdelay $0x3  }
0x22b: {  	s25 =	sor.u32 $0x9820, s23  }
0x22c: {  	[tilespmem:s25+$0x0] =	vst.add.f32.msk $0xffff, v0  }
0x22d: {  	v0 =	vld [tilespmem:s23+$0x1830];
	_ =	sdelay $0x3  }
0x22e: {  	s26 =	sor.u32 $0x9830, s23  }
0x22f: {  	[tilespmem:s26+$0x0] =	vst.add.f32.msk $0xffff, v0  }
0x230: {  	v0 =	vld [tilespmem:s23+$0x1840];
	_ =	sdelay $0x3  }
0x231: {  	s29 =	sor.u32 $0x9840, s23  }
0x232: {  	[tilespmem:s29+$0x0] =	vst.add.f32.msk $0xffff, v0  }
0x233: {  	v0 =	vld [tilespmem:s23+$0x1850];
	_ =	sdelay $0x3  }
0x234: {  	s30 =	sor.u32 $0x9850, s23  }
0x235: {  	[tilespmem:s30+$0x0] =	vst.add.f32.msk $0xffff, v0  }
0x236: {  	v0 =	vld [tilespmem:s23+$0x1860];
	_ =	sdelay $0x3  }
0x237: {  	s31 =	sor.u32 $0x9860, s23  }
0x238: {  	[tilespmem:s31+$0x0] =	vst.add.f32.msk $0xffff, v0  }
0x239: {  	v0 =	vld [tilespmem:s23+$0x1870]  }
0x23a: {  	s22 =	sadd.s32 $0x1, s22  }
0x23b: {  	s22 =	sand.u32 $0x7, s22  }
0x23c: {  	s21 =	sadd.s32 $0x400, s21;
	s22 =	sshll.u32 s22, $0x7  }
0x23d: {  	s21 =	sadd.s32 s22, s21;
	s25 =	sor.u32 $0x9870, s23  }
0x23e: {  	s26 =	sor.u32 $0x1C00, s21;
	[tilespmem:s25+$0x0] =	vst.add.f32.msk $0xffff, v0  }
0x23f: {  	v0 =	vld [tilespmem:s26+$0x0];
	_ =	sdelay $0x4  }
0x240: {  	s29 =	sor.u32 $0x1C10, s21;
	[tilespmem:s26+$0x8000] =	vst.add.f32.msk $0xffff, v0  }
0x241: {  	v0 =	vld [tilespmem:s29+$0x0];
	_ =	sdelay $0x4  }
0x242: {  	s30 =	sor.u32 $0x1C20, s21;
	[tilespmem:s29+$0x8000] =	vst.add.f32.msk $0xffff, v0  }
0x243: {  	v0 =	vld [tilespmem:s30+$0x0];
	_ =	sdelay $0x4  }
0x244: {  	s31 =	sor.u32 $0x1C30, s21;
	[tilespmem:s30+$0x8000] =	vst.add.f32.msk $0xffff, v0  }
0x245: {  	v0 =	vld [tilespmem:s31+$0x0];
	_ =	sdelay $0x4  }
0x246: {  	s23 =	sor.u32 $0x1C40, s21;
	[tilespmem:s31+$0x8000] =	vst.add.f32.msk $0xffff, v0  }
0x247: {  	v0 =	vld [tilespmem:s23+$0x0];
	_ =	sdelay $0x4  }
0x248: {  	s24 =	sor.u32 $0x1C50, s21;
	[tilespmem:s23+$0x8000] =	vst.add.f32.msk $0xffff, v0  }
0x249: {  	v0 =	vld [tilespmem:s24+$0x0];
	_ =	sdelay $0x4  }
0x24a: {  	s25 =	sor.u32 $0x1C60, s21;
	[tilespmem:s24+$0x8000] =	vst.add.f32.msk $0xffff, v0  }
0x24b: {  	v0 =	vld [tilespmem:s25+$0x0];
	_ =	sdelay $0x4  }
0x24c: {  	s21 =	sor.u32 $0x1C70, s21;
	[tilespmem:s25+$0x8000] =	vst.add.f32.msk $0xffff, v0  }
0x24d: {  	v0 =	vld [tilespmem:s21+$0x0];
	_ =	sdelay $0x4  }
0x24e: {  	[tilespmem:s21+$0x8000] =	vst.add.f32.msk $0xffff, v0;
	s21 =	simm.s32 $0x0  }
0x24f: {  	[hbm4b:s5+s21] =	stream.linear.scatter [tilespmem:s13], [sflag:$0x4], $0x8000, $0x38;
	[tilespmem:$0x18000] =	vst v63  }
0x250: {  	s26 =	simm.s32 $0x0;
	_ =	swait.ge [sflag:s17], $0x8000  }
0x251: {  	s22 =	sand.u32 $0x6000, s26;
	s29 =	sand.u32 $0x380, s21;
	[sflag:s17] =	ssyncset.done $0x0  }
0x252: {  	s22 =	sor.u32 s29, s22;
	[sflag:s17] =	ssyncadd.s32 $0xFFFF8000  }
0x253: {  	v0 =	vld [tilespmem:s22+$0x0];
	_ =	sdelay $0x3  }
0x254: {  	s23 =	sor.u32 $0x10000, s22  }
0x255: {  	[tilespmem:s23+$0x0] =	vst.add.f32.msk $0xffff, v0  }
0x256: {  	v0 =	vld [tilespmem:s22+$0x10];
	_ =	sdelay $0x3  }
0x257: {  	s30 =	sor.u32 $0x10010, s22  }
0x258: {  	[tilespmem:s30+$0x0] =	vst.add.f32.msk $0xffff, v0  }
0x259: {  	v0 =	vld [tilespmem:s22+$0x20];
	_ =	sdelay $0x3  }
0x25a: {  	s31 =	sor.u32 $0x10020, s22  }
0x25b: {  	[tilespmem:s31+$0x0] =	vst.add.f32.msk $0xffff, v0  }
0x25c: {  	v0 =	vld [tilespmem:s22+$0x30];
	_ =	sdelay $0x3  }
0x25d: {  	s24 =	sor.u32 $0x10030, s22  }
0x25e: {  	[tilespmem:s24+$0x0] =	vst.add.f32.msk $0xffff, v0  }
0x25f: {  	v0 =	vld [tilespmem:s22+$0x40];
	_ =	sdelay $0x3  }
0x260: {  	s25 =	sor.u32 $0x10040, s22  }
0x261: {  	[tilespmem:s25+$0x0] =	vst.add.f32.msk $0xffff, v0  }
0x262: {  	v0 =	vld [tilespmem:s22+$0x50];
	_ =	sdelay $0x3  }
0x263: {  	s26 =	sor.u32 $0x10050, s22  }
0x264: {  	[tilespmem:s26+$0x0] =	vst.add.f32.msk $0xffff, v0  }
0x265: {  	v0 =	vld [tilespmem:s22+$0x60];
	_ =	sdelay $0x3  }
0x266: {  	s29 =	sor.u32 $0x10060, s22  }
0x267: {  	[tilespmem:s29+$0x0] =	vst.add.f32.msk $0xffff, v0  }
0x268: {  	v0 =	vld [tilespmem:s22+$0x70];
	_ =	sdelay $0x3  }
0x269: {  	s30 =	sor.u32 $0x10070, s22  }
0x26a: {  	[tilespmem:s30+$0x0] =	vst.add.f32.msk $0xffff, v0  }
0x26b: {  	v0 =	vld [tilespmem:s22+$0x400];
	_ =	sdelay $0x3  }
0x26c: {  	s31 =	sor.u32 $0x10400, s22  }
0x26d: {  	[tilespmem:s31+$0x0] =	vst.add.f32.msk $0xffff, v0  }
0x26e: {  	v0 =	vld [tilespmem:s22+$0x410];
	_ =	sdelay $0x3  }
0x26f: {  	s24 =	sor.u32 $0x10410, s22  }
0x270: {  	[tilespmem:s24+$0x0] =	vst.add.f32.msk $0xffff, v0  }
0x271: {  	v0 =	vld [tilespmem:s22+$0x420];
	_ =	sdelay $0x3  }
0x272: {  	s25 =	sor.u32 $0x10420, s22  }
0x273: {  	[tilespmem:s25+$0x0] =	vst.add.f32.msk $0xffff, v0  }
0x274: {  	v0 =	vld [tilespmem:s22+$0x430];
	_ =	sdelay $0x3  }
0x275: {  	s26 =	sor.u32 $0x10430, s22  }
0x276: {  	[tilespmem:s26+$0x0] =	vst.add.f32.msk $0xffff, v0  }
0x277: {  	v0 =	vld [tilespmem:s22+$0x440];
	_ =	sdelay $0x3  }
0x278: {  	s29 =	sor.u32 $0x10440, s22  }
0x279: {  	[tilespmem:s29+$0x0] =	vst.add.f32.msk $0xffff, v0  }
0x27a: {  	v0 =	vld [tilespmem:s22+$0x450];
	_ =	sdelay $0x3  }
0x27b: {  	s30 =	sor.u32 $0x10450, s22  }
0x27c: {  	[tilespmem:s30+$0x0] =	vst.add.f32.msk $0xffff, v0  }
0x27d: {  	v0 =	vld [tilespmem:s22+$0x460];
	_ =	sdelay $0x3  }
0x27e: {  	s31 =	sor.u32 $0x10460, s22  }
0x27f: {  	[tilespmem:s31+$0x0] =	vst.add.f32.msk $0xffff, v0  }
0x280: {  	v0 =	vld [tilespmem:s22+$0x470];
	_ =	sdelay $0x3  }
0x281: {  	s24 =	sor.u32 $0x10470, s22  }
0x282: {  	[tilespmem:s24+$0x0] =	vst.add.f32.msk $0xffff, v0  }
0x283: {  	v0 =	vld [tilespmem:s22+$0x800];
	_ =	sdelay $0x3  }
0x284: {  	s25 =	sor.u32 $0x10800, s22  }
0x285: {  	[tilespmem:s25+$0x0] =	vst.add.f32.msk $0xffff, v0  }
0x286: {  	v0 =	vld [tilespmem:s22+$0x810];
	_ =	sdelay $0x3  }
0x287: {  	s26 =	sor.u32 $0x10810, s22  }
0x288: {  	[tilespmem:s26+$0x0] =	vst.add.f32.msk $0xffff, v0  }
0x289: {  	v0 =	vld [tilespmem:s22+$0x820];
	_ =	sdelay $0x3  }
0x28a: {  	s29 =	sor.u32 $0x10820, s22  }
0x28b: {  	[tilespmem:s29+$0x0] =	vst.add.f32.msk $0xffff, v0  }
0x28c: {  	v0 =	vld [tilespmem:s22+$0x830];
	_ =	sdelay $0x3  }
0x28d: {  	s30 =	sor.u32 $0x10830, s22  }
0x28e: {  	[tilespmem:s30+$0x0] =	vst.add.f32.msk $0xffff, v0  }
0x28f: {  	v0 =	vld [tilespmem:s22+$0x840];
	_ =	sdelay $0x3  }
0x290: {  	s31 =	sor.u32 $0x10840, s22  }
0x291: {  	[tilespmem:s31+$0x0] =	vst.add.f32.msk $0xffff, v0  }
0x292: {  	v0 =	vld [tilespmem:s22+$0x850];
	_ =	sdelay $0x3  }
0x293: {  	s24 =	sor.u32 $0x10850, s22  }
0x294: {  	[tilespmem:s24+$0x0] =	vst.add.f32.msk $0xffff, v0  }
0x295: {  	v0 =	vld [tilespmem:s22+$0x860];
	_ =	sdelay $0x3  }
0x296: {  	s25 =	sor.u32 $0x10860, s22  }
0x297: {  	[tilespmem:s25+$0x0] =	vst.add.f32.msk $0xffff, v0  }
0x298: {  	v0 =	vld [tilespmem:s22+$0x870];
	_ =	sdelay $0x3  }
0x299: {  	s26 =	sor.u32 $0x10870, s22  }
0x29a: {  	[tilespmem:s26+$0x0] =	vst.add.f32.msk $0xffff, v0  }
0x29b: {  	v0 =	vld [tilespmem:s22+$0xC00];
	_ =	sdelay $0x3  }
0x29c: {  	s29 =	sor.u32 $0x10C00, s22  }
0x29d: {  	[tilespmem:s29+$0x0] =	vst.add.f32.msk $0xffff, v0  }
0x29e: {  	v0 =	vld [tilespmem:s22+$0xC10];
	_ =	sdelay $0x3  }
0x29f: {  	s30 =	sor.u32 $0x10C10, s22  }
0x2a0: {  	[tilespmem:s30+$0x0] =	vst.add.f32.msk $0xffff, v0  }
0x2a1: {  	v0 =	vld [tilespmem:s22+$0xC20];
	_ =	sdelay $0x3  }
0x2a2: {  	s31 =	sor.u32 $0x10C20, s22  }
0x2a3: {  	[tilespmem:s31+$0x0] =	vst.add.f32.msk $0xffff, v0  }
0x2a4: {  	v0 =	vld [tilespmem:s22+$0xC30];
	_ =	sdelay $0x3  }
0x2a5: {  	s24 =	sor.u32 $0x10C30, s22  }
0x2a6: {  	[tilespmem:s24+$0x0] =	vst.add.f32.msk $0xffff, v0  }
0x2a7: {  	v0 =	vld [tilespmem:s22+$0xC40];
	_ =	sdelay $0x3  }
0x2a8: {  	s25 =	sor.u32 $0x10C40, s22  }
0x2a9: {  	[tilespmem:s25+$0x0] =	vst.add.f32.msk $0xffff, v0  }
0x2aa: {  	v0 =	vld [tilespmem:s22+$0xC50];
	_ =	sdelay $0x3  }
0x2ab: {  	s26 =	sor.u32 $0x10C50, s22  }
0x2ac: {  	[tilespmem:s26+$0x0] =	vst.add.f32.msk $0xffff, v0  }
0x2ad: {  	v0 =	vld [tilespmem:s22+$0xC60];
	_ =	sdelay $0x3  }
0x2ae: {  	s29 =	sor.u32 $0x10C60, s22  }
0x2af: {  	[tilespmem:s29+$0x0] =	vst.add.f32.msk $0xffff, v0  }
0x2b0: {  	v0 =	vld [tilespmem:s22+$0xC70];
	_ =	sdelay $0x3  }
0x2b1: {  	s30 =	sor.u32 $0x10C70, s22  }
0x2b2: {  	[tilespmem:s30+$0x0] =	vst.add.f32.msk $0xffff, v0  }
0x2b3: {  	v0 =	vld [tilespmem:s22+$0x1000];
	_ =	sdelay $0x3  }
0x2b4: {  	s31 =	sor.u32 $0x11000, s22  }
0x2b5: {  	[tilespmem:s31+$0x0] =	vst.add.f32.msk $0xffff, v0  }
0x2b6: {  	v0 =	vld [tilespmem:s22+$0x1010];
	_ =	sdelay $0x3  }
0x2b7: {  	s24 =	sor.u32 $0x11010, s22  }
0x2b8: {  	[tilespmem:s24+$0x0] =	vst.add.f32.msk $0xffff, v0  }
0x2b9: {  	v0 =	vld [tilespmem:s22+$0x1020];
	_ =	sdelay $0x3  }
0x2ba: {  	s25 =	sor.u32 $0x11020, s22  }
0x2bb: {  	[tilespmem:s25+$0x0] =	vst.add.f32.msk $0xffff, v0  }
0x2bc: {  	v0 =	vld [tilespmem:s22+$0x1030];
	_ =	sdelay $0x3  }
0x2bd: {  	s26 =	sor.u32 $0x11030, s22  }
0x2be: {  	[tilespmem:s26+$0x0] =	vst.add.f32.msk $0xffff, v0  }
0x2bf: {  	v0 =	vld [tilespmem:s22+$0x1040];
	_ =	sdelay $0x3  }
0x2c0: {  	s29 =	sor.u32 $0x11040, s22  }
0x2c1: {  	[tilespmem:s29+$0x0] =	vst.add.f32.msk $0xffff, v0  }
0x2c2: {  	v0 =	vld [tilespmem:s22+$0x1050];
	_ =	sdelay $0x3  }
0x2c3: {  	s30 =	sor.u32 $0x11050, s22  }
0x2c4: {  	[tilespmem:s30+$0x0] =	vst.add.f32.msk $0xffff, v0  }
0x2c5: {  	v0 =	vld [tilespmem:s22+$0x1060];
	_ =	sdelay $0x3  }
0x2c6: {  	s31 =	sor.u32 $0x11060, s22  }
0x2c7: {  	[tilespmem:s31+$0x0] =	vst.add.f32.msk $0xffff, v0  }
0x2c8: {  	v0 =	vld [tilespmem:s22+$0x1070];
	_ =	sdelay $0x3  }
0x2c9: {  	s24 =	sor.u32 $0x11070, s22  }
0x2ca: {  	[tilespmem:s24+$0x0] =	vst.add.f32.msk $0xffff, v0  }
0x2cb: {  	v0 =	vld [tilespmem:s22+$0x1400];
	_ =	sdelay $0x3  }
0x2cc: {  	s25 =	sor.u32 $0x11400, s22  }
0x2cd: {  	[tilespmem:s25+$0x0] =	vst.add.f32.msk $0xffff, v0  }
0x2ce: {  	v0 =	vld [tilespmem:s22+$0x1410];
	_ =	sdelay $0x3  }
0x2cf: {  	s26 =	sor.u32 $0x11410, s22  }
0x2d0: {  	[tilespmem:s26+$0x0] =	vst.add.f32.msk $0xffff, v0  }
0x2d1: {  	v0 =	vld [tilespmem:s22+$0x1420];
	_ =	sdelay $0x3  }
0x2d2: {  	s29 =	sor.u32 $0x11420, s22  }
0x2d3: {  	[tilespmem:s29+$0x0] =	vst.add.f32.msk $0xffff, v0  }
0x2d4: {  	v0 =	vld [tilespmem:s22+$0x1430];
	_ =	sdelay $0x3  }
0x2d5: {  	s30 =	sor.u32 $0x11430, s22  }
0x2d6: {  	[tilespmem:s30+$0x0] =	vst.add.f32.msk $0xffff, v0  }
0x2d7: {  	v0 =	vld [tilespmem:s22+$0x1440];
	_ =	sdelay $0x3  }
0x2d8: {  	s31 =	sor.u32 $0x11440, s22  }
0x2d9: {  	[tilespmem:s31+$0x0] =	vst.add.f32.msk $0xffff, v0  }
0x2da: {  	v0 =	vld [tilespmem:s22+$0x1450];
	_ =	sdelay $0x3  }
0x2db: {  	s24 =	sor.u32 $0x11450, s22  }
0x2dc: {  	[tilespmem:s24+$0x0] =	vst.add.f32.msk $0xffff, v0  }
0x2dd: {  	v0 =	vld [tilespmem:s22+$0x1460];
	_ =	sdelay $0x3  }
0x2de: {  	s25 =	sor.u32 $0x11460, s22  }
0x2df: {  	[tilespmem:s25+$0x0] =	vst.add.f32.msk $0xffff, v0  }
0x2e0: {  	v0 =	vld [tilespmem:s22+$0x1470];
	_ =	sdelay $0x3  }
0x2e1: {  	s26 =	sor.u32 $0x11470, s22  }
0x2e2: {  	[tilespmem:s26+$0x0] =	vst.add.f32.msk $0xffff, v0  }
0x2e3: {  	v0 =	vld [tilespmem:s22+$0x1800];
	_ =	sdelay $0x3  }
0x2e4: {  	s29 =	sor.u32 $0x11800, s22  }
0x2e5: {  	[tilespmem:s29+$0x0] =	vst.add.f32.msk $0xffff, v0  }
0x2e6: {  	v0 =	vld [tilespmem:s22+$0x1810];
	_ =	sdelay $0x3  }
0x2e7: {  	s30 =	sor.u32 $0x11810, s22  }
0x2e8: {  	[tilespmem:s30+$0x0] =	vst.add.f32.msk $0xffff, v0  }
0x2e9: {  	v0 =	vld [tilespmem:s22+$0x1820];
	_ =	sdelay $0x3  }
0x2ea: {  	s31 =	sor.u32 $0x11820, s22  }
0x2eb: {  	[tilespmem:s31+$0x0] =	vst.add.f32.msk $0xffff, v0  }
0x2ec: {  	v0 =	vld [tilespmem:s22+$0x1830];
	_ =	sdelay $0x3  }
0x2ed: {  	s24 =	sor.u32 $0x11830, s22  }
0x2ee: {  	[tilespmem:s24+$0x0] =	vst.add.f32.msk $0xffff, v0  }
0x2ef: {  	v0 =	vld [tilespmem:s22+$0x1840];
	_ =	sdelay $0x3  }
0x2f0: {  	s25 =	sor.u32 $0x11840, s22  }
0x2f1: {  	[tilespmem:s25+$0x0] =	vst.add.f32.msk $0xffff, v0  }
0x2f2: {  	v0 =	vld [tilespmem:s22+$0x1850];
	_ =	sdelay $0x3  }
0x2f3: {  	s26 =	sor.u32 $0x11850, s22  }
0x2f4: {  	[tilespmem:s26+$0x0] =	vst.add.f32.msk $0xffff, v0  }
0x2f5: {  	v0 =	vld [tilespmem:s22+$0x1860];
	_ =	sdelay $0x3  }
0x2f6: {  	s29 =	sor.u32 $0x11860, s22  }
0x2f7: {  	[tilespmem:s29+$0x0] =	vst.add.f32.msk $0xffff, v0  }
0x2f8: {  	v0 =	vld [tilespmem:s22+$0x1870];
	_ =	sdelay $0x1  }
0x2f9: {  	s30 =	sand.u32 $0x7, s21  }
0x2fa: {  	s23 =	sshll.u32 s30, $0x7  }
0x2fb: {  	s24 =	sadd.s32 $0x0, s23;
	s22 =	sor.u32 $0x11870, s22  }
0x2fc: {  	s31 =	sor.u32 $0x1C00, s24;
	[tilespmem:s22+$0x0] =	vst.add.f32.msk $0xffff, v0  }
0x2fd: {  	v0 =	vld [tilespmem:s31+$0x0];
	_ =	sdelay $0x4  }
0x2fe: {  	s23 =	sor.u32 $0x1C10, s24;
	[tilespmem:s31+$0x10000] =	vst.add.f32.msk $0xffff, v0  }
0x2ff: {  	v0 =	vld [tilespmem:s23+$0x0];
	_ =	sdelay $0x4  }
0x300: {  	s25 =	sor.u32 $0x1C20, s24;
	[tilespmem:s23+$0x10000] =	vst.add.f32.msk $0xffff, v0  }
0x301: {  	v0 =	vld [tilespmem:s25+$0x0];
	_ =	sdelay $0x4  }
0x302: {  	s26 =	sor.u32 $0x1C30, s24;
	[tilespmem:s25+$0x10000] =	vst.add.f32.msk $0xffff, v0  }
0x303: {  	v0 =	vld [tilespmem:s26+$0x0];
	_ =	sdelay $0x4  }
0x304: {  	s29 =	sor.u32 $0x1C40, s24;
	[tilespmem:s26+$0x10000] =	vst.add.f32.msk $0xffff, v0  }
0x305: {  	v0 =	vld [tilespmem:s29+$0x0];
	_ =	sdelay $0x4  }
0x306: {  	s30 =	sor.u32 $0x1C50, s24;
	[tilespmem:s29+$0x10000] =	vst.add.f32.msk $0xffff, v0  }
0x307: {  	v0 =	vld [tilespmem:s30+$0x0];
	_ =	sdelay $0x4  }
0x308: {  	s31 =	sor.u32 $0x1C60, s24;
	[tilespmem:s30+$0x10000] =	vst.add.f32.msk $0xffff, v0  }
0x309: {  	v0 =	vld [tilespmem:s31+$0x0];
	_ =	sdelay $0x4  }
0x30a: {  	s28 =	sor.u32 $0x1C70, s24;
	[tilespmem:s31+$0x10000] =	vst.add.f32.msk $0xffff, v0  }
0x30b: {  	v0 =	vld [tilespmem:s28+$0x0];
	_ =	sdelay $0x1  }
0x30c: {  	s22 =	simm.s32 $0x0;
	s24 =	simm.s32 $0xFFFF8400  }
0x30d: {  	s23 =	simm.s32 $0x80;
	s25 =	simm.s32 $0x100;
	s26 =	simm.s32 $0x400  }
.LBB2_4:
0x30e: {  	p0 =	sne.s32 s25, $0xF80;
	s26 =	sand.u32 $0x6000, s26;
	s23 =	sand.u32 $0x380, s23  }
0x30f: {  	s26 =	sor.u32 s23, s26;
	[tilespmem:s28+$0x10000] =	vst.add.f32.msk $0xffff, v0;
	s23 =	smov.u32 s25  }
0x310: {  	v0 =	vld [tilespmem:s26+$0x0];
	_ =	sdelay $0x3  }
0x311: {  	s28 =	sor.u32 $0x10000, s26  }
0x312: {  	[tilespmem:s28+$0x0] =	vst.add.f32.msk $0xffff, v0  }
0x313: {  	v0 =	vld [tilespmem:s26+$0x10];
	_ =	sdelay $0x3  }
0x314: {  	s28 =	sor.u32 $0x10010, s26  }
0x315: {  	[tilespmem:s28+$0x0] =	vst.add.f32.msk $0xffff, v0  }
0x316: {  	v0 =	vld [tilespmem:s26+$0x20];
	_ =	sdelay $0x3  }
0x317: {  	s28 =	sor.u32 $0x10020, s26  }
0x318: {  	[tilespmem:s28+$0x0] =	vst.add.f32.msk $0xffff, v0  }
0x319: {  	v0 =	vld [tilespmem:s26+$0x30];
	_ =	sdelay $0x3  }
0x31a: {  	s28 =	sor.u32 $0x10030, s26  }
0x31b: {  	[tilespmem:s28+$0x0] =	vst.add.f32.msk $0xffff, v0  }
0x31c: {  	v0 =	vld [tilespmem:s26+$0x40];
	_ =	sdelay $0x3  }
0x31d: {  	s28 =	sor.u32 $0x10040, s26  }
0x31e: {  	[tilespmem:s28+$0x0] =	vst.add.f32.msk $0xffff, v0  }
0x31f: {  	v0 =	vld [tilespmem:s26+$0x50];
	_ =	sdelay $0x3  }
0x320: {  	s28 =	sor.u32 $0x10050, s26  }
0x321: {  	[tilespmem:s28+$0x0] =	vst.add.f32.msk $0xffff, v0  }
0x322: {  	v0 =	vld [tilespmem:s26+$0x60];
	_ =	sdelay $0x3  }
0x323: {  	s28 =	sor.u32 $0x10060, s26  }
0x324: {  	[tilespmem:s28+$0x0] =	vst.add.f32.msk $0xffff, v0  }
0x325: {  	v0 =	vld [tilespmem:s26+$0x70];
	_ =	sdelay $0x3  }
0x326: {  	s28 =	sor.u32 $0x10070, s26  }
0x327: {  	[tilespmem:s28+$0x0] =	vst.add.f32.msk $0xffff, v0  }
0x328: {  	v0 =	vld [tilespmem:s26+$0x400];
	_ =	sdelay $0x3  }
0x329: {  	s28 =	sor.u32 $0x10400, s26  }
0x32a: {  	[tilespmem:s28+$0x0] =	vst.add.f32.msk $0xffff, v0  }
0x32b: {  	v0 =	vld [tilespmem:s26+$0x410];
	_ =	sdelay $0x3  }
0x32c: {  	s28 =	sor.u32 $0x10410, s26  }
0x32d: {  	[tilespmem:s28+$0x0] =	vst.add.f32.msk $0xffff, v0  }
0x32e: {  	v0 =	vld [tilespmem:s26+$0x420];
	_ =	sdelay $0x3  }
0x32f: {  	s28 =	sor.u32 $0x10420, s26  }
0x330: {  	[tilespmem:s28+$0x0] =	vst.add.f32.msk $0xffff, v0  }
0x331: {  	v0 =	vld [tilespmem:s26+$0x430];
	_ =	sdelay $0x3  }
0x332: {  	s28 =	sor.u32 $0x10430, s26  }
0x333: {  	[tilespmem:s28+$0x0] =	vst.add.f32.msk $0xffff, v0  }
0x334: {  	v0 =	vld [tilespmem:s26+$0x440];
	_ =	sdelay $0x3  }
0x335: {  	s28 =	sor.u32 $0x10440, s26  }
0x336: {  	[tilespmem:s28+$0x0] =	vst.add.f32.msk $0xffff, v0  }
0x337: {  	v0 =	vld [tilespmem:s26+$0x450];
	_ =	sdelay $0x3  }
0x338: {  	s28 =	sor.u32 $0x10450, s26  }
0x339: {  	[tilespmem:s28+$0x0] =	vst.add.f32.msk $0xffff, v0  }
0x33a: {  	v0 =	vld [tilespmem:s26+$0x460];
	_ =	sdelay $0x3  }
0x33b: {  	s28 =	sor.u32 $0x10460, s26  }
0x33c: {  	[tilespmem:s28+$0x0] =	vst.add.f32.msk $0xffff, v0  }
0x33d: {  	v0 =	vld [tilespmem:s26+$0x470];
	_ =	sdelay $0x3  }
0x33e: {  	s28 =	sor.u32 $0x10470, s26  }
0x33f: {  	[tilespmem:s28+$0x0] =	vst.add.f32.msk $0xffff, v0  }
0x340: {  	v0 =	vld [tilespmem:s26+$0x800];
	_ =	sdelay $0x3  }
0x341: {  	s28 =	sor.u32 $0x10800, s26  }
0x342: {  	[tilespmem:s28+$0x0] =	vst.add.f32.msk $0xffff, v0  }
0x343: {  	v0 =	vld [tilespmem:s26+$0x810];
	_ =	sdelay $0x3  }
0x344: {  	s28 =	sor.u32 $0x10810, s26  }
0x345: {  	[tilespmem:s28+$0x0] =	vst.add.f32.msk $0xffff, v0  }
0x346: {  	v0 =	vld [tilespmem:s26+$0x820];
	_ =	sdelay $0x3  }
0x347: {  	s28 =	sor.u32 $0x10820, s26  }
0x348: {  	[tilespmem:s28+$0x0] =	vst.add.f32.msk $0xffff, v0  }
0x349: {  	v0 =	vld [tilespmem:s26+$0x830];
	_ =	sdelay $0x3  }
0x34a: {  	s28 =	sor.u32 $0x10830, s26  }
0x34b: {  	[tilespmem:s28+$0x0] =	vst.add.f32.msk $0xffff, v0  }
0x34c: {  	v0 =	vld [tilespmem:s26+$0x840];
	_ =	sdelay $0x3  }
0x34d: {  	s28 =	sor.u32 $0x10840, s26  }
0x34e: {  	[tilespmem:s28+$0x0] =	vst.add.f32.msk $0xffff, v0  }
0x34f: {  	v0 =	vld [tilespmem:s26+$0x850];
	_ =	sdelay $0x3  }
0x350: {  	s28 =	sor.u32 $0x10850, s26  }
0x351: {  	[tilespmem:s28+$0x0] =	vst.add.f32.msk $0xffff, v0  }
0x352: {  	v0 =	vld [tilespmem:s26+$0x860];
	_ =	sdelay $0x3  }
0x353: {  	s28 =	sor.u32 $0x10860, s26  }
0x354: {  	[tilespmem:s28+$0x0] =	vst.add.f32.msk $0xffff, v0  }
0x355: {  	v0 =	vld [tilespmem:s26+$0x870];
	_ =	sdelay $0x3  }
0x356: {  	s28 =	sor.u32 $0x10870, s26  }
0x357: {  	[tilespmem:s28+$0x0] =	vst.add.f32.msk $0xffff, v0  }
0x358: {  	v0 =	vld [tilespmem:s26+$0xC00];
	_ =	sdelay $0x3  }
0x359: {  	s28 =	sor.u32 $0x10C00, s26  }
0x35a: {  	[tilespmem:s28+$0x0] =	vst.add.f32.msk $0xffff, v0  }
0x35b: {  	v0 =	vld [tilespmem:s26+$0xC10];
	_ =	sdelay $0x3  }
0x35c: {  	s28 =	sor.u32 $0x10C10, s26  }
0x35d: {  	[tilespmem:s28+$0x0] =	vst.add.f32.msk $0xffff, v0  }
0x35e: {  	v0 =	vld [tilespmem:s26+$0xC20];
	_ =	sdelay $0x3  }
0x35f: {  	s28 =	sor.u32 $0x10C20, s26  }
0x360: {  	[tilespmem:s28+$0x0] =	vst.add.f32.msk $0xffff, v0  }
0x361: {  	v0 =	vld [tilespmem:s26+$0xC30];
	_ =	sdelay $0x3  }
0x362: {  	s28 =	sor.u32 $0x10C30, s26  }
0x363: {  	[tilespmem:s28+$0x0] =	vst.add.f32.msk $0xffff, v0  }
0x364: {  	v0 =	vld [tilespmem:s26+$0xC40];
	_ =	sdelay $0x3  }
0x365: {  	s28 =	sor.u32 $0x10C40, s26  }
0x366: {  	[tilespmem:s28+$0x0] =	vst.add.f32.msk $0xffff, v0  }
0x367: {  	v0 =	vld [tilespmem:s26+$0xC50];
	_ =	sdelay $0x3  }
0x368: {  	s28 =	sor.u32 $0x10C50, s26  }
0x369: {  	[tilespmem:s28+$0x0] =	vst.add.f32.msk $0xffff, v0  }
0x36a: {  	v0 =	vld [tilespmem:s26+$0xC60];
	_ =	sdelay $0x3  }
0x36b: {  	s28 =	sor.u32 $0x10C60, s26  }
0x36c: {  	[tilespmem:s28+$0x0] =	vst.add.f32.msk $0xffff, v0  }
0x36d: {  	v0 =	vld [tilespmem:s26+$0xC70];
	_ =	sdelay $0x3  }
0x36e: {  	s28 =	sor.u32 $0x10C70, s26  }
0x36f: {  	[tilespmem:s28+$0x0] =	vst.add.f32.msk $0xffff, v0  }
0x370: {  	v0 =	vld [tilespmem:s26+$0x1000];
	_ =	sdelay $0x3  }
0x371: {  	s28 =	sor.u32 $0x11000, s26  }
0x372: {  	[tilespmem:s28+$0x0] =	vst.add.f32.msk $0xffff, v0  }
0x373: {  	v0 =	vld [tilespmem:s26+$0x1010];
	_ =	sdelay $0x3  }
0x374: {  	s28 =	sor.u32 $0x11010, s26  }
0x375: {  	[tilespmem:s28+$0x0] =	vst.add.f32.msk $0xffff, v0  }
0x376: {  	v0 =	vld [tilespmem:s26+$0x1020];
	_ =	sdelay $0x3  }
0x377: {  	s28 =	sor.u32 $0x11020, s26  }
0x378: {  	[tilespmem:s28+$0x0] =	vst.add.f32.msk $0xffff, v0  }
0x379: {  	v0 =	vld [tilespmem:s26+$0x1030];
	_ =	sdelay $0x3  }
0x37a: {  	s28 =	sor.u32 $0x11030, s26  }
0x37b: {  	[tilespmem:s28+$0x0] =	vst.add.f32.msk $0xffff, v0  }
0x37c: {  	v0 =	vld [tilespmem:s26+$0x1040];
	_ =	sdelay $0x3  }
0x37d: {  	s28 =	sor.u32 $0x11040, s26  }
0x37e: {  	[tilespmem:s28+$0x0] =	vst.add.f32.msk $0xffff, v0  }
0x37f: {  	v0 =	vld [tilespmem:s26+$0x1050];
	_ =	sdelay $0x3  }
0x380: {  	s28 =	sor.u32 $0x11050, s26  }
0x381: {  	[tilespmem:s28+$0x0] =	vst.add.f32.msk $0xffff, v0  }
0x382: {  	v0 =	vld [tilespmem:s26+$0x1060];
	_ =	sdelay $0x3  }
0x383: {  	s28 =	sor.u32 $0x11060, s26  }
0x384: {  	[tilespmem:s28+$0x0] =	vst.add.f32.msk $0xffff, v0  }
0x385: {  	v0 =	vld [tilespmem:s26+$0x1070];
	_ =	sdelay $0x3  }
0x386: {  	s28 =	sor.u32 $0x11070, s26  }
0x387: {  	[tilespmem:s28+$0x0] =	vst.add.f32.msk $0xffff, v0  }
0x388: {  	v0 =	vld [tilespmem:s26+$0x1400];
	_ =	sdelay $0x3  }
0x389: {  	s28 =	sor.u32 $0x11400, s26  }
0x38a: {  	[tilespmem:s28+$0x0] =	vst.add.f32.msk $0xffff, v0  }
0x38b: {  	v0 =	vld [tilespmem:s26+$0x1410];
	_ =	sdelay $0x3  }
0x38c: {  	s28 =	sor.u32 $0x11410, s26  }
0x38d: {  	[tilespmem:s28+$0x0] =	vst.add.f32.msk $0xffff, v0  }
0x38e: {  	v0 =	vld [tilespmem:s26+$0x1420];
	_ =	sdelay $0x3  }
0x38f: {  	s28 =	sor.u32 $0x11420, s26  }
0x390: {  	[tilespmem:s28+$0x0] =	vst.add.f32.msk $0xffff, v0  }
0x391: {  	v0 =	vld [tilespmem:s26+$0x1430];
	_ =	sdelay $0x3  }
0x392: {  	s28 =	sor.u32 $0x11430, s26  }
0x393: {  	[tilespmem:s28+$0x0] =	vst.add.f32.msk $0xffff, v0  }
0x394: {  	v0 =	vld [tilespmem:s26+$0x1440];
	_ =	sdelay $0x3  }
0x395: {  	s28 =	sor.u32 $0x11440, s26  }
0x396: {  	[tilespmem:s28+$0x0] =	vst.add.f32.msk $0xffff, v0  }
0x397: {  	v0 =	vld [tilespmem:s26+$0x1450];
	_ =	sdelay $0x3  }
0x398: {  	s28 =	sor.u32 $0x11450, s26  }
0x399: {  	[tilespmem:s28+$0x0] =	vst.add.f32.msk $0xffff, v0  }
0x39a: {  	v0 =	vld [tilespmem:s26+$0x1460];
	_ =	sdelay $0x3  }
0x39b: {  	s28 =	sor.u32 $0x11460, s26  }
0x39c: {  	[tilespmem:s28+$0x0] =	vst.add.f32.msk $0xffff, v0  }
0x39d: {  	v0 =	vld [tilespmem:s26+$0x1470];
	_ =	sdelay $0x3  }
0x39e: {  	s28 =	sor.u32 $0x11470, s26  }
0x39f: {  	[tilespmem:s28+$0x0] =	vst.add.f32.msk $0xffff, v0  }
0x3a0: {  	v0 =	vld [tilespmem:s26+$0x1800];
	_ =	sdelay $0x3  }
0x3a1: {  	s28 =	sor.u32 $0x11800, s26  }
0x3a2: {  	[tilespmem:s28+$0x0] =	vst.add.f32.msk $0xffff, v0  }
0x3a3: {  	v0 =	vld [tilespmem:s26+$0x1810];
	_ =	sdelay $0x3  }
0x3a4: {  	s28 =	sor.u32 $0x11810, s26  }
0x3a5: {  	[tilespmem:s28+$0x0] =	vst.add.f32.msk $0xffff, v0  }
0x3a6: {  	v0 =	vld [tilespmem:s26+$0x1820];
	_ =	sdelay $0x3  }
0x3a7: {  	s28 =	sor.u32 $0x11820, s26  }
0x3a8: {  	[tilespmem:s28+$0x0] =	vst.add.f32.msk $0xffff, v0  }
0x3a9: {  	v0 =	vld [tilespmem:s26+$0x1830];
	_ =	sdelay $0x3  }
0x3aa: {  	s28 =	sor.u32 $0x11830, s26  }
0x3ab: {  	[tilespmem:s28+$0x0] =	vst.add.f32.msk $0xffff, v0  }
0x3ac: {  	v0 =	vld [tilespmem:s26+$0x1840];
	_ =	sdelay $0x3  }
0x3ad: {  	s28 =	sor.u32 $0x11840, s26  }
0x3ae: {  	[tilespmem:s28+$0x0] =	vst.add.f32.msk $0xffff, v0  }
0x3af: {  	v0 =	vld [tilespmem:s26+$0x1850];
	_ =	sdelay $0x3  }
0x3b0: {  	s28 =	sor.u32 $0x11850, s26  }
0x3b1: {  	[tilespmem:s28+$0x0] =	vst.add.f32.msk $0xffff, v0  }
0x3b2: {  	v0 =	vld [tilespmem:s26+$0x1860];
	_ =	sdelay $0x3  }
0x3b3: {  	s28 =	sor.u32 $0x11860, s26  }
0x3b4: {  	[tilespmem:s28+$0x0] =	vst.add.f32.msk $0xffff, v0  }
0x3b5: {  	v0 =	vld [tilespmem:s26+$0x1870]  }
0x3b6: {  	s21 =	sadd.s32 $0x1, s21  }
0x3b7: {  	s28 =	sand.u32 $0x7, s21  }
0x3b8: {  	s22 =	sadd.s32 $0x400, s22;
	s28 =	sshll.u32 s28, $0x7  }
0x3b9: {  	s26 =	sor.u32 $0x11870, s26;
	s28 =	sadd.s32 s28, s22  }
0x3ba: {  	[tilespmem:s26+$0x0] =	vst.add.f32.msk $0xffff, v0;
	s26 =	sor.u32 $0x1C00, s28  }
0x3bb: {  	v0 =	vld [tilespmem:s26+$0x0];
	_ =	sdelay $0x4  }
0x3bc: {  	[tilespmem:s26+$0x10000] =	vst.add.f32.msk $0xffff, v0;
	s26 =	sor.u32 $0x1C10, s28  }
0x3bd: {  	v0 =	vld [tilespmem:s26+$0x0];
	_ =	sdelay $0x4  }
0x3be: {  	[tilespmem:s26+$0x10000] =	vst.add.f32.msk $0xffff, v0;
	s26 =	sor.u32 $0x1C20, s28  }
0x3bf: {  	v0 =	vld [tilespmem:s26+$0x0];
	_ =	sdelay $0x4  }
0x3c0: {  	[tilespmem:s26+$0x10000] =	vst.add.f32.msk $0xffff, v0;
	s26 =	sor.u32 $0x1C30, s28  }
0x3c1: {  	v0 =	vld [tilespmem:s26+$0x0];
	_ =	sdelay $0x4  }
0x3c2: {  	[tilespmem:s26+$0x10000] =	vst.add.f32.msk $0xffff, v0;
	s26 =	sor.u32 $0x1C40, s28  }
0x3c3: {  	v0 =	vld [tilespmem:s26+$0x0];
	_ =	sdelay $0x4  }
0x3c4: {  	[tilespmem:s26+$0x10000] =	vst.add.f32.msk $0xffff, v0;
	s26 =	sor.u32 $0x1C50, s28  }
0x3c5: {  	v0 =	vld [tilespmem:s26+$0x0];
	_ =	sdelay $0x4  }
0x3c6: {  	[tilespmem:s26+$0x10000] =	vst.add.f32.msk $0xffff, v0;
	s26 =	sor.u32 $0x1C60, s28  }
0x3c7: {  	v0 =	vld [tilespmem:s26+$0x0];
	_ =	sdelay $0x4  }
.Ltmp1:
0x3c8: {  	s28 =	sor.u32 $0x1C70, s28;
	[tilespmem:s26+$0x10000] =	vst.add.f32.msk $0xffff, v0;
	(pc) =	sbr.rel @p0 .LBB2_4-.Ltmp1, $3  }
0x3c9: {  	v0 =	vld [tilespmem:s28+$0x0];
	_ =	sdelay $0x1  }
0x3ca: {  	s24 =	sadd.s32 $0x400, s24  }
0x3cb: {  	s25 =	sadd.s32 $0x80, s25;
	s26 =	sadd.s32 $0x8000, s24  }
0x3cc: {  	s24 =	sand.u32 $0x6000, s26;
	s23 =	sand.u32 $0x380, s23  }
0x3cd: {  	s23 =	sor.u32 s23, s24;
	[tilespmem:s28+$0x10000] =	vst.add.f32.msk $0xffff, v0  }
0x3ce: {  	v0 =	vld [tilespmem:s23+$0x0];
	_ =	sdelay $0x3  }
0x3cf: {  	s24 =	sor.u32 $0x10000, s23  }
0x3d0: {  	[tilespmem:s24+$0x0] =	vst.add.f32.msk $0xffff, v0  }
0x3d1: {  	v0 =	vld [tilespmem:s23+$0x10];
	_ =	sdelay $0x3  }
0x3d2: {  	s26 =	sor.u32 $0x10010, s23  }
0x3d3: {  	[tilespmem:s26+$0x0] =	vst.add.f32.msk $0xffff, v0  }
0x3d4: {  	v0 =	vld [tilespmem:s23+$0x20];
	_ =	sdelay $0x3  }
0x3d5: {  	s29 =	sor.u32 $0x10020, s23  }
0x3d6: {  	[tilespmem:s29+$0x0] =	vst.add.f32.msk $0xffff, v0  }
0x3d7: {  	v0 =	vld [tilespmem:s23+$0x30];
	_ =	sdelay $0x3  }
0x3d8: {  	s30 =	sor.u32 $0x10030, s23  }
0x3d9: {  	[tilespmem:s30+$0x0] =	vst.add.f32.msk $0xffff, v0  }
0x3da: {  	v0 =	vld [tilespmem:s23+$0x40];
	_ =	sdelay $0x3  }
0x3db: {  	s31 =	sor.u32 $0x10040, s23  }
0x3dc: {  	[tilespmem:s31+$0x0] =	vst.add.f32.msk $0xffff, v0  }
0x3dd: {  	v0 =	vld [tilespmem:s23+$0x50];
	_ =	sdelay $0x3  }
0x3de: {  	s25 =	sor.u32 $0x10050, s23  }
0x3df: {  	[tilespmem:s25+$0x0] =	vst.add.f32.msk $0xffff, v0  }
0x3e0: {  	v0 =	vld [tilespmem:s23+$0x60];
	_ =	sdelay $0x3  }
0x3e1: {  	s26 =	sor.u32 $0x10060, s23  }
0x3e2: {  	[tilespmem:s26+$0x0] =	vst.add.f32.msk $0xffff, v0  }
0x3e3: {  	v0 =	vld [tilespmem:s23+$0x70];
	_ =	sdelay $0x3  }
0x3e4: {  	s29 =	sor.u32 $0x10070, s23  }
0x3e5: {  	[tilespmem:s29+$0x0] =	vst.add.f32.msk $0xffff, v0  }
0x3e6: {  	v0 =	vld [tilespmem:s23+$0x400];
	_ =	sdelay $0x3  }
0x3e7: {  	s30 =	sor.u32 $0x10400, s23  }
0x3e8: {  	[tilespmem:s30+$0x0] =	vst.add.f32.msk $0xffff, v0  }
0x3e9: {  	v0 =	vld [tilespmem:s23+$0x410];
	_ =	sdelay $0x3  }
0x3ea: {  	s31 =	sor.u32 $0x10410, s23  }
0x3eb: {  	[tilespmem:s31+$0x0] =	vst.add.f32.msk $0xffff, v0  }
0x3ec: {  	v0 =	vld [tilespmem:s23+$0x420];
	_ =	sdelay $0x3  }
0x3ed: {  	s25 =	sor.u32 $0x10420, s23  }
0x3ee: {  	[tilespmem:s25+$0x0] =	vst.add.f32.msk $0xffff, v0  }
0x3ef: {  	v0 =	vld [tilespmem:s23+$0x430];
	_ =	sdelay $0x3  }
0x3f0: {  	s26 =	sor.u32 $0x10430, s23  }
0x3f1: {  	[tilespmem:s26+$0x0] =	vst.add.f32.msk $0xffff, v0  }
0x3f2: {  	v0 =	vld [tilespmem:s23+$0x440];
	_ =	sdelay $0x3  }
0x3f3: {  	s29 =	sor.u32 $0x10440, s23  }
0x3f4: {  	[tilespmem:s29+$0x0] =	vst.add.f32.msk $0xffff, v0  }
0x3f5: {  	v0 =	vld [tilespmem:s23+$0x450];
	_ =	sdelay $0x3  }
0x3f6: {  	s30 =	sor.u32 $0x10450, s23  }
0x3f7: {  	[tilespmem:s30+$0x0] =	vst.add.f32.msk $0xffff, v0  }
0x3f8: {  	v0 =	vld [tilespmem:s23+$0x460];
	_ =	sdelay $0x3  }
0x3f9: {  	s31 =	sor.u32 $0x10460, s23  }
0x3fa: {  	[tilespmem:s31+$0x0] =	vst.add.f32.msk $0xffff, v0  }
0x3fb: {  	v0 =	vld [tilespmem:s23+$0x470];
	_ =	sdelay $0x3  }
0x3fc: {  	s25 =	sor.u32 $0x10470, s23  }
0x3fd: {  	[tilespmem:s25+$0x0] =	vst.add.f32.msk $0xffff, v0  }
0x3fe: {  	v0 =	vld [tilespmem:s23+$0x800];
	_ =	sdelay $0x3  }
0x3ff: {  	s26 =	sor.u32 $0x10800, s23  }
0x400: {  	[tilespmem:s26+$0x0] =	vst.add.f32.msk $0xffff, v0  }
0x401: {  	v0 =	vld [tilespmem:s23+$0x810];
	_ =	sdelay $0x3  }
0x402: {  	s29 =	sor.u32 $0x10810, s23  }
0x403: {  	[tilespmem:s29+$0x0] =	vst.add.f32.msk $0xffff, v0  }
0x404: {  	v0 =	vld [tilespmem:s23+$0x820];
	_ =	sdelay $0x3  }
0x405: {  	s30 =	sor.u32 $0x10820, s23  }
0x406: {  	[tilespmem:s30+$0x0] =	vst.add.f32.msk $0xffff, v0  }
0x407: {  	v0 =	vld [tilespmem:s23+$0x830];
	_ =	sdelay $0x3  }
0x408: {  	s31 =	sor.u32 $0x10830, s23  }
0x409: {  	[tilespmem:s31+$0x0] =	vst.add.f32.msk $0xffff, v0  }
0x40a: {  	v0 =	vld [tilespmem:s23+$0x840];
	_ =	sdelay $0x3  }
0x40b: {  	s25 =	sor.u32 $0x10840, s23  }
0x40c: {  	[tilespmem:s25+$0x0] =	vst.add.f32.msk $0xffff, v0  }
0x40d: {  	v0 =	vld [tilespmem:s23+$0x850];
	_ =	sdelay $0x3  }
0x40e: {  	s26 =	sor.u32 $0x10850, s23  }
0x40f: {  	[tilespmem:s26+$0x0] =	vst.add.f32.msk $0xffff, v0  }
0x410: {  	v0 =	vld [tilespmem:s23+$0x860];
	_ =	sdelay $0x3  }
0x411: {  	s29 =	sor.u32 $0x10860, s23  }
0x412: {  	[tilespmem:s29+$0x0] =	vst.add.f32.msk $0xffff, v0  }
0x413: {  	v0 =	vld [tilespmem:s23+$0x870];
	_ =	sdelay $0x3  }
0x414: {  	s30 =	sor.u32 $0x10870, s23  }
0x415: {  	[tilespmem:s30+$0x0] =	vst.add.f32.msk $0xffff, v0  }
0x416: {  	v0 =	vld [tilespmem:s23+$0xC00];
	_ =	sdelay $0x3  }
0x417: {  	s31 =	sor.u32 $0x10C00, s23  }
0x418: {  	[tilespmem:s31+$0x0] =	vst.add.f32.msk $0xffff, v0  }
0x419: {  	v0 =	vld [tilespmem:s23+$0xC10];
	_ =	sdelay $0x3  }
0x41a: {  	s25 =	sor.u32 $0x10C10, s23  }
0x41b: {  	[tilespmem:s25+$0x0] =	vst.add.f32.msk $0xffff, v0  }
0x41c: {  	v0 =	vld [tilespmem:s23+$0xC20];
	_ =	sdelay $0x3  }
0x41d: {  	s26 =	sor.u32 $0x10C20, s23  }
0x41e: {  	[tilespmem:s26+$0x0] =	vst.add.f32.msk $0xffff, v0  }
0x41f: {  	v0 =	vld [tilespmem:s23+$0xC30];
	_ =	sdelay $0x3  }
0x420: {  	s29 =	sor.u32 $0x10C30, s23  }
0x421: {  	[tilespmem:s29+$0x0] =	vst.add.f32.msk $0xffff, v0  }
0x422: {  	v0 =	vld [tilespmem:s23+$0xC40];
	_ =	sdelay $0x3  }
0x423: {  	s30 =	sor.u32 $0x10C40, s23  }
0x424: {  	[tilespmem:s30+$0x0] =	vst.add.f32.msk $0xffff, v0  }
0x425: {  	v0 =	vld [tilespmem:s23+$0xC50];
	_ =	sdelay $0x3  }
0x426: {  	s31 =	sor.u32 $0x10C50, s23  }
0x427: {  	[tilespmem:s31+$0x0] =	vst.add.f32.msk $0xffff, v0  }
0x428: {  	v0 =	vld [tilespmem:s23+$0xC60];
	_ =	sdelay $0x3  }
0x429: {  	s25 =	sor.u32 $0x10C60, s23  }
0x42a: {  	[tilespmem:s25+$0x0] =	vst.add.f32.msk $0xffff, v0  }
0x42b: {  	v0 =	vld [tilespmem:s23+$0xC70];
	_ =	sdelay $0x3  }
0x42c: {  	s26 =	sor.u32 $0x10C70, s23  }
0x42d: {  	[tilespmem:s26+$0x0] =	vst.add.f32.msk $0xffff, v0  }
0x42e: {  	v0 =	vld [tilespmem:s23+$0x1000];
	_ =	sdelay $0x3  }
0x42f: {  	s29 =	sor.u32 $0x11000, s23  }
0x430: {  	[tilespmem:s29+$0x0] =	vst.add.f32.msk $0xffff, v0  }
0x431: {  	v0 =	vld [tilespmem:s23+$0x1010];
	_ =	sdelay $0x3  }
0x432: {  	s30 =	sor.u32 $0x11010, s23  }
0x433: {  	[tilespmem:s30+$0x0] =	vst.add.f32.msk $0xffff, v0  }
0x434: {  	v0 =	vld [tilespmem:s23+$0x1020];
	_ =	sdelay $0x3  }
0x435: {  	s31 =	sor.u32 $0x11020, s23  }
0x436: {  	[tilespmem:s31+$0x0] =	vst.add.f32.msk $0xffff, v0  }
0x437: {  	v0 =	vld [tilespmem:s23+$0x1030];
	_ =	sdelay $0x3  }
0x438: {  	s25 =	sor.u32 $0x11030, s23  }
0x439: {  	[tilespmem:s25+$0x0] =	vst.add.f32.msk $0xffff, v0  }
0x43a: {  	v0 =	vld [tilespmem:s23+$0x1040];
	_ =	sdelay $0x3  }
0x43b: {  	s26 =	sor.u32 $0x11040, s23  }
0x43c: {  	[tilespmem:s26+$0x0] =	vst.add.f32.msk $0xffff, v0  }
0x43d: {  	v0 =	vld [tilespmem:s23+$0x1050];
	_ =	sdelay $0x3  }
0x43e: {  	s29 =	sor.u32 $0x11050, s23  }
0x43f: {  	[tilespmem:s29+$0x0] =	vst.add.f32.msk $0xffff, v0  }
0x440: {  	v0 =	vld [tilespmem:s23+$0x1060];
	_ =	sdelay $0x3  }
0x441: {  	s30 =	sor.u32 $0x11060, s23  }
0x442: {  	[tilespmem:s30+$0x0] =	vst.add.f32.msk $0xffff, v0  }
0x443: {  	v0 =	vld [tilespmem:s23+$0x1070];
	_ =	sdelay $0x3  }
0x444: {  	s31 =	sor.u32 $0x11070, s23  }
0x445: {  	[tilespmem:s31+$0x0] =	vst.add.f32.msk $0xffff, v0  }
0x446: {  	v0 =	vld [tilespmem:s23+$0x1400];
	_ =	sdelay $0x3  }
0x447: {  	s25 =	sor.u32 $0x11400, s23  }
0x448: {  	[tilespmem:s25+$0x0] =	vst.add.f32.msk $0xffff, v0  }
0x449: {  	v0 =	vld [tilespmem:s23+$0x1410];
	_ =	sdelay $0x3  }
0x44a: {  	s26 =	sor.u32 $0x11410, s23  }
0x44b: {  	[tilespmem:s26+$0x0] =	vst.add.f32.msk $0xffff, v0  }
0x44c: {  	v0 =	vld [tilespmem:s23+$0x1420];
	_ =	sdelay $0x3  }
0x44d: {  	s29 =	sor.u32 $0x11420, s23  }
0x44e: {  	[tilespmem:s29+$0x0] =	vst.add.f32.msk $0xffff, v0  }
0x44f: {  	v0 =	vld [tilespmem:s23+$0x1430];
	_ =	sdelay $0x3  }
0x450: {  	s30 =	sor.u32 $0x11430, s23  }
0x451: {  	[tilespmem:s30+$0x0] =	vst.add.f32.msk $0xffff, v0  }
0x452: {  	v0 =	vld [tilespmem:s23+$0x1440];
	_ =	sdelay $0x3  }
0x453: {  	s31 =	sor.u32 $0x11440, s23  }
0x454: {  	[tilespmem:s31+$0x0] =	vst.add.f32.msk $0xffff, v0  }
0x455: {  	v0 =	vld [tilespmem:s23+$0x1450];
	_ =	sdelay $0x3  }
0x456: {  	s25 =	sor.u32 $0x11450, s23  }
0x457: {  	[tilespmem:s25+$0x0] =	vst.add.f32.msk $0xffff, v0  }
0x458: {  	v0 =	vld [tilespmem:s23+$0x1460];
	_ =	sdelay $0x3  }
0x459: {  	s26 =	sor.u32 $0x11460, s23  }
0x45a: {  	[tilespmem:s26+$0x0] =	vst.add.f32.msk $0xffff, v0  }
0x45b: {  	v0 =	vld [tilespmem:s23+$0x1470];
	_ =	sdelay $0x3  }
0x45c: {  	s29 =	sor.u32 $0x11470, s23  }
0x45d: {  	[tilespmem:s29+$0x0] =	vst.add.f32.msk $0xffff, v0  }
0x45e: {  	v0 =	vld [tilespmem:s23+$0x1800];
	_ =	sdelay $0x3  }
0x45f: {  	s30 =	sor.u32 $0x11800, s23  }
0x460: {  	[tilespmem:s30+$0x0] =	vst.add.f32.msk $0xffff, v0  }
0x461: {  	v0 =	vld [tilespmem:s23+$0x1810];
	_ =	sdelay $0x3  }
0x462: {  	s31 =	sor.u32 $0x11810, s23  }
0x463: {  	[tilespmem:s31+$0x0] =	vst.add.f32.msk $0xffff, v0  }
0x464: {  	v0 =	vld [tilespmem:s23+$0x1820];
	_ =	sdelay $0x3  }
0x465: {  	s25 =	sor.u32 $0x11820, s23  }
0x466: {  	[tilespmem:s25+$0x0] =	vst.add.f32.msk $0xffff, v0  }
0x467: {  	v0 =	vld [tilespmem:s23+$0x1830];
	_ =	sdelay $0x3  }
0x468: {  	s26 =	sor.u32 $0x11830, s23  }
0x469: {  	[tilespmem:s26+$0x0] =	vst.add.f32.msk $0xffff, v0  }
0x46a: {  	v0 =	vld [tilespmem:s23+$0x1840];
	_ =	sdelay $0x3  }
0x46b: {  	s29 =	sor.u32 $0x11840, s23  }
0x46c: {  	[tilespmem:s29+$0x0] =	vst.add.f32.msk $0xffff, v0  }
0x46d: {  	v0 =	vld [tilespmem:s23+$0x1850];
	_ =	sdelay $0x3  }
0x46e: {  	s30 =	sor.u32 $0x11850, s23  }
0x46f: {  	[tilespmem:s30+$0x0] =	vst.add.f32.msk $0xffff, v0  }
0x470: {  	v0 =	vld [tilespmem:s23+$0x1860];
	_ =	sdelay $0x3  }
0x471: {  	s31 =	sor.u32 $0x11860, s23  }
0x472: {  	[tilespmem:s31+$0x0] =	vst.add.f32.msk $0xffff, v0  }
0x473: {  	v0 =	vld [tilespmem:s23+$0x1870]  }
0x474: {  	s21 =	sadd.s32 $0x1, s21  }
0x475: {  	s21 =	sand.u32 $0x7, s21  }
0x476: {  	s22 =	sadd.s32 $0x400, s22;
	s21 =	sshll.u32 s21, $0x7  }
0x477: {  	s21 =	sadd.s32 s21, s22;
	s25 =	sor.u32 $0x11870, s23  }
0x478: {  	s26 =	sor.u32 $0x1C00, s21;
	[tilespmem:s25+$0x0] =	vst.add.f32.msk $0xffff, v0  }
0x479: {  	v0 =	vld [tilespmem:s26+$0x0];
	_ =	sdelay $0x4  }
0x47a: {  	s29 =	sor.u32 $0x1C10, s21;
	[tilespmem:s26+$0x10000] =	vst.add.f32.msk $0xffff, v0  }
0x47b: {  	v0 =	vld [tilespmem:s29+$0x0];
	_ =	sdelay $0x4  }
0x47c: {  	s30 =	sor.u32 $0x1C20, s21;
	[tilespmem:s29+$0x10000] =	vst.add.f32.msk $0xffff, v0  }
0x47d: {  	v0 =	vld [tilespmem:s30+$0x0];
	_ =	sdelay $0x4  }
0x47e: {  	s31 =	sor.u32 $0x1C30, s21;
	[tilespmem:s30+$0x10000] =	vst.add.f32.msk $0xffff, v0  }
0x47f: {  	v0 =	vld [tilespmem:s31+$0x0];
	_ =	sdelay $0x4  }
0x480: {  	s23 =	sor.u32 $0x1C40, s21;
	[tilespmem:s31+$0x10000] =	vst.add.f32.msk $0xffff, v0  }
0x481: {  	v0 =	vld [tilespmem:s23+$0x0];
	_ =	sdelay $0x4  }
0x482: {  	s24 =	sor.u32 $0x1C50, s21;
	[tilespmem:s23+$0x10000] =	vst.add.f32.msk $0xffff, v0  }
0x483: {  	v0 =	vld [tilespmem:s24+$0x0];
	_ =	sdelay $0x4  }
0x484: {  	s25 =	sor.u32 $0x1C60, s21;
	[tilespmem:s24+$0x10000] =	vst.add.f32.msk $0xffff, v0  }
0x485: {  	v0 =	vld [tilespmem:s25+$0x0];
	_ =	sdelay $0x4  }
0x486: {  	s21 =	sor.u32 $0x1C70, s21;
	[tilespmem:s25+$0x10000] =	vst.add.f32.msk $0xffff, v0  }
0x487: {  	v0 =	vld [tilespmem:s21+$0x0];
	_ =	sdelay $0x4  }
0x488: {  	[tilespmem:s21+$0x10000] =	vst.add.f32.msk $0xffff, v0;
	s21 =	simm.s32 $0x0  }
0x489: {  	[hbm4b:s7+s21] =	stream.linear.scatter [tilespmem:s14], [sflag:$0x5], $0x8000, $0x38;
	[tilespmem:$0x18000] =	vst v63  }
0x48a: {  	_ =	swait.ge [sflag:s18], $0x8000  }
0x48b: {  	[sflag:s18] =	ssyncset.done $0x0  }
0x48c: {  	[sflag:s18] =	ssyncadd.s32 $0xFFFF8000  }
0x48d: {  	[tilespmem:s13], [sflag:$0x2] =	stream.linear.gather [hbm4b:s8+s21], $0x8000, $0x38;
	[tilespmem:$0x18000] =	vst v63  }
0x48e: {  	s26 =	simm.s32 $0x0;
	_ =	swait.ge [sflag:s16], $0x8000  }
0x48f: {  	s22 =	sand.u32 $0x6000, s26;
	s29 =	sand.u32 $0x380, s21;
	[sflag:s16] =	ssyncset.done $0x0  }
0x490: {  	s22 =	sor.u32 s29, s22;
	[sflag:s16] =	ssyncadd.s32 $0xFFFF8000  }
0x491: {  	v0 =	vld [tilespmem:s22+$0x0];
	_ =	sdelay $0x3  }
0x492: {  	s23 =	sor.u32 $0x8000, s22  }
0x493: {  	[tilespmem:s23+$0x0] =	vst.add.f32.msk $0xffff, v0  }
0x494: {  	v0 =	vld [tilespmem:s22+$0x10];
	_ =	sdelay $0x3  }
0x495: {  	s30 =	sor.u32 $0x8010, s22  }
0x496: {  	[tilespmem:s30+$0x0] =	vst.add.f32.msk $0xffff, v0  }
0x497: {  	v0 =	vld [tilespmem:s22+$0x20];
	_ =	sdelay $0x3  }
0x498: {  	s31 =	sor.u32 $0x8020, s22  }
0x499: {  	[tilespmem:s31+$0x0] =	vst.add.f32.msk $0xffff, v0  }
0x49a: {  	v0 =	vld [tilespmem:s22+$0x30];
	_ =	sdelay $0x3  }
0x49b: {  	s24 =	sor.u32 $0x8030, s22  }
0x49c: {  	[tilespmem:s24+$0x0] =	vst.add.f32.msk $0xffff, v0  }
0x49d: {  	v0 =	vld [tilespmem:s22+$0x40];
	_ =	sdelay $0x3  }
0x49e: {  	s25 =	sor.u32 $0x8040, s22  }
0x49f: {  	[tilespmem:s25+$0x0] =	vst.add.f32.msk $0xffff, v0  }
0x4a0: {  	v0 =	vld [tilespmem:s22+$0x50];
	_ =	sdelay $0x3  }
0x4a1: {  	s26 =	sor.u32 $0x8050, s22  }
0x4a2: {  	[tilespmem:s26+$0x0] =	vst.add.f32.msk $0xffff, v0  }
0x4a3: {  	v0 =	vld [tilespmem:s22+$0x60];
	_ =	sdelay $0x3  }
0x4a4: {  	s29 =	sor.u32 $0x8060, s22  }
0x4a5: {  	[tilespmem:s29+$0x0] =	vst.add.f32.msk $0xffff, v0  }
0x4a6: {  	v0 =	vld [tilespmem:s22+$0x70];
	_ =	sdelay $0x3  }
0x4a7: {  	s30 =	sor.u32 $0x8070, s22  }
0x4a8: {  	[tilespmem:s30+$0x0] =	vst.add.f32.msk $0xffff, v0  }
0x4a9: {  	v0 =	vld [tilespmem:s22+$0x400];
	_ =	sdelay $0x3  }
0x4aa: {  	s31 =	sor.u32 $0x8400, s22  }
0x4ab: {  	[tilespmem:s31+$0x0] =	vst.add.f32.msk $0xffff, v0  }
0x4ac: {  	v0 =	vld [tilespmem:s22+$0x410];
	_ =	sdelay $0x3  }
0x4ad: {  	s24 =	sor.u32 $0x8410, s22  }
0x4ae: {  	[tilespmem:s24+$0x0] =	vst.add.f32.msk $0xffff, v0  }
0x4af: {  	v0 =	vld [tilespmem:s22+$0x420];
	_ =	sdelay $0x3  }
0x4b0: {  	s25 =	sor.u32 $0x8420, s22  }
0x4b1: {  	[tilespmem:s25+$0x0] =	vst.add.f32.msk $0xffff, v0  }
0x4b2: {  	v0 =	vld [tilespmem:s22+$0x430];
	_ =	sdelay $0x3  }
0x4b3: {  	s26 =	sor.u32 $0x8430, s22  }
0x4b4: {  	[tilespmem:s26+$0x0] =	vst.add.f32.msk $0xffff, v0  }
0x4b5: {  	v0 =	vld [tilespmem:s22+$0x440];
	_ =	sdelay $0x3  }
0x4b6: {  	s29 =	sor.u32 $0x8440, s22  }
0x4b7: {  	[tilespmem:s29+$0x0] =	vst.add.f32.msk $0xffff, v0  }
0x4b8: {  	v0 =	vld [tilespmem:s22+$0x450];
	_ =	sdelay $0x3  }
0x4b9: {  	s30 =	sor.u32 $0x8450, s22  }
0x4ba: {  	[tilespmem:s30+$0x0] =	vst.add.f32.msk $0xffff, v0  }
0x4bb: {  	v0 =	vld [tilespmem:s22+$0x460];
	_ =	sdelay $0x3  }
0x4bc: {  	s31 =	sor.u32 $0x8460, s22  }
0x4bd: {  	[tilespmem:s31+$0x0] =	vst.add.f32.msk $0xffff, v0  }
0x4be: {  	v0 =	vld [tilespmem:s22+$0x470];
	_ =	sdelay $0x3  }
0x4bf: {  	s24 =	sor.u32 $0x8470, s22  }
0x4c0: {  	[tilespmem:s24+$0x0] =	vst.add.f32.msk $0xffff, v0  }
0x4c1: {  	v0 =	vld [tilespmem:s22+$0x800];
	_ =	sdelay $0x3  }
0x4c2: {  	s25 =	sor.u32 $0x8800, s22  }
0x4c3: {  	[tilespmem:s25+$0x0] =	vst.add.f32.msk $0xffff, v0  }
0x4c4: {  	v0 =	vld [tilespmem:s22+$0x810];
	_ =	sdelay $0x3  }
0x4c5: {  	s26 =	sor.u32 $0x8810, s22  }
0x4c6: {  	[tilespmem:s26+$0x0] =	vst.add.f32.msk $0xffff, v0  }
0x4c7: {  	v0 =	vld [tilespmem:s22+$0x820];
	_ =	sdelay $0x3  }
0x4c8: {  	s29 =	sor.u32 $0x8820, s22  }
0x4c9: {  	[tilespmem:s29+$0x0] =	vst.add.f32.msk $0xffff, v0  }
0x4ca: {  	v0 =	vld [tilespmem:s22+$0x830];
	_ =	sdelay $0x3  }
0x4cb: {  	s30 =	sor.u32 $0x8830, s22  }
0x4cc: {  	[tilespmem:s30+$0x0] =	vst.add.f32.msk $0xffff, v0  }
0x4cd: {  	v0 =	vld [tilespmem:s22+$0x840];
	_ =	sdelay $0x3  }
0x4ce: {  	s31 =	sor.u32 $0x8840, s22  }
0x4cf: {  	[tilespmem:s31+$0x0] =	vst.add.f32.msk $0xffff, v0  }
0x4d0: {  	v0 =	vld [tilespmem:s22+$0x850];
	_ =	sdelay $0x3  }
0x4d1: {  	s24 =	sor.u32 $0x8850, s22  }
0x4d2: {  	[tilespmem:s24+$0x0] =	vst.add.f32.msk $0xffff, v0  }
0x4d3: {  	v0 =	vld [tilespmem:s22+$0x860];
	_ =	sdelay $0x3  }
0x4d4: {  	s25 =	sor.u32 $0x8860, s22  }
0x4d5: {  	[tilespmem:s25+$0x0] =	vst.add.f32.msk $0xffff, v0  }
0x4d6: {  	v0 =	vld [tilespmem:s22+$0x870];
	_ =	sdelay $0x3  }
0x4d7: {  	s26 =	sor.u32 $0x8870, s22  }
0x4d8: {  	[tilespmem:s26+$0x0] =	vst.add.f32.msk $0xffff, v0  }
0x4d9: {  	v0 =	vld [tilespmem:s22+$0xC00];
	_ =	sdelay $0x3  }
0x4da: {  	s29 =	sor.u32 $0x8C00, s22  }
0x4db: {  	[tilespmem:s29+$0x0] =	vst.add.f32.msk $0xffff, v0  }
0x4dc: {  	v0 =	vld [tilespmem:s22+$0xC10];
	_ =	sdelay $0x3  }
0x4dd: {  	s30 =	sor.u32 $0x8C10, s22  }
0x4de: {  	[tilespmem:s30+$0x0] =	vst.add.f32.msk $0xffff, v0  }
0x4df: {  	v0 =	vld [tilespmem:s22+$0xC20];
	_ =	sdelay $0x3  }
0x4e0: {  	s31 =	sor.u32 $0x8C20, s22  }
0x4e1: {  	[tilespmem:s31+$0x0] =	vst.add.f32.msk $0xffff, v0  }
0x4e2: {  	v0 =	vld [tilespmem:s22+$0xC30];
	_ =	sdelay $0x3  }
0x4e3: {  	s24 =	sor.u32 $0x8C30, s22  }
0x4e4: {  	[tilespmem:s24+$0x0] =	vst.add.f32.msk $0xffff, v0  }
0x4e5: {  	v0 =	vld [tilespmem:s22+$0xC40];
	_ =	sdelay $0x3  }
0x4e6: {  	s25 =	sor.u32 $0x8C40, s22  }
0x4e7: {  	[tilespmem:s25+$0x0] =	vst.add.f32.msk $0xffff, v0  }
0x4e8: {  	v0 =	vld [tilespmem:s22+$0xC50];
	_ =	sdelay $0x3  }
0x4e9: {  	s26 =	sor.u32 $0x8C50, s22  }
0x4ea: {  	[tilespmem:s26+$0x0] =	vst.add.f32.msk $0xffff, v0  }
0x4eb: {  	v0 =	vld [tilespmem:s22+$0xC60];
	_ =	sdelay $0x3  }
0x4ec: {  	s29 =	sor.u32 $0x8C60, s22  }
0x4ed: {  	[tilespmem:s29+$0x0] =	vst.add.f32.msk $0xffff, v0  }
0x4ee: {  	v0 =	vld [tilespmem:s22+$0xC70];
	_ =	sdelay $0x3  }
0x4ef: {  	s30 =	sor.u32 $0x8C70, s22  }
0x4f0: {  	[tilespmem:s30+$0x0] =	vst.add.f32.msk $0xffff, v0  }
0x4f1: {  	v0 =	vld [tilespmem:s22+$0x1000];
	_ =	sdelay $0x3  }
0x4f2: {  	s31 =	sor.u32 $0x9000, s22  }
0x4f3: {  	[tilespmem:s31+$0x0] =	vst.add.f32.msk $0xffff, v0  }
0x4f4: {  	v0 =	vld [tilespmem:s22+$0x1010];
	_ =	sdelay $0x3  }
0x4f5: {  	s24 =	sor.u32 $0x9010, s22  }
0x4f6: {  	[tilespmem:s24+$0x0] =	vst.add.f32.msk $0xffff, v0  }
0x4f7: {  	v0 =	vld [tilespmem:s22+$0x1020];
	_ =	sdelay $0x3  }
0x4f8: {  	s25 =	sor.u32 $0x9020, s22  }
0x4f9: {  	[tilespmem:s25+$0x0] =	vst.add.f32.msk $0xffff, v0  }
0x4fa: {  	v0 =	vld [tilespmem:s22+$0x1030];
	_ =	sdelay $0x3  }
0x4fb: {  	s26 =	sor.u32 $0x9030, s22  }
0x4fc: {  	[tilespmem:s26+$0x0] =	vst.add.f32.msk $0xffff, v0  }
0x4fd: {  	v0 =	vld [tilespmem:s22+$0x1040];
	_ =	sdelay $0x3  }
0x4fe: {  	s29 =	sor.u32 $0x9040, s22  }
0x4ff: {  	[tilespmem:s29+$0x0] =	vst.add.f32.msk $0xffff, v0  }
0x500: {  	v0 =	vld [tilespmem:s22+$0x1050];
	_ =	sdelay $0x3  }
0x501: {  	s30 =	sor.u32 $0x9050, s22  }
0x502: {  	[tilespmem:s30+$0x0] =	vst.add.f32.msk $0xffff, v0  }
0x503: {  	v0 =	vld [tilespmem:s22+$0x1060];
	_ =	sdelay $0x3  }
0x504: {  	s31 =	sor.u32 $0x9060, s22  }
0x505: {  	[tilespmem:s31+$0x0] =	vst.add.f32.msk $0xffff, v0  }
0x506: {  	v0 =	vld [tilespmem:s22+$0x1070];
	_ =	sdelay $0x3  }
0x507: {  	s24 =	sor.u32 $0x9070, s22  }
0x508: {  	[tilespmem:s24+$0x0] =	vst.add.f32.msk $0xffff, v0  }
0x509: {  	v0 =	vld [tilespmem:s22+$0x1400];
	_ =	sdelay $0x3  }
0x50a: {  	s25 =	sor.u32 $0x9400, s22  }
0x50b: {  	[tilespmem:s25+$0x0] =	vst.add.f32.msk $0xffff, v0  }
0x50c: {  	v0 =	vld [tilespmem:s22+$0x1410];
	_ =	sdelay $0x3  }
0x50d: {  	s26 =	sor.u32 $0x9410, s22  }
0x50e: {  	[tilespmem:s26+$0x0] =	vst.add.f32.msk $0xffff, v0  }
0x50f: {  	v0 =	vld [tilespmem:s22+$0x1420];
	_ =	sdelay $0x3  }
0x510: {  	s29 =	sor.u32 $0x9420, s22  }
0x511: {  	[tilespmem:s29+$0x0] =	vst.add.f32.msk $0xffff, v0  }
0x512: {  	v0 =	vld [tilespmem:s22+$0x1430];
	_ =	sdelay $0x3  }
0x513: {  	s30 =	sor.u32 $0x9430, s22  }
0x514: {  	[tilespmem:s30+$0x0] =	vst.add.f32.msk $0xffff, v0  }
0x515: {  	v0 =	vld [tilespmem:s22+$0x1440];
	_ =	sdelay $0x3  }
0x516: {  	s31 =	sor.u32 $0x9440, s22  }
0x517: {  	[tilespmem:s31+$0x0] =	vst.add.f32.msk $0xffff, v0  }
0x518: {  	v0 =	vld [tilespmem:s22+$0x1450];
	_ =	sdelay $0x3  }
0x519: {  	s24 =	sor.u32 $0x9450, s22  }
0x51a: {  	[tilespmem:s24+$0x0] =	vst.add.f32.msk $0xffff, v0  }
0x51b: {  	v0 =	vld [tilespmem:s22+$0x1460];
	_ =	sdelay $0x3  }
0x51c: {  	s25 =	sor.u32 $0x9460, s22  }
0x51d: {  	[tilespmem:s25+$0x0] =	vst.add.f32.msk $0xffff, v0  }
0x51e: {  	v0 =	vld [tilespmem:s22+$0x1470];
	_ =	sdelay $0x3  }
0x51f: {  	s26 =	sor.u32 $0x9470, s22  }
0x520: {  	[tilespmem:s26+$0x0] =	vst.add.f32.msk $0xffff, v0  }
0x521: {  	v0 =	vld [tilespmem:s22+$0x1800];
	_ =	sdelay $0x3  }
0x522: {  	s29 =	sor.u32 $0x9800, s22  }
0x523: {  	[tilespmem:s29+$0x0] =	vst.add.f32.msk $0xffff, v0  }
0x524: {  	v0 =	vld [tilespmem:s22+$0x1810];
	_ =	sdelay $0x3  }
0x525: {  	s30 =	sor.u32 $0x9810, s22  }
0x526: {  	[tilespmem:s30+$0x0] =	vst.add.f32.msk $0xffff, v0  }
0x527: {  	v0 =	vld [tilespmem:s22+$0x1820];
	_ =	sdelay $0x3  }
0x528: {  	s31 =	sor.u32 $0x9820, s22  }
0x529: {  	[tilespmem:s31+$0x0] =	vst.add.f32.msk $0xffff, v0  }
0x52a: {  	v0 =	vld [tilespmem:s22+$0x1830];
	_ =	sdelay $0x3  }
0x52b: {  	s24 =	sor.u32 $0x9830, s22  }
0x52c: {  	[tilespmem:s24+$0x0] =	vst.add.f32.msk $0xffff, v0  }
0x52d: {  	v0 =	vld [tilespmem:s22+$0x1840];
	_ =	sdelay $0x3  }
0x52e: {  	s25 =	sor.u32 $0x9840, s22  }
0x52f: {  	[tilespmem:s25+$0x0] =	vst.add.f32.msk $0xffff, v0  }
0x530: {  	v0 =	vld [tilespmem:s22+$0x1850];
	_ =	sdelay $0x3  }
0x531: {  	s26 =	sor.u32 $0x9850, s22  }
0x532: {  	[tilespmem:s26+$0x0] =	vst.add.f32.msk $0xffff, v0  }
0x533: {  	v0 =	vld [tilespmem:s22+$0x1860];
	_ =	sdelay $0x3  }
0x534: {  	s29 =	sor.u32 $0x9860, s22  }
0x535: {  	[tilespmem:s29+$0x0] =	vst.add.f32.msk $0xffff, v0  }
0x536: {  	v0 =	vld [tilespmem:s22+$0x1870];
	_ =	sdelay $0x1  }
0x537: {  	s30 =	sand.u32 $0x7, s21  }
0x538: {  	s23 =	sshll.u32 s30, $0x7  }
0x539: {  	s24 =	sadd.s32 $0x0, s23;
	s22 =	sor.u32 $0x9870, s22  }
0x53a: {  	s31 =	sor.u32 $0x1C00, s24;
	[tilespmem:s22+$0x0] =	vst.add.f32.msk $0xffff, v0  }
0x53b: {  	v0 =	vld [tilespmem:s31+$0x0];
	_ =	sdelay $0x4  }
0x53c: {  	s23 =	sor.u32 $0x1C10, s24;
	[tilespmem:s31+$0x8000] =	vst.add.f32.msk $0xffff, v0  }
0x53d: {  	v0 =	vld [tilespmem:s23+$0x0];
	_ =	sdelay $0x4  }
0x53e: {  	s25 =	sor.u32 $0x1C20, s24;
	[tilespmem:s23+$0x8000] =	vst.add.f32.msk $0xffff, v0  }
0x53f: {  	v0 =	vld [tilespmem:s25+$0x0];
	_ =	sdelay $0x4  }
0x540: {  	s26 =	sor.u32 $0x1C30, s24;
	[tilespmem:s25+$0x8000] =	vst.add.f32.msk $0xffff, v0  }
0x541: {  	v0 =	vld [tilespmem:s26+$0x0];
	_ =	sdelay $0x4  }
0x542: {  	s29 =	sor.u32 $0x1C40, s24;
	[tilespmem:s26+$0x8000] =	vst.add.f32.msk $0xffff, v0  }
0x543: {  	v0 =	vld [tilespmem:s29+$0x0];
	_ =	sdelay $0x4  }
0x544: {  	s30 =	sor.u32 $0x1C50, s24;
	[tilespmem:s29+$0x8000] =	vst.add.f32.msk $0xffff, v0  }
0x545: {  	v0 =	vld [tilespmem:s30+$0x0];
	_ =	sdelay $0x4  }
0x546: {  	s31 =	sor.u32 $0x1C60, s24;
	[tilespmem:s30+$0x8000] =	vst.add.f32.msk $0xffff, v0  }
0x547: {  	v0 =	vld [tilespmem:s31+$0x0];
	_ =	sdelay $0x4  }
0x548: {  	s28 =	sor.u32 $0x1C70, s24;
	[tilespmem:s31+$0x8000] =	vst.add.f32.msk $0xffff, v0  }
0x549: {  	v0 =	vld [tilespmem:s28+$0x0];
	_ =	sdelay $0x1  }
0x54a: {  	s22 =	simm.s32 $0x0;
	s24 =	simm.s32 $0xFFFF8400  }
0x54b: {  	s23 =	simm.s32 $0x80;
	s25 =	simm.s32 $0x100;
	s26 =	simm.s32 $0x400  }
.LBB2_6:
0x54c: {  	p0 =	sne.s32 s25, $0xF80;
	s26 =	sand.u32 $0x6000, s26;
	s23 =	sand.u32 $0x380, s23  }
0x54d: {  	s26 =	sor.u32 s23, s26;
	[tilespmem:s28+$0x8000] =	vst.add.f32.msk $0xffff, v0;
	s23 =	smov.u32 s25  }
0x54e: {  	v0 =	vld [tilespmem:s26+$0x0];
	_ =	sdelay $0x3  }
0x54f: {  	s28 =	sor.u32 $0x8000, s26  }
0x550: {  	[tilespmem:s28+$0x0] =	vst.add.f32.msk $0xffff, v0  }
0x551: {  	v0 =	vld [tilespmem:s26+$0x10];
	_ =	sdelay $0x3  }
0x552: {  	s28 =	sor.u32 $0x8010, s26  }
0x553: {  	[tilespmem:s28+$0x0] =	vst.add.f32.msk $0xffff, v0  }
0x554: {  	v0 =	vld [tilespmem:s26+$0x20];
	_ =	sdelay $0x3  }
0x555: {  	s28 =	sor.u32 $0x8020, s26  }
0x556: {  	[tilespmem:s28+$0x0] =	vst.add.f32.msk $0xffff, v0  }
0x557: {  	v0 =	vld [tilespmem:s26+$0x30];
	_ =	sdelay $0x3  }
0x558: {  	s28 =	sor.u32 $0x8030, s26  }
0x559: {  	[tilespmem:s28+$0x0] =	vst.add.f32.msk $0xffff, v0  }
0x55a: {  	v0 =	vld [tilespmem:s26+$0x40];
	_ =	sdelay $0x3  }
0x55b: {  	s28 =	sor.u32 $0x8040, s26  }
0x55c: {  	[tilespmem:s28+$0x0] =	vst.add.f32.msk $0xffff, v0  }
0x55d: {  	v0 =	vld [tilespmem:s26+$0x50];
	_ =	sdelay $0x3  }
0x55e: {  	s28 =	sor.u32 $0x8050, s26  }
0x55f: {  	[tilespmem:s28+$0x0] =	vst.add.f32.msk $0xffff, v0  }
0x560: {  	v0 =	vld [tilespmem:s26+$0x60];
	_ =	sdelay $0x3  }
0x561: {  	s28 =	sor.u32 $0x8060, s26  }
0x562: {  	[tilespmem:s28+$0x0] =	vst.add.f32.msk $0xffff, v0  }
0x563: {  	v0 =	vld [tilespmem:s26+$0x70];
	_ =	sdelay $0x3  }
0x564: {  	s28 =	sor.u32 $0x8070, s26  }
0x565: {  	[tilespmem:s28+$0x0] =	vst.add.f32.msk $0xffff, v0  }
0x566: {  	v0 =	vld [tilespmem:s26+$0x400];
	_ =	sdelay $0x3  }
0x567: {  	s28 =	sor.u32 $0x8400, s26  }
0x568: {  	[tilespmem:s28+$0x0] =	vst.add.f32.msk $0xffff, v0  }
0x569: {  	v0 =	vld [tilespmem:s26+$0x410];
	_ =	sdelay $0x3  }
0x56a: {  	s28 =	sor.u32 $0x8410, s26  }
0x56b: {  	[tilespmem:s28+$0x0] =	vst.add.f32.msk $0xffff, v0  }
0x56c: {  	v0 =	vld [tilespmem:s26+$0x420];
	_ =	sdelay $0x3  }
0x56d: {  	s28 =	sor.u32 $0x8420, s26  }
0x56e: {  	[tilespmem:s28+$0x0] =	vst.add.f32.msk $0xffff, v0  }
0x56f: {  	v0 =	vld [tilespmem:s26+$0x430];
	_ =	sdelay $0x3  }
0x570: {  	s28 =	sor.u32 $0x8430, s26  }
0x571: {  	[tilespmem:s28+$0x0] =	vst.add.f32.msk $0xffff, v0  }
0x572: {  	v0 =	vld [tilespmem:s26+$0x440];
	_ =	sdelay $0x3  }
0x573: {  	s28 =	sor.u32 $0x8440, s26  }
0x574: {  	[tilespmem:s28+$0x0] =	vst.add.f32.msk $0xffff, v0  }
0x575: {  	v0 =	vld [tilespmem:s26+$0x450];
	_ =	sdelay $0x3  }
0x576: {  	s28 =	sor.u32 $0x8450, s26  }
0x577: {  	[tilespmem:s28+$0x0] =	vst.add.f32.msk $0xffff, v0  }
0x578: {  	v0 =	vld [tilespmem:s26+$0x460];
	_ =	sdelay $0x3  }
0x579: {  	s28 =	sor.u32 $0x8460, s26  }
0x57a: {  	[tilespmem:s28+$0x0] =	vst.add.f32.msk $0xffff, v0  }
0x57b: {  	v0 =	vld [tilespmem:s26+$0x470];
	_ =	sdelay $0x3  }
0x57c: {  	s28 =	sor.u32 $0x8470, s26  }
0x57d: {  	[tilespmem:s28+$0x0] =	vst.add.f32.msk $0xffff, v0  }
0x57e: {  	v0 =	vld [tilespmem:s26+$0x800];
	_ =	sdelay $0x3  }
0x57f: {  	s28 =	sor.u32 $0x8800, s26  }
0x580: {  	[tilespmem:s28+$0x0] =	vst.add.f32.msk $0xffff, v0  }
0x581: {  	v0 =	vld [tilespmem:s26+$0x810];
	_ =	sdelay $0x3  }
0x582: {  	s28 =	sor.u32 $0x8810, s26  }
0x583: {  	[tilespmem:s28+$0x0] =	vst.add.f32.msk $0xffff, v0  }
0x584: {  	v0 =	vld [tilespmem:s26+$0x820];
	_ =	sdelay $0x3  }
0x585: {  	s28 =	sor.u32 $0x8820, s26  }
0x586: {  	[tilespmem:s28+$0x0] =	vst.add.f32.msk $0xffff, v0  }
0x587: {  	v0 =	vld [tilespmem:s26+$0x830];
	_ =	sdelay $0x3  }
0x588: {  	s28 =	sor.u32 $0x8830, s26  }
0x589: {  	[tilespmem:s28+$0x0] =	vst.add.f32.msk $0xffff, v0  }
0x58a: {  	v0 =	vld [tilespmem:s26+$0x840];
	_ =	sdelay $0x3  }
0x58b: {  	s28 =	sor.u32 $0x8840, s26  }
0x58c: {  	[tilespmem:s28+$0x0] =	vst.add.f32.msk $0xffff, v0  }
0x58d: {  	v0 =	vld [tilespmem:s26+$0x850];
	_ =	sdelay $0x3  }
0x58e: {  	s28 =	sor.u32 $0x8850, s26  }
0x58f: {  	[tilespmem:s28+$0x0] =	vst.add.f32.msk $0xffff, v0  }
0x590: {  	v0 =	vld [tilespmem:s26+$0x860];
	_ =	sdelay $0x3  }
0x591: {  	s28 =	sor.u32 $0x8860, s26  }
0x592: {  	[tilespmem:s28+$0x0] =	vst.add.f32.msk $0xffff, v0  }
0x593: {  	v0 =	vld [tilespmem:s26+$0x870];
	_ =	sdelay $0x3  }
0x594: {  	s28 =	sor.u32 $0x8870, s26  }
0x595: {  	[tilespmem:s28+$0x0] =	vst.add.f32.msk $0xffff, v0  }
0x596: {  	v0 =	vld [tilespmem:s26+$0xC00];
	_ =	sdelay $0x3  }
0x597: {  	s28 =	sor.u32 $0x8C00, s26  }
0x598: {  	[tilespmem:s28+$0x0] =	vst.add.f32.msk $0xffff, v0  }
0x599: {  	v0 =	vld [tilespmem:s26+$0xC10];
	_ =	sdelay $0x3  }
0x59a: {  	s28 =	sor.u32 $0x8C10, s26  }
0x59b: {  	[tilespmem:s28+$0x0] =	vst.add.f32.msk $0xffff, v0  }
0x59c: {  	v0 =	vld [tilespmem:s26+$0xC20];
	_ =	sdelay $0x3  }
0x59d: {  	s28 =	sor.u32 $0x8C20, s26  }
0x59e: {  	[tilespmem:s28+$0x0] =	vst.add.f32.msk $0xffff, v0  }
0x59f: {  	v0 =	vld [tilespmem:s26+$0xC30];
	_ =	sdelay $0x3  }
0x5a0: {  	s28 =	sor.u32 $0x8C30, s26  }
0x5a1: {  	[tilespmem:s28+$0x0] =	vst.add.f32.msk $0xffff, v0  }
0x5a2: {  	v0 =	vld [tilespmem:s26+$0xC40];
	_ =	sdelay $0x3  }
0x5a3: {  	s28 =	sor.u32 $0x8C40, s26  }
0x5a4: {  	[tilespmem:s28+$0x0] =	vst.add.f32.msk $0xffff, v0  }
0x5a5: {  	v0 =	vld [tilespmem:s26+$0xC50];
	_ =	sdelay $0x3  }
0x5a6: {  	s28 =	sor.u32 $0x8C50, s26  }
0x5a7: {  	[tilespmem:s28+$0x0] =	vst.add.f32.msk $0xffff, v0  }
0x5a8: {  	v0 =	vld [tilespmem:s26+$0xC60];
	_ =	sdelay $0x3  }
0x5a9: {  	s28 =	sor.u32 $0x8C60, s26  }
0x5aa: {  	[tilespmem:s28+$0x0] =	vst.add.f32.msk $0xffff, v0  }
0x5ab: {  	v0 =	vld [tilespmem:s26+$0xC70];
	_ =	sdelay $0x3  }
0x5ac: {  	s28 =	sor.u32 $0x8C70, s26  }
0x5ad: {  	[tilespmem:s28+$0x0] =	vst.add.f32.msk $0xffff, v0  }
0x5ae: {  	v0 =	vld [tilespmem:s26+$0x1000];
	_ =	sdelay $0x3  }
0x5af: {  	s28 =	sor.u32 $0x9000, s26  }
0x5b0: {  	[tilespmem:s28+$0x0] =	vst.add.f32.msk $0xffff, v0  }
0x5b1: {  	v0 =	vld [tilespmem:s26+$0x1010];
	_ =	sdelay $0x3  }
0x5b2: {  	s28 =	sor.u32 $0x9010, s26  }
0x5b3: {  	[tilespmem:s28+$0x0] =	vst.add.f32.msk $0xffff, v0  }
0x5b4: {  	v0 =	vld [tilespmem:s26+$0x1020];
	_ =	sdelay $0x3  }
0x5b5: {  	s28 =	sor.u32 $0x9020, s26  }
0x5b6: {  	[tilespmem:s28+$0x0] =	vst.add.f32.msk $0xffff, v0  }
0x5b7: {  	v0 =	vld [tilespmem:s26+$0x1030];
	_ =	sdelay $0x3  }
0x5b8: {  	s28 =	sor.u32 $0x9030, s26  }
0x5b9: {  	[tilespmem:s28+$0x0] =	vst.add.f32.msk $0xffff, v0  }
0x5ba: {  	v0 =	vld [tilespmem:s26+$0x1040];
	_ =	sdelay $0x3  }
0x5bb: {  	s28 =	sor.u32 $0x9040, s26  }
0x5bc: {  	[tilespmem:s28+$0x0] =	vst.add.f32.msk $0xffff, v0  }
0x5bd: {  	v0 =	vld [tilespmem:s26+$0x1050];
	_ =	sdelay $0x3  }
0x5be: {  	s28 =	sor.u32 $0x9050, s26  }
0x5bf: {  	[tilespmem:s28+$0x0] =	vst.add.f32.msk $0xffff, v0  }
0x5c0: {  	v0 =	vld [tilespmem:s26+$0x1060];
	_ =	sdelay $0x3  }
0x5c1: {  	s28 =	sor.u32 $0x9060, s26  }
0x5c2: {  	[tilespmem:s28+$0x0] =	vst.add.f32.msk $0xffff, v0  }
0x5c3: {  	v0 =	vld [tilespmem:s26+$0x1070];
	_ =	sdelay $0x3  }
0x5c4: {  	s28 =	sor.u32 $0x9070, s26  }
0x5c5: {  	[tilespmem:s28+$0x0] =	vst.add.f32.msk $0xffff, v0  }
0x5c6: {  	v0 =	vld [tilespmem:s26+$0x1400];
	_ =	sdelay $0x3  }
0x5c7: {  	s28 =	sor.u32 $0x9400, s26  }
0x5c8: {  	[tilespmem:s28+$0x0] =	vst.add.f32.msk $0xffff, v0  }
0x5c9: {  	v0 =	vld [tilespmem:s26+$0x1410];
	_ =	sdelay $0x3  }
0x5ca: {  	s28 =	sor.u32 $0x9410, s26  }
0x5cb: {  	[tilespmem:s28+$0x0] =	vst.add.f32.msk $0xffff, v0  }
0x5cc: {  	v0 =	vld [tilespmem:s26+$0x1420];
	_ =	sdelay $0x3  }
0x5cd: {  	s28 =	sor.u32 $0x9420, s26  }
0x5ce: {  	[tilespmem:s28+$0x0] =	vst.add.f32.msk $0xffff, v0  }
0x5cf: {  	v0 =	vld [tilespmem:s26+$0x1430];
	_ =	sdelay $0x3  }
0x5d0: {  	s28 =	sor.u32 $0x9430, s26  }
0x5d1: {  	[tilespmem:s28+$0x0] =	vst.add.f32.msk $0xffff, v0  }
0x5d2: {  	v0 =	vld [tilespmem:s26+$0x1440];
	_ =	sdelay $0x3  }
0x5d3: {  	s28 =	sor.u32 $0x9440, s26  }
0x5d4: {  	[tilespmem:s28+$0x0] =	vst.add.f32.msk $0xffff, v0  }
0x5d5: {  	v0 =	vld [tilespmem:s26+$0x1450];
	_ =	sdelay $0x3  }
0x5d6: {  	s28 =	sor.u32 $0x9450, s26  }
0x5d7: {  	[tilespmem:s28+$0x0] =	vst.add.f32.msk $0xffff, v0  }
0x5d8: {  	v0 =	vld [tilespmem:s26+$0x1460];
	_ =	sdelay $0x3  }
0x5d9: {  	s28 =	sor.u32 $0x9460, s26  }
0x5da: {  	[tilespmem:s28+$0x0] =	vst.add.f32.msk $0xffff, v0  }
0x5db: {  	v0 =	vld [tilespmem:s26+$0x1470];
	_ =	sdelay $0x3  }
0x5dc: {  	s28 =	sor.u32 $0x9470, s26  }
0x5dd: {  	[tilespmem:s28+$0x0] =	vst.add.f32.msk $0xffff, v0  }
0x5de: {  	v0 =	vld [tilespmem:s26+$0x1800];
	_ =	sdelay $0x3  }
0x5df: {  	s28 =	sor.u32 $0x9800, s26  }
0x5e0: {  	[tilespmem:s28+$0x0] =	vst.add.f32.msk $0xffff, v0  }
0x5e1: {  	v0 =	vld [tilespmem:s26+$0x1810];
	_ =	sdelay $0x3  }
0x5e2: {  	s28 =	sor.u32 $0x9810, s26  }
0x5e3: {  	[tilespmem:s28+$0x0] =	vst.add.f32.msk $0xffff, v0  }
0x5e4: {  	v0 =	vld [tilespmem:s26+$0x1820];
	_ =	sdelay $0x3  }
0x5e5: {  	s28 =	sor.u32 $0x9820, s26  }
0x5e6: {  	[tilespmem:s28+$0x0] =	vst.add.f32.msk $0xffff, v0  }
0x5e7: {  	v0 =	vld [tilespmem:s26+$0x1830];
	_ =	sdelay $0x3  }
0x5e8: {  	s28 =	sor.u32 $0x9830, s26  }
0x5e9: {  	[tilespmem:s28+$0x0] =	vst.add.f32.msk $0xffff, v0  }
0x5ea: {  	v0 =	vld [tilespmem:s26+$0x1840];
	_ =	sdelay $0x3  }
0x5eb: {  	s28 =	sor.u32 $0x9840, s26  }
0x5ec: {  	[tilespmem:s28+$0x0] =	vst.add.f32.msk $0xffff, v0  }
0x5ed: {  	v0 =	vld [tilespmem:s26+$0x1850];
	_ =	sdelay $0x3  }
0x5ee: {  	s28 =	sor.u32 $0x9850, s26  }
0x5ef: {  	[tilespmem:s28+$0x0] =	vst.add.f32.msk $0xffff, v0  }
0x5f0: {  	v0 =	vld [tilespmem:s26+$0x1860];
	_ =	sdelay $0x3  }
0x5f1: {  	s28 =	sor.u32 $0x9860, s26  }
0x5f2: {  	[tilespmem:s28+$0x0] =	vst.add.f32.msk $0xffff, v0  }
0x5f3: {  	v0 =	vld [tilespmem:s26+$0x1870]  }
0x5f4: {  	s21 =	sadd.s32 $0x1, s21  }
0x5f5: {  	s28 =	sand.u32 $0x7, s21  }
0x5f6: {  	s22 =	sadd.s32 $0x400, s22;
	s28 =	sshll.u32 s28, $0x7  }
0x5f7: {  	s26 =	sor.u32 $0x9870, s26;
	s28 =	sadd.s32 s28, s22  }
0x5f8: {  	[tilespmem:s26+$0x0] =	vst.add.f32.msk $0xffff, v0;
	s26 =	sor.u32 $0x1C00, s28  }
0x5f9: {  	v0 =	vld [tilespmem:s26+$0x0];
	_ =	sdelay $0x4  }
0x5fa: {  	[tilespmem:s26+$0x8000] =	vst.add.f32.msk $0xffff, v0;
	s26 =	sor.u32 $0x1C10, s28  }
0x5fb: {  	v0 =	vld [tilespmem:s26+$0x0];
	_ =	sdelay $0x4  }
0x5fc: {  	[tilespmem:s26+$0x8000] =	vst.add.f32.msk $0xffff, v0;
	s26 =	sor.u32 $0x1C20, s28  }
0x5fd: {  	v0 =	vld [tilespmem:s26+$0x0];
	_ =	sdelay $0x4  }
0x5fe: {  	[tilespmem:s26+$0x8000] =	vst.add.f32.msk $0xffff, v0;
	s26 =	sor.u32 $0x1C30, s28  }
0x5ff: {  	v0 =	vld [tilespmem:s26+$0x0];
	_ =	sdelay $0x4  }
0x600: {  	[tilespmem:s26+$0x8000] =	vst.add.f32.msk $0xffff, v0;
	s26 =	sor.u32 $0x1C40, s28  }
0x601: {  	v0 =	vld [tilespmem:s26+$0x0];
	_ =	sdelay $0x4  }
0x602: {  	[tilespmem:s26+$0x8000] =	vst.add.f32.msk $0xffff, v0;
	s26 =	sor.u32 $0x1C50, s28  }
0x603: {  	v0 =	vld [tilespmem:s26+$0x0];
	_ =	sdelay $0x4  }
0x604: {  	[tilespmem:s26+$0x8000] =	vst.add.f32.msk $0xffff, v0;
	s26 =	sor.u32 $0x1C60, s28  }
0x605: {  	v0 =	vld [tilespmem:s26+$0x0];
	_ =	sdelay $0x4  }
.Ltmp2:
0x606: {  	s28 =	sor.u32 $0x1C70, s28;
	[tilespmem:s26+$0x8000] =	vst.add.f32.msk $0xffff, v0;
	(pc) =	sbr.rel @p0 .LBB2_6-.Ltmp2, $3  }
0x607: {  	v0 =	vld [tilespmem:s28+$0x0];
	_ =	sdelay $0x1  }
0x608: {  	s24 =	sadd.s32 $0x400, s24  }
0x609: {  	s25 =	sadd.s32 $0x80, s25;
	s26 =	sadd.s32 $0x8000, s24  }
0x60a: {  	s24 =	sand.u32 $0x6000, s26;
	s23 =	sand.u32 $0x380, s23  }
0x60b: {  	s23 =	sor.u32 s23, s24;
	[tilespmem:s28+$0x8000] =	vst.add.f32.msk $0xffff, v0  }
0x60c: {  	v0 =	vld [tilespmem:s23+$0x0];
	_ =	sdelay $0x3  }
0x60d: {  	s24 =	sor.u32 $0x8000, s23  }
0x60e: {  	[tilespmem:s24+$0x0] =	vst.add.f32.msk $0xffff, v0  }
0x60f: {  	v0 =	vld [tilespmem:s23+$0x10];
	_ =	sdelay $0x3  }
0x610: {  	s26 =	sor.u32 $0x8010, s23  }
0x611: {  	[tilespmem:s26+$0x0] =	vst.add.f32.msk $0xffff, v0  }
0x612: {  	v0 =	vld [tilespmem:s23+$0x20];
	_ =	sdelay $0x3  }
0x613: {  	s29 =	sor.u32 $0x8020, s23  }
0x614: {  	[tilespmem:s29+$0x0] =	vst.add.f32.msk $0xffff, v0  }
0x615: {  	v0 =	vld [tilespmem:s23+$0x30];
	_ =	sdelay $0x3  }
0x616: {  	s30 =	sor.u32 $0x8030, s23  }
0x617: {  	[tilespmem:s30+$0x0] =	vst.add.f32.msk $0xffff, v0  }
0x618: {  	v0 =	vld [tilespmem:s23+$0x40];
	_ =	sdelay $0x3  }
0x619: {  	s31 =	sor.u32 $0x8040, s23  }
0x61a: {  	[tilespmem:s31+$0x0] =	vst.add.f32.msk $0xffff, v0  }
0x61b: {  	v0 =	vld [tilespmem:s23+$0x50];
	_ =	sdelay $0x3  }
0x61c: {  	s25 =	sor.u32 $0x8050, s23  }
0x61d: {  	[tilespmem:s25+$0x0] =	vst.add.f32.msk $0xffff, v0  }
0x61e: {  	v0 =	vld [tilespmem:s23+$0x60];
	_ =	sdelay $0x3  }
0x61f: {  	s26 =	sor.u32 $0x8060, s23  }
0x620: {  	[tilespmem:s26+$0x0] =	vst.add.f32.msk $0xffff, v0  }
0x621: {  	v0 =	vld [tilespmem:s23+$0x70];
	_ =	sdelay $0x3  }
0x622: {  	s29 =	sor.u32 $0x8070, s23  }
0x623: {  	[tilespmem:s29+$0x0] =	vst.add.f32.msk $0xffff, v0  }
0x624: {  	v0 =	vld [tilespmem:s23+$0x400];
	_ =	sdelay $0x3  }
0x625: {  	s30 =	sor.u32 $0x8400, s23  }
0x626: {  	[tilespmem:s30+$0x0] =	vst.add.f32.msk $0xffff, v0  }
0x627: {  	v0 =	vld [tilespmem:s23+$0x410];
	_ =	sdelay $0x3  }
0x628: {  	s31 =	sor.u32 $0x8410, s23  }
0x629: {  	[tilespmem:s31+$0x0] =	vst.add.f32.msk $0xffff, v0  }
0x62a: {  	v0 =	vld [tilespmem:s23+$0x420];
	_ =	sdelay $0x3  }
0x62b: {  	s25 =	sor.u32 $0x8420, s23  }
0x62c: {  	[tilespmem:s25+$0x0] =	vst.add.f32.msk $0xffff, v0  }
0x62d: {  	v0 =	vld [tilespmem:s23+$0x430];
	_ =	sdelay $0x3  }
0x62e: {  	s26 =	sor.u32 $0x8430, s23  }
0x62f: {  	[tilespmem:s26+$0x0] =	vst.add.f32.msk $0xffff, v0  }
0x630: {  	v0 =	vld [tilespmem:s23+$0x440];
	_ =	sdelay $0x3  }
0x631: {  	s29 =	sor.u32 $0x8440, s23  }
0x632: {  	[tilespmem:s29+$0x0] =	vst.add.f32.msk $0xffff, v0  }
0x633: {  	v0 =	vld [tilespmem:s23+$0x450];
	_ =	sdelay $0x3  }
0x634: {  	s30 =	sor.u32 $0x8450, s23  }
0x635: {  	[tilespmem:s30+$0x0] =	vst.add.f32.msk $0xffff, v0  }
0x636: {  	v0 =	vld [tilespmem:s23+$0x460];
	_ =	sdelay $0x3  }
0x637: {  	s31 =	sor.u32 $0x8460, s23  }
0x638: {  	[tilespmem:s31+$0x0] =	vst.add.f32.msk $0xffff, v0  }
0x639: {  	v0 =	vld [tilespmem:s23+$0x470];
	_ =	sdelay $0x3  }
0x63a: {  	s25 =	sor.u32 $0x8470, s23  }
0x63b: {  	[tilespmem:s25+$0x0] =	vst.add.f32.msk $0xffff, v0  }
0x63c: {  	v0 =	vld [tilespmem:s23+$0x800];
	_ =	sdelay $0x3  }
0x63d: {  	s26 =	sor.u32 $0x8800, s23  }
0x63e: {  	[tilespmem:s26+$0x0] =	vst.add.f32.msk $0xffff, v0  }
0x63f: {  	v0 =	vld [tilespmem:s23+$0x810];
	_ =	sdelay $0x3  }
0x640: {  	s29 =	sor.u32 $0x8810, s23  }
0x641: {  	[tilespmem:s29+$0x0] =	vst.add.f32.msk $0xffff, v0  }
0x642: {  	v0 =	vld [tilespmem:s23+$0x820];
	_ =	sdelay $0x3  }
0x643: {  	s30 =	sor.u32 $0x8820, s23  }
0x644: {  	[tilespmem:s30+$0x0] =	vst.add.f32.msk $0xffff, v0  }
0x645: {  	v0 =	vld [tilespmem:s23+$0x830];
	_ =	sdelay $0x3  }
0x646: {  	s31 =	sor.u32 $0x8830, s23  }
0x647: {  	[tilespmem:s31+$0x0] =	vst.add.f32.msk $0xffff, v0  }
0x648: {  	v0 =	vld [tilespmem:s23+$0x840];
	_ =	sdelay $0x3  }
0x649: {  	s25 =	sor.u32 $0x8840, s23  }
0x64a: {  	[tilespmem:s25+$0x0] =	vst.add.f32.msk $0xffff, v0  }
0x64b: {  	v0 =	vld [tilespmem:s23+$0x850];
	_ =	sdelay $0x3  }
0x64c: {  	s26 =	sor.u32 $0x8850, s23  }
0x64d: {  	[tilespmem:s26+$0x0] =	vst.add.f32.msk $0xffff, v0  }
0x64e: {  	v0 =	vld [tilespmem:s23+$0x860];
	_ =	sdelay $0x3  }
0x64f: {  	s29 =	sor.u32 $0x8860, s23  }
0x650: {  	[tilespmem:s29+$0x0] =	vst.add.f32.msk $0xffff, v0  }
0x651: {  	v0 =	vld [tilespmem:s23+$0x870];
	_ =	sdelay $0x3  }
0x652: {  	s30 =	sor.u32 $0x8870, s23  }
0x653: {  	[tilespmem:s30+$0x0] =	vst.add.f32.msk $0xffff, v0  }
0x654: {  	v0 =	vld [tilespmem:s23+$0xC00];
	_ =	sdelay $0x3  }
0x655: {  	s31 =	sor.u32 $0x8C00, s23  }
0x656: {  	[tilespmem:s31+$0x0] =	vst.add.f32.msk $0xffff, v0  }
0x657: {  	v0 =	vld [tilespmem:s23+$0xC10];
	_ =	sdelay $0x3  }
0x658: {  	s25 =	sor.u32 $0x8C10, s23  }
0x659: {  	[tilespmem:s25+$0x0] =	vst.add.f32.msk $0xffff, v0  }
0x65a: {  	v0 =	vld [tilespmem:s23+$0xC20];
	_ =	sdelay $0x3  }
0x65b: {  	s26 =	sor.u32 $0x8C20, s23  }
0x65c: {  	[tilespmem:s26+$0x0] =	vst.add.f32.msk $0xffff, v0  }
0x65d: {  	v0 =	vld [tilespmem:s23+$0xC30];
	_ =	sdelay $0x3  }
0x65e: {  	s29 =	sor.u32 $0x8C30, s23  }
0x65f: {  	[tilespmem:s29+$0x0] =	vst.add.f32.msk $0xffff, v0  }
0x660: {  	v0 =	vld [tilespmem:s23+$0xC40];
	_ =	sdelay $0x3  }
0x661: {  	s30 =	sor.u32 $0x8C40, s23  }
0x662: {  	[tilespmem:s30+$0x0] =	vst.add.f32.msk $0xffff, v0  }
0x663: {  	v0 =	vld [tilespmem:s23+$0xC50];
	_ =	sdelay $0x3  }
0x664: {  	s31 =	sor.u32 $0x8C50, s23  }
0x665: {  	[tilespmem:s31+$0x0] =	vst.add.f32.msk $0xffff, v0  }
0x666: {  	v0 =	vld [tilespmem:s23+$0xC60];
	_ =	sdelay $0x3  }
0x667: {  	s25 =	sor.u32 $0x8C60, s23  }
0x668: {  	[tilespmem:s25+$0x0] =	vst.add.f32.msk $0xffff, v0  }
0x669: {  	v0 =	vld [tilespmem:s23+$0xC70];
	_ =	sdelay $0x3  }
0x66a: {  	s26 =	sor.u32 $0x8C70, s23  }
0x66b: {  	[tilespmem:s26+$0x0] =	vst.add.f32.msk $0xffff, v0  }
0x66c: {  	v0 =	vld [tilespmem:s23+$0x1000];
	_ =	sdelay $0x3  }
0x66d: {  	s29 =	sor.u32 $0x9000, s23  }
0x66e: {  	[tilespmem:s29+$0x0] =	vst.add.f32.msk $0xffff, v0  }
0x66f: {  	v0 =	vld [tilespmem:s23+$0x1010];
	_ =	sdelay $0x3  }
0x670: {  	s30 =	sor.u32 $0x9010, s23  }
0x671: {  	[tilespmem:s30+$0x0] =	vst.add.f32.msk $0xffff, v0  }
0x672: {  	v0 =	vld [tilespmem:s23+$0x1020];
	_ =	sdelay $0x3  }
0x673: {  	s31 =	sor.u32 $0x9020, s23  }
0x674: {  	[tilespmem:s31+$0x0] =	vst.add.f32.msk $0xffff, v0  }
0x675: {  	v0 =	vld [tilespmem:s23+$0x1030];
	_ =	sdelay $0x3  }
0x676: {  	s25 =	sor.u32 $0x9030, s23  }
0x677: {  	[tilespmem:s25+$0x0] =	vst.add.f32.msk $0xffff, v0  }
0x678: {  	v0 =	vld [tilespmem:s23+$0x1040];
	_ =	sdelay $0x3  }
0x679: {  	s26 =	sor.u32 $0x9040, s23  }
0x67a: {  	[tilespmem:s26+$0x0] =	vst.add.f32.msk $0xffff, v0  }
0x67b: {  	v0 =	vld [tilespmem:s23+$0x1050];
	_ =	sdelay $0x3  }
0x67c: {  	s29 =	sor.u32 $0x9050, s23  }
0x67d: {  	[tilespmem:s29+$0x0] =	vst.add.f32.msk $0xffff, v0  }
0x67e: {  	v0 =	vld [tilespmem:s23+$0x1060];
	_ =	sdelay $0x3  }
0x67f: {  	s30 =	sor.u32 $0x9060, s23  }
0x680: {  	[tilespmem:s30+$0x0] =	vst.add.f32.msk $0xffff, v0  }
0x681: {  	v0 =	vld [tilespmem:s23+$0x1070];
	_ =	sdelay $0x3  }
0x682: {  	s31 =	sor.u32 $0x9070, s23  }
0x683: {  	[tilespmem:s31+$0x0] =	vst.add.f32.msk $0xffff, v0  }
0x684: {  	v0 =	vld [tilespmem:s23+$0x1400];
	_ =	sdelay $0x3  }
0x685: {  	s25 =	sor.u32 $0x9400, s23  }
0x686: {  	[tilespmem:s25+$0x0] =	vst.add.f32.msk $0xffff, v0  }
0x687: {  	v0 =	vld [tilespmem:s23+$0x1410];
	_ =	sdelay $0x3  }
0x688: {  	s26 =	sor.u32 $0x9410, s23  }
0x689: {  	[tilespmem:s26+$0x0] =	vst.add.f32.msk $0xffff, v0  }
0x68a: {  	v0 =	vld [tilespmem:s23+$0x1420];
	_ =	sdelay $0x3  }
0x68b: {  	s29 =	sor.u32 $0x9420, s23  }
0x68c: {  	[tilespmem:s29+$0x0] =	vst.add.f32.msk $0xffff, v0  }
0x68d: {  	v0 =	vld [tilespmem:s23+$0x1430];
	_ =	sdelay $0x3  }
0x68e: {  	s30 =	sor.u32 $0x9430, s23  }
0x68f: {  	[tilespmem:s30+$0x0] =	vst.add.f32.msk $0xffff, v0  }
0x690: {  	v0 =	vld [tilespmem:s23+$0x1440];
	_ =	sdelay $0x3  }
0x691: {  	s31 =	sor.u32 $0x9440, s23  }
0x692: {  	[tilespmem:s31+$0x0] =	vst.add.f32.msk $0xffff, v0  }
0x693: {  	v0 =	vld [tilespmem:s23+$0x1450];
	_ =	sdelay $0x3  }
0x694: {  	s25 =	sor.u32 $0x9450, s23  }
0x695: {  	[tilespmem:s25+$0x0] =	vst.add.f32.msk $0xffff, v0  }
0x696: {  	v0 =	vld [tilespmem:s23+$0x1460];
	_ =	sdelay $0x3  }
0x697: {  	s26 =	sor.u32 $0x9460, s23  }
0x698: {  	[tilespmem:s26+$0x0] =	vst.add.f32.msk $0xffff, v0  }
0x699: {  	v0 =	vld [tilespmem:s23+$0x1470];
	_ =	sdelay $0x3  }
0x69a: {  	s29 =	sor.u32 $0x9470, s23  }
0x69b: {  	[tilespmem:s29+$0x0] =	vst.add.f32.msk $0xffff, v0  }
0x69c: {  	v0 =	vld [tilespmem:s23+$0x1800];
	_ =	sdelay $0x3  }
0x69d: {  	s30 =	sor.u32 $0x9800, s23  }
0x69e: {  	[tilespmem:s30+$0x0] =	vst.add.f32.msk $0xffff, v0  }
0x69f: {  	v0 =	vld [tilespmem:s23+$0x1810];
	_ =	sdelay $0x3  }
0x6a0: {  	s31 =	sor.u32 $0x9810, s23  }
0x6a1: {  	[tilespmem:s31+$0x0] =	vst.add.f32.msk $0xffff, v0  }
0x6a2: {  	v0 =	vld [tilespmem:s23+$0x1820];
	_ =	sdelay $0x3  }
0x6a3: {  	s25 =	sor.u32 $0x9820, s23  }
0x6a4: {  	[tilespmem:s25+$0x0] =	vst.add.f32.msk $0xffff, v0  }
0x6a5: {  	v0 =	vld [tilespmem:s23+$0x1830];
	_ =	sdelay $0x3  }
0x6a6: {  	s26 =	sor.u32 $0x9830, s23  }
0x6a7: {  	[tilespmem:s26+$0x0] =	vst.add.f32.msk $0xffff, v0  }
0x6a8: {  	v0 =	vld [tilespmem:s23+$0x1840];
	_ =	sdelay $0x3  }
0x6a9: {  	s29 =	sor.u32 $0x9840, s23  }
0x6aa: {  	[tilespmem:s29+$0x0] =	vst.add.f32.msk $0xffff, v0  }
0x6ab: {  	v0 =	vld [tilespmem:s23+$0x1850];
	_ =	sdelay $0x3  }
0x6ac: {  	s30 =	sor.u32 $0x9850, s23  }
0x6ad: {  	[tilespmem:s30+$0x0] =	vst.add.f32.msk $0xffff, v0  }
0x6ae: {  	v0 =	vld [tilespmem:s23+$0x1860];
	_ =	sdelay $0x3  }
0x6af: {  	s31 =	sor.u32 $0x9860, s23  }
0x6b0: {  	[tilespmem:s31+$0x0] =	vst.add.f32.msk $0xffff, v0  }
0x6b1: {  	v0 =	vld [tilespmem:s23+$0x1870]  }
0x6b2: {  	s21 =	sadd.s32 $0x1, s21  }
0x6b3: {  	s21 =	sand.u32 $0x7, s21  }
0x6b4: {  	s22 =	sadd.s32 $0x400, s22;
	s21 =	sshll.u32 s21, $0x7  }
0x6b5: {  	s21 =	sadd.s32 s21, s22;
	s25 =	sor.u32 $0x9870, s23  }
0x6b6: {  	s26 =	sor.u32 $0x1C00, s21;
	[tilespmem:s25+$0x0] =	vst.add.f32.msk $0xffff, v0  }
0x6b7: {  	v0 =	vld [tilespmem:s26+$0x0];
	_ =	sdelay $0x4  }
0x6b8: {  	s29 =	sor.u32 $0x1C10, s21;
	[tilespmem:s26+$0x8000] =	vst.add.f32.msk $0xffff, v0  }
0x6b9: {  	v0 =	vld [tilespmem:s29+$0x0];
	_ =	sdelay $0x4  }
0x6ba: {  	s30 =	sor.u32 $0x1C20, s21;
	[tilespmem:s29+$0x8000] =	vst.add.f32.msk $0xffff, v0  }
0x6bb: {  	v0 =	vld [tilespmem:s30+$0x0];
	_ =	sdelay $0x4  }
0x6bc: {  	s31 =	sor.u32 $0x1C30, s21;
	[tilespmem:s30+$0x8000] =	vst.add.f32.msk $0xffff, v0  }
0x6bd: {  	v0 =	vld [tilespmem:s31+$0x0];
	_ =	sdelay $0x4  }
0x6be: {  	s23 =	sor.u32 $0x1C40, s21;
	[tilespmem:s31+$0x8000] =	vst.add.f32.msk $0xffff, v0  }
0x6bf: {  	v0 =	vld [tilespmem:s23+$0x0];
	_ =	sdelay $0x4  }
0x6c0: {  	s24 =	sor.u32 $0x1C50, s21;
	[tilespmem:s23+$0x8000] =	vst.add.f32.msk $0xffff, v0  }
0x6c1: {  	v0 =	vld [tilespmem:s24+$0x0];
	_ =	sdelay $0x4  }
0x6c2: {  	s25 =	sor.u32 $0x1C60, s21;
	[tilespmem:s24+$0x8000] =	vst.add.f32.msk $0xffff, v0  }
0x6c3: {  	v0 =	vld [tilespmem:s25+$0x0];
	_ =	sdelay $0x4  }
0x6c4: {  	s21 =	sor.u32 $0x1C70, s21;
	[tilespmem:s25+$0x8000] =	vst.add.f32.msk $0xffff, v0  }
0x6c5: {  	v0 =	vld [tilespmem:s21+$0x0];
	_ =	sdelay $0x4  }
0x6c6: {  	[tilespmem:s21+$0x8000] =	vst.add.f32.msk $0xffff, v0;
	s21 =	simm.s32 $0x0  }
0x6c7: {  	[hbm4b:s9+s21] =	stream.linear.scatter [tilespmem:s13], [sflag:$0x4], $0x8000, $0x38;
	[tilespmem:$0x18000] =	vst v63  }
0x6c8: {  	_ =	swait.ge [sflag:s19], $0x8000  }
0x6c9: {  	[sflag:s19] =	ssyncset.done $0x0  }
0x6ca: {  	[sflag:s19] =	ssyncadd.s32 $0xFFFF8000  }
0x6cb: {  	[tilespmem:s14], [sflag:$0x3] =	stream.linear.gather [hbm4b:s10+s21], $0x8000, $0x38;
	[tilespmem:$0x18000] =	vst v63  }
0x6cc: {  	s26 =	simm.s32 $0x0;
	_ =	swait.ge [sflag:s17], $0x8000  }
0x6cd: {  	s22 =	sand.u32 $0x6000, s26;
	s29 =	sand.u32 $0x380, s21;
	[sflag:s17] =	ssyncset.done $0x0  }
0x6ce: {  	s22 =	sor.u32 s29, s22;
	[sflag:s17] =	ssyncadd.s32 $0xFFFF8000  }
0x6cf: {  	v0 =	vld [tilespmem:s22+$0x0];
	_ =	sdelay $0x3  }
0x6d0: {  	s23 =	sor.u32 $0x10000, s22  }
0x6d1: {  	[tilespmem:s23+$0x0] =	vst.add.f32.msk $0xffff, v0  }
0x6d2: {  	v0 =	vld [tilespmem:s22+$0x10];
	_ =	sdelay $0x3  }
0x6d3: {  	s30 =	sor.u32 $0x10010, s22  }
0x6d4: {  	[tilespmem:s30+$0x0] =	vst.add.f32.msk $0xffff, v0  }
0x6d5: {  	v0 =	vld [tilespmem:s22+$0x20];
	_ =	sdelay $0x3  }
0x6d6: {  	s31 =	sor.u32 $0x10020, s22  }
0x6d7: {  	[tilespmem:s31+$0x0] =	vst.add.f32.msk $0xffff, v0  }
0x6d8: {  	v0 =	vld [tilespmem:s22+$0x30];
	_ =	sdelay $0x3  }
0x6d9: {  	s24 =	sor.u32 $0x10030, s22  }
0x6da: {  	[tilespmem:s24+$0x0] =	vst.add.f32.msk $0xffff, v0  }
0x6db: {  	v0 =	vld [tilespmem:s22+$0x40];
	_ =	sdelay $0x3  }
0x6dc: {  	s25 =	sor.u32 $0x10040, s22  }
0x6dd: {  	[tilespmem:s25+$0x0] =	vst.add.f32.msk $0xffff, v0  }
0x6de: {  	v0 =	vld [tilespmem:s22+$0x50];
	_ =	sdelay $0x3  }
0x6df: {  	s26 =	sor.u32 $0x10050, s22  }
0x6e0: {  	[tilespmem:s26+$0x0] =	vst.add.f32.msk $0xffff, v0  }
0x6e1: {  	v0 =	vld [tilespmem:s22+$0x60];
	_ =	sdelay $0x3  }
0x6e2: {  	s29 =	sor.u32 $0x10060, s22  }
0x6e3: {  	[tilespmem:s29+$0x0] =	vst.add.f32.msk $0xffff, v0  }
0x6e4: {  	v0 =	vld [tilespmem:s22+$0x70];
	_ =	sdelay $0x3  }
0x6e5: {  	s30 =	sor.u32 $0x10070, s22  }
0x6e6: {  	[tilespmem:s30+$0x0] =	vst.add.f32.msk $0xffff, v0  }
0x6e7: {  	v0 =	vld [tilespmem:s22+$0x400];
	_ =	sdelay $0x3  }
0x6e8: {  	s31 =	sor.u32 $0x10400, s22  }
0x6e9: {  	[tilespmem:s31+$0x0] =	vst.add.f32.msk $0xffff, v0  }
0x6ea: {  	v0 =	vld [tilespmem:s22+$0x410];
	_ =	sdelay $0x3  }
0x6eb: {  	s24 =	sor.u32 $0x10410, s22  }
0x6ec: {  	[tilespmem:s24+$0x0] =	vst.add.f32.msk $0xffff, v0  }
0x6ed: {  	v0 =	vld [tilespmem:s22+$0x420];
	_ =	sdelay $0x3  }
0x6ee: {  	s25 =	sor.u32 $0x10420, s22  }
0x6ef: {  	[tilespmem:s25+$0x0] =	vst.add.f32.msk $0xffff, v0  }
0x6f0: {  	v0 =	vld [tilespmem:s22+$0x430];
	_ =	sdelay $0x3  }
0x6f1: {  	s26 =	sor.u32 $0x10430, s22  }
0x6f2: {  	[tilespmem:s26+$0x0] =	vst.add.f32.msk $0xffff, v0  }
0x6f3: {  	v0 =	vld [tilespmem:s22+$0x440];
	_ =	sdelay $0x3  }
0x6f4: {  	s29 =	sor.u32 $0x10440, s22  }
0x6f5: {  	[tilespmem:s29+$0x0] =	vst.add.f32.msk $0xffff, v0  }
0x6f6: {  	v0 =	vld [tilespmem:s22+$0x450];
	_ =	sdelay $0x3  }
0x6f7: {  	s30 =	sor.u32 $0x10450, s22  }
0x6f8: {  	[tilespmem:s30+$0x0] =	vst.add.f32.msk $0xffff, v0  }
0x6f9: {  	v0 =	vld [tilespmem:s22+$0x460];
	_ =	sdelay $0x3  }
0x6fa: {  	s31 =	sor.u32 $0x10460, s22  }
0x6fb: {  	[tilespmem:s31+$0x0] =	vst.add.f32.msk $0xffff, v0  }
0x6fc: {  	v0 =	vld [tilespmem:s22+$0x470];
	_ =	sdelay $0x3  }
0x6fd: {  	s24 =	sor.u32 $0x10470, s22  }
0x6fe: {  	[tilespmem:s24+$0x0] =	vst.add.f32.msk $0xffff, v0  }
0x6ff: {  	v0 =	vld [tilespmem:s22+$0x800];
	_ =	sdelay $0x3  }
0x700: {  	s25 =	sor.u32 $0x10800, s22  }
0x701: {  	[tilespmem:s25+$0x0] =	vst.add.f32.msk $0xffff, v0  }
0x702: {  	v0 =	vld [tilespmem:s22+$0x810];
	_ =	sdelay $0x3  }
0x703: {  	s26 =	sor.u32 $0x10810, s22  }
0x704: {  	[tilespmem:s26+$0x0] =	vst.add.f32.msk $0xffff, v0  }
0x705: {  	v0 =	vld [tilespmem:s22+$0x820];
	_ =	sdelay $0x3  }
0x706: {  	s29 =	sor.u32 $0x10820, s22  }
0x707: {  	[tilespmem:s29+$0x0] =	vst.add.f32.msk $0xffff, v0  }
0x708: {  	v0 =	vld [tilespmem:s22+$0x830];
	_ =	sdelay $0x3  }
0x709: {  	s30 =	sor.u32 $0x10830, s22  }
0x70a: {  	[tilespmem:s30+$0x0] =	vst.add.f32.msk $0xffff, v0  }
0x70b: {  	v0 =	vld [tilespmem:s22+$0x840];
	_ =	sdelay $0x3  }
0x70c: {  	s31 =	sor.u32 $0x10840, s22  }
0x70d: {  	[tilespmem:s31+$0x0] =	vst.add.f32.msk $0xffff, v0  }
0x70e: {  	v0 =	vld [tilespmem:s22+$0x850];
	_ =	sdelay $0x3  }
0x70f: {  	s24 =	sor.u32 $0x10850, s22  }
0x710: {  	[tilespmem:s24+$0x0] =	vst.add.f32.msk $0xffff, v0  }
0x711: {  	v0 =	vld [tilespmem:s22+$0x860];
	_ =	sdelay $0x3  }
0x712: {  	s25 =	sor.u32 $0x10860, s22  }
0x713: {  	[tilespmem:s25+$0x0] =	vst.add.f32.msk $0xffff, v0  }
0x714: {  	v0 =	vld [tilespmem:s22+$0x870];
	_ =	sdelay $0x3  }
0x715: {  	s26 =	sor.u32 $0x10870, s22  }
0x716: {  	[tilespmem:s26+$0x0] =	vst.add.f32.msk $0xffff, v0  }
0x717: {  	v0 =	vld [tilespmem:s22+$0xC00];
	_ =	sdelay $0x3  }
0x718: {  	s29 =	sor.u32 $0x10C00, s22  }
0x719: {  	[tilespmem:s29+$0x0] =	vst.add.f32.msk $0xffff, v0  }
0x71a: {  	v0 =	vld [tilespmem:s22+$0xC10];
	_ =	sdelay $0x3  }
0x71b: {  	s30 =	sor.u32 $0x10C10, s22  }
0x71c: {  	[tilespmem:s30+$0x0] =	vst.add.f32.msk $0xffff, v0  }
0x71d: {  	v0 =	vld [tilespmem:s22+$0xC20];
	_ =	sdelay $0x3  }
0x71e: {  	s31 =	sor.u32 $0x10C20, s22  }
0x71f: {  	[tilespmem:s31+$0x0] =	vst.add.f32.msk $0xffff, v0  }
0x720: {  	v0 =	vld [tilespmem:s22+$0xC30];
	_ =	sdelay $0x3  }
0x721: {  	s24 =	sor.u32 $0x10C30, s22  }
0x722: {  	[tilespmem:s24+$0x0] =	vst.add.f32.msk $0xffff, v0  }
0x723: {  	v0 =	vld [tilespmem:s22+$0xC40];
	_ =	sdelay $0x3  }
0x724: {  	s25 =	sor.u32 $0x10C40, s22  }
0x725: {  	[tilespmem:s25+$0x0] =	vst.add.f32.msk $0xffff, v0  }
0x726: {  	v0 =	vld [tilespmem:s22+$0xC50];
	_ =	sdelay $0x3  }
0x727: {  	s26 =	sor.u32 $0x10C50, s22  }
0x728: {  	[tilespmem:s26+$0x0] =	vst.add.f32.msk $0xffff, v0  }
0x729: {  	v0 =	vld [tilespmem:s22+$0xC60];
	_ =	sdelay $0x3  }
0x72a: {  	s29 =	sor.u32 $0x10C60, s22  }
0x72b: {  	[tilespmem:s29+$0x0] =	vst.add.f32.msk $0xffff, v0  }
0x72c: {  	v0 =	vld [tilespmem:s22+$0xC70];
	_ =	sdelay $0x3  }
0x72d: {  	s30 =	sor.u32 $0x10C70, s22  }
0x72e: {  	[tilespmem:s30+$0x0] =	vst.add.f32.msk $0xffff, v0  }
0x72f: {  	v0 =	vld [tilespmem:s22+$0x1000];
	_ =	sdelay $0x3  }
0x730: {  	s31 =	sor.u32 $0x11000, s22  }
0x731: {  	[tilespmem:s31+$0x0] =	vst.add.f32.msk $0xffff, v0  }
0x732: {  	v0 =	vld [tilespmem:s22+$0x1010];
	_ =	sdelay $0x3  }
0x733: {  	s24 =	sor.u32 $0x11010, s22  }
0x734: {  	[tilespmem:s24+$0x0] =	vst.add.f32.msk $0xffff, v0  }
0x735: {  	v0 =	vld [tilespmem:s22+$0x1020];
	_ =	sdelay $0x3  }
0x736: {  	s25 =	sor.u32 $0x11020, s22  }
0x737: {  	[tilespmem:s25+$0x0] =	vst.add.f32.msk $0xffff, v0  }
0x738: {  	v0 =	vld [tilespmem:s22+$0x1030];
	_ =	sdelay $0x3  }
0x739: {  	s26 =	sor.u32 $0x11030, s22  }
0x73a: {  	[tilespmem:s26+$0x0] =	vst.add.f32.msk $0xffff, v0  }
0x73b: {  	v0 =	vld [tilespmem:s22+$0x1040];
	_ =	sdelay $0x3  }
0x73c: {  	s29 =	sor.u32 $0x11040, s22  }
0x73d: {  	[tilespmem:s29+$0x0] =	vst.add.f32.msk $0xffff, v0  }
0x73e: {  	v0 =	vld [tilespmem:s22+$0x1050];
	_ =	sdelay $0x3  }
0x73f: {  	s30 =	sor.u32 $0x11050, s22  }
0x740: {  	[tilespmem:s30+$0x0] =	vst.add.f32.msk $0xffff, v0  }
0x741: {  	v0 =	vld [tilespmem:s22+$0x1060];
	_ =	sdelay $0x3  }
0x742: {  	s31 =	sor.u32 $0x11060, s22  }
0x743: {  	[tilespmem:s31+$0x0] =	vst.add.f32.msk $0xffff, v0  }
0x744: {  	v0 =	vld [tilespmem:s22+$0x1070];
	_ =	sdelay $0x3  }
0x745: {  	s24 =	sor.u32 $0x11070, s22  }
0x746: {  	[tilespmem:s24+$0x0] =	vst.add.f32.msk $0xffff, v0  }
0x747: {  	v0 =	vld [tilespmem:s22+$0x1400];
	_ =	sdelay $0x3  }
0x748: {  	s25 =	sor.u32 $0x11400, s22  }
0x749: {  	[tilespmem:s25+$0x0] =	vst.add.f32.msk $0xffff, v0  }
0x74a: {  	v0 =	vld [tilespmem:s22+$0x1410];
	_ =	sdelay $0x3  }
0x74b: {  	s26 =	sor.u32 $0x11410, s22  }
0x74c: {  	[tilespmem:s26+$0x0] =	vst.add.f32.msk $0xffff, v0  }
0x74d: {  	v0 =	vld [tilespmem:s22+$0x1420];
	_ =	sdelay $0x3  }
0x74e: {  	s29 =	sor.u32 $0x11420, s22  }
0x74f: {  	[tilespmem:s29+$0x0] =	vst.add.f32.msk $0xffff, v0  }
0x750: {  	v0 =	vld [tilespmem:s22+$0x1430];
	_ =	sdelay $0x3  }
0x751: {  	s30 =	sor.u32 $0x11430, s22  }
0x752: {  	[tilespmem:s30+$0x0] =	vst.add.f32.msk $0xffff, v0  }
0x753: {  	v0 =	vld [tilespmem:s22+$0x1440];
	_ =	sdelay $0x3  }
0x754: {  	s31 =	sor.u32 $0x11440, s22  }
0x755: {  	[tilespmem:s31+$0x0] =	vst.add.f32.msk $0xffff, v0  }
0x756: {  	v0 =	vld [tilespmem:s22+$0x1450];
	_ =	sdelay $0x3  }
0x757: {  	s24 =	sor.u32 $0x11450, s22  }
0x758: {  	[tilespmem:s24+$0x0] =	vst.add.f32.msk $0xffff, v0  }
0x759: {  	v0 =	vld [tilespmem:s22+$0x1460];
	_ =	sdelay $0x3  }
0x75a: {  	s25 =	sor.u32 $0x11460, s22  }
0x75b: {  	[tilespmem:s25+$0x0] =	vst.add.f32.msk $0xffff, v0  }
0x75c: {  	v0 =	vld [tilespmem:s22+$0x1470];
	_ =	sdelay $0x3  }
0x75d: {  	s26 =	sor.u32 $0x11470, s22  }
0x75e: {  	[tilespmem:s26+$0x0] =	vst.add.f32.msk $0xffff, v0  }
0x75f: {  	v0 =	vld [tilespmem:s22+$0x1800];
	_ =	sdelay $0x3  }
0x760: {  	s29 =	sor.u32 $0x11800, s22  }
0x761: {  	[tilespmem:s29+$0x0] =	vst.add.f32.msk $0xffff, v0  }
0x762: {  	v0 =	vld [tilespmem:s22+$0x1810];
	_ =	sdelay $0x3  }
0x763: {  	s30 =	sor.u32 $0x11810, s22  }
0x764: {  	[tilespmem:s30+$0x0] =	vst.add.f32.msk $0xffff, v0  }
0x765: {  	v0 =	vld [tilespmem:s22+$0x1820];
	_ =	sdelay $0x3  }
0x766: {  	s31 =	sor.u32 $0x11820, s22  }
0x767: {  	[tilespmem:s31+$0x0] =	vst.add.f32.msk $0xffff, v0  }
0x768: {  	v0 =	vld [tilespmem:s22+$0x1830];
	_ =	sdelay $0x3  }
0x769: {  	s24 =	sor.u32 $0x11830, s22  }
0x76a: {  	[tilespmem:s24+$0x0] =	vst.add.f32.msk $0xffff, v0  }
0x76b: {  	v0 =	vld [tilespmem:s22+$0x1840];
	_ =	sdelay $0x3  }
0x76c: {  	s25 =	sor.u32 $0x11840, s22  }
0x76d: {  	[tilespmem:s25+$0x0] =	vst.add.f32.msk $0xffff, v0  }
0x76e: {  	v0 =	vld [tilespmem:s22+$0x1850];
	_ =	sdelay $0x3  }
0x76f: {  	s26 =	sor.u32 $0x11850, s22  }
0x770: {  	[tilespmem:s26+$0x0] =	vst.add.f32.msk $0xffff, v0  }
0x771: {  	v0 =	vld [tilespmem:s22+$0x1860];
	_ =	sdelay $0x3  }
0x772: {  	s29 =	sor.u32 $0x11860, s22  }
0x773: {  	[tilespmem:s29+$0x0] =	vst.add.f32.msk $0xffff, v0  }
0x774: {  	v0 =	vld [tilespmem:s22+$0x1870];
	_ =	sdelay $0x1  }
0x775: {  	s30 =	sand.u32 $0x7, s21  }
0x776: {  	s23 =	sshll.u32 s30, $0x7  }
0x777: {  	s24 =	sadd.s32 $0x0, s23;
	s22 =	sor.u32 $0x11870, s22  }
0x778: {  	s31 =	sor.u32 $0x1C00, s24;
	[tilespmem:s22+$0x0] =	vst.add.f32.msk $0xffff, v0  }
0x779: {  	v0 =	vld [tilespmem:s31+$0x0];
	_ =	sdelay $0x4  }
0x77a: {  	s23 =	sor.u32 $0x1C10, s24;
	[tilespmem:s31+$0x10000] =	vst.add.f32.msk $0xffff, v0  }
0x77b: {  	v0 =	vld [tilespmem:s23+$0x0];
	_ =	sdelay $0x4  }
0x77c: {  	s25 =	sor.u32 $0x1C20, s24;
	[tilespmem:s23+$0x10000] =	vst.add.f32.msk $0xffff, v0  }
0x77d: {  	v0 =	vld [tilespmem:s25+$0x0];
	_ =	sdelay $0x4  }
0x77e: {  	s26 =	sor.u32 $0x1C30, s24;
	[tilespmem:s25+$0x10000] =	vst.add.f32.msk $0xffff, v0  }
0x77f: {  	v0 =	vld [tilespmem:s26+$0x0];
	_ =	sdelay $0x4  }
0x780: {  	s29 =	sor.u32 $0x1C40, s24;
	[tilespmem:s26+$0x10000] =	vst.add.f32.msk $0xffff, v0  }
0x781: {  	v0 =	vld [tilespmem:s29+$0x0];
	_ =	sdelay $0x4  }
0x782: {  	s30 =	sor.u32 $0x1C50, s24;
	[tilespmem:s29+$0x10000] =	vst.add.f32.msk $0xffff, v0  }
0x783: {  	v0 =	vld [tilespmem:s30+$0x0];
	_ =	sdelay $0x4  }
0x784: {  	s31 =	sor.u32 $0x1C60, s24;
	[tilespmem:s30+$0x10000] =	vst.add.f32.msk $0xffff, v0  }
0x785: {  	v0 =	vld [tilespmem:s31+$0x0];
	_ =	sdelay $0x4  }
0x786: {  	s28 =	sor.u32 $0x1C70, s24;
	[tilespmem:s31+$0x10000] =	vst.add.f32.msk $0xffff, v0  }
0x787: {  	v0 =	vld [tilespmem:s28+$0x0];
	_ =	sdelay $0x1  }
0x788: {  	s22 =	simm.s32 $0x0;
	s24 =	simm.s32 $0xFFFF8400  }
0x789: {  	s23 =	simm.s32 $0x80;
	s25 =	simm.s32 $0x100;
	s26 =	simm.s32 $0x400  }
.LBB2_8:
0x78a: {  	p0 =	sne.s32 s25, $0xF80;
	s26 =	sand.u32 $0x6000, s26;
	s23 =	sand.u32 $0x380, s23  }
0x78b: {  	s26 =	sor.u32 s23, s26;
	[tilespmem:s28+$0x10000] =	vst.add.f32.msk $0xffff, v0;
	s23 =	smov.u32 s25  }
0x78c: {  	v0 =	vld [tilespmem:s26+$0x0];
	_ =	sdelay $0x3  }
0x78d: {  	s28 =	sor.u32 $0x10000, s26  }
0x78e: {  	[tilespmem:s28+$0x0] =	vst.add.f32.msk $0xffff, v0  }
0x78f: {  	v0 =	vld [tilespmem:s26+$0x10];
	_ =	sdelay $0x3  }
0x790: {  	s28 =	sor.u32 $0x10010, s26  }
0x791: {  	[tilespmem:s28+$0x0] =	vst.add.f32.msk $0xffff, v0  }
0x792: {  	v0 =	vld [tilespmem:s26+$0x20];
	_ =	sdelay $0x3  }
0x793: {  	s28 =	sor.u32 $0x10020, s26  }
0x794: {  	[tilespmem:s28+$0x0] =	vst.add.f32.msk $0xffff, v0  }
0x795: {  	v0 =	vld [tilespmem:s26+$0x30];
	_ =	sdelay $0x3  }
0x796: {  	s28 =	sor.u32 $0x10030, s26  }
0x797: {  	[tilespmem:s28+$0x0] =	vst.add.f32.msk $0xffff, v0  }
0x798: {  	v0 =	vld [tilespmem:s26+$0x40];
	_ =	sdelay $0x3  }
0x799: {  	s28 =	sor.u32 $0x10040, s26  }
0x79a: {  	[tilespmem:s28+$0x0] =	vst.add.f32.msk $0xffff, v0  }
0x79b: {  	v0 =	vld [tilespmem:s26+$0x50];
	_ =	sdelay $0x3  }
0x79c: {  	s28 =	sor.u32 $0x10050, s26  }
0x79d: {  	[tilespmem:s28+$0x0] =	vst.add.f32.msk $0xffff, v0  }
0x79e: {  	v0 =	vld [tilespmem:s26+$0x60];
	_ =	sdelay $0x3  }
0x79f: {  	s28 =	sor.u32 $0x10060, s26  }
0x7a0: {  	[tilespmem:s28+$0x0] =	vst.add.f32.msk $0xffff, v0  }
0x7a1: {  	v0 =	vld [tilespmem:s26+$0x70];
	_ =	sdelay $0x3  }
0x7a2: {  	s28 =	sor.u32 $0x10070, s26  }
0x7a3: {  	[tilespmem:s28+$0x0] =	vst.add.f32.msk $0xffff, v0  }
0x7a4: {  	v0 =	vld [tilespmem:s26+$0x400];
	_ =	sdelay $0x3  }
0x7a5: {  	s28 =	sor.u32 $0x10400, s26  }
0x7a6: {  	[tilespmem:s28+$0x0] =	vst.add.f32.msk $0xffff, v0  }
0x7a7: {  	v0 =	vld [tilespmem:s26+$0x410];
	_ =	sdelay $0x3  }
0x7a8: {  	s28 =	sor.u32 $0x10410, s26  }
0x7a9: {  	[tilespmem:s28+$0x0] =	vst.add.f32.msk $0xffff, v0  }
0x7aa: {  	v0 =	vld [tilespmem:s26+$0x420];
	_ =	sdelay $0x3  }
0x7ab: {  	s28 =	sor.u32 $0x10420, s26  }
0x7ac: {  	[tilespmem:s28+$0x0] =	vst.add.f32.msk $0xffff, v0  }
0x7ad: {  	v0 =	vld [tilespmem:s26+$0x430];
	_ =	sdelay $0x3  }
0x7ae: {  	s28 =	sor.u32 $0x10430, s26  }
0x7af: {  	[tilespmem:s28+$0x0] =	vst.add.f32.msk $0xffff, v0  }
0x7b0: {  	v0 =	vld [tilespmem:s26+$0x440];
	_ =	sdelay $0x3  }
0x7b1: {  	s28 =	sor.u32 $0x10440, s26  }
0x7b2: {  	[tilespmem:s28+$0x0] =	vst.add.f32.msk $0xffff, v0  }
0x7b3: {  	v0 =	vld [tilespmem:s26+$0x450];
	_ =	sdelay $0x3  }
0x7b4: {  	s28 =	sor.u32 $0x10450, s26  }
0x7b5: {  	[tilespmem:s28+$0x0] =	vst.add.f32.msk $0xffff, v0  }
0x7b6: {  	v0 =	vld [tilespmem:s26+$0x460];
	_ =	sdelay $0x3  }
0x7b7: {  	s28 =	sor.u32 $0x10460, s26  }
0x7b8: {  	[tilespmem:s28+$0x0] =	vst.add.f32.msk $0xffff, v0  }
0x7b9: {  	v0 =	vld [tilespmem:s26+$0x470];
	_ =	sdelay $0x3  }
0x7ba: {  	s28 =	sor.u32 $0x10470, s26  }
0x7bb: {  	[tilespmem:s28+$0x0] =	vst.add.f32.msk $0xffff, v0  }
0x7bc: {  	v0 =	vld [tilespmem:s26+$0x800];
	_ =	sdelay $0x3  }
0x7bd: {  	s28 =	sor.u32 $0x10800, s26  }
0x7be: {  	[tilespmem:s28+$0x0] =	vst.add.f32.msk $0xffff, v0  }
0x7bf: {  	v0 =	vld [tilespmem:s26+$0x810];
	_ =	sdelay $0x3  }
0x7c0: {  	s28 =	sor.u32 $0x10810, s26  }
0x7c1: {  	[tilespmem:s28+$0x0] =	vst.add.f32.msk $0xffff, v0  }
0x7c2: {  	v0 =	vld [tilespmem:s26+$0x820];
	_ =	sdelay $0x3  }
0x7c3: {  	s28 =	sor.u32 $0x10820, s26  }
0x7c4: {  	[tilespmem:s28+$0x0] =	vst.add.f32.msk $0xffff, v0  }
0x7c5: {  	v0 =	vld [tilespmem:s26+$0x830];
	_ =	sdelay $0x3  }
0x7c6: {  	s28 =	sor.u32 $0x10830, s26  }
0x7c7: {  	[tilespmem:s28+$0x0] =	vst.add.f32.msk $0xffff, v0  }
0x7c8: {  	v0 =	vld [tilespmem:s26+$0x840];
	_ =	sdelay $0x3  }
0x7c9: {  	s28 =	sor.u32 $0x10840, s26  }
0x7ca: {  	[tilespmem:s28+$0x0] =	vst.add.f32.msk $0xffff, v0  }
0x7cb: {  	v0 =	vld [tilespmem:s26+$0x850];
	_ =	sdelay $0x3  }
0x7cc: {  	s28 =	sor.u32 $0x10850, s26  }
0x7cd: {  	[tilespmem:s28+$0x0] =	vst.add.f32.msk $0xffff, v0  }
0x7ce: {  	v0 =	vld [tilespmem:s26+$0x860];
	_ =	sdelay $0x3  }
0x7cf: {  	s28 =	sor.u32 $0x10860, s26  }
0x7d0: {  	[tilespmem:s28+$0x0] =	vst.add.f32.msk $0xffff, v0  }
0x7d1: {  	v0 =	vld [tilespmem:s26+$0x870];
	_ =	sdelay $0x3  }
0x7d2: {  	s28 =	sor.u32 $0x10870, s26  }
0x7d3: {  	[tilespmem:s28+$0x0] =	vst.add.f32.msk $0xffff, v0  }
0x7d4: {  	v0 =	vld [tilespmem:s26+$0xC00];
	_ =	sdelay $0x3  }
0x7d5: {  	s28 =	sor.u32 $0x10C00, s26  }
0x7d6: {  	[tilespmem:s28+$0x0] =	vst.add.f32.msk $0xffff, v0  }
0x7d7: {  	v0 =	vld [tilespmem:s26+$0xC10];
	_ =	sdelay $0x3  }
0x7d8: {  	s28 =	sor.u32 $0x10C10, s26  }
0x7d9: {  	[tilespmem:s28+$0x0] =	vst.add.f32.msk $0xffff, v0  }
0x7da: {  	v0 =	vld [tilespmem:s26+$0xC20];
	_ =	sdelay $0x3  }
0x7db: {  	s28 =	sor.u32 $0x10C20, s26  }
0x7dc: {  	[tilespmem:s28+$0x0] =	vst.add.f32.msk $0xffff, v0  }
0x7dd: {  	v0 =	vld [tilespmem:s26+$0xC30];
	_ =	sdelay $0x3  }
0x7de: {  	s28 =	sor.u32 $0x10C30, s26  }
0x7df: {  	[tilespmem:s28+$0x0] =	vst.add.f32.msk $0xffff, v0  }
0x7e0: {  	v0 =	vld [tilespmem:s26+$0xC40];
	_ =	sdelay $0x3  }
0x7e1: {  	s28 =	sor.u32 $0x10C40, s26  }
0x7e2: {  	[tilespmem:s28+$0x0] =	vst.add.f32.msk $0xffff, v0  }
0x7e3: {  	v0 =	vld [tilespmem:s26+$0xC50];
	_ =	sdelay $0x3  }
0x7e4: {  	s28 =	sor.u32 $0x10C50, s26  }
0x7e5: {  	[tilespmem:s28+$0x0] =	vst.add.f32.msk $0xffff, v0  }
0x7e6: {  	v0 =	vld [tilespmem:s26+$0xC60];
	_ =	sdelay $0x3  }
0x7e7: {  	s28 =	sor.u32 $0x10C60, s26  }
0x7e8: {  	[tilespmem:s28+$0x0] =	vst.add.f32.msk $0xffff, v0  }
0x7e9: {  	v0 =	vld [tilespmem:s26+$0xC70];
	_ =	sdelay $0x3  }
0x7ea: {  	s28 =	sor.u32 $0x10C70, s26  }
0x7eb: {  	[tilespmem:s28+$0x0] =	vst.add.f32.msk $0xffff, v0  }
0x7ec: {  	v0 =	vld [tilespmem:s26+$0x1000];
	_ =	sdelay $0x3  }
0x7ed: {  	s28 =	sor.u32 $0x11000, s26  }
0x7ee: {  	[tilespmem:s28+$0x0] =	vst.add.f32.msk $0xffff, v0  }
0x7ef: {  	v0 =	vld [tilespmem:s26+$0x1010];
	_ =	sdelay $0x3  }
0x7f0: {  	s28 =	sor.u32 $0x11010, s26  }
0x7f1: {  	[tilespmem:s28+$0x0] =	vst.add.f32.msk $0xffff, v0  }
0x7f2: {  	v0 =	vld [tilespmem:s26+$0x1020];
	_ =	sdelay $0x3  }
0x7f3: {  	s28 =	sor.u32 $0x11020, s26  }
0x7f4: {  	[tilespmem:s28+$0x0] =	vst.add.f32.msk $0xffff, v0  }
0x7f5: {  	v0 =	vld [tilespmem:s26+$0x1030];
	_ =	sdelay $0x3  }
0x7f6: {  	s28 =	sor.u32 $0x11030, s26  }
0x7f7: {  	[tilespmem:s28+$0x0] =	vst.add.f32.msk $0xffff, v0  }
0x7f8: {  	v0 =	vld [tilespmem:s26+$0x1040];
	_ =	sdelay $0x3  }
0x7f9: {  	s28 =	sor.u32 $0x11040, s26  }
0x7fa: {  	[tilespmem:s28+$0x0] =	vst.add.f32.msk $0xffff, v0  }
0x7fb: {  	v0 =	vld [tilespmem:s26+$0x1050];
	_ =	sdelay $0x3  }
0x7fc: {  	s28 =	sor.u32 $0x11050, s26  }
0x7fd: {  	[tilespmem:s28+$0x0] =	vst.add.f32.msk $0xffff, v0  }
0x7fe: {  	v0 =	vld [tilespmem:s26+$0x1060];
	_ =	sdelay $0x3  }
0x7ff: {  	s28 =	sor.u32 $0x11060, s26  }
0x800: {  	[tilespmem:s28+$0x0] =	vst.add.f32.msk $0xffff, v0  }
0x801: {  	v0 =	vld [tilespmem:s26+$0x1070];
	_ =	sdelay $0x3  }
0x802: {  	s28 =	sor.u32 $0x11070, s26  }
0x803: {  	[tilespmem:s28+$0x0] =	vst.add.f32.msk $0xffff, v0  }
0x804: {  	v0 =	vld [tilespmem:s26+$0x1400];
	_ =	sdelay $0x3  }
0x805: {  	s28 =	sor.u32 $0x11400, s26  }
0x806: {  	[tilespmem:s28+$0x0] =	vst.add.f32.msk $0xffff, v0  }
0x807: {  	v0 =	vld [tilespmem:s26+$0x1410];
	_ =	sdelay $0x3  }
0x808: {  	s28 =	sor.u32 $0x11410, s26  }
0x809: {  	[tilespmem:s28+$0x0] =	vst.add.f32.msk $0xffff, v0  }
0x80a: {  	v0 =	vld [tilespmem:s26+$0x1420];
	_ =	sdelay $0x3  }
0x80b: {  	s28 =	sor.u32 $0x11420, s26  }
0x80c: {  	[tilespmem:s28+$0x0] =	vst.add.f32.msk $0xffff, v0  }
0x80d: {  	v0 =	vld [tilespmem:s26+$0x1430];
	_ =	sdelay $0x3  }
0x80e: {  	s28 =	sor.u32 $0x11430, s26  }
0x80f: {  	[tilespmem:s28+$0x0] =	vst.add.f32.msk $0xffff, v0  }
0x810: {  	v0 =	vld [tilespmem:s26+$0x1440];
	_ =	sdelay $0x3  }
0x811: {  	s28 =	sor.u32 $0x11440, s26  }
0x812: {  	[tilespmem:s28+$0x0] =	vst.add.f32.msk $0xffff, v0  }
0x813: {  	v0 =	vld [tilespmem:s26+$0x1450];
	_ =	sdelay $0x3  }
0x814: {  	s28 =	sor.u32 $0x11450, s26  }
0x815: {  	[tilespmem:s28+$0x0] =	vst.add.f32.msk $0xffff, v0  }
0x816: {  	v0 =	vld [tilespmem:s26+$0x1460];
	_ =	sdelay $0x3  }
0x817: {  	s28 =	sor.u32 $0x11460, s26  }
0x818: {  	[tilespmem:s28+$0x0] =	vst.add.f32.msk $0xffff, v0  }
0x819: {  	v0 =	vld [tilespmem:s26+$0x1470];
	_ =	sdelay $0x3  }
0x81a: {  	s28 =	sor.u32 $0x11470, s26  }
0x81b: {  	[tilespmem:s28+$0x0] =	vst.add.f32.msk $0xffff, v0  }
0x81c: {  	v0 =	vld [tilespmem:s26+$0x1800];
	_ =	sdelay $0x3  }
0x81d: {  	s28 =	sor.u32 $0x11800, s26  }
0x81e: {  	[tilespmem:s28+$0x0] =	vst.add.f32.msk $0xffff, v0  }
0x81f: {  	v0 =	vld [tilespmem:s26+$0x1810];
	_ =	sdelay $0x3  }
0x820: {  	s28 =	sor.u32 $0x11810, s26  }
0x821: {  	[tilespmem:s28+$0x0] =	vst.add.f32.msk $0xffff, v0  }
0x822: {  	v0 =	vld [tilespmem:s26+$0x1820];
	_ =	sdelay $0x3  }
0x823: {  	s28 =	sor.u32 $0x11820, s26  }
0x824: {  	[tilespmem:s28+$0x0] =	vst.add.f32.msk $0xffff, v0  }
0x825: {  	v0 =	vld [tilespmem:s26+$0x1830];
	_ =	sdelay $0x3  }
0x826: {  	s28 =	sor.u32 $0x11830, s26  }
0x827: {  	[tilespmem:s28+$0x0] =	vst.add.f32.msk $0xffff, v0  }
0x828: {  	v0 =	vld [tilespmem:s26+$0x1840];
	_ =	sdelay $0x3  }
0x829: {  	s28 =	sor.u32 $0x11840, s26  }
0x82a: {  	[tilespmem:s28+$0x0] =	vst.add.f32.msk $0xffff, v0  }
0x82b: {  	v0 =	vld [tilespmem:s26+$0x1850];
	_ =	sdelay $0x3  }
0x82c: {  	s28 =	sor.u32 $0x11850, s26  }
0x82d: {  	[tilespmem:s28+$0x0] =	vst.add.f32.msk $0xffff, v0  }
0x82e: {  	v0 =	vld [tilespmem:s26+$0x1860];
	_ =	sdelay $0x3  }
0x82f: {  	s28 =	sor.u32 $0x11860, s26  }
0x830: {  	[tilespmem:s28+$0x0] =	vst.add.f32.msk $0xffff, v0  }
0x831: {  	v0 =	vld [tilespmem:s26+$0x1870]  }
0x832: {  	s21 =	sadd.s32 $0x1, s21  }
0x833: {  	s28 =	sand.u32 $0x7, s21  }
0x834: {  	s22 =	sadd.s32 $0x400, s22;
	s28 =	sshll.u32 s28, $0x7  }
0x835: {  	s26 =	sor.u32 $0x11870, s26;
	s28 =	sadd.s32 s28, s22  }
0x836: {  	[tilespmem:s26+$0x0] =	vst.add.f32.msk $0xffff, v0;
	s26 =	sor.u32 $0x1C00, s28  }
0x837: {  	v0 =	vld [tilespmem:s26+$0x0];
	_ =	sdelay $0x4  }
0x838: {  	[tilespmem:s26+$0x10000] =	vst.add.f32.msk $0xffff, v0;
	s26 =	sor.u32 $0x1C10, s28  }
0x839: {  	v0 =	vld [tilespmem:s26+$0x0];
	_ =	sdelay $0x4  }
0x83a: {  	[tilespmem:s26+$0x10000] =	vst.add.f32.msk $0xffff, v0;
	s26 =	sor.u32 $0x1C20, s28  }
0x83b: {  	v0 =	vld [tilespmem:s26+$0x0];
	_ =	sdelay $0x4  }
0x83c: {  	[tilespmem:s26+$0x10000] =	vst.add.f32.msk $0xffff, v0;
	s26 =	sor.u32 $0x1C30, s28  }
0x83d: {  	v0 =	vld [tilespmem:s26+$0x0];
	_ =	sdelay $0x4  }
0x83e: {  	[tilespmem:s26+$0x10000] =	vst.add.f32.msk $0xffff, v0;
	s26 =	sor.u32 $0x1C40, s28  }
0x83f: {  	v0 =	vld [tilespmem:s26+$0x0];
	_ =	sdelay $0x4  }
0x840: {  	[tilespmem:s26+$0x10000] =	vst.add.f32.msk $0xffff, v0;
	s26 =	sor.u32 $0x1C50, s28  }
0x841: {  	v0 =	vld [tilespmem:s26+$0x0];
	_ =	sdelay $0x4  }
0x842: {  	[tilespmem:s26+$0x10000] =	vst.add.f32.msk $0xffff, v0;
	s26 =	sor.u32 $0x1C60, s28  }
0x843: {  	v0 =	vld [tilespmem:s26+$0x0];
	_ =	sdelay $0x4  }
.Ltmp3:
0x844: {  	s28 =	sor.u32 $0x1C70, s28;
	[tilespmem:s26+$0x10000] =	vst.add.f32.msk $0xffff, v0;
	(pc) =	sbr.rel @p0 .LBB2_8-.Ltmp3, $3  }
0x845: {  	v0 =	vld [tilespmem:s28+$0x0];
	_ =	sdelay $0x1  }
0x846: {  	s24 =	sadd.s32 $0x400, s24  }
0x847: {  	s25 =	sadd.s32 $0x80, s25;
	s26 =	sadd.s32 $0x8000, s24  }
0x848: {  	s24 =	sand.u32 $0x6000, s26;
	s23 =	sand.u32 $0x380, s23  }
0x849: {  	s23 =	sor.u32 s23, s24;
	[tilespmem:s28+$0x10000] =	vst.add.f32.msk $0xffff, v0  }
0x84a: {  	v0 =	vld [tilespmem:s23+$0x0];
	_ =	sdelay $0x3  }
0x84b: {  	s24 =	sor.u32 $0x10000, s23  }
0x84c: {  	[tilespmem:s24+$0x0] =	vst.add.f32.msk $0xffff, v0  }
0x84d: {  	v0 =	vld [tilespmem:s23+$0x10];
	_ =	sdelay $0x3  }
0x84e: {  	s25 =	sor.u32 $0x10010, s23  }
0x84f: {  	[tilespmem:s25+$0x0] =	vst.add.f32.msk $0xffff, v0  }
0x850: {  	v0 =	vld [tilespmem:s23+$0x20];
	_ =	sdelay $0x3  }
0x851: {  	s26 =	sor.u32 $0x10020, s23  }
0x852: {  	[tilespmem:s26+$0x0] =	vst.add.f32.msk $0xffff, v0  }
0x853: {  	v0 =	vld [tilespmem:s23+$0x30];
	_ =	sdelay $0x3  }
0x854: {  	s28 =	sor.u32 $0x10030, s23  }
0x855: {  	[tilespmem:s28+$0x0] =	vst.add.f32.msk $0xffff, v0  }
0x856: {  	v0 =	vld [tilespmem:s23+$0x40];
	_ =	sdelay $0x3  }
0x857: {  	s29 =	sor.u32 $0x10040, s23  }
0x858: {  	[tilespmem:s29+$0x0] =	vst.add.f32.msk $0xffff, v0  }
0x859: {  	v0 =	vld [tilespmem:s23+$0x50];
	_ =	sdelay $0x3  }
0x85a: {  	s30 =	sor.u32 $0x10050, s23  }
0x85b: {  	[tilespmem:s30+$0x0] =	vst.add.f32.msk $0xffff, v0  }
0x85c: {  	v0 =	vld [tilespmem:s23+$0x60];
	_ =	sdelay $0x3  }
0x85d: {  	s31 =	sor.u32 $0x10060, s23  }
0x85e: {  	[tilespmem:s31+$0x0] =	vst.add.f32.msk $0xffff, v0  }
0x85f: {  	v0 =	vld [tilespmem:s23+$0x70];
	_ =	sdelay $0x3  }
0x860: {  	s25 =	sor.u32 $0x10070, s23  }
0x861: {  	[tilespmem:s25+$0x0] =	vst.add.f32.msk $0xffff, v0  }
0x862: {  	v0 =	vld [tilespmem:s23+$0x400];
	_ =	sdelay $0x3  }
0x863: {  	s26 =	sor.u32 $0x10400, s23  }
0x864: {  	[tilespmem:s26+$0x0] =	vst.add.f32.msk $0xffff, v0  }
0x865: {  	v0 =	vld [tilespmem:s23+$0x410];
	_ =	sdelay $0x3  }
0x866: {  	s28 =	sor.u32 $0x10410, s23  }
0x867: {  	[tilespmem:s28+$0x0] =	vst.add.f32.msk $0xffff, v0  }
0x868: {  	v0 =	vld [tilespmem:s23+$0x420];
	_ =	sdelay $0x3  }
0x869: {  	s29 =	sor.u32 $0x10420, s23  }
0x86a: {  	[tilespmem:s29+$0x0] =	vst.add.f32.msk $0xffff, v0  }
0x86b: {  	v0 =	vld [tilespmem:s23+$0x430];
	_ =	sdelay $0x3  }
0x86c: {  	s30 =	sor.u32 $0x10430, s23  }
0x86d: {  	[tilespmem:s30+$0x0] =	vst.add.f32.msk $0xffff, v0  }
0x86e: {  	v0 =	vld [tilespmem:s23+$0x440];
	_ =	sdelay $0x3  }
0x86f: {  	s31 =	sor.u32 $0x10440, s23  }
0x870: {  	[tilespmem:s31+$0x0] =	vst.add.f32.msk $0xffff, v0  }
0x871: {  	v0 =	vld [tilespmem:s23+$0x450];
	_ =	sdelay $0x3  }
0x872: {  	s25 =	sor.u32 $0x10450, s23  }
0x873: {  	[tilespmem:s25+$0x0] =	vst.add.f32.msk $0xffff, v0  }
0x874: {  	v0 =	vld [tilespmem:s23+$0x460];
	_ =	sdelay $0x3  }
0x875: {  	s26 =	sor.u32 $0x10460, s23  }
0x876: {  	[tilespmem:s26+$0x0] =	vst.add.f32.msk $0xffff, v0  }
0x877: {  	v0 =	vld [tilespmem:s23+$0x470];
	_ =	sdelay $0x3  }
0x878: {  	s28 =	sor.u32 $0x10470, s23  }
0x879: {  	[tilespmem:s28+$0x0] =	vst.add.f32.msk $0xffff, v0  }
0x87a: {  	v0 =	vld [tilespmem:s23+$0x800];
	_ =	sdelay $0x3  }
0x87b: {  	s29 =	sor.u32 $0x10800, s23  }
0x87c: {  	[tilespmem:s29+$0x0] =	vst.add.f32.msk $0xffff, v0  }
0x87d: {  	v0 =	vld [tilespmem:s23+$0x810];
	_ =	sdelay $0x3  }
0x87e: {  	s30 =	sor.u32 $0x10810, s23  }
0x87f: {  	[tilespmem:s30+$0x0] =	vst.add.f32.msk $0xffff, v0  }
0x880: {  	v0 =	vld [tilespmem:s23+$0x820];
	_ =	sdelay $0x3  }
0x881: {  	s31 =	sor.u32 $0x10820, s23  }
0x882: {  	[tilespmem:s31+$0x0] =	vst.add.f32.msk $0xffff, v0  }
0x883: {  	v0 =	vld [tilespmem:s23+$0x830];
	_ =	sdelay $0x3  }
0x884: {  	s25 =	sor.u32 $0x10830, s23  }
0x885: {  	[tilespmem:s25+$0x0] =	vst.add.f32.msk $0xffff, v0  }
0x886: {  	v0 =	vld [tilespmem:s23+$0x840];
	_ =	sdelay $0x3  }
0x887: {  	s26 =	sor.u32 $0x10840, s23  }
0x888: {  	[tilespmem:s26+$0x0] =	vst.add.f32.msk $0xffff, v0  }
0x889: {  	v0 =	vld [tilespmem:s23+$0x850];
	_ =	sdelay $0x3  }
0x88a: {  	s28 =	sor.u32 $0x10850, s23  }
0x88b: {  	[tilespmem:s28+$0x0] =	vst.add.f32.msk $0xffff, v0  }
0x88c: {  	v0 =	vld [tilespmem:s23+$0x860];
	_ =	sdelay $0x3  }
0x88d: {  	s29 =	sor.u32 $0x10860, s23  }
0x88e: {  	[tilespmem:s29+$0x0] =	vst.add.f32.msk $0xffff, v0  }
0x88f: {  	v0 =	vld [tilespmem:s23+$0x870];
	_ =	sdelay $0x3  }
0x890: {  	s30 =	sor.u32 $0x10870, s23  }
0x891: {  	[tilespmem:s30+$0x0] =	vst.add.f32.msk $0xffff, v0  }
0x892: {  	v0 =	vld [tilespmem:s23+$0xC00];
	_ =	sdelay $0x3  }
0x893: {  	s31 =	sor.u32 $0x10C00, s23  }
0x894: {  	[tilespmem:s31+$0x0] =	vst.add.f32.msk $0xffff, v0  }
0x895: {  	v0 =	vld [tilespmem:s23+$0xC10];
	_ =	sdelay $0x3  }
0x896: {  	s25 =	sor.u32 $0x10C10, s23  }
0x897: {  	[tilespmem:s25+$0x0] =	vst.add.f32.msk $0xffff, v0  }
0x898: {  	v0 =	vld [tilespmem:s23+$0xC20];
	_ =	sdelay $0x3  }
0x899: {  	s26 =	sor.u32 $0x10C20, s23  }
0x89a: {  	[tilespmem:s26+$0x0] =	vst.add.f32.msk $0xffff, v0  }
0x89b: {  	v0 =	vld [tilespmem:s23+$0xC30];
	_ =	sdelay $0x3  }
0x89c: {  	s28 =	sor.u32 $0x10C30, s23  }
0x89d: {  	[tilespmem:s28+$0x0] =	vst.add.f32.msk $0xffff, v0  }
0x89e: {  	v0 =	vld [tilespmem:s23+$0xC40];
	_ =	sdelay $0x3  }
0x89f: {  	s29 =	sor.u32 $0x10C40, s23  }
0x8a0: {  	[tilespmem:s29+$0x0] =	vst.add.f32.msk $0xffff, v0  }
0x8a1: {  	v0 =	vld [tilespmem:s23+$0xC50];
	_ =	sdelay $0x3  }
0x8a2: {  	s30 =	sor.u32 $0x10C50, s23  }
0x8a3: {  	[tilespmem:s30+$0x0] =	vst.add.f32.msk $0xffff, v0  }
0x8a4: {  	v0 =	vld [tilespmem:s23+$0xC60];
	_ =	sdelay $0x3  }
0x8a5: {  	s31 =	sor.u32 $0x10C60, s23  }
0x8a6: {  	[tilespmem:s31+$0x0] =	vst.add.f32.msk $0xffff, v0  }
0x8a7: {  	v0 =	vld [tilespmem:s23+$0xC70];
	_ =	sdelay $0x3  }
0x8a8: {  	s25 =	sor.u32 $0x10C70, s23  }
0x8a9: {  	[tilespmem:s25+$0x0] =	vst.add.f32.msk $0xffff, v0  }
0x8aa: {  	v0 =	vld [tilespmem:s23+$0x1000];
	_ =	sdelay $0x3  }
0x8ab: {  	s26 =	sor.u32 $0x11000, s23  }
0x8ac: {  	[tilespmem:s26+$0x0] =	vst.add.f32.msk $0xffff, v0  }
0x8ad: {  	v0 =	vld [tilespmem:s23+$0x1010];
	_ =	sdelay $0x3  }
0x8ae: {  	s28 =	sor.u32 $0x11010, s23  }
0x8af: {  	[tilespmem:s28+$0x0] =	vst.add.f32.msk $0xffff, v0  }
0x8b0: {  	v0 =	vld [tilespmem:s23+$0x1020];
	_ =	sdelay $0x3  }
0x8b1: {  	s29 =	sor.u32 $0x11020, s23  }
0x8b2: {  	[tilespmem:s29+$0x0] =	vst.add.f32.msk $0xffff, v0  }
0x8b3: {  	v0 =	vld [tilespmem:s23+$0x1030];
	_ =	sdelay $0x3  }
0x8b4: {  	s30 =	sor.u32 $0x11030, s23  }
0x8b5: {  	[tilespmem:s30+$0x0] =	vst.add.f32.msk $0xffff, v0  }
0x8b6: {  	v0 =	vld [tilespmem:s23+$0x1040];
	_ =	sdelay $0x3  }
0x8b7: {  	s31 =	sor.u32 $0x11040, s23  }
0x8b8: {  	[tilespmem:s31+$0x0] =	vst.add.f32.msk $0xffff, v0  }
0x8b9: {  	v0 =	vld [tilespmem:s23+$0x1050];
	_ =	sdelay $0x3  }
0x8ba: {  	s25 =	sor.u32 $0x11050, s23  }
0x8bb: {  	[tilespmem:s25+$0x0] =	vst.add.f32.msk $0xffff, v0  }
0x8bc: {  	v0 =	vld [tilespmem:s23+$0x1060];
	_ =	sdelay $0x3  }
0x8bd: {  	s26 =	sor.u32 $0x11060, s23  }
0x8be: {  	[tilespmem:s26+$0x0] =	vst.add.f32.msk $0xffff, v0  }
0x8bf: {  	v0 =	vld [tilespmem:s23+$0x1070];
	_ =	sdelay $0x3  }
0x8c0: {  	s28 =	sor.u32 $0x11070, s23  }
0x8c1: {  	[tilespmem:s28+$0x0] =	vst.add.f32.msk $0xffff, v0  }
0x8c2: {  	v0 =	vld [tilespmem:s23+$0x1400];
	_ =	sdelay $0x3  }
0x8c3: {  	s29 =	sor.u32 $0x11400, s23  }
0x8c4: {  	[tilespmem:s29+$0x0] =	vst.add.f32.msk $0xffff, v0  }
0x8c5: {  	v0 =	vld [tilespmem:s23+$0x1410];
	_ =	sdelay $0x3  }
0x8c6: {  	s30 =	sor.u32 $0x11410, s23  }
0x8c7: {  	[tilespmem:s30+$0x0] =	vst.add.f32.msk $0xffff, v0  }
0x8c8: {  	v0 =	vld [tilespmem:s23+$0x1420];
	_ =	sdelay $0x3  }
0x8c9: {  	s31 =	sor.u32 $0x11420, s23  }
0x8ca: {  	[tilespmem:s31+$0x0] =	vst.add.f32.msk $0xffff, v0  }
0x8cb: {  	v0 =	vld [tilespmem:s23+$0x1430];
	_ =	sdelay $0x3  }
0x8cc: {  	s25 =	sor.u32 $0x11430, s23  }
0x8cd: {  	[tilespmem:s25+$0x0] =	vst.add.f32.msk $0xffff, v0  }
0x8ce: {  	v0 =	vld [tilespmem:s23+$0x1440];
	_ =	sdelay $0x3  }
0x8cf: {  	s26 =	sor.u32 $0x11440, s23  }
0x8d0: {  	[tilespmem:s26+$0x0] =	vst.add.f32.msk $0xffff, v0  }
0x8d1: {  	v0 =	vld [tilespmem:s23+$0x1450];
	_ =	sdelay $0x3  }
0x8d2: {  	s28 =	sor.u32 $0x11450, s23  }
0x8d3: {  	[tilespmem:s28+$0x0] =	vst.add.f32.msk $0xffff, v0  }
0x8d4: {  	v0 =	vld [tilespmem:s23+$0x1460];
	_ =	sdelay $0x3  }
0x8d5: {  	s29 =	sor.u32 $0x11460, s23  }
0x8d6: {  	[tilespmem:s29+$0x0] =	vst.add.f32.msk $0xffff, v0  }
0x8d7: {  	v0 =	vld [tilespmem:s23+$0x1470];
	_ =	sdelay $0x3  }
0x8d8: {  	s30 =	sor.u32 $0x11470, s23  }
0x8d9: {  	[tilespmem:s30+$0x0] =	vst.add.f32.msk $0xffff, v0  }
0x8da: {  	v0 =	vld [tilespmem:s23+$0x1800];
	_ =	sdelay $0x3  }
0x8db: {  	s31 =	sor.u32 $0x11800, s23  }
0x8dc: {  	[tilespmem:s31+$0x0] =	vst.add.f32.msk $0xffff, v0  }
0x8dd: {  	v0 =	vld [tilespmem:s23+$0x1810];
	_ =	sdelay $0x3  }
0x8de: {  	s25 =	sor.u32 $0x11810, s23  }
0x8df: {  	[tilespmem:s25+$0x0] =	vst.add.f32.msk $0xffff, v0  }
0x8e0: {  	v0 =	vld [tilespmem:s23+$0x1820];
	_ =	sdelay $0x3  }
0x8e1: {  	s26 =	sor.u32 $0x11820, s23  }
0x8e2: {  	[tilespmem:s26+$0x0] =	vst.add.f32.msk $0xffff, v0  }
0x8e3: {  	v0 =	vld [tilespmem:s23+$0x1830];
	_ =	sdelay $0x3  }
0x8e4: {  	s28 =	sor.u32 $0x11830, s23  }
0x8e5: {  	[tilespmem:s28+$0x0] =	vst.add.f32.msk $0xffff, v0  }
0x8e6: {  	v0 =	vld [tilespmem:s23+$0x1840];
	_ =	sdelay $0x3  }
0x8e7: {  	s29 =	sor.u32 $0x11840, s23  }
0x8e8: {  	[tilespmem:s29+$0x0] =	vst.add.f32.msk $0xffff, v0  }
0x8e9: {  	v0 =	vld [tilespmem:s23+$0x1850];
	_ =	sdelay $0x3  }
0x8ea: {  	s30 =	sor.u32 $0x11850, s23  }
0x8eb: {  	[tilespmem:s30+$0x0] =	vst.add.f32.msk $0xffff, v0  }
0x8ec: {  	v0 =	vld [tilespmem:s23+$0x1860];
	_ =	sdelay $0x3  }
0x8ed: {  	s31 =	sor.u32 $0x11860, s23  }
0x8ee: {  	[tilespmem:s31+$0x0] =	vst.add.f32.msk $0xffff, v0  }
0x8ef: {  	v0 =	vld [tilespmem:s23+$0x1870]  }
0x8f0: {  	s21 =	sadd.s32 $0x1, s21  }
0x8f1: {  	s21 =	sand.u32 $0x7, s21  }
0x8f2: {  	s22 =	sadd.s32 $0x400, s22;
	s21 =	sshll.u32 s21, $0x7  }
0x8f3: {  	s21 =	sadd.s32 s21, s22;
	s23 =	sor.u32 $0x11870, s23  }
0x8f4: {  	s24 =	sor.u32 $0x1C00, s21;
	[tilespmem:s23+$0x0] =	vst.add.f32.msk $0xffff, v0  }
0x8f5: {  	v0 =	vld [tilespmem:s24+$0x0];
	_ =	sdelay $0x4  }
0x8f6: {  	s25 =	sor.u32 $0x1C10, s21;
	[tilespmem:s24+$0x10000] =	vst.add.f32.msk $0xffff, v0  }
0x8f7: {  	v0 =	vld [tilespmem:s25+$0x0];
	_ =	sdelay $0x4  }
0x8f8: {  	s26 =	sor.u32 $0x1C20, s21;
	[tilespmem:s25+$0x10000] =	vst.add.f32.msk $0xffff, v0  }
0x8f9: {  	v0 =	vld [tilespmem:s26+$0x0];
	_ =	sdelay $0x4  }
0x8fa: {  	s28 =	sor.u32 $0x1C30, s21;
	[tilespmem:s26+$0x10000] =	vst.add.f32.msk $0xffff, v0  }
0x8fb: {  	v0 =	vld [tilespmem:s28+$0x0];
	_ =	sdelay $0x4  }
0x8fc: {  	s29 =	sor.u32 $0x1C40, s21;
	[tilespmem:s28+$0x10000] =	vst.add.f32.msk $0xffff, v0  }
0x8fd: {  	v0 =	vld [tilespmem:s29+$0x0];
	_ =	sdelay $0x4  }
0x8fe: {  	s30 =	sor.u32 $0x1C50, s21;
	[tilespmem:s29+$0x10000] =	vst.add.f32.msk $0xffff, v0  }
0x8ff: {  	v0 =	vld [tilespmem:s30+$0x0];
	_ =	sdelay $0x4  }
0x900: {  	s31 =	sor.u32 $0x1C60, s21;
	[tilespmem:s30+$0x10000] =	vst.add.f32.msk $0xffff, v0  }
0x901: {  	v0 =	vld [tilespmem:s31+$0x0];
	_ =	sdelay $0x4  }
0x902: {  	s21 =	sor.u32 $0x1C70, s21;
	[tilespmem:s31+$0x10000] =	vst.add.f32.msk $0xffff, v0  }
0x903: {  	v0 =	vld [tilespmem:s21+$0x0];
	_ =	sdelay $0x4  }
0x904: {  	s20 =	sadd.s32 $0x1, s20;
	[tilespmem:s21+$0x10000] =	vst.add.f32.msk $0xffff, v0  }
0x905: {  	[hbm4b:s11+s2] =	stream.linear.scatter [tilespmem:s14], [sflag:$0x5], $0x8000, $0x38;
	[tilespmem:$0x18000] =	vst v63  }
0x906: {  	p0 =	sne.s32 s20, s12;
	_ =	swait.ge [sflag:s18], $0x8000  }
.Ltmp4:
0x907: {  	[sflag:s18] =	ssyncset.done $0x0;
	(pc) =	sbr.rel @p0 .LBB2_1-.Ltmp4, $4  }
0x908: {  	[sflag:s18] =	ssyncadd.s32 $0xFFFF8000  }
0x909: {  	_ =	swait.ge [sflag:s19], $0x8000  }
0x90a: {  	[sflag:s19] =	ssyncset.done $0x0  }
0x90b: {  	[sflag:s19] =	ssyncadd.s32 $0xFFFF8000  }
0x90c: {  	_ =	sfence.sel $0x180000  }
0x90d: {  	[bflag:$0x0] =	sbarrier.arrive $0xFFFF  }
0x90e: {  	p0 =	sne.s32 s1, $0x0;
	_ =	strace $0x90000047  }
0x90f: {  	s0 =	sadd.s32 @!p0 $0x100000, s0;
	[bflag:$0x2] =	sbarrier.arrive $0xFFFF  }
0x910: {  	[sflag:s0] =	ssyncadd.tile.s32 @!p0 $0x1;
	_ =	shalt  }
.Lfunc_end2:
_tile_overlayer_lowered:
.L_overlay_start_2:
0x911: {  	(tag) =	ssettag $0x2  }
0x912: {  	s0 =	rddreg [dreg:$0x0];
	s2 =	stileid.u32  }
0x913: {  	s1 =	rddreg [dreg:$0x1];
	p0 =	sne.s32 s2, $0x0  }
0x914: {  	s3 =	rddreg [dreg:$0x2];
	[bflag:$0x3] =	sbarrier.arrive $0xFFFF;
	s2 =	simm.s32 @!p0 $0x1C06  }
0x915: {  	[timem:s3], [sflag:s2] =	dma.local @!p0 [hbm:s0], s1  }
0x916: {  	s0 =	simm.s32 @!p0 $0x6  }
0x917: {  	_ =	swait.ge @!p0 [sflag:s0], s1  }
0x918: {  	s1 =	ssub.s32 @!p0 $0x0, s1;
	[sflag:s0] =	ssyncset.done @!p0 $0x0  }
0x919: {  	[sflag:s0] =	ssyncadd.s32 @!p0 s1  }
0x91a: {  	[bflag:$0x3] =	sbarrier.arrive $0xFFFF  }
0x91b: {  	_ =	shalt  }

</sc_bundles>
